<compile_context>
chip_gen: v7x
topology: tpu7x:2x2x1
jax: 0.10.2.dev20260603
libtpu: 0.0.44.dev20260713+nightly
codegen_flags: <defaults>
</compile_context>

<pallas_src>
import jax
import jax.numpy as jnp
from jax import lax
from jax.experimental import pallas as pl
from jax.experimental.pallas import tpu as pltpu
from jax.experimental.pallas import tpu_sc as plsc

N = 10000
E = 160000
NC = 2
NS = 16
EB = 80
NBLK = 125
E_PER = NBLK * EB
NA = N
RPT = 624
TAIL = N - NS * RPT
ZTAIL = NA - NS * RPT

F32 = jnp.float32

_MESH = plsc.VectorSubcoreMesh(core_axis_name="c", subcore_axis_name="s",
                               num_cores=NC, num_subcores=NS)


def _zero_acc(zeros_hbm, acc_sh, s):
    pltpu.sync_copy(zeros_hbm, acc_sh.at[pl.ds(s * RPT, RPT)])

    @pl.when(s == 0)
    def _():
        pltpu.sync_copy(zeros_hbm.at[pl.ds(0, ZTAIL)],
                        acc_sh.at[pl.ds(NS * RPT, ZTAIL)])


def _drain_acc(acc_sh, out2d_hbm, s):
    pltpu.sync_copy(acc_sh.at[pl.ds(s * RPT, RPT)],
                    out2d_hbm.at[pl.ds(s * RPT, RPT)])

    @pl.when(s == 0)
    def _():
        pltpu.sync_copy(acc_sh.at[pl.ds(NS * RPT, TAIL)],
                        out2d_hbm.at[pl.ds(NS * RPT, TAIL)])


def _seg_sum(C):
    R = C // NC

    scratch = [
        pltpu.VMEM((E_PER,), jnp.int32),
        pltpu.VMEM((EB,), jnp.int32),
        pltpu.VMEM((EB,), jnp.int32),
        pltpu.VMEM((EB, 128), F32),
        pltpu.VMEM((EB, 128), F32),
        pltpu.VMEM_SHARED((NA, 128), F32),
        pltpu.SemaphoreType.DMA,
        pltpu.SemaphoreType.DMA,
        pltpu.SemaphoreType.DMA,
        pltpu.SemaphoreType.DMA,
    ]

    def body(x_hbm, src_hbm, dst_hbm, zeros_hbm, out_hbm,
             src_big, dst_v0, dst_v1, rows0, rows1, acc_sh,
             sg0, sg1, sd0, sd1):
        c = lax.axis_index("c")
        s = lax.axis_index("s")
        ebase = pl.multiple_of(s * E_PER, 8)
        pltpu.sync_copy(src_hbm.at[pl.ds(ebase, E_PER)], src_big)

        def issue(chunk, i, rows, dstv, sg, sd):
            pltpu.async_copy(
                x_hbm.at[chunk].at[src_big.at[pl.ds(i * EB, EB)]], rows, sg)
            pltpu.async_copy(
                dst_hbm.at[pl.ds(pl.multiple_of(ebase + i * EB, 8), EB)],
                dstv, sd)

        def wait(rows, dstv, sg, sd):
            pltpu.make_async_copy(x_hbm.at[0].at[pl.ds(0, EB)], rows,
                                  sg).wait()
            pltpu.make_async_copy(dst_hbm.at[pl.ds(0, EB)], dstv, sd).wait()

        for r in range(R):
            _zero_acc(zeros_hbm, acc_sh, s)
            plsc.subcore_barrier()

            for cc in range(NC):
                chunk = cc * R + r

                @pl.when(c == cc)
                def _(chunk=chunk):
                    issue(chunk, 0, rows0, dst_v0, sg0, sd0)

                    def pair(p, carry):
                        i0 = 2 * p
                        wait(rows0, dst_v0, sg0, sd0)
                        issue(chunk, i0 + 1, rows1, dst_v1, sg1, sd1)
                        pltpu.sync_copy(rows0, acc_sh.at[dst_v0], add=True)
                        wait(rows1, dst_v1, sg1, sd1)
                        issue(chunk, i0 + 2, rows0, dst_v0, sg0, sd0)
                        pltpu.sync_copy(rows1, acc_sh.at[dst_v1], add=True)
                        return carry

                    lax.fori_loop(0, (NBLK - 1) // 2, pair, 0)
                    wait(rows0, dst_v0, sg0, sd0)
                    pltpu.sync_copy(rows0, acc_sh.at[dst_v0], add=True)

            plsc.subcore_barrier()
            for cc in range(NC):
                @pl.when(c == cc)
                def _(cc=cc):
                    _drain_acc(acc_sh, out_hbm.at[cc * R + r], s)
            if r + 1 < R:
                plsc.subcore_barrier()

    return pl.kernel(body, out_type=jax.ShapeDtypeStruct((C, N, 128), F32),
                     mesh=_MESH, scratch_types=scratch)


NB0 = 62
NB1 = NBLK - NB0


def _count():
    scratch = [
        pltpu.VMEM((EB,), jnp.int32),
        pltpu.VMEM((EB,), jnp.int32),
        pltpu.VMEM((EB, 128), F32),
        pltpu.VMEM_SHARED((NA, 128), F32),
        pltpu.SemaphoreType.DMA,
        pltpu.SemaphoreType.DMA,
    ]

    def body(dst_hbm, zeros_hbm, ones_hbm, out_hbm,
             dst_v0, dst_v1, ones_v, cnt_sh, sd0, sd1):
        c = lax.axis_index("c")
        s = lax.axis_index("s")
        ebase = pl.multiple_of(s * E_PER, 8)

        pltpu.sync_copy(ones_hbm, ones_v)
        _zero_acc(zeros_hbm, cnt_sh, s)
        plsc.subcore_barrier()

        def issue(i, dstv, sd):
            pltpu.async_copy(
                dst_hbm.at[pl.ds(pl.multiple_of(ebase + i * EB, 8), EB)],
                dstv, sd)

        def wait(dstv, sd):
            pltpu.make_async_copy(dst_hbm.at[pl.ds(0, EB)], dstv, sd).wait()

        for cc, (b0, nb) in enumerate(((0, NB0), (NB0, NB1))):
            @pl.when(c == cc)
            def _(b0=b0, nb=nb):
                issue(b0, dst_v0, sd0)
                npair = (nb - 1) // 2

                def pair(p, carry):
                    i0 = b0 + 2 * p
                    wait(dst_v0, sd0)
                    issue(i0 + 1, dst_v1, sd1)
                    pltpu.sync_copy(ones_v, cnt_sh.at[dst_v0], add=True)
                    wait(dst_v1, sd1)
                    issue(i0 + 2, dst_v0, sd0)
                    pltpu.sync_copy(ones_v, cnt_sh.at[dst_v1], add=True)
                    return carry

                lax.fori_loop(0, npair, pair, 0)
                wait(dst_v0, sd0)
                if nb % 2 == 0:
                    issue(b0 + nb - 1, dst_v1, sd1)
                pltpu.sync_copy(ones_v, cnt_sh.at[dst_v0], add=True)
                if nb % 2 == 0:
                    wait(dst_v1, sd1)
                    pltpu.sync_copy(ones_v, cnt_sh.at[dst_v1], add=True)

        plsc.subcore_barrier()
        for cc in range(NC):
            @pl.when(c == cc)
            def _(cc=cc):
                _drain_acc(cnt_sh, out_hbm.at[cc], s)

    return pl.kernel(body, out_type=jax.ShapeDtypeStruct((NC, N, 128), F32),
                     mesh=_MESH, scratch_types=scratch)


def _tc_layer1(acc, cnt2, x1, Wl, Wr, b):
    BN = 1000
    G = N // BN

    def body(acc_ref, cnt_ref, x_ref, wl_ref, wr_ref, b_ref, out_ref):
        cnt = cnt_ref[0][:, 0:1] + cnt_ref[1][:, 0:1]
        mc = jnp.maximum(cnt, 1.0)
        mean = jnp.concatenate([acc_ref[0], acc_ref[1]], axis=1) / mc
        h = jnp.dot(mean, wl_ref[...], preferred_element_type=F32)
        h = h + jnp.dot(x_ref[...], wr_ref[...], preferred_element_type=F32)
        h = jnp.maximum(h + b_ref[...], 0.0)
        for j in range(4):
            out_ref[j] = h[:, 128 * j:128 * (j + 1)]

    return pl.pallas_call(
        body,
        grid=(G,),
        in_specs=[
            pl.BlockSpec((2, BN, 128), lambda i: (0, i, 0)),
            pl.BlockSpec((2, BN, 128), lambda i: (0, i, 0)),
            pl.BlockSpec((BN, 256), lambda i: (i, 0)),
            pl.BlockSpec((256, 512), lambda i: (0, 0)),
            pl.BlockSpec((256, 512), lambda i: (0, 0)),
            pl.BlockSpec((1, 512), lambda i: (0, 0)),
        ],
        out_specs=pl.BlockSpec((4, BN, 128), lambda i: (0, i, 0)),
        out_shape=jax.ShapeDtypeStruct((4, N, 128), F32),
    )(acc, cnt2, x1, Wl, Wr, b.reshape(1, 512))


def _tc_layer2(acc, cnt2, h1, Wl, Wr, b, wlin, blin):
    BN = 1000
    G = N // BN

    def body(acc_ref, cnt_ref, h1_ref, wl_ref, wr_ref, b_ref, wlin_ref,
             blin_ref, out_ref, colsum):
        i = pl.program_id(0)
        cnt = cnt_ref[0][:, 0:1] + cnt_ref[1][:, 0:1]
        mc = jnp.maximum(cnt, 1.0)
        mean = jnp.concatenate([acc_ref[j] for j in range(4)], axis=1) / mc
        h1 = jnp.concatenate([h1_ref[j] for j in range(4)], axis=1)
        z = jnp.dot(mean, wl_ref[...], preferred_element_type=F32)
        z = z + jnp.dot(h1, wr_ref[...], preferred_element_type=F32)
        h2 = jnp.maximum(z + b_ref[...], 0.0)
        part = jnp.sum(h2, axis=0, keepdims=True)

        @pl.when(i == 0)
        def _():
            colsum[...] = part

        @pl.when(i > 0)
        def _():
            colsum[...] = colsum[...] + part

        @pl.when(i == G - 1)
        def _():
            out_ref[...] = (jnp.dot(colsum[...] / N, wlin_ref[...],
                                    preferred_element_type=F32)
                            + blin_ref[...])

    return pl.pallas_call(
        body,
        grid=(G,),
        in_specs=[
            pl.BlockSpec((4, BN, 128), lambda i: (0, i, 0)),
            pl.BlockSpec((2, BN, 128), lambda i: (0, i, 0)),
            pl.BlockSpec((4, BN, 128), lambda i: (0, i, 0)),
            pl.BlockSpec((512, 512), lambda i: (0, 0)),
            pl.BlockSpec((512, 512), lambda i: (0, 0)),
            pl.BlockSpec((1, 512), lambda i: (0, 0)),
            pl.BlockSpec((512, 1), lambda i: (0, 0)),
            pl.BlockSpec((1, 1), lambda i: (0, 0)),
        ],
        out_specs=pl.BlockSpec((1, 1), lambda i: (0, 0)),
        out_shape=jax.ShapeDtypeStruct((1, 1), F32),
        scratch_shapes=[pltpu.VMEM((1, 512), F32)],
    )(acc, cnt2, h1, Wl, Wr, b.reshape(1, 512), wlin, blin.reshape(1, 1))


def kernel(x, x1, edge_index, edge_index1, Wl0, bl0, Wr0, Wl1, bl1, Wr1,
           Vl0, cl0, Vr0, Vl1, cl1, Vr1, Wlin, blin):
    src = edge_index1[0].astype(jnp.int32)
    dst = edge_index1[1].astype(jnp.int32)

    x1c = x1.reshape(N, 2, 128).transpose(1, 0, 2)
    zeros = jnp.zeros((RPT, 128), F32)
    ones = jnp.ones((EB, 128), F32)

    cnt2 = _count()(dst, zeros, ones)
    acc1 = _seg_sum(2)(x1c, src, dst, zeros)
    h1c = _tc_layer1(acc1, cnt2, x1, Vl0, Vr0, cl0)
    acc2 = _seg_sum(4)(h1c, src, dst, zeros)
    return _tc_layer2(acc2, cnt2, h1c, Vl1, Vr1, cl1, Wlin, blin)

# --- scband reference (transcript-rebuilt; emitter-appended) ---
"""Pipeline reference for scband-graph-sage-21646635172726 (READ-ONLY COPY).

The authoritative reference and input builder live on the scoring server;
editing this copy changes nothing except your own understanding.
"""

import jax, jax.numpy as jnp
import numpy as np

N = 10000
E = 160000
D_NODE = 256
D_IN = 256
H = 512


def sage_conv(x, edge_index, Wl, bl, Wr):
    # PyG-style SAGEConv: out = lin_l(mean_aggr(x_j)) + lin_r(x_i)
    src = edge_index[0]
    dst = edge_index[1]
    n = x.shape[0]
    msgs = jnp.take(x, src, axis=0)
    agg = jax.ops.segment_sum(msgs, dst, num_segments=n)
    cnt = jax.ops.segment_sum(jnp.ones((src.shape[0], 1), dtype=x.dtype), dst, num_segments=n)
    mean = agg / jnp.maximum(cnt, 1.0)
    return mean @ Wl + bl + x @ Wr


def setup_inputs(seed: int = 0) -> dict:
    key = jax.random.key(seed)
    ks = jax.random.split(key, 20)
    x = jax.random.normal(ks[0], (N, D_NODE), dtype=jnp.float32)
    x1 = jax.random.normal(ks[1], (N, D_IN), dtype=jnp.float32)
    edge_index = jax.random.randint(ks[2], (2, E), 0, N, dtype=jnp.int64)
    edge_index1 = jax.random.randint(ks[3], (2, E), 0, N, dtype=jnp.int64)

    def lin_w(k, fan_in, fan_out):
        return jax.random.normal(k, (fan_in, fan_out), dtype=jnp.float32) / np.sqrt(fan_in)

    params = {
        'Wl0': lin_w(ks[4], D_NODE, H), 'bl0': jnp.zeros((H,), jnp.float32), 'Wr0': lin_w(ks[5], D_NODE, H),
        'Wl1': lin_w(ks[6], H, H), 'bl1': jnp.zeros((H,), jnp.float32), 'Wr1': lin_w(ks[7], H, H),
        'Vl0': lin_w(ks[8], D_IN, H), 'cl0': jnp.zeros((H,), jnp.float32), 'Vr0': lin_w(ks[9], D_IN, H),
        'Vl1': lin_w(ks[10], H, H), 'cl1': jnp.zeros((H,), jnp.float32), 'Vr1': lin_w(ks[11], H, H),
        'Wlin': lin_w(ks[12], H, 1), 'blin': jnp.zeros((1,), jnp.float32),
    }
    out = {'x': x, 'x1': x1, 'edge_index': edge_index, 'edge_index1': edge_index1}
    out.update(params)
    return out


def reference(x, x1, edge_index, edge_index1, Wl0, bl0, Wr0, Wl1, bl1, Wr1, Vl0, cl0, Vr0, Vl1, cl1, Vr1, Wlin, blin):
    # branch 1 (convs) on x with edge_index
    h = jax.nn.relu(sage_conv(x, edge_index, Wl0, bl0, Wr0))
    h = jax.nn.relu(sage_conv(h, edge_index, Wl1, bl1, Wr1))
    h = h @ Wlin + blin
    # branch 2 (convs1) on x1 with edge_index1; note original uses self.lin for both branches
    h1 = jax.nn.relu(sage_conv(x1, edge_index1, Vl0, cl0, Vr0))
    h1 = jax.nn.relu(sage_conv(h1, edge_index1, Vl1, cl1, Vr1))
    h1 = h1 @ Wlin + blin
    xs = jnp.squeeze(h)
    x1s = jnp.squeeze(h1)
    concatenated_feature = x1s[None, :]
    out = jnp.mean(concatenated_feature)
    out = out[None][:, None]
    return out

if __name__ == "__main__":
    import jax
    _d = setup_inputs()
    print(jax.jit(kernel)(*tuple(_d.values())))

</pallas_src>

<mosaic_0001>
#map = affine_map<(d0, d1) -> (0, 0, 0)>
#map1 = affine_map<(d0, d1) -> (0)>
#map2 = affine_map<(d0, d1) -> (0, 0)>
module attributes {stable_mosaic.version = 14 : i64} {
  func.func @body(%arg0: i32, %arg1: i32, %arg2: memref<2x10000x128xf32, #tpu.memory_space<hbm>>, %arg3: memref<160000xi32, #tpu.memory_space<hbm>>, %arg4: memref<160000xi32, #tpu.memory_space<hbm>>, %arg5: memref<624x128xf32, #tpu.memory_space<hbm>>, %arg6: memref<2x10000x128xf32, #tpu.memory_space<hbm>>, %arg7: memref<10000xi32, #tpu.memory_space<vmem>>, %arg8: memref<80xi32, #tpu.memory_space<vmem>>, %arg9: memref<80xi32, #tpu.memory_space<vmem>>, %arg10: memref<80x128xf32, #tpu.memory_space<vmem>>, %arg11: memref<80x128xf32, #tpu.memory_space<vmem>>, %arg12: memref<10000x128xf32, #tpu.memory_space<vmem_shared>>, %arg13: memref<!tpu.dma_semaphore, #tpu.memory_space<semaphore_mem>>, %arg14: memref<!tpu.dma_semaphore, #tpu.memory_space<semaphore_mem>>, %arg15: memref<!tpu.dma_semaphore, #tpu.memory_space<semaphore_mem>>, %arg16: memref<!tpu.dma_semaphore, #tpu.memory_space<semaphore_mem>>) attributes {dimension_semantics = [#tpu.dimension_semantics<core_parallel>, #tpu.dimension_semantics<subcore_parallel>], iteration_bounds = array<i64: 2, 16>, scalar_prefetch = 0 : i64, scratch_operands = 10 : i64, tpu.core_type = #tpu.core_type<sc_vector_subcore>, window_params = [{transform_indices = #map}, {transform_indices = #map1}, {transform_indices = #map1}, {transform_indices = #map2}, {transform_indices = #map}]} {
    %mul3A = arith.constant 10000 : i32
    %mul3A_0 = arith.muli %arg1, %mul3A : i32
    %multiple_of3A = tpu.assume_multiple %mul3A_0, 8 : i32
    "tpu.region"() ({
      %run_scoped3A = tpu.sem_alloc : memref<!tpu.dma_semaphore, #tpu.memory_space<semaphore_mem>>
      %dma_start3A = tpu.memref_slice %arg3[%multiple_of3A] : memref<160000xi32, #tpu.memory_space<hbm>> -> memref<10000xi32, #tpu.memory_space<hbm>>
      %dma_start3A_26 = tpu.memref_slice %arg3[%multiple_of3A] : memref<160000xi32, #tpu.memory_space<hbm>> -> memref<10000xi32, #tpu.memory_space<hbm>>
      tpu.enqueue_dma source(%dma_start3A_26 : memref<10000xi32, #tpu.memory_space<hbm>>) target(%arg7 : memref<10000xi32, #tpu.memory_space<vmem>>) target_semaphore(%run_scoped3A : memref<!tpu.dma_semaphore, #tpu.memory_space<semaphore_mem>>)
      %dma_wait3A = tpu.memref_slice %arg3[%multiple_of3A] : memref<160000xi32, #tpu.memory_space<hbm>> -> memref<10000xi32, #tpu.memory_space<hbm>>
      %dma_wait3A_27 = tpu.memref_slice %arg3[%multiple_of3A] : memref<160000xi32, #tpu.memory_space<hbm>> -> memref<10000xi32, #tpu.memory_space<hbm>>
      tpu.wait_dma2 semaphore(%run_scoped3A : memref<!tpu.dma_semaphore, #tpu.memory_space<semaphore_mem>>) src(%dma_wait3A_27 : memref<10000xi32, #tpu.memory_space<hbm>>) dst(%arg7 : memref<10000xi32, #tpu.memory_space<vmem>>)
      tpu.yield
    }) : () -> ()
    %mul3A_1 = arith.constant 624 : i32
    %mul3A_2 = arith.muli %arg1, %mul3A_1 : i32
    "tpu.region"() ({
      %run_scoped3A = tpu.sem_alloc : memref<!tpu.dma_semaphore, #tpu.memory_space<semaphore_mem>>
      %dma_start3A = arith.constant 0 : i32
      %dma_start3A_26 = tpu.memref_slice %arg12[%mul3A_2, %dma_start3A] : memref<10000x128xf32, #tpu.memory_space<vmem_shared>> -> memref<624x128xf32, #tpu.memory_space<vmem_shared>>
      tpu.enqueue_dma source(%arg5 : memref<624x128xf32, #tpu.memory_space<hbm>>) target(%dma_start3A_26 : memref<624x128xf32, #tpu.memory_space<vmem_shared>>) target_semaphore(%run_scoped3A : memref<!tpu.dma_semaphore, #tpu.memory_space<semaphore_mem>>)
      %dma_wait3A = arith.constant 0 : i32
      %dma_wait3A_27 = tpu.memref_slice %arg12[%mul3A_2, %dma_wait3A] : memref<10000x128xf32, #tpu.memory_space<vmem_shared>> -> memref<624x128xf32, #tpu.memory_space<vmem_shared>>
      tpu.wait_dma2 semaphore(%run_scoped3A : memref<!tpu.dma_semaphore, #tpu.memory_space<semaphore_mem>>) src(%arg5 : memref<624x128xf32, #tpu.memory_space<hbm>>) dst(%dma_wait3A_27 : memref<624x128xf32, #tpu.memory_space<vmem_shared>>)
      tpu.yield
    }) : () -> ()
    %eq3A = arith.constant 0 : i32
    %eq3A_3 = arith.cmpi eq, %arg1, %eq3A : i32
    %convert_element_type3A = arith.extui %eq3A_3 : i1 to i32
    %cond3A = arith.constant 0 : i32
    %cond3A_4 = arith.cmpi ne, %convert_element_type3A, %cond3A : i32
    scf.if %cond3A_4 {
      "tpu.region"() ({
        %run_scoped3A = tpu.sem_alloc : memref<!tpu.dma_semaphore, #tpu.memory_space<semaphore_mem>>
        %dma_start3A = arith.constant 9984 : i32
        %dma_start3A_26 = arith.constant 0 : i32
        %dma_start3A_27 = tpu.memref_slice %arg12[%dma_start3A, %dma_start3A_26] : memref<10000x128xf32, #tpu.memory_space<vmem_shared>> -> memref<16x128xf32, #tpu.memory_space<vmem_shared>>
        %dma_start3A_28 = arith.constant 0 : i32
        %dma_start3A_29 = arith.constant 0 : i32
        %dma_start3A_30 = tpu.memref_slice %arg5[%dma_start3A_28, %dma_start3A_29] : memref<624x128xf32, #tpu.memory_space<hbm>> -> memref<16x128xf32, #tpu.memory_space<hbm>>
        tpu.enqueue_dma source(%dma_start3A_30 : memref<16x128xf32, #tpu.memory_space<hbm>>) target(%dma_start3A_27 : memref<16x128xf32, #tpu.memory_space<vmem_shared>>) target_semaphore(%run_scoped3A : memref<!tpu.dma_semaphore, #tpu.memory_space<semaphore_mem>>)
        %dma_wait3A = arith.constant 9984 : i32
        %dma_wait3A_31 = arith.constant 0 : i32
        %dma_wait3A_32 = tpu.memref_slice %arg12[%dma_wait3A, %dma_wait3A_31] : memref<10000x128xf32, #tpu.memory_space<vmem_shared>> -> memref<16x128xf32, #tpu.memory_space<vmem_shared>>
        %dma_wait3A_33 = arith.constant 0 : i32
        %dma_wait3A_34 = arith.constant 0 : i32
        %dma_wait3A_35 = tpu.memref_slice %arg5[%dma_wait3A_33, %dma_wait3A_34] : memref<624x128xf32, #tpu.memory_space<hbm>> -> memref<16x128xf32, #tpu.memory_space<hbm>>
        tpu.wait_dma2 semaphore(%run_scoped3A : memref<!tpu.dma_semaphore, #tpu.memory_space<semaphore_mem>>) src(%dma_wait3A_35 : memref<16x128xf32, #tpu.memory_space<hbm>>) dst(%dma_wait3A_32 : memref<16x128xf32, #tpu.memory_space<vmem_shared>>)
        tpu.yield
      }) : () -> ()
    } else {
    }
    %barrier3A = arith.constant 0 : index
    tpu.barrier barrier_id(%barrier3A)
    %eq3A_5 = arith.constant 0 : i32
    %eq3A_6 = arith.cmpi eq, %arg0, %eq3A_5 : i32
    %convert_element_type3A_7 = arith.extui %eq3A_6 : i1 to i32
    %cond3A_8 = arith.constant 0 : i32
    %cond3A_9 = arith.cmpi ne, %convert_element_type3A_7, %cond3A_8 : i32
    scf.if %cond3A_9 {
      %dma_start3A = arith.constant 0 : i32
      %dma_start3A_26 = arith.constant 0 : i32
      %dma_start3A_27 = tpu.memref_slice %arg7[%dma_start3A_26] : memref<10000xi32, #tpu.memory_space<vmem>> -> memref<80xi32, #tpu.memory_space<vmem>>
      %dma_start3A_28 = arith.constant 0 : i32
      %dma_start3A_29 = arith.constant 0 : i32
      %dma_start3A_30 = tpu.memref_slice %arg2[%dma_start3A, %dma_start3A_28, %dma_start3A_29] : memref<2x10000x128xf32, #tpu.memory_space<hbm>> -> memref<1x10000x128xf32, #tpu.memory_space<hbm>>
      %dma_start3A_31 = tpu.memref_squeeze %dma_start3A_30 : memref<1x10000x128xf32, #tpu.memory_space<hbm>> -> memref<10000x128xf32, #tpu.memory_space<hbm>>
      %dma_start3A_32 = arith.constant 0 : i32
      %dma_start3A_33 = arith.constant 0 : i32
      %dma_start3A_34 = tpu.memref_slice %dma_start3A_31[%dma_start3A_32, %dma_start3A_33] : memref<10000x128xf32, #tpu.memory_space<hbm>> -> memref<10000x128xf32, #tpu.memory_space<hbm>>
      tpu.enqueue_indirect_dma source(%dma_start3A_34 : memref<10000x128xf32, #tpu.memory_space<hbm>>) target(%arg10 : memref<80x128xf32, #tpu.memory_space<vmem>>) offsets(%dma_start3A_27 : memref<80xi32, #tpu.memory_space<vmem>>) semaphore(%arg13 : memref<!tpu.dma_semaphore, #tpu.memory_space<semaphore_mem>>)
      %add3A = arith.constant 0 : i32
      %add3A_35 = arith.addi %multiple_of3A, %add3A : i32
      %multiple_of3A_36 = tpu.assume_multiple %add3A_35, 8 : i32
      %dma_start3A_37 = tpu.memref_slice %arg4[%multiple_of3A_36] : memref<160000xi32, #tpu.memory_space<hbm>> -> memref<80xi32, #tpu.memory_space<hbm>>
      %dma_start3A_38 = tpu.memref_slice %arg4[%multiple_of3A_36] : memref<160000xi32, #tpu.memory_space<hbm>> -> memref<80xi32, #tpu.memory_space<hbm>>
      tpu.enqueue_dma source(%dma_start3A_38 : memref<80xi32, #tpu.memory_space<hbm>>) target(%arg8 : memref<80xi32, #tpu.memory_space<vmem>>) target_semaphore(%arg15 : memref<!tpu.dma_semaphore, #tpu.memory_space<semaphore_mem>>)
      %scan3A = arith.constant 0 : i32
      %scan3A_39 = arith.constant 0 : i32
      %scan3A_40 = arith.constant 62 : i32
      %scan3A_41 = arith.addi %scan3A_39, %scan3A_40 : i32
      %scan3A_42 = arith.constant 1 : i32
      scf.for %scan3A_62 = %scan3A_39 to %scan3A_41 step %scan3A_42  : i32 {
        %mul3A_63 = arith.constant 2 : i32
        %mul3A_64 = arith.muli %mul3A_63, %scan3A_62 : i32
        %dma_wait3A_65 = arith.constant 0 : i32
        %dma_wait3A_66 = arith.constant 0 : i32
        %dma_wait3A_67 = arith.constant 0 : i32
        %dma_wait3A_68 = tpu.memref_slice %arg2[%dma_wait3A_65, %dma_wait3A_66, %dma_wait3A_67] : memref<2x10000x128xf32, #tpu.memory_space<hbm>> -> memref<1x10000x128xf32, #tpu.memory_space<hbm>>
        %dma_wait3A_69 = tpu.memref_squeeze %dma_wait3A_68 : memref<1x10000x128xf32, #tpu.memory_space<hbm>> -> memref<10000x128xf32, #tpu.memory_space<hbm>>
        %dma_wait3A_70 = arith.constant 0 : i32
        %dma_wait3A_71 = arith.constant 0 : i32
        %dma_wait3A_72 = tpu.memref_slice %dma_wait3A_69[%dma_wait3A_70, %dma_wait3A_71] : memref<10000x128xf32, #tpu.memory_space<hbm>> -> memref<80x128xf32, #tpu.memory_space<hbm>>
        %dma_wait3A_73 = arith.constant 0 : i32
        %dma_wait3A_74 = arith.constant 0 : i32
        %dma_wait3A_75 = tpu.memref_slice %arg2[%dma_wait3A_65, %dma_wait3A_73, %dma_wait3A_74] : memref<2x10000x128xf32, #tpu.memory_space<hbm>> -> memref<1x10000x128xf32, #tpu.memory_space<hbm>>
        %dma_wait3A_76 = tpu.memref_squeeze %dma_wait3A_75 : memref<1x10000x128xf32, #tpu.memory_space<hbm>> -> memref<10000x128xf32, #tpu.memory_space<hbm>>
        %dma_wait3A_77 = arith.constant 0 : i32
        %dma_wait3A_78 = arith.constant 0 : i32
        %dma_wait3A_79 = tpu.memref_slice %dma_wait3A_76[%dma_wait3A_77, %dma_wait3A_78] : memref<10000x128xf32, #tpu.memory_space<hbm>> -> memref<80x128xf32, #tpu.memory_space<hbm>>
        tpu.wait_dma2 semaphore(%arg13 : memref<!tpu.dma_semaphore, #tpu.memory_space<semaphore_mem>>) src(%dma_wait3A_79 : memref<80x128xf32, #tpu.memory_space<hbm>>) dst(%arg10 : memref<80x128xf32, #tpu.memory_space<vmem>>)
        %dma_wait3A_80 = arith.constant 0 : i32
        %dma_wait3A_81 = tpu.memref_slice %arg4[%dma_wait3A_80] : memref<160000xi32, #tpu.memory_space<hbm>> -> memref<80xi32, #tpu.memory_space<hbm>>
        %dma_wait3A_82 = arith.constant 0 : i32
        %dma_wait3A_83 = tpu.memref_slice %arg4[%dma_wait3A_82] : memref<160000xi32, #tpu.memory_space<hbm>> -> memref<80xi32, #tpu.memory_space<hbm>>
        tpu.wait_dma2 semaphore(%arg15 : memref<!tpu.dma_semaphore, #tpu.memory_space<semaphore_mem>>) src(%dma_wait3A_83 : memref<80xi32, #tpu.memory_space<hbm>>) dst(%arg8 : memref<80xi32, #tpu.memory_space<vmem>>)
        %add3A_84 = arith.constant 1 : i32
        %add3A_85 = arith.addi %mul3A_64, %add3A_84 : i32
        %mul3A_86 = arith.constant 80 : i32
        %mul3A_87 = arith.muli %add3A_85, %mul3A_86 : i32
        %dma_start3A_88 = arith.constant 0 : i32
        %dma_start3A_89 = tpu.memref_slice %arg7[%mul3A_87] : memref<10000xi32, #tpu.memory_space<vmem>> -> memref<80xi32, #tpu.memory_space<vmem>>
        %dma_start3A_90 = arith.constant 0 : i32
        %dma_start3A_91 = arith.constant 0 : i32
        %dma_start3A_92 = tpu.memref_slice %arg2[%dma_start3A_88, %dma_start3A_90, %dma_start3A_91] : memref<2x10000x128xf32, #tpu.memory_space<hbm>> -> memref<1x10000x128xf32, #tpu.memory_space<hbm>>
        %dma_start3A_93 = tpu.memref_squeeze %dma_start3A_92 : memref<1x10000x128xf32, #tpu.memory_space<hbm>> -> memref<10000x128xf32, #tpu.memory_space<hbm>>
        %dma_start3A_94 = arith.constant 0 : i32
        %dma_start3A_95 = arith.constant 0 : i32
        %dma_start3A_96 = tpu.memref_slice %dma_start3A_93[%dma_start3A_94, %dma_start3A_95] : memref<10000x128xf32, #tpu.memory_space<hbm>> -> memref<10000x128xf32, #tpu.memory_space<hbm>>
        tpu.enqueue_indirect_dma source(%dma_start3A_96 : memref<10000x128xf32, #tpu.memory_space<hbm>>) target(%arg11 : memref<80x128xf32, #tpu.memory_space<vmem>>) offsets(%dma_start3A_89 : memref<80xi32, #tpu.memory_space<vmem>>) semaphore(%arg14 : memref<!tpu.dma_semaphore, #tpu.memory_space<semaphore_mem>>)
        %mul3A_97 = arith.constant 80 : i32
        %mul3A_98 = arith.muli %add3A_85, %mul3A_97 : i32
        %add3A_99 = arith.addi %multiple_of3A, %mul3A_98 : i32
        %multiple_of3A_100 = tpu.assume_multiple %add3A_99, 8 : i32
        %dma_start3A_101 = tpu.memref_slice %arg4[%multiple_of3A_100] : memref<160000xi32, #tpu.memory_space<hbm>> -> memref<80xi32, #tpu.memory_space<hbm>>
        %dma_start3A_102 = tpu.memref_slice %arg4[%multiple_of3A_100] : memref<160000xi32, #tpu.memory_space<hbm>> -> memref<80xi32, #tpu.memory_space<hbm>>
        tpu.enqueue_dma source(%dma_start3A_102 : memref<80xi32, #tpu.memory_space<hbm>>) target(%arg9 : memref<80xi32, #tpu.memory_space<vmem>>) target_semaphore(%arg16 : memref<!tpu.dma_semaphore, #tpu.memory_space<semaphore_mem>>)
        "tpu.region"() ({
          %run_scoped3A = tpu.sem_alloc : memref<!tpu.dma_semaphore, #tpu.memory_space<semaphore_mem>>
          %dma_start3A_141 = arith.constant 0 : i32
          %dma_start3A_142 = arith.constant 0 : i32
          %dma_start3A_143 = tpu.memref_slice %arg12[%dma_start3A_141, %dma_start3A_142] : memref<10000x128xf32, #tpu.memory_space<vmem_shared>> -> memref<10000x128xf32, #tpu.memory_space<vmem_shared>>
          tpu.enqueue_indirect_dma source(%arg10 : memref<80x128xf32, #tpu.memory_space<vmem>>) target(%dma_start3A_143 : memref<10000x128xf32, #tpu.memory_space<vmem_shared>>) offsets(%arg8 : memref<80xi32, #tpu.memory_space<vmem>>) semaphore(%run_scoped3A : memref<!tpu.dma_semaphore, #tpu.memory_space<semaphore_mem>>) {add = true}
          %dma_wait3A_144 = arith.constant 0 : i32
          %dma_wait3A_145 = arith.constant 0 : i32
          %dma_wait3A_146 = tpu.memref_slice %arg12[%dma_wait3A_144, %dma_wait3A_145] : memref<10000x128xf32, #tpu.memory_space<vmem_shared>> -> memref<10000x128xf32, #tpu.memory_space<vmem_shared>>
          tpu.wait_indirect_dma semaphore(%run_scoped3A : memref<!tpu.dma_semaphore, #tpu.memory_space<semaphore_mem>>) src(%arg10 : memref<80x128xf32, #tpu.memory_space<vmem>>) dst(%dma_wait3A_146 : memref<10000x128xf32, #tpu.memory_space<vmem_shared>>)
          tpu.yield
        }) : () -> ()
        %dma_wait3A_103 = arith.constant 0 : i32
        %dma_wait3A_104 = arith.constant 0 : i32
        %dma_wait3A_105 = arith.constant 0 : i32
        %dma_wait3A_106 = tpu.memref_slice %arg2[%dma_wait3A_103, %dma_wait3A_104, %dma_wait3A_105] : memref<2x10000x128xf32, #tpu.memory_space<hbm>> -> memref<1x10000x128xf32, #tpu.memory_space<hbm>>
        %dma_wait3A_107 = tpu.memref_squeeze %dma_wait3A_106 : memref<1x10000x128xf32, #tpu.memory_space<hbm>> -> memref<10000x128xf32, #tpu.memory_space<hbm>>
        %dma_wait3A_108 = arith.constant 0 : i32
        %dma_wait3A_109 = arith.constant 0 : i32
        %dma_wait3A_110 = tpu.memref_slice %dma_wait3A_107[%dma_wait3A_108, %dma_wait3A_109] : memref<10000x128xf32, #tpu.memory_space<hbm>> -> memref<80x128xf32, #tpu.memory_space<hbm>>
        %dma_wait3A_111 = arith.constant 0 : i32
        %dma_wait3A_112 = arith.constant 0 : i32
        %dma_wait3A_113 = tpu.memref_slice %arg2[%dma_wait3A_103, %dma_wait3A_111, %dma_wait3A_112] : memref<2x10000x128xf32, #tpu.memory_space<hbm>> -> memref<1x10000x128xf32, #tpu.memory_space<hbm>>
        %dma_wait3A_114 = tpu.memref_squeeze %dma_wait3A_113 : memref<1x10000x128xf32, #tpu.memory_space<hbm>> -> memref<10000x128xf32, #tpu.memory_space<hbm>>
        %dma_wait3A_115 = arith.constant 0 : i32
        %dma_wait3A_116 = arith.constant 0 : i32
        %dma_wait3A_117 = tpu.memref_slice %dma_wait3A_114[%dma_wait3A_115, %dma_wait3A_116] : memref<10000x128xf32, #tpu.memory_space<hbm>> -> memref<80x128xf32, #tpu.memory_space<hbm>>
        tpu.wait_dma2 semaphore(%arg14 : memref<!tpu.dma_semaphore, #tpu.memory_space<semaphore_mem>>) src(%dma_wait3A_117 : memref<80x128xf32, #tpu.memory_space<hbm>>) dst(%arg11 : memref<80x128xf32, #tpu.memory_space<vmem>>)
        %dma_wait3A_118 = arith.constant 0 : i32
        %dma_wait3A_119 = tpu.memref_slice %arg4[%dma_wait3A_118] : memref<160000xi32, #tpu.memory_space<hbm>> -> memref<80xi32, #tpu.memory_space<hbm>>
        %dma_wait3A_120 = arith.constant 0 : i32
        %dma_wait3A_121 = tpu.memref_slice %arg4[%dma_wait3A_120] : memref<160000xi32, #tpu.memory_space<hbm>> -> memref<80xi32, #tpu.memory_space<hbm>>
        tpu.wait_dma2 semaphore(%arg16 : memref<!tpu.dma_semaphore, #tpu.memory_space<semaphore_mem>>) src(%dma_wait3A_121 : memref<80xi32, #tpu.memory_space<hbm>>) dst(%arg9 : memref<80xi32, #tpu.memory_space<vmem>>)
        %add3A_122 = arith.constant 2 : i32
        %add3A_123 = arith.addi %mul3A_64, %add3A_122 : i32
        %mul3A_124 = arith.constant 80 : i32
        %mul3A_125 = arith.muli %add3A_123, %mul3A_124 : i32
        %dma_start3A_126 = arith.constant 0 : i32
        %dma_start3A_127 = tpu.memref_slice %arg7[%mul3A_125] : memref<10000xi32, #tpu.memory_space<vmem>> -> memref<80xi32, #tpu.memory_space<vmem>>
        %dma_start3A_128 = arith.constant 0 : i32
        %dma_start3A_129 = arith.constant 0 : i32
        %dma_start3A_130 = tpu.memref_slice %arg2[%dma_start3A_126, %dma_start3A_128, %dma_start3A_129] : memref<2x10000x128xf32, #tpu.memory_space<hbm>> -> memref<1x10000x128xf32, #tpu.memory_space<hbm>>
        %dma_start3A_131 = tpu.memref_squeeze %dma_start3A_130 : memref<1x10000x128xf32, #tpu.memory_space<hbm>> -> memref<10000x128xf32, #tpu.memory_space<hbm>>
        %dma_start3A_132 = arith.constant 0 : i32
        %dma_start3A_133 = arith.constant 0 : i32
        %dma_start3A_134 = tpu.memref_slice %dma_start3A_131[%dma_start3A_132, %dma_start3A_133] : memref<10000x128xf32, #tpu.memory_space<hbm>> -> memref<10000x128xf32, #tpu.memory_space<hbm>>
        tpu.enqueue_indirect_dma source(%dma_start3A_134 : memref<10000x128xf32, #tpu.memory_space<hbm>>) target(%arg10 : memref<80x128xf32, #tpu.memory_space<vmem>>) offsets(%dma_start3A_127 : memref<80xi32, #tpu.memory_space<vmem>>) semaphore(%arg13 : memref<!tpu.dma_semaphore, #tpu.memory_space<semaphore_mem>>)
        %mul3A_135 = arith.constant 80 : i32
        %mul3A_136 = arith.muli %add3A_123, %mul3A_135 : i32
        %add3A_137 = arith.addi %multiple_of3A, %mul3A_136 : i32
        %multiple_of3A_138 = tpu.assume_multiple %add3A_137, 8 : i32
        %dma_start3A_139 = tpu.memref_slice %arg4[%multiple_of3A_138] : memref<160000xi32, #tpu.memory_space<hbm>> -> memref<80xi32, #tpu.memory_space<hbm>>
        %dma_start3A_140 = tpu.memref_slice %arg4[%multiple_of3A_138] : memref<160000xi32, #tpu.memory_space<hbm>> -> memref<80xi32, #tpu.memory_space<hbm>>
        tpu.enqueue_dma source(%dma_start3A_140 : memref<80xi32, #tpu.memory_space<hbm>>) target(%arg8 : memref<80xi32, #tpu.memory_space<vmem>>) target_semaphore(%arg15 : memref<!tpu.dma_semaphore, #tpu.memory_space<semaphore_mem>>)
        "tpu.region"() ({
          %run_scoped3A = tpu.sem_alloc : memref<!tpu.dma_semaphore, #tpu.memory_space<semaphore_mem>>
          %dma_start3A_141 = arith.constant 0 : i32
          %dma_start3A_142 = arith.constant 0 : i32
          %dma_start3A_143 = tpu.memref_slice %arg12[%dma_start3A_141, %dma_start3A_142] : memref<10000x128xf32, #tpu.memory_space<vmem_shared>> -> memref<10000x128xf32, #tpu.memory_space<vmem_shared>>
          tpu.enqueue_indirect_dma source(%arg11 : memref<80x128xf32, #tpu.memory_space<vmem>>) target(%dma_start3A_143 : memref<10000x128xf32, #tpu.memory_space<vmem_shared>>) offsets(%arg9 : memref<80xi32, #tpu.memory_space<vmem>>) semaphore(%run_scoped3A : memref<!tpu.dma_semaphore, #tpu.memory_space<semaphore_mem>>) {add = true}
          %dma_wait3A_144 = arith.constant 0 : i32
          %dma_wait3A_145 = arith.constant 0 : i32
          %dma_wait3A_146 = tpu.memref_slice %arg12[%dma_wait3A_144, %dma_wait3A_145] : memref<10000x128xf32, #tpu.memory_space<vmem_shared>> -> memref<10000x128xf32, #tpu.memory_space<vmem_shared>>
          tpu.wait_indirect_dma semaphore(%run_scoped3A : memref<!tpu.dma_semaphore, #tpu.memory_space<semaphore_mem>>) src(%arg11 : memref<80x128xf32, #tpu.memory_space<vmem>>) dst(%dma_wait3A_146 : memref<10000x128xf32, #tpu.memory_space<vmem_shared>>)
          tpu.yield
        }) : () -> ()
      }
      %scan3A_43 = arith.constant 62 : i32
      %dma_wait3A = arith.constant 0 : i32
      %dma_wait3A_44 = arith.constant 0 : i32
      %dma_wait3A_45 = arith.constant 0 : i32
      %dma_wait3A_46 = tpu.memref_slice %arg2[%dma_wait3A, %dma_wait3A_44, %dma_wait3A_45] : memref<2x10000x128xf32, #tpu.memory_space<hbm>> -> memref<1x10000x128xf32, #tpu.memory_space<hbm>>
      %dma_wait3A_47 = tpu.memref_squeeze %dma_wait3A_46 : memref<1x10000x128xf32, #tpu.memory_space<hbm>> -> memref<10000x128xf32, #tpu.memory_space<hbm>>
      %dma_wait3A_48 = arith.constant 0 : i32
      %dma_wait3A_49 = arith.constant 0 : i32
      %dma_wait3A_50 = tpu.memref_slice %dma_wait3A_47[%dma_wait3A_48, %dma_wait3A_49] : memref<10000x128xf32, #tpu.memory_space<hbm>> -> memref<80x128xf32, #tpu.memory_space<hbm>>
      %dma_wait3A_51 = arith.constant 0 : i32
      %dma_wait3A_52 = arith.constant 0 : i32
      %dma_wait3A_53 = tpu.memref_slice %arg2[%dma_wait3A, %dma_wait3A_51, %dma_wait3A_52] : memref<2x10000x128xf32, #tpu.memory_space<hbm>> -> memref<1x10000x128xf32, #tpu.memory_space<hbm>>
      %dma_wait3A_54 = tpu.memref_squeeze %dma_wait3A_53 : memref<1x10000x128xf32, #tpu.memory_space<hbm>> -> memref<10000x128xf32, #tpu.memory_space<hbm>>
      %dma_wait3A_55 = arith.constant 0 : i32
      %dma_wait3A_56 = arith.constant 0 : i32
      %dma_wait3A_57 = tpu.memref_slice %dma_wait3A_54[%dma_wait3A_55, %dma_wait3A_56] : memref<10000x128xf32, #tpu.memory_space<hbm>> -> memref<80x128xf32, #tpu.memory_space<hbm>>
      tpu.wait_dma2 semaphore(%arg13 : memref<!tpu.dma_semaphore, #tpu.memory_space<semaphore_mem>>) src(%dma_wait3A_57 : memref<80x128xf32, #tpu.memory_space<hbm>>) dst(%arg10 : memref<80x128xf32, #tpu.memory_space<vmem>>)
      %dma_wait3A_58 = arith.constant 0 : i32
      %dma_wait3A_59 = tpu.memref_slice %arg4[%dma_wait3A_58] : memref<160000xi32, #tpu.memory_space<hbm>> -> memref<80xi32, #tpu.memory_space<hbm>>
      %dma_wait3A_60 = arith.constant 0 : i32
      %dma_wait3A_61 = tpu.memref_slice %arg4[%dma_wait3A_60] : memref<160000xi32, #tpu.memory_space<hbm>> -> memref<80xi32, #tpu.memory_space<hbm>>
      tpu.wait_dma2 semaphore(%arg15 : memref<!tpu.dma_semaphore, #tpu.memory_space<semaphore_mem>>) src(%dma_wait3A_61 : memref<80xi32, #tpu.memory_space<hbm>>) dst(%arg8 : memref<80xi32, #tpu.memory_space<vmem>>)
      "tpu.region"() ({
        %run_scoped3A = tpu.sem_alloc : memref<!tpu.dma_semaphore, #tpu.memory_space<semaphore_mem>>
        %dma_start3A_62 = arith.constant 0 : i32
        %dma_start3A_63 = arith.constant 0 : i32
        %dma_start3A_64 = tpu.memref_slice %arg12[%dma_start3A_62, %dma_start3A_63] : memref<10000x128xf32, #tpu.memory_space<vmem_shared>> -> memref<10000x128xf32, #tpu.memory_space<vmem_shared>>
        tpu.enqueue_indirect_dma source(%arg10 : memref<80x128xf32, #tpu.memory_space<vmem>>) target(%dma_start3A_64 : memref<10000x128xf32, #tpu.memory_space<vmem_shared>>) offsets(%arg8 : memref<80xi32, #tpu.memory_space<vmem>>) semaphore(%run_scoped3A : memref<!tpu.dma_semaphore, #tpu.memory_space<semaphore_mem>>) {add = true}
        %dma_wait3A_65 = arith.constant 0 : i32
        %dma_wait3A_66 = arith.constant 0 : i32
        %dma_wait3A_67 = tpu.memref_slice %arg12[%dma_wait3A_65, %dma_wait3A_66] : memref<10000x128xf32, #tpu.memory_space<vmem_shared>> -> memref<10000x128xf32, #tpu.memory_space<vmem_shared>>
        tpu.wait_indirect_dma semaphore(%run_scoped3A : memref<!tpu.dma_semaphore, #tpu.memory_space<semaphore_mem>>) src(%arg10 : memref<80x128xf32, #tpu.memory_space<vmem>>) dst(%dma_wait3A_67 : memref<10000x128xf32, #tpu.memory_space<vmem_shared>>)
        tpu.yield
      }) : () -> ()
    } else {
    }
    %eq3A_10 = arith.constant 1 : i32
    %eq3A_11 = arith.cmpi eq, %arg0, %eq3A_10 : i32
    %convert_element_type3A_12 = arith.extui %eq3A_11 : i1 to i32
    %cond3A_13 = arith.constant 0 : i32
    %cond3A_14 = arith.cmpi ne, %convert_element_type3A_12, %cond3A_13 : i32
    scf.if %cond3A_14 {
      %dma_start3A = arith.constant 1 : i32
      %dma_start3A_26 = arith.constant 0 : i32
      %dma_start3A_27 = tpu.memref_slice %arg7[%dma_start3A_26] : memref<10000xi32, #tpu.memory_space<vmem>> -> memref<80xi32, #tpu.memory_space<vmem>>
      %dma_start3A_28 = arith.constant 0 : i32
      %dma_start3A_29 = arith.constant 0 : i32
      %dma_start3A_30 = tpu.memref_slice %arg2[%dma_start3A, %dma_start3A_28, %dma_start3A_29] : memref<2x10000x128xf32, #tpu.memory_space<hbm>> -> memref<1x10000x128xf32, #tpu.memory_space<hbm>>
      %dma_start3A_31 = tpu.memref_squeeze %dma_start3A_30 : memref<1x10000x128xf32, #tpu.memory_space<hbm>> -> memref<10000x128xf32, #tpu.memory_space<hbm>>
      %dma_start3A_32 = arith.constant 0 : i32
      %dma_start3A_33 = arith.constant 0 : i32
      %dma_start3A_34 = tpu.memref_slice %dma_start3A_31[%dma_start3A_32, %dma_start3A_33] : memref<10000x128xf32, #tpu.memory_space<hbm>> -> memref<10000x128xf32, #tpu.memory_space<hbm>>
      tpu.enqueue_indirect_dma source(%dma_start3A_34 : memref<10000x128xf32, #tpu.memory_space<hbm>>) target(%arg10 : memref<80x128xf32, #tpu.memory_space<vmem>>) offsets(%dma_start3A_27 : memref<80xi32, #tpu.memory_space<vmem>>) semaphore(%arg13 : memref<!tpu.dma_semaphore, #tpu.memory_space<semaphore_mem>>)
      %add3A = arith.constant 0 : i32
      %add3A_35 = arith.addi %multiple_of3A, %add3A : i32
      %multiple_of3A_36 = tpu.assume_multiple %add3A_35, 8 : i32
      %dma_start3A_37 = tpu.memref_slice %arg4[%multiple_of3A_36] : memref<160000xi32, #tpu.memory_space<hbm>> -> memref<80xi32, #tpu.memory_space<hbm>>
      %dma_start3A_38 = tpu.memref_slice %arg4[%multiple_of3A_36] : memref<160000xi32, #tpu.memory_space<hbm>> -> memref<80xi32, #tpu.memory_space<hbm>>
      tpu.enqueue_dma source(%dma_start3A_38 : memref<80xi32, #tpu.memory_space<hbm>>) target(%arg8 : memref<80xi32, #tpu.memory_space<vmem>>) target_semaphore(%arg15 : memref<!tpu.dma_semaphore, #tpu.memory_space<semaphore_mem>>)
      %scan3A = arith.constant 0 : i32
      %scan3A_39 = arith.constant 0 : i32
      %scan3A_40 = arith.constant 62 : i32
      %scan3A_41 = arith.addi %scan3A_39, %scan3A_40 : i32
      %scan3A_42 = arith.constant 1 : i32
      scf.for %scan3A_62 = %scan3A_39 to %scan3A_41 step %scan3A_42  : i32 {
        %mul3A_63 = arith.constant 2 : i32
        %mul3A_64 = arith.muli %mul3A_63, %scan3A_62 : i32
        %dma_wait3A_65 = arith.constant 0 : i32
        %dma_wait3A_66 = arith.constant 0 : i32
        %dma_wait3A_67 = arith.constant 0 : i32
        %dma_wait3A_68 = tpu.memref_slice %arg2[%dma_wait3A_65, %dma_wait3A_66, %dma_wait3A_67] : memref<2x10000x128xf32, #tpu.memory_space<hbm>> -> memref<1x10000x128xf32, #tpu.memory_space<hbm>>
        %dma_wait3A_69 = tpu.memref_squeeze %dma_wait3A_68 : memref<1x10000x128xf32, #tpu.memory_space<hbm>> -> memref<10000x128xf32, #tpu.memory_space<hbm>>
        %dma_wait3A_70 = arith.constant 0 : i32
        %dma_wait3A_71 = arith.constant 0 : i32
        %dma_wait3A_72 = tpu.memref_slice %dma_wait3A_69[%dma_wait3A_70, %dma_wait3A_71] : memref<10000x128xf32, #tpu.memory_space<hbm>> -> memref<80x128xf32, #tpu.memory_space<hbm>>
        %dma_wait3A_73 = arith.constant 0 : i32
        %dma_wait3A_74 = arith.constant 0 : i32
        %dma_wait3A_75 = tpu.memref_slice %arg2[%dma_wait3A_65, %dma_wait3A_73, %dma_wait3A_74] : memref<2x10000x128xf32, #tpu.memory_space<hbm>> -> memref<1x10000x128xf32, #tpu.memory_space<hbm>>
        %dma_wait3A_76 = tpu.memref_squeeze %dma_wait3A_75 : memref<1x10000x128xf32, #tpu.memory_space<hbm>> -> memref<10000x128xf32, #tpu.memory_space<hbm>>
        %dma_wait3A_77 = arith.constant 0 : i32
        %dma_wait3A_78 = arith.constant 0 : i32
        %dma_wait3A_79 = tpu.memref_slice %dma_wait3A_76[%dma_wait3A_77, %dma_wait3A_78] : memref<10000x128xf32, #tpu.memory_space<hbm>> -> memref<80x128xf32, #tpu.memory_space<hbm>>
        tpu.wait_dma2 semaphore(%arg13 : memref<!tpu.dma_semaphore, #tpu.memory_space<semaphore_mem>>) src(%dma_wait3A_79 : memref<80x128xf32, #tpu.memory_space<hbm>>) dst(%arg10 : memref<80x128xf32, #tpu.memory_space<vmem>>)
        %dma_wait3A_80 = arith.constant 0 : i32
        %dma_wait3A_81 = tpu.memref_slice %arg4[%dma_wait3A_80] : memref<160000xi32, #tpu.memory_space<hbm>> -> memref<80xi32, #tpu.memory_space<hbm>>
        %dma_wait3A_82 = arith.constant 0 : i32
        %dma_wait3A_83 = tpu.memref_slice %arg4[%dma_wait3A_82] : memref<160000xi32, #tpu.memory_space<hbm>> -> memref<80xi32, #tpu.memory_space<hbm>>
        tpu.wait_dma2 semaphore(%arg15 : memref<!tpu.dma_semaphore, #tpu.memory_space<semaphore_mem>>) src(%dma_wait3A_83 : memref<80xi32, #tpu.memory_space<hbm>>) dst(%arg8 : memref<80xi32, #tpu.memory_space<vmem>>)
        %add3A_84 = arith.constant 1 : i32
        %add3A_85 = arith.addi %mul3A_64, %add3A_84 : i32
        %mul3A_86 = arith.constant 80 : i32
        %mul3A_87 = arith.muli %add3A_85, %mul3A_86 : i32
        %dma_start3A_88 = arith.constant 1 : i32
        %dma_start3A_89 = tpu.memref_slice %arg7[%mul3A_87] : memref<10000xi32, #tpu.memory_space<vmem>> -> memref<80xi32, #tpu.memory_space<vmem>>
        %dma_start3A_90 = arith.constant 0 : i32
        %dma_start3A_91 = arith.constant 0 : i32
        %dma_start3A_92 = tpu.memref_slice %arg2[%dma_start3A_88, %dma_start3A_90, %dma_start3A_91] : memref<2x10000x128xf32, #tpu.memory_space<hbm>> -> memref<1x10000x128xf32, #tpu.memory_space<hbm>>
        %dma_start3A_93 = tpu.memref_squeeze %dma_start3A_92 : memref<1x10000x128xf32, #tpu.memory_space<hbm>> -> memref<10000x128xf32, #tpu.memory_space<hbm>>
        %dma_start3A_94 = arith.constant 0 : i32
        %dma_start3A_95 = arith.constant 0 : i32
        %dma_start3A_96 = tpu.memref_slice %dma_start3A_93[%dma_start3A_94, %dma_start3A_95] : memref<10000x128xf32, #tpu.memory_space<hbm>> -> memref<10000x128xf32, #tpu.memory_space<hbm>>
        tpu.enqueue_indirect_dma source(%dma_start3A_96 : memref<10000x128xf32, #tpu.memory_space<hbm>>) target(%arg11 : memref<80x128xf32, #tpu.memory_space<vmem>>) offsets(%dma_start3A_89 : memref<80xi32, #tpu.memory_space<vmem>>) semaphore(%arg14 : memref<!tpu.dma_semaphore, #tpu.memory_space<semaphore_mem>>)
        %mul3A_97 = arith.constant 80 : i32
        %mul3A_98 = arith.muli %add3A_85, %mul3A_97 : i32
        %add3A_99 = arith.addi %multiple_of3A, %mul3A_98 : i32
        %multiple_of3A_100 = tpu.assume_multiple %add3A_99, 8 : i32
        %dma_start3A_101 = tpu.memref_slice %arg4[%multiple_of3A_100] : memref<160000xi32, #tpu.memory_space<hbm>> -> memref<80xi32, #tpu.memory_space<hbm>>
        %dma_start3A_102 = tpu.memref_slice %arg4[%multiple_of3A_100] : memref<160000xi32, #tpu.memory_space<hbm>> -> memref<80xi32, #tpu.memory_space<hbm>>
        tpu.enqueue_dma source(%dma_start3A_102 : memref<80xi32, #tpu.memory_space<hbm>>) target(%arg9 : memref<80xi32, #tpu.memory_space<vmem>>) target_semaphore(%arg16 : memref<!tpu.dma_semaphore, #tpu.memory_space<semaphore_mem>>)
        "tpu.region"() ({
          %run_scoped3A = tpu.sem_alloc : memref<!tpu.dma_semaphore, #tpu.memory_space<semaphore_mem>>
          %dma_start3A_141 = arith.constant 0 : i32
          %dma_start3A_142 = arith.constant 0 : i32
          %dma_start3A_143 = tpu.memref_slice %arg12[%dma_start3A_141, %dma_start3A_142] : memref<10000x128xf32, #tpu.memory_space<vmem_shared>> -> memref<10000x128xf32, #tpu.memory_space<vmem_shared>>
          tpu.enqueue_indirect_dma source(%arg10 : memref<80x128xf32, #tpu.memory_space<vmem>>) target(%dma_start3A_143 : memref<10000x128xf32, #tpu.memory_space<vmem_shared>>) offsets(%arg8 : memref<80xi32, #tpu.memory_space<vmem>>) semaphore(%run_scoped3A : memref<!tpu.dma_semaphore, #tpu.memory_space<semaphore_mem>>) {add = true}
          %dma_wait3A_144 = arith.constant 0 : i32
          %dma_wait3A_145 = arith.constant 0 : i32
          %dma_wait3A_146 = tpu.memref_slice %arg12[%dma_wait3A_144, %dma_wait3A_145] : memref<10000x128xf32, #tpu.memory_space<vmem_shared>> -> memref<10000x128xf32, #tpu.memory_space<vmem_shared>>
          tpu.wait_indirect_dma semaphore(%run_scoped3A : memref<!tpu.dma_semaphore, #tpu.memory_space<semaphore_mem>>) src(%arg10 : memref<80x128xf32, #tpu.memory_space<vmem>>) dst(%dma_wait3A_146 : memref<10000x128xf32, #tpu.memory_space<vmem_shared>>)
          tpu.yield
        }) : () -> ()
        %dma_wait3A_103 = arith.constant 0 : i32
        %dma_wait3A_104 = arith.constant 0 : i32
        %dma_wait3A_105 = arith.constant 0 : i32
        %dma_wait3A_106 = tpu.memref_slice %arg2[%dma_wait3A_103, %dma_wait3A_104, %dma_wait3A_105] : memref<2x10000x128xf32, #tpu.memory_space<hbm>> -> memref<1x10000x128xf32, #tpu.memory_space<hbm>>
        %dma_wait3A_107 = tpu.memref_squeeze %dma_wait3A_106 : memref<1x10000x128xf32, #tpu.memory_space<hbm>> -> memref<10000x128xf32, #tpu.memory_space<hbm>>
        %dma_wait3A_108 = arith.constant 0 : i32
        %dma_wait3A_109 = arith.constant 0 : i32
        %dma_wait3A_110 = tpu.memref_slice %dma_wait3A_107[%dma_wait3A_108, %dma_wait3A_109] : memref<10000x128xf32, #tpu.memory_space<hbm>> -> memref<80x128xf32, #tpu.memory_space<hbm>>
        %dma_wait3A_111 = arith.constant 0 : i32
        %dma_wait3A_112 = arith.constant 0 : i32
        %dma_wait3A_113 = tpu.memref_slice %arg2[%dma_wait3A_103, %dma_wait3A_111, %dma_wait3A_112] : memref<2x10000x128xf32, #tpu.memory_space<hbm>> -> memref<1x10000x128xf32, #tpu.memory_space<hbm>>
        %dma_wait3A_114 = tpu.memref_squeeze %dma_wait3A_113 : memref<1x10000x128xf32, #tpu.memory_space<hbm>> -> memref<10000x128xf32, #tpu.memory_space<hbm>>
        %dma_wait3A_115 = arith.constant 0 : i32
        %dma_wait3A_116 = arith.constant 0 : i32
        %dma_wait3A_117 = tpu.memref_slice %dma_wait3A_114[%dma_wait3A_115, %dma_wait3A_116] : memref<10000x128xf32, #tpu.memory_space<hbm>> -> memref<80x128xf32, #tpu.memory_space<hbm>>
        tpu.wait_dma2 semaphore(%arg14 : memref<!tpu.dma_semaphore, #tpu.memory_space<semaphore_mem>>) src(%dma_wait3A_117 : memref<80x128xf32, #tpu.memory_space<hbm>>) dst(%arg11 : memref<80x128xf32, #tpu.memory_space<vmem>>)
        %dma_wait3A_118 = arith.constant 0 : i32
        %dma_wait3A_119 = tpu.memref_slice %arg4[%dma_wait3A_118] : memref<160000xi32, #tpu.memory_space<hbm>> -> memref<80xi32, #tpu.memory_space<hbm>>
        %dma_wait3A_120 = arith.constant 0 : i32
        %dma_wait3A_121 = tpu.memref_slice %arg4[%dma_wait3A_120] : memref<160000xi32, #tpu.memory_space<hbm>> -> memref<80xi32, #tpu.memory_space<hbm>>
        tpu.wait_dma2 semaphore(%arg16 : memref<!tpu.dma_semaphore, #tpu.memory_space<semaphore_mem>>) src(%dma_wait3A_121 : memref<80xi32, #tpu.memory_space<hbm>>) dst(%arg9 : memref<80xi32, #tpu.memory_space<vmem>>)
        %add3A_122 = arith.constant 2 : i32
        %add3A_123 = arith.addi %mul3A_64, %add3A_122 : i32
        %mul3A_124 = arith.constant 80 : i32
        %mul3A_125 = arith.muli %add3A_123, %mul3A_124 : i32
        %dma_start3A_126 = arith.constant 1 : i32
        %dma_start3A_127 = tpu.memref_slice %arg7[%mul3A_125] : memref<10000xi32, #tpu.memory_space<vmem>> -> memref<80xi32, #tpu.memory_space<vmem>>
        %dma_start3A_128 = arith.constant 0 : i32
        %dma_start3A_129 = arith.constant 0 : i32
        %dma_start3A_130 = tpu.memref_slice %arg2[%dma_start3A_126, %dma_start3A_128, %dma_start3A_129] : memref<2x10000x128xf32, #tpu.memory_space<hbm>> -> memref<1x10000x128xf32, #tpu.memory_space<hbm>>
        %dma_start3A_131 = tpu.memref_squeeze %dma_start3A_130 : memref<1x10000x128xf32, #tpu.memory_space<hbm>> -> memref<10000x128xf32, #tpu.memory_space<hbm>>
        %dma_start3A_132 = arith.constant 0 : i32
        %dma_start3A_133 = arith.constant 0 : i32
        %dma_start3A_134 = tpu.memref_slice %dma_start3A_131[%dma_start3A_132, %dma_start3A_133] : memref<10000x128xf32, #tpu.memory_space<hbm>> -> memref<10000x128xf32, #tpu.memory_space<hbm>>
        tpu.enqueue_indirect_dma source(%dma_start3A_134 : memref<10000x128xf32, #tpu.memory_space<hbm>>) target(%arg10 : memref<80x128xf32, #tpu.memory_space<vmem>>) offsets(%dma_start3A_127 : memref<80xi32, #tpu.memory_space<vmem>>) semaphore(%arg13 : memref<!tpu.dma_semaphore, #tpu.memory_space<semaphore_mem>>)
        %mul3A_135 = arith.constant 80 : i32
        %mul3A_136 = arith.muli %add3A_123, %mul3A_135 : i32
        %add3A_137 = arith.addi %multiple_of3A, %mul3A_136 : i32
        %multiple_of3A_138 = tpu.assume_multiple %add3A_137, 8 : i32
        %dma_start3A_139 = tpu.memref_slice %arg4[%multiple_of3A_138] : memref<160000xi32, #tpu.memory_space<hbm>> -> memref<80xi32, #tpu.memory_space<hbm>>
        %dma_start3A_140 = tpu.memref_slice %arg4[%multiple_of3A_138] : memref<160000xi32, #tpu.memory_space<hbm>> -> memref<80xi32, #tpu.memory_space<hbm>>
        tpu.enqueue_dma source(%dma_start3A_140 : memref<80xi32, #tpu.memory_space<hbm>>) target(%arg8 : memref<80xi32, #tpu.memory_space<vmem>>) target_semaphore(%arg15 : memref<!tpu.dma_semaphore, #tpu.memory_space<semaphore_mem>>)
        "tpu.region"() ({
          %run_scoped3A = tpu.sem_alloc : memref<!tpu.dma_semaphore, #tpu.memory_space<semaphore_mem>>
          %dma_start3A_141 = arith.constant 0 : i32
          %dma_start3A_142 = arith.constant 0 : i32
          %dma_start3A_143 = tpu.memref_slice %arg12[%dma_start3A_141, %dma_start3A_142] : memref<10000x128xf32, #tpu.memory_space<vmem_shared>> -> memref<10000x128xf32, #tpu.memory_space<vmem_shared>>
          tpu.enqueue_indirect_dma source(%arg11 : memref<80x128xf32, #tpu.memory_space<vmem>>) target(%dma_start3A_143 : memref<10000x128xf32, #tpu.memory_space<vmem_shared>>) offsets(%arg9 : memref<80xi32, #tpu.memory_space<vmem>>) semaphore(%run_scoped3A : memref<!tpu.dma_semaphore, #tpu.memory_space<semaphore_mem>>) {add = true}
          %dma_wait3A_144 = arith.constant 0 : i32
          %dma_wait3A_145 = arith.constant 0 : i32
          %dma_wait3A_146 = tpu.memref_slice %arg12[%dma_wait3A_144, %dma_wait3A_145] : memref<10000x128xf32, #tpu.memory_space<vmem_shared>> -> memref<10000x128xf32, #tpu.memory_space<vmem_shared>>
          tpu.wait_indirect_dma semaphore(%run_scoped3A : memref<!tpu.dma_semaphore, #tpu.memory_space<semaphore_mem>>) src(%arg11 : memref<80x128xf32, #tpu.memory_space<vmem>>) dst(%dma_wait3A_146 : memref<10000x128xf32, #tpu.memory_space<vmem_shared>>)
          tpu.yield
        }) : () -> ()
      }
      %scan3A_43 = arith.constant 62 : i32
      %dma_wait3A = arith.constant 0 : i32
      %dma_wait3A_44 = arith.constant 0 : i32
      %dma_wait3A_45 = arith.constant 0 : i32
      %dma_wait3A_46 = tpu.memref_slice %arg2[%dma_wait3A, %dma_wait3A_44, %dma_wait3A_45] : memref<2x10000x128xf32, #tpu.memory_space<hbm>> -> memref<1x10000x128xf32, #tpu.memory_space<hbm>>
      %dma_wait3A_47 = tpu.memref_squeeze %dma_wait3A_46 : memref<1x10000x128xf32, #tpu.memory_space<hbm>> -> memref<10000x128xf32, #tpu.memory_space<hbm>>
      %dma_wait3A_48 = arith.constant 0 : i32
      %dma_wait3A_49 = arith.constant 0 : i32
      %dma_wait3A_50 = tpu.memref_slice %dma_wait3A_47[%dma_wait3A_48, %dma_wait3A_49] : memref<10000x128xf32, #tpu.memory_space<hbm>> -> memref<80x128xf32, #tpu.memory_space<hbm>>
      %dma_wait3A_51 = arith.constant 0 : i32
      %dma_wait3A_52 = arith.constant 0 : i32
      %dma_wait3A_53 = tpu.memref_slice %arg2[%dma_wait3A, %dma_wait3A_51, %dma_wait3A_52] : memref<2x10000x128xf32, #tpu.memory_space<hbm>> -> memref<1x10000x128xf32, #tpu.memory_space<hbm>>
      %dma_wait3A_54 = tpu.memref_squeeze %dma_wait3A_53 : memref<1x10000x128xf32, #tpu.memory_space<hbm>> -> memref<10000x128xf32, #tpu.memory_space<hbm>>
      %dma_wait3A_55 = arith.constant 0 : i32
      %dma_wait3A_56 = arith.constant 0 : i32
      %dma_wait3A_57 = tpu.memref_slice %dma_wait3A_54[%dma_wait3A_55, %dma_wait3A_56] : memref<10000x128xf32, #tpu.memory_space<hbm>> -> memref<80x128xf32, #tpu.memory_space<hbm>>
      tpu.wait_dma2 semaphore(%arg13 : memref<!tpu.dma_semaphore, #tpu.memory_space<semaphore_mem>>) src(%dma_wait3A_57 : memref<80x128xf32, #tpu.memory_space<hbm>>) dst(%arg10 : memref<80x128xf32, #tpu.memory_space<vmem>>)
      %dma_wait3A_58 = arith.constant 0 : i32
      %dma_wait3A_59 = tpu.memref_slice %arg4[%dma_wait3A_58] : memref<160000xi32, #tpu.memory_space<hbm>> -> memref<80xi32, #tpu.memory_space<hbm>>
      %dma_wait3A_60 = arith.constant 0 : i32
      %dma_wait3A_61 = tpu.memref_slice %arg4[%dma_wait3A_60] : memref<160000xi32, #tpu.memory_space<hbm>> -> memref<80xi32, #tpu.memory_space<hbm>>
      tpu.wait_dma2 semaphore(%arg15 : memref<!tpu.dma_semaphore, #tpu.memory_space<semaphore_mem>>) src(%dma_wait3A_61 : memref<80xi32, #tpu.memory_space<hbm>>) dst(%arg8 : memref<80xi32, #tpu.memory_space<vmem>>)
      "tpu.region"() ({
        %run_scoped3A = tpu.sem_alloc : memref<!tpu.dma_semaphore, #tpu.memory_space<semaphore_mem>>
        %dma_start3A_62 = arith.constant 0 : i32
        %dma_start3A_63 = arith.constant 0 : i32
        %dma_start3A_64 = tpu.memref_slice %arg12[%dma_start3A_62, %dma_start3A_63] : memref<10000x128xf32, #tpu.memory_space<vmem_shared>> -> memref<10000x128xf32, #tpu.memory_space<vmem_shared>>
        tpu.enqueue_indirect_dma source(%arg10 : memref<80x128xf32, #tpu.memory_space<vmem>>) target(%dma_start3A_64 : memref<10000x128xf32, #tpu.memory_space<vmem_shared>>) offsets(%arg8 : memref<80xi32, #tpu.memory_space<vmem>>) semaphore(%run_scoped3A : memref<!tpu.dma_semaphore, #tpu.memory_space<semaphore_mem>>) {add = true}
        %dma_wait3A_65 = arith.constant 0 : i32
        %dma_wait3A_66 = arith.constant 0 : i32
        %dma_wait3A_67 = tpu.memref_slice %arg12[%dma_wait3A_65, %dma_wait3A_66] : memref<10000x128xf32, #tpu.memory_space<vmem_shared>> -> memref<10000x128xf32, #tpu.memory_space<vmem_shared>>
        tpu.wait_indirect_dma semaphore(%run_scoped3A : memref<!tpu.dma_semaphore, #tpu.memory_space<semaphore_mem>>) src(%arg10 : memref<80x128xf32, #tpu.memory_space<vmem>>) dst(%dma_wait3A_67 : memref<10000x128xf32, #tpu.memory_space<vmem_shared>>)
        tpu.yield
      }) : () -> ()
    } else {
    }
    %barrier3A_15 = arith.constant 0 : index
    tpu.barrier barrier_id(%barrier3A_15)
    %eq3A_16 = arith.constant 0 : i32
    %eq3A_17 = arith.cmpi eq, %arg0, %eq3A_16 : i32
    %convert_element_type3A_18 = arith.extui %eq3A_17 : i1 to i32
    %cond3A_19 = arith.constant 0 : i32
    %cond3A_20 = arith.cmpi ne, %convert_element_type3A_18, %cond3A_19 : i32
    scf.if %cond3A_20 {
      %mul3A_26 = arith.constant 624 : i32
      %mul3A_27 = arith.muli %arg1, %mul3A_26 : i32
      %mul3A_28 = arith.constant 624 : i32
      %mul3A_29 = arith.muli %arg1, %mul3A_28 : i32
      %run_scoped3A = arith.constant 0 : i32
      "tpu.region"() ({
        %run_scoped3A_36 = tpu.sem_alloc : memref<!tpu.dma_semaphore, #tpu.memory_space<semaphore_mem>>
        %dma_start3A = arith.constant 0 : i32
        %dma_start3A_37 = arith.constant 0 : i32
        %dma_start3A_38 = tpu.memref_slice %arg6[%run_scoped3A, %dma_start3A, %dma_start3A_37] : memref<2x10000x128xf32, #tpu.memory_space<hbm>> -> memref<1x10000x128xf32, #tpu.memory_space<hbm>>
        %dma_start3A_39 = tpu.memref_squeeze %dma_start3A_38 : memref<1x10000x128xf32, #tpu.memory_space<hbm>> -> memref<10000x128xf32, #tpu.memory_space<hbm>>
        %dma_start3A_40 = arith.constant 0 : i32
        %dma_start3A_41 = tpu.memref_slice %dma_start3A_39[%mul3A_29, %dma_start3A_40] : memref<10000x128xf32, #tpu.memory_space<hbm>> -> memref<624x128xf32, #tpu.memory_space<hbm>>
        %dma_start3A_42 = arith.constant 0 : i32
        %dma_start3A_43 = tpu.memref_slice %arg12[%mul3A_27, %dma_start3A_42] : memref<10000x128xf32, #tpu.memory_space<vmem_shared>> -> memref<624x128xf32, #tpu.memory_space<vmem_shared>>
        tpu.enqueue_dma source(%dma_start3A_43 : memref<624x128xf32, #tpu.memory_space<vmem_shared>>) target(%dma_start3A_41 : memref<624x128xf32, #tpu.memory_space<hbm>>) target_semaphore(%run_scoped3A_36 : memref<!tpu.dma_semaphore, #tpu.memory_space<semaphore_mem>>)
        %dma_wait3A = arith.constant 0 : i32
        %dma_wait3A_44 = arith.constant 0 : i32
        %dma_wait3A_45 = tpu.memref_slice %arg6[%run_scoped3A, %dma_wait3A, %dma_wait3A_44] : memref<2x10000x128xf32, #tpu.memory_space<hbm>> -> memref<1x10000x128xf32, #tpu.memory_space<hbm>>
        %dma_wait3A_46 = tpu.memref_squeeze %dma_wait3A_45 : memref<1x10000x128xf32, #tpu.memory_space<hbm>> -> memref<10000x128xf32, #tpu.memory_space<hbm>>
        %dma_wait3A_47 = arith.constant 0 : i32
        %dma_wait3A_48 = tpu.memref_slice %dma_wait3A_46[%mul3A_29, %dma_wait3A_47] : memref<10000x128xf32, #tpu.memory_space<hbm>> -> memref<624x128xf32, #tpu.memory_space<hbm>>
        %dma_wait3A_49 = arith.constant 0 : i32
        %dma_wait3A_50 = tpu.memref_slice %arg12[%mul3A_27, %dma_wait3A_49] : memref<10000x128xf32, #tpu.memory_space<vmem_shared>> -> memref<624x128xf32, #tpu.memory_space<vmem_shared>>
        tpu.wait_dma2 semaphore(%run_scoped3A_36 : memref<!tpu.dma_semaphore, #tpu.memory_space<semaphore_mem>>) src(%dma_wait3A_50 : memref<624x128xf32, #tpu.memory_space<vmem_shared>>) dst(%dma_wait3A_48 : memref<624x128xf32, #tpu.memory_space<hbm>>)
        tpu.yield
      }) : () -> ()
      %eq3A_30 = arith.constant 0 : i32
      %eq3A_31 = arith.cmpi eq, %arg1, %eq3A_30 : i32
      %convert_element_type3A_32 = arith.extui %eq3A_31 : i1 to i32
      %cond3A_33 = arith.constant 0 : i32
      %cond3A_34 = arith.constant 0 : i32
      %cond3A_35 = arith.cmpi ne, %convert_element_type3A_32, %cond3A_34 : i32
      scf.if %cond3A_35 {
        "tpu.region"() ({
          %run_scoped3A_36 = tpu.sem_alloc : memref<!tpu.dma_semaphore, #tpu.memory_space<semaphore_mem>>
          %dma_start3A = arith.constant 0 : i32
          %dma_start3A_37 = arith.constant 0 : i32
          %dma_start3A_38 = tpu.memref_slice %arg6[%cond3A_33, %dma_start3A, %dma_start3A_37] : memref<2x10000x128xf32, #tpu.memory_space<hbm>> -> memref<1x10000x128xf32, #tpu.memory_space<hbm>>
          %dma_start3A_39 = tpu.memref_squeeze %dma_start3A_38 : memref<1x10000x128xf32, #tpu.memory_space<hbm>> -> memref<10000x128xf32, #tpu.memory_space<hbm>>
          %dma_start3A_40 = arith.constant 9984 : i32
          %dma_start3A_41 = arith.constant 0 : i32
          %dma_start3A_42 = tpu.memref_slice %dma_start3A_39[%dma_start3A_40, %dma_start3A_41] : memref<10000x128xf32, #tpu.memory_space<hbm>> -> memref<16x128xf32, #tpu.memory_space<hbm>>
          %dma_start3A_43 = arith.constant 9984 : i32
          %dma_start3A_44 = arith.constant 0 : i32
          %dma_start3A_45 = tpu.memref_slice %arg12[%dma_start3A_43, %dma_start3A_44] : memref<10000x128xf32, #tpu.memory_space<vmem_shared>> -> memref<16x128xf32, #tpu.memory_space<vmem_shared>>
          tpu.enqueue_dma source(%dma_start3A_45 : memref<16x128xf32, #tpu.memory_space<vmem_shared>>) target(%dma_start3A_42 : memref<16x128xf32, #tpu.memory_space<hbm>>) target_semaphore(%run_scoped3A_36 : memref<!tpu.dma_semaphore, #tpu.memory_space<semaphore_mem>>)
          %dma_wait3A = arith.constant 0 : i32
          %dma_wait3A_46 = arith.constant 0 : i32
          %dma_wait3A_47 = tpu.memref_slice %arg6[%cond3A_33, %dma_wait3A, %dma_wait3A_46] : memref<2x10000x128xf32, #tpu.memory_space<hbm>> -> memref<1x10000x128xf32, #tpu.memory_space<hbm>>
          %dma_wait3A_48 = tpu.memref_squeeze %dma_wait3A_47 : memref<1x10000x128xf32, #tpu.memory_space<hbm>> -> memref<10000x128xf32, #tpu.memory_space<hbm>>
          %dma_wait3A_49 = arith.constant 9984 : i32
          %dma_wait3A_50 = arith.constant 0 : i32
          %dma_wait3A_51 = tpu.memref_slice %dma_wait3A_48[%dma_wait3A_49, %dma_wait3A_50] : memref<10000x128xf32, #tpu.memory_space<hbm>> -> memref<16x128xf32, #tpu.memory_space<hbm>>
          %dma_wait3A_52 = arith.constant 9984 : i32
          %dma_wait3A_53 = arith.constant 0 : i32
          %dma_wait3A_54 = tpu.memref_slice %arg12[%dma_wait3A_52, %dma_wait3A_53] : memref<10000x128xf32, #tpu.memory_space<vmem_shared>> -> memref<16x128xf32, #tpu.memory_space<vmem_shared>>
          tpu.wait_dma2 semaphore(%run_scoped3A_36 : memref<!tpu.dma_semaphore, #tpu.memory_space<semaphore_mem>>) src(%dma_wait3A_54 : memref<16x128xf32, #tpu.memory_space<vmem_shared>>) dst(%dma_wait3A_51 : memref<16x128xf32, #tpu.memory_space<hbm>>)
          tpu.yield
        }) : () -> ()
      } else {
      }
    } else {
    }
    %eq3A_21 = arith.constant 1 : i32
    %eq3A_22 = arith.cmpi eq, %arg0, %eq3A_21 : i32
    %convert_element_type3A_23 = arith.extui %eq3A_22 : i1 to i32
    %cond3A_24 = arith.constant 0 : i32
    %cond3A_25 = arith.cmpi ne, %convert_element_type3A_23, %cond3A_24 : i32
    scf.if %cond3A_25 {
      %mul3A_26 = arith.constant 624 : i32
      %mul3A_27 = arith.muli %arg1, %mul3A_26 : i32
      %mul3A_28 = arith.constant 624 : i32
      %mul3A_29 = arith.muli %arg1, %mul3A_28 : i32
      %run_scoped3A = arith.constant 1 : i32
      "tpu.region"() ({
        %run_scoped3A_36 = tpu.sem_alloc : memref<!tpu.dma_semaphore, #tpu.memory_space<semaphore_mem>>
        %dma_start3A = arith.constant 0 : i32
        %dma_start3A_37 = arith.constant 0 : i32
        %dma_start3A_38 = tpu.memref_slice %arg6[%run_scoped3A, %dma_start3A, %dma_start3A_37] : memref<2x10000x128xf32, #tpu.memory_space<hbm>> -> memref<1x10000x128xf32, #tpu.memory_space<hbm>>
        %dma_start3A_39 = tpu.memref_squeeze %dma_start3A_38 : memref<1x10000x128xf32, #tpu.memory_space<hbm>> -> memref<10000x128xf32, #tpu.memory_space<hbm>>
        %dma_start3A_40 = arith.constant 0 : i32
        %dma_start3A_41 = tpu.memref_slice %dma_start3A_39[%mul3A_29, %dma_start3A_40] : memref<10000x128xf32, #tpu.memory_space<hbm>> -> memref<624x128xf32, #tpu.memory_space<hbm>>
        %dma_start3A_42 = arith.constant 0 : i32
        %dma_start3A_43 = tpu.memref_slice %arg12[%mul3A_27, %dma_start3A_42] : memref<10000x128xf32, #tpu.memory_space<vmem_shared>> -> memref<624x128xf32, #tpu.memory_space<vmem_shared>>
        tpu.enqueue_dma source(%dma_start3A_43 : memref<624x128xf32, #tpu.memory_space<vmem_shared>>) target(%dma_start3A_41 : memref<624x128xf32, #tpu.memory_space<hbm>>) target_semaphore(%run_scoped3A_36 : memref<!tpu.dma_semaphore, #tpu.memory_space<semaphore_mem>>)
        %dma_wait3A = arith.constant 0 : i32
        %dma_wait3A_44 = arith.constant 0 : i32
        %dma_wait3A_45 = tpu.memref_slice %arg6[%run_scoped3A, %dma_wait3A, %dma_wait3A_44] : memref<2x10000x128xf32, #tpu.memory_space<hbm>> -> memref<1x10000x128xf32, #tpu.memory_space<hbm>>
        %dma_wait3A_46 = tpu.memref_squeeze %dma_wait3A_45 : memref<1x10000x128xf32, #tpu.memory_space<hbm>> -> memref<10000x128xf32, #tpu.memory_space<hbm>>
        %dma_wait3A_47 = arith.constant 0 : i32
        %dma_wait3A_48 = tpu.memref_slice %dma_wait3A_46[%mul3A_29, %dma_wait3A_47] : memref<10000x128xf32, #tpu.memory_space<hbm>> -> memref<624x128xf32, #tpu.memory_space<hbm>>
        %dma_wait3A_49 = arith.constant 0 : i32
        %dma_wait3A_50 = tpu.memref_slice %arg12[%mul3A_27, %dma_wait3A_49] : memref<10000x128xf32, #tpu.memory_space<vmem_shared>> -> memref<624x128xf32, #tpu.memory_space<vmem_shared>>
        tpu.wait_dma2 semaphore(%run_scoped3A_36 : memref<!tpu.dma_semaphore, #tpu.memory_space<semaphore_mem>>) src(%dma_wait3A_50 : memref<624x128xf32, #tpu.memory_space<vmem_shared>>) dst(%dma_wait3A_48 : memref<624x128xf32, #tpu.memory_space<hbm>>)
        tpu.yield
      }) : () -> ()
      %eq3A_30 = arith.constant 0 : i32
      %eq3A_31 = arith.cmpi eq, %arg1, %eq3A_30 : i32
      %convert_element_type3A_32 = arith.extui %eq3A_31 : i1 to i32
      %cond3A_33 = arith.constant 1 : i32
      %cond3A_34 = arith.constant 0 : i32
      %cond3A_35 = arith.cmpi ne, %convert_element_type3A_32, %cond3A_34 : i32
      scf.if %cond3A_35 {
        "tpu.region"() ({
          %run_scoped3A_36 = tpu.sem_alloc : memref<!tpu.dma_semaphore, #tpu.memory_space<semaphore_mem>>
          %dma_start3A = arith.constant 0 : i32
          %dma_start3A_37 = arith.constant 0 : i32
          %dma_start3A_38 = tpu.memref_slice %arg6[%cond3A_33, %dma_start3A, %dma_start3A_37] : memref<2x10000x128xf32, #tpu.memory_space<hbm>> -> memref<1x10000x128xf32, #tpu.memory_space<hbm>>
          %dma_start3A_39 = tpu.memref_squeeze %dma_start3A_38 : memref<1x10000x128xf32, #tpu.memory_space<hbm>> -> memref<10000x128xf32, #tpu.memory_space<hbm>>
          %dma_start3A_40 = arith.constant 9984 : i32
          %dma_start3A_41 = arith.constant 0 : i32
          %dma_start3A_42 = tpu.memref_slice %dma_start3A_39[%dma_start3A_40, %dma_start3A_41] : memref<10000x128xf32, #tpu.memory_space<hbm>> -> memref<16x128xf32, #tpu.memory_space<hbm>>
          %dma_start3A_43 = arith.constant 9984 : i32
          %dma_start3A_44 = arith.constant 0 : i32
          %dma_start3A_45 = tpu.memref_slice %arg12[%dma_start3A_43, %dma_start3A_44] : memref<10000x128xf32, #tpu.memory_space<vmem_shared>> -> memref<16x128xf32, #tpu.memory_space<vmem_shared>>
          tpu.enqueue_dma source(%dma_start3A_45 : memref<16x128xf32, #tpu.memory_space<vmem_shared>>) target(%dma_start3A_42 : memref<16x128xf32, #tpu.memory_space<hbm>>) target_semaphore(%run_scoped3A_36 : memref<!tpu.dma_semaphore, #tpu.memory_space<semaphore_mem>>)
          %dma_wait3A = arith.constant 0 : i32
          %dma_wait3A_46 = arith.constant 0 : i32
          %dma_wait3A_47 = tpu.memref_slice %arg6[%cond3A_33, %dma_wait3A, %dma_wait3A_46] : memref<2x10000x128xf32, #tpu.memory_space<hbm>> -> memref<1x10000x128xf32, #tpu.memory_space<hbm>>
          %dma_wait3A_48 = tpu.memref_squeeze %dma_wait3A_47 : memref<1x10000x128xf32, #tpu.memory_space<hbm>> -> memref<10000x128xf32, #tpu.memory_space<hbm>>
          %dma_wait3A_49 = arith.constant 9984 : i32
          %dma_wait3A_50 = arith.constant 0 : i32
          %dma_wait3A_51 = tpu.memref_slice %dma_wait3A_48[%dma_wait3A_49, %dma_wait3A_50] : memref<10000x128xf32, #tpu.memory_space<hbm>> -> memref<16x128xf32, #tpu.memory_space<hbm>>
          %dma_wait3A_52 = arith.constant 9984 : i32
          %dma_wait3A_53 = arith.constant 0 : i32
          %dma_wait3A_54 = tpu.memref_slice %arg12[%dma_wait3A_52, %dma_wait3A_53] : memref<10000x128xf32, #tpu.memory_space<vmem_shared>> -> memref<16x128xf32, #tpu.memory_space<vmem_shared>>
          tpu.wait_dma2 semaphore(%run_scoped3A_36 : memref<!tpu.dma_semaphore, #tpu.memory_space<semaphore_mem>>) src(%dma_wait3A_54 : memref<16x128xf32, #tpu.memory_space<vmem_shared>>) dst(%dma_wait3A_51 : memref<16x128xf32, #tpu.memory_space<hbm>>)
          tpu.yield
        }) : () -> ()
      } else {
      }
    } else {
    }
    return
  }
}

#map = affine_map<(d0, d1) -> (0)>
#map1 = affine_map<(d0, d1) -> (0, 0)>
#map2 = affine_map<(d0, d1) -> (0, 0, 0)>
module attributes {stable_mosaic.version = 14 : i64} {
  func.func @body(%arg0: i32, %arg1: i32, %arg2: memref<160000xi32, #tpu.memory_space<hbm>>, %arg3: memref<624x128xf32, #tpu.memory_space<hbm>>, %arg4: memref<80x128xf32, #tpu.memory_space<hbm>>, %arg5: memref<2x10000x128xf32, #tpu.memory_space<hbm>>, %arg6: memref<80xi32, #tpu.memory_space<vmem>>, %arg7: memref<80xi32, #tpu.memory_space<vmem>>, %arg8: memref<80x128xf32, #tpu.memory_space<vmem>>, %arg9: memref<10000x128xf32, #tpu.memory_space<vmem_shared>>, %arg10: memref<!tpu.dma_semaphore, #tpu.memory_space<semaphore_mem>>, %arg11: memref<!tpu.dma_semaphore, #tpu.memory_space<semaphore_mem>>) attributes {dimension_semantics = [#tpu.dimension_semantics<core_parallel>, #tpu.dimension_semantics<subcore_parallel>], iteration_bounds = array<i64: 2, 16>, scalar_prefetch = 0 : i64, scratch_operands = 6 : i64, tpu.core_type = #tpu.core_type<sc_vector_subcore>, window_params = [{transform_indices = #map}, {transform_indices = #map1}, {transform_indices = #map1}, {transform_indices = #map2}]} {
    %mul3A = arith.constant 10000 : i32
    %mul3A_0 = arith.muli %arg1, %mul3A : i32
    %multiple_of3A = tpu.assume_multiple %mul3A_0, 8 : i32
    "tpu.region"() ({
      %run_scoped3A = tpu.sem_alloc : memref<!tpu.dma_semaphore, #tpu.memory_space<semaphore_mem>>
      tpu.enqueue_dma source(%arg4 : memref<80x128xf32, #tpu.memory_space<hbm>>) target(%arg8 : memref<80x128xf32, #tpu.memory_space<vmem>>) target_semaphore(%run_scoped3A : memref<!tpu.dma_semaphore, #tpu.memory_space<semaphore_mem>>)
      tpu.wait_dma2 semaphore(%run_scoped3A : memref<!tpu.dma_semaphore, #tpu.memory_space<semaphore_mem>>) src(%arg4 : memref<80x128xf32, #tpu.memory_space<hbm>>) dst(%arg8 : memref<80x128xf32, #tpu.memory_space<vmem>>)
      tpu.yield
    }) : () -> ()
    %mul3A_1 = arith.constant 624 : i32
    %mul3A_2 = arith.muli %arg1, %mul3A_1 : i32
    "tpu.region"() ({
      %run_scoped3A = tpu.sem_alloc : memref<!tpu.dma_semaphore, #tpu.memory_space<semaphore_mem>>
      %dma_start3A = arith.constant 0 : i32
      %dma_start3A_26 = tpu.memref_slice %arg9[%mul3A_2, %dma_start3A] : memref<10000x128xf32, #tpu.memory_space<vmem_shared>> -> memref<624x128xf32, #tpu.memory_space<vmem_shared>>
      tpu.enqueue_dma source(%arg3 : memref<624x128xf32, #tpu.memory_space<hbm>>) target(%dma_start3A_26 : memref<624x128xf32, #tpu.memory_space<vmem_shared>>) target_semaphore(%run_scoped3A : memref<!tpu.dma_semaphore, #tpu.memory_space<semaphore_mem>>)
      %dma_wait3A = arith.constant 0 : i32
      %dma_wait3A_27 = tpu.memref_slice %arg9[%mul3A_2, %dma_wait3A] : memref<10000x128xf32, #tpu.memory_space<vmem_shared>> -> memref<624x128xf32, #tpu.memory_space<vmem_shared>>
      tpu.wait_dma2 semaphore(%run_scoped3A : memref<!tpu.dma_semaphore, #tpu.memory_space<semaphore_mem>>) src(%arg3 : memref<624x128xf32, #tpu.memory_space<hbm>>) dst(%dma_wait3A_27 : memref<624x128xf32, #tpu.memory_space<vmem_shared>>)
      tpu.yield
    }) : () -> ()
    %eq3A = arith.constant 0 : i32
    %eq3A_3 = arith.cmpi eq, %arg1, %eq3A : i32
    %convert_element_type3A = arith.extui %eq3A_3 : i1 to i32
    %cond3A = arith.constant 0 : i32
    %cond3A_4 = arith.cmpi ne, %convert_element_type3A, %cond3A : i32
    scf.if %cond3A_4 {
      "tpu.region"() ({
        %run_scoped3A = tpu.sem_alloc : memref<!tpu.dma_semaphore, #tpu.memory_space<semaphore_mem>>
        %dma_start3A = arith.constant 9984 : i32
        %dma_start3A_26 = arith.constant 0 : i32
        %dma_start3A_27 = tpu.memref_slice %arg9[%dma_start3A, %dma_start3A_26] : memref<10000x128xf32, #tpu.memory_space<vmem_shared>> -> memref<16x128xf32, #tpu.memory_space<vmem_shared>>
        %dma_start3A_28 = arith.constant 0 : i32
        %dma_start3A_29 = arith.constant 0 : i32
        %dma_start3A_30 = tpu.memref_slice %arg3[%dma_start3A_28, %dma_start3A_29] : memref<624x128xf32, #tpu.memory_space<hbm>> -> memref<16x128xf32, #tpu.memory_space<hbm>>
        tpu.enqueue_dma source(%dma_start3A_30 : memref<16x128xf32, #tpu.memory_space<hbm>>) target(%dma_start3A_27 : memref<16x128xf32, #tpu.memory_space<vmem_shared>>) target_semaphore(%run_scoped3A : memref<!tpu.dma_semaphore, #tpu.memory_space<semaphore_mem>>)
        %dma_wait3A = arith.constant 9984 : i32
        %dma_wait3A_31 = arith.constant 0 : i32
        %dma_wait3A_32 = tpu.memref_slice %arg9[%dma_wait3A, %dma_wait3A_31] : memref<10000x128xf32, #tpu.memory_space<vmem_shared>> -> memref<16x128xf32, #tpu.memory_space<vmem_shared>>
        %dma_wait3A_33 = arith.constant 0 : i32
        %dma_wait3A_34 = arith.constant 0 : i32
        %dma_wait3A_35 = tpu.memref_slice %arg3[%dma_wait3A_33, %dma_wait3A_34] : memref<624x128xf32, #tpu.memory_space<hbm>> -> memref<16x128xf32, #tpu.memory_space<hbm>>
        tpu.wait_dma2 semaphore(%run_scoped3A : memref<!tpu.dma_semaphore, #tpu.memory_space<semaphore_mem>>) src(%dma_wait3A_35 : memref<16x128xf32, #tpu.memory_space<hbm>>) dst(%dma_wait3A_32 : memref<16x128xf32, #tpu.memory_space<vmem_shared>>)
        tpu.yield
      }) : () -> ()
    } else {
    }
    %barrier3A = arith.constant 0 : index
    tpu.barrier barrier_id(%barrier3A)
    %eq3A_5 = arith.constant 0 : i32
    %eq3A_6 = arith.cmpi eq, %arg0, %eq3A_5 : i32
    %convert_element_type3A_7 = arith.extui %eq3A_6 : i1 to i32
    %cond3A_8 = arith.constant 0 : i32
    %cond3A_9 = arith.cmpi ne, %convert_element_type3A_7, %cond3A_8 : i32
    scf.if %cond3A_9 {
      %add3A = arith.constant 0 : i32
      %add3A_26 = arith.addi %multiple_of3A, %add3A : i32
      %multiple_of3A_27 = tpu.assume_multiple %add3A_26, 8 : i32
      %dma_start3A = tpu.memref_slice %arg2[%multiple_of3A_27] : memref<160000xi32, #tpu.memory_space<hbm>> -> memref<80xi32, #tpu.memory_space<hbm>>
      %dma_start3A_28 = tpu.memref_slice %arg2[%multiple_of3A_27] : memref<160000xi32, #tpu.memory_space<hbm>> -> memref<80xi32, #tpu.memory_space<hbm>>
      tpu.enqueue_dma source(%dma_start3A_28 : memref<80xi32, #tpu.memory_space<hbm>>) target(%arg6 : memref<80xi32, #tpu.memory_space<vmem>>) target_semaphore(%arg10 : memref<!tpu.dma_semaphore, #tpu.memory_space<semaphore_mem>>)
      %scan3A = arith.constant 0 : i32
      %scan3A_29 = arith.constant 0 : i32
      %scan3A_30 = arith.constant 30 : i32
      %scan3A_31 = arith.addi %scan3A_29, %scan3A_30 : i32
      %scan3A_32 = arith.constant 1 : i32
      scf.for %scan3A_46 = %scan3A_29 to %scan3A_31 step %scan3A_32  : i32 {
        %mul3A_47 = arith.constant 2 : i32
        %mul3A_48 = arith.muli %mul3A_47, %scan3A_46 : i32
        %add3A_49 = arith.constant 0 : i32
        %add3A_50 = arith.addi %add3A_49, %mul3A_48 : i32
        %dma_wait3A_51 = arith.constant 0 : i32
        %dma_wait3A_52 = tpu.memref_slice %arg2[%dma_wait3A_51] : memref<160000xi32, #tpu.memory_space<hbm>> -> memref<80xi32, #tpu.memory_space<hbm>>
        %dma_wait3A_53 = arith.constant 0 : i32
        %dma_wait3A_54 = tpu.memref_slice %arg2[%dma_wait3A_53] : memref<160000xi32, #tpu.memory_space<hbm>> -> memref<80xi32, #tpu.memory_space<hbm>>
        tpu.wait_dma2 semaphore(%arg10 : memref<!tpu.dma_semaphore, #tpu.memory_space<semaphore_mem>>) src(%dma_wait3A_54 : memref<80xi32, #tpu.memory_space<hbm>>) dst(%arg6 : memref<80xi32, #tpu.memory_space<vmem>>)
        %add3A_55 = arith.constant 1 : i32
        %add3A_56 = arith.addi %add3A_50, %add3A_55 : i32
        %mul3A_57 = arith.constant 80 : i32
        %mul3A_58 = arith.muli %add3A_56, %mul3A_57 : i32
        %add3A_59 = arith.addi %multiple_of3A, %mul3A_58 : i32
        %multiple_of3A_60 = tpu.assume_multiple %add3A_59, 8 : i32
        %dma_start3A_61 = tpu.memref_slice %arg2[%multiple_of3A_60] : memref<160000xi32, #tpu.memory_space<hbm>> -> memref<80xi32, #tpu.memory_space<hbm>>
        %dma_start3A_62 = tpu.memref_slice %arg2[%multiple_of3A_60] : memref<160000xi32, #tpu.memory_space<hbm>> -> memref<80xi32, #tpu.memory_space<hbm>>
        tpu.enqueue_dma source(%dma_start3A_62 : memref<80xi32, #tpu.memory_space<hbm>>) target(%arg7 : memref<80xi32, #tpu.memory_space<vmem>>) target_semaphore(%arg11 : memref<!tpu.dma_semaphore, #tpu.memory_space<semaphore_mem>>)
        "tpu.region"() ({
          %run_scoped3A = tpu.sem_alloc : memref<!tpu.dma_semaphore, #tpu.memory_space<semaphore_mem>>
          %dma_start3A_75 = arith.constant 0 : i32
          %dma_start3A_76 = arith.constant 0 : i32
          %dma_start3A_77 = tpu.memref_slice %arg9[%dma_start3A_75, %dma_start3A_76] : memref<10000x128xf32, #tpu.memory_space<vmem_shared>> -> memref<10000x128xf32, #tpu.memory_space<vmem_shared>>
          tpu.enqueue_indirect_dma source(%arg8 : memref<80x128xf32, #tpu.memory_space<vmem>>) target(%dma_start3A_77 : memref<10000x128xf32, #tpu.memory_space<vmem_shared>>) offsets(%arg6 : memref<80xi32, #tpu.memory_space<vmem>>) semaphore(%run_scoped3A : memref<!tpu.dma_semaphore, #tpu.memory_space<semaphore_mem>>) {add = true}
          %dma_wait3A_78 = arith.constant 0 : i32
          %dma_wait3A_79 = arith.constant 0 : i32
          %dma_wait3A_80 = tpu.memref_slice %arg9[%dma_wait3A_78, %dma_wait3A_79] : memref<10000x128xf32, #tpu.memory_space<vmem_shared>> -> memref<10000x128xf32, #tpu.memory_space<vmem_shared>>
          tpu.wait_indirect_dma semaphore(%run_scoped3A : memref<!tpu.dma_semaphore, #tpu.memory_space<semaphore_mem>>) src(%arg8 : memref<80x128xf32, #tpu.memory_space<vmem>>) dst(%dma_wait3A_80 : memref<10000x128xf32, #tpu.memory_space<vmem_shared>>)
          tpu.yield
        }) : () -> ()
        %dma_wait3A_63 = arith.constant 0 : i32
        %dma_wait3A_64 = tpu.memref_slice %arg2[%dma_wait3A_63] : memref<160000xi32, #tpu.memory_space<hbm>> -> memref<80xi32, #tpu.memory_space<hbm>>
        %dma_wait3A_65 = arith.constant 0 : i32
        %dma_wait3A_66 = tpu.memref_slice %arg2[%dma_wait3A_65] : memref<160000xi32, #tpu.memory_space<hbm>> -> memref<80xi32, #tpu.memory_space<hbm>>
        tpu.wait_dma2 semaphore(%arg11 : memref<!tpu.dma_semaphore, #tpu.memory_space<semaphore_mem>>) src(%dma_wait3A_66 : memref<80xi32, #tpu.memory_space<hbm>>) dst(%arg7 : memref<80xi32, #tpu.memory_space<vmem>>)
        %add3A_67 = arith.constant 2 : i32
        %add3A_68 = arith.addi %add3A_50, %add3A_67 : i32
        %mul3A_69 = arith.constant 80 : i32
        %mul3A_70 = arith.muli %add3A_68, %mul3A_69 : i32
        %add3A_71 = arith.addi %multiple_of3A, %mul3A_70 : i32
        %multiple_of3A_72 = tpu.assume_multiple %add3A_71, 8 : i32
        %dma_start3A_73 = tpu.memref_slice %arg2[%multiple_of3A_72] : memref<160000xi32, #tpu.memory_space<hbm>> -> memref<80xi32, #tpu.memory_space<hbm>>
        %dma_start3A_74 = tpu.memref_slice %arg2[%multiple_of3A_72] : memref<160000xi32, #tpu.memory_space<hbm>> -> memref<80xi32, #tpu.memory_space<hbm>>
        tpu.enqueue_dma source(%dma_start3A_74 : memref<80xi32, #tpu.memory_space<hbm>>) target(%arg6 : memref<80xi32, #tpu.memory_space<vmem>>) target_semaphore(%arg10 : memref<!tpu.dma_semaphore, #tpu.memory_space<semaphore_mem>>)
        "tpu.region"() ({
          %run_scoped3A = tpu.sem_alloc : memref<!tpu.dma_semaphore, #tpu.memory_space<semaphore_mem>>
          %dma_start3A_75 = arith.constant 0 : i32
          %dma_start3A_76 = arith.constant 0 : i32
          %dma_start3A_77 = tpu.memref_slice %arg9[%dma_start3A_75, %dma_start3A_76] : memref<10000x128xf32, #tpu.memory_space<vmem_shared>> -> memref<10000x128xf32, #tpu.memory_space<vmem_shared>>
          tpu.enqueue_indirect_dma source(%arg8 : memref<80x128xf32, #tpu.memory_space<vmem>>) target(%dma_start3A_77 : memref<10000x128xf32, #tpu.memory_space<vmem_shared>>) offsets(%arg7 : memref<80xi32, #tpu.memory_space<vmem>>) semaphore(%run_scoped3A : memref<!tpu.dma_semaphore, #tpu.memory_space<semaphore_mem>>) {add = true}
          %dma_wait3A_78 = arith.constant 0 : i32
          %dma_wait3A_79 = arith.constant 0 : i32
          %dma_wait3A_80 = tpu.memref_slice %arg9[%dma_wait3A_78, %dma_wait3A_79] : memref<10000x128xf32, #tpu.memory_space<vmem_shared>> -> memref<10000x128xf32, #tpu.memory_space<vmem_shared>>
          tpu.wait_indirect_dma semaphore(%run_scoped3A : memref<!tpu.dma_semaphore, #tpu.memory_space<semaphore_mem>>) src(%arg8 : memref<80x128xf32, #tpu.memory_space<vmem>>) dst(%dma_wait3A_80 : memref<10000x128xf32, #tpu.memory_space<vmem_shared>>)
          tpu.yield
        }) : () -> ()
      }
      %scan3A_33 = arith.constant 30 : i32
      %dma_wait3A = arith.constant 0 : i32
      %dma_wait3A_34 = tpu.memref_slice %arg2[%dma_wait3A] : memref<160000xi32, #tpu.memory_space<hbm>> -> memref<80xi32, #tpu.memory_space<hbm>>
      %dma_wait3A_35 = arith.constant 0 : i32
      %dma_wait3A_36 = tpu.memref_slice %arg2[%dma_wait3A_35] : memref<160000xi32, #tpu.memory_space<hbm>> -> memref<80xi32, #tpu.memory_space<hbm>>
      tpu.wait_dma2 semaphore(%arg10 : memref<!tpu.dma_semaphore, #tpu.memory_space<semaphore_mem>>) src(%dma_wait3A_36 : memref<80xi32, #tpu.memory_space<hbm>>) dst(%arg6 : memref<80xi32, #tpu.memory_space<vmem>>)
      %add3A_37 = arith.constant 4880 : i32
      %add3A_38 = arith.addi %multiple_of3A, %add3A_37 : i32
      %multiple_of3A_39 = tpu.assume_multiple %add3A_38, 8 : i32
      %dma_start3A_40 = tpu.memref_slice %arg2[%multiple_of3A_39] : memref<160000xi32, #tpu.memory_space<hbm>> -> memref<80xi32, #tpu.memory_space<hbm>>
      %dma_start3A_41 = tpu.memref_slice %arg2[%multiple_of3A_39] : memref<160000xi32, #tpu.memory_space<hbm>> -> memref<80xi32, #tpu.memory_space<hbm>>
      tpu.enqueue_dma source(%dma_start3A_41 : memref<80xi32, #tpu.memory_space<hbm>>) target(%arg7 : memref<80xi32, #tpu.memory_space<vmem>>) target_semaphore(%arg11 : memref<!tpu.dma_semaphore, #tpu.memory_space<semaphore_mem>>)
      "tpu.region"() ({
        %run_scoped3A = tpu.sem_alloc : memref<!tpu.dma_semaphore, #tpu.memory_space<semaphore_mem>>
        %dma_start3A_46 = arith.constant 0 : i32
        %dma_start3A_47 = arith.constant 0 : i32
        %dma_start3A_48 = tpu.memref_slice %arg9[%dma_start3A_46, %dma_start3A_47] : memref<10000x128xf32, #tpu.memory_space<vmem_shared>> -> memref<10000x128xf32, #tpu.memory_space<vmem_shared>>
        tpu.enqueue_indirect_dma source(%arg8 : memref<80x128xf32, #tpu.memory_space<vmem>>) target(%dma_start3A_48 : memref<10000x128xf32, #tpu.memory_space<vmem_shared>>) offsets(%arg6 : memref<80xi32, #tpu.memory_space<vmem>>) semaphore(%run_scoped3A : memref<!tpu.dma_semaphore, #tpu.memory_space<semaphore_mem>>) {add = true}
        %dma_wait3A_49 = arith.constant 0 : i32
        %dma_wait3A_50 = arith.constant 0 : i32
        %dma_wait3A_51 = tpu.memref_slice %arg9[%dma_wait3A_49, %dma_wait3A_50] : memref<10000x128xf32, #tpu.memory_space<vmem_shared>> -> memref<10000x128xf32, #tpu.memory_space<vmem_shared>>
        tpu.wait_indirect_dma semaphore(%run_scoped3A : memref<!tpu.dma_semaphore, #tpu.memory_space<semaphore_mem>>) src(%arg8 : memref<80x128xf32, #tpu.memory_space<vmem>>) dst(%dma_wait3A_51 : memref<10000x128xf32, #tpu.memory_space<vmem_shared>>)
        tpu.yield
      }) : () -> ()
      %dma_wait3A_42 = arith.constant 0 : i32
      %dma_wait3A_43 = tpu.memref_slice %arg2[%dma_wait3A_42] : memref<160000xi32, #tpu.memory_space<hbm>> -> memref<80xi32, #tpu.memory_space<hbm>>
      %dma_wait3A_44 = arith.constant 0 : i32
      %dma_wait3A_45 = tpu.memref_slice %arg2[%dma_wait3A_44] : memref<160000xi32, #tpu.memory_space<hbm>> -> memref<80xi32, #tpu.memory_space<hbm>>
      tpu.wait_dma2 semaphore(%arg11 : memref<!tpu.dma_semaphore, #tpu.memory_space<semaphore_mem>>) src(%dma_wait3A_45 : memref<80xi32, #tpu.memory_space<hbm>>) dst(%arg7 : memref<80xi32, #tpu.memory_space<vmem>>)
      "tpu.region"() ({
        %run_scoped3A = tpu.sem_alloc : memref<!tpu.dma_semaphore, #tpu.memory_space<semaphore_mem>>
        %dma_start3A_46 = arith.constant 0 : i32
        %dma_start3A_47 = arith.constant 0 : i32
        %dma_start3A_48 = tpu.memref_slice %arg9[%dma_start3A_46, %dma_start3A_47] : memref<10000x128xf32, #tpu.memory_space<vmem_shared>> -> memref<10000x128xf32, #tpu.memory_space<vmem_shared>>
        tpu.enqueue_indirect_dma source(%arg8 : memref<80x128xf32, #tpu.memory_space<vmem>>) target(%dma_start3A_48 : memref<10000x128xf32, #tpu.memory_space<vmem_shared>>) offsets(%arg7 : memref<80xi32, #tpu.memory_space<vmem>>) semaphore(%run_scoped3A : memref<!tpu.dma_semaphore, #tpu.memory_space<semaphore_mem>>) {add = true}
        %dma_wait3A_49 = arith.constant 0 : i32
        %dma_wait3A_50 = arith.constant 0 : i32
        %dma_wait3A_51 = tpu.memref_slice %arg9[%dma_wait3A_49, %dma_wait3A_50] : memref<10000x128xf32, #tpu.memory_space<vmem_shared>> -> memref<10000x128xf32, #tpu.memory_space<vmem_shared>>
        tpu.wait_indirect_dma semaphore(%run_scoped3A : memref<!tpu.dma_semaphore, #tpu.memory_space<semaphore_mem>>) src(%arg8 : memref<80x128xf32, #tpu.memory_space<vmem>>) dst(%dma_wait3A_51 : memref<10000x128xf32, #tpu.memory_space<vmem_shared>>)
        tpu.yield
      }) : () -> ()
    } else {
    }
    %eq3A_10 = arith.constant 1 : i32
    %eq3A_11 = arith.cmpi eq, %arg0, %eq3A_10 : i32
    %convert_element_type3A_12 = arith.extui %eq3A_11 : i1 to i32
    %cond3A_13 = arith.constant 0 : i32
    %cond3A_14 = arith.cmpi ne, %convert_element_type3A_12, %cond3A_13 : i32
    scf.if %cond3A_14 {
      %add3A = arith.constant 4960 : i32
      %add3A_26 = arith.addi %multiple_of3A, %add3A : i32
      %multiple_of3A_27 = tpu.assume_multiple %add3A_26, 8 : i32
      %dma_start3A = tpu.memref_slice %arg2[%multiple_of3A_27] : memref<160000xi32, #tpu.memory_space<hbm>> -> memref<80xi32, #tpu.memory_space<hbm>>
      %dma_start3A_28 = tpu.memref_slice %arg2[%multiple_of3A_27] : memref<160000xi32, #tpu.memory_space<hbm>> -> memref<80xi32, #tpu.memory_space<hbm>>
      tpu.enqueue_dma source(%dma_start3A_28 : memref<80xi32, #tpu.memory_space<hbm>>) target(%arg6 : memref<80xi32, #tpu.memory_space<vmem>>) target_semaphore(%arg10 : memref<!tpu.dma_semaphore, #tpu.memory_space<semaphore_mem>>)
      %scan3A = arith.constant 0 : i32
      %scan3A_29 = arith.constant 0 : i32
      %scan3A_30 = arith.constant 31 : i32
      %scan3A_31 = arith.addi %scan3A_29, %scan3A_30 : i32
      %scan3A_32 = arith.constant 1 : i32
      scf.for %scan3A_37 = %scan3A_29 to %scan3A_31 step %scan3A_32  : i32 {
        %mul3A_38 = arith.constant 2 : i32
        %mul3A_39 = arith.muli %mul3A_38, %scan3A_37 : i32
        %add3A_40 = arith.constant 62 : i32
        %add3A_41 = arith.addi %add3A_40, %mul3A_39 : i32
        %dma_wait3A_42 = arith.constant 0 : i32
        %dma_wait3A_43 = tpu.memref_slice %arg2[%dma_wait3A_42] : memref<160000xi32, #tpu.memory_space<hbm>> -> memref<80xi32, #tpu.memory_space<hbm>>
        %dma_wait3A_44 = arith.constant 0 : i32
        %dma_wait3A_45 = tpu.memref_slice %arg2[%dma_wait3A_44] : memref<160000xi32, #tpu.memory_space<hbm>> -> memref<80xi32, #tpu.memory_space<hbm>>
        tpu.wait_dma2 semaphore(%arg10 : memref<!tpu.dma_semaphore, #tpu.memory_space<semaphore_mem>>) src(%dma_wait3A_45 : memref<80xi32, #tpu.memory_space<hbm>>) dst(%arg6 : memref<80xi32, #tpu.memory_space<vmem>>)
        %add3A_46 = arith.constant 1 : i32
        %add3A_47 = arith.addi %add3A_41, %add3A_46 : i32
        %mul3A_48 = arith.constant 80 : i32
        %mul3A_49 = arith.muli %add3A_47, %mul3A_48 : i32
        %add3A_50 = arith.addi %multiple_of3A, %mul3A_49 : i32
        %multiple_of3A_51 = tpu.assume_multiple %add3A_50, 8 : i32
        %dma_start3A_52 = tpu.memref_slice %arg2[%multiple_of3A_51] : memref<160000xi32, #tpu.memory_space<hbm>> -> memref<80xi32, #tpu.memory_space<hbm>>
        %dma_start3A_53 = tpu.memref_slice %arg2[%multiple_of3A_51] : memref<160000xi32, #tpu.memory_space<hbm>> -> memref<80xi32, #tpu.memory_space<hbm>>
        tpu.enqueue_dma source(%dma_start3A_53 : memref<80xi32, #tpu.memory_space<hbm>>) target(%arg7 : memref<80xi32, #tpu.memory_space<vmem>>) target_semaphore(%arg11 : memref<!tpu.dma_semaphore, #tpu.memory_space<semaphore_mem>>)
        "tpu.region"() ({
          %run_scoped3A = tpu.sem_alloc : memref<!tpu.dma_semaphore, #tpu.memory_space<semaphore_mem>>
          %dma_start3A_66 = arith.constant 0 : i32
          %dma_start3A_67 = arith.constant 0 : i32
          %dma_start3A_68 = tpu.memref_slice %arg9[%dma_start3A_66, %dma_start3A_67] : memref<10000x128xf32, #tpu.memory_space<vmem_shared>> -> memref<10000x128xf32, #tpu.memory_space<vmem_shared>>
          tpu.enqueue_indirect_dma source(%arg8 : memref<80x128xf32, #tpu.memory_space<vmem>>) target(%dma_start3A_68 : memref<10000x128xf32, #tpu.memory_space<vmem_shared>>) offsets(%arg6 : memref<80xi32, #tpu.memory_space<vmem>>) semaphore(%run_scoped3A : memref<!tpu.dma_semaphore, #tpu.memory_space<semaphore_mem>>) {add = true}
          %dma_wait3A_69 = arith.constant 0 : i32
          %dma_wait3A_70 = arith.constant 0 : i32
          %dma_wait3A_71 = tpu.memref_slice %arg9[%dma_wait3A_69, %dma_wait3A_70] : memref<10000x128xf32, #tpu.memory_space<vmem_shared>> -> memref<10000x128xf32, #tpu.memory_space<vmem_shared>>
          tpu.wait_indirect_dma semaphore(%run_scoped3A : memref<!tpu.dma_semaphore, #tpu.memory_space<semaphore_mem>>) src(%arg8 : memref<80x128xf32, #tpu.memory_space<vmem>>) dst(%dma_wait3A_71 : memref<10000x128xf32, #tpu.memory_space<vmem_shared>>)
          tpu.yield
        }) : () -> ()
        %dma_wait3A_54 = arith.constant 0 : i32
        %dma_wait3A_55 = tpu.memref_slice %arg2[%dma_wait3A_54] : memref<160000xi32, #tpu.memory_space<hbm>> -> memref<80xi32, #tpu.memory_space<hbm>>
        %dma_wait3A_56 = arith.constant 0 : i32
        %dma_wait3A_57 = tpu.memref_slice %arg2[%dma_wait3A_56] : memref<160000xi32, #tpu.memory_space<hbm>> -> memref<80xi32, #tpu.memory_space<hbm>>
        tpu.wait_dma2 semaphore(%arg11 : memref<!tpu.dma_semaphore, #tpu.memory_space<semaphore_mem>>) src(%dma_wait3A_57 : memref<80xi32, #tpu.memory_space<hbm>>) dst(%arg7 : memref<80xi32, #tpu.memory_space<vmem>>)
        %add3A_58 = arith.constant 2 : i32
        %add3A_59 = arith.addi %add3A_41, %add3A_58 : i32
        %mul3A_60 = arith.constant 80 : i32
        %mul3A_61 = arith.muli %add3A_59, %mul3A_60 : i32
        %add3A_62 = arith.addi %multiple_of3A, %mul3A_61 : i32
        %multiple_of3A_63 = tpu.assume_multiple %add3A_62, 8 : i32
        %dma_start3A_64 = tpu.memref_slice %arg2[%multiple_of3A_63] : memref<160000xi32, #tpu.memory_space<hbm>> -> memref<80xi32, #tpu.memory_space<hbm>>
        %dma_start3A_65 = tpu.memref_slice %arg2[%multiple_of3A_63] : memref<160000xi32, #tpu.memory_space<hbm>> -> memref<80xi32, #tpu.memory_space<hbm>>
        tpu.enqueue_dma source(%dma_start3A_65 : memref<80xi32, #tpu.memory_space<hbm>>) target(%arg6 : memref<80xi32, #tpu.memory_space<vmem>>) target_semaphore(%arg10 : memref<!tpu.dma_semaphore, #tpu.memory_space<semaphore_mem>>)
        "tpu.region"() ({
          %run_scoped3A = tpu.sem_alloc : memref<!tpu.dma_semaphore, #tpu.memory_space<semaphore_mem>>
          %dma_start3A_66 = arith.constant 0 : i32
          %dma_start3A_67 = arith.constant 0 : i32
          %dma_start3A_68 = tpu.memref_slice %arg9[%dma_start3A_66, %dma_start3A_67] : memref<10000x128xf32, #tpu.memory_space<vmem_shared>> -> memref<10000x128xf32, #tpu.memory_space<vmem_shared>>
          tpu.enqueue_indirect_dma source(%arg8 : memref<80x128xf32, #tpu.memory_space<vmem>>) target(%dma_start3A_68 : memref<10000x128xf32, #tpu.memory_space<vmem_shared>>) offsets(%arg7 : memref<80xi32, #tpu.memory_space<vmem>>) semaphore(%run_scoped3A : memref<!tpu.dma_semaphore, #tpu.memory_space<semaphore_mem>>) {add = true}
          %dma_wait3A_69 = arith.constant 0 : i32
          %dma_wait3A_70 = arith.constant 0 : i32
          %dma_wait3A_71 = tpu.memref_slice %arg9[%dma_wait3A_69, %dma_wait3A_70] : memref<10000x128xf32, #tpu.memory_space<vmem_shared>> -> memref<10000x128xf32, #tpu.memory_space<vmem_shared>>
          tpu.wait_indirect_dma semaphore(%run_scoped3A : memref<!tpu.dma_semaphore, #tpu.memory_space<semaphore_mem>>) src(%arg8 : memref<80x128xf32, #tpu.memory_space<vmem>>) dst(%dma_wait3A_71 : memref<10000x128xf32, #tpu.memory_space<vmem_shared>>)
          tpu.yield
        }) : () -> ()
      }
      %scan3A_33 = arith.constant 31 : i32
      %dma_wait3A = arith.constant 0 : i32
      %dma_wait3A_34 = tpu.memref_slice %arg2[%dma_wait3A] : memref<160000xi32, #tpu.memory_space<hbm>> -> memref<80xi32, #tpu.memory_space<hbm>>
      %dma_wait3A_35 = arith.constant 0 : i32
      %dma_wait3A_36 = tpu.memref_slice %arg2[%dma_wait3A_35] : memref<160000xi32, #tpu.memory_space<hbm>> -> memref<80xi32, #tpu.memory_space<hbm>>
      tpu.wait_dma2 semaphore(%arg10 : memref<!tpu.dma_semaphore, #tpu.memory_space<semaphore_mem>>) src(%dma_wait3A_36 : memref<80xi32, #tpu.memory_space<hbm>>) dst(%arg6 : memref<80xi32, #tpu.memory_space<vmem>>)
      "tpu.region"() ({
        %run_scoped3A = tpu.sem_alloc : memref<!tpu.dma_semaphore, #tpu.memory_space<semaphore_mem>>
        %dma_start3A_37 = arith.constant 0 : i32
        %dma_start3A_38 = arith.constant 0 : i32
        %dma_start3A_39 = tpu.memref_slice %arg9[%dma_start3A_37, %dma_start3A_38] : memref<10000x128xf32, #tpu.memory_space<vmem_shared>> -> memref<10000x128xf32, #tpu.memory_space<vmem_shared>>
        tpu.enqueue_indirect_dma source(%arg8 : memref<80x128xf32, #tpu.memory_space<vmem>>) target(%dma_start3A_39 : memref<10000x128xf32, #tpu.memory_space<vmem_shared>>) offsets(%arg6 : memref<80xi32, #tpu.memory_space<vmem>>) semaphore(%run_scoped3A : memref<!tpu.dma_semaphore, #tpu.memory_space<semaphore_mem>>) {add = true}
        %dma_wait3A_40 = arith.constant 0 : i32
        %dma_wait3A_41 = arith.constant 0 : i32
        %dma_wait3A_42 = tpu.memref_slice %arg9[%dma_wait3A_40, %dma_wait3A_41] : memref<10000x128xf32, #tpu.memory_space<vmem_shared>> -> memref<10000x128xf32, #tpu.memory_space<vmem_shared>>
        tpu.wait_indirect_dma semaphore(%run_scoped3A : memref<!tpu.dma_semaphore, #tpu.memory_space<semaphore_mem>>) src(%arg8 : memref<80x128xf32, #tpu.memory_space<vmem>>) dst(%dma_wait3A_42 : memref<10000x128xf32, #tpu.memory_space<vmem_shared>>)
        tpu.yield
      }) : () -> ()
    } else {
    }
    %barrier3A_15 = arith.constant 0 : index
    tpu.barrier barrier_id(%barrier3A_15)
    %eq3A_16 = arith.constant 0 : i32
    %eq3A_17 = arith.cmpi eq, %arg0, %eq3A_16 : i32
    %convert_element_type3A_18 = arith.extui %eq3A_17 : i1 to i32
    %cond3A_19 = arith.constant 0 : i32
    %cond3A_20 = arith.cmpi ne, %convert_element_type3A_18, %cond3A_19 : i32
    scf.if %cond3A_20 {
      %mul3A_26 = arith.constant 624 : i32
      %mul3A_27 = arith.muli %arg1, %mul3A_26 : i32
      %mul3A_28 = arith.constant 624 : i32
      %mul3A_29 = arith.muli %arg1, %mul3A_28 : i32
      %run_scoped3A = arith.constant 0 : i32
      "tpu.region"() ({
        %run_scoped3A_36 = tpu.sem_alloc : memref<!tpu.dma_semaphore, #tpu.memory_space<semaphore_mem>>
        %dma_start3A = arith.constant 0 : i32
        %dma_start3A_37 = arith.constant 0 : i32
        %dma_start3A_38 = tpu.memref_slice %arg5[%run_scoped3A, %dma_start3A, %dma_start3A_37] : memref<2x10000x128xf32, #tpu.memory_space<hbm>> -> memref<1x10000x128xf32, #tpu.memory_space<hbm>>
        %dma_start3A_39 = tpu.memref_squeeze %dma_start3A_38 : memref<1x10000x128xf32, #tpu.memory_space<hbm>> -> memref<10000x128xf32, #tpu.memory_space<hbm>>
        %dma_start3A_40 = arith.constant 0 : i32
        %dma_start3A_41 = tpu.memref_slice %dma_start3A_39[%mul3A_29, %dma_start3A_40] : memref<10000x128xf32, #tpu.memory_space<hbm>> -> memref<624x128xf32, #tpu.memory_space<hbm>>
        %dma_start3A_42 = arith.constant 0 : i32
        %dma_start3A_43 = tpu.memref_slice %arg9[%mul3A_27, %dma_start3A_42] : memref<10000x128xf32, #tpu.memory_space<vmem_shared>> -> memref<624x128xf32, #tpu.memory_space<vmem_shared>>
        tpu.enqueue_dma source(%dma_start3A_43 : memref<624x128xf32, #tpu.memory_space<vmem_shared>>) target(%dma_start3A_41 : memref<624x128xf32, #tpu.memory_space<hbm>>) target_semaphore(%run_scoped3A_36 : memref<!tpu.dma_semaphore, #tpu.memory_space<semaphore_mem>>)
        %dma_wait3A = arith.constant 0 : i32
        %dma_wait3A_44 = arith.constant 0 : i32
        %dma_wait3A_45 = tpu.memref_slice %arg5[%run_scoped3A, %dma_wait3A, %dma_wait3A_44] : memref<2x10000x128xf32, #tpu.memory_space<hbm>> -> memref<1x10000x128xf32, #tpu.memory_space<hbm>>
        %dma_wait3A_46 = tpu.memref_squeeze %dma_wait3A_45 : memref<1x10000x128xf32, #tpu.memory_space<hbm>> -> memref<10000x128xf32, #tpu.memory_space<hbm>>
        %dma_wait3A_47 = arith.constant 0 : i32
        %dma_wait3A_48 = tpu.memref_slice %dma_wait3A_46[%mul3A_29, %dma_wait3A_47] : memref<10000x128xf32, #tpu.memory_space<hbm>> -> memref<624x128xf32, #tpu.memory_space<hbm>>
        %dma_wait3A_49 = arith.constant 0 : i32
        %dma_wait3A_50 = tpu.memref_slice %arg9[%mul3A_27, %dma_wait3A_49] : memref<10000x128xf32, #tpu.memory_space<vmem_shared>> -> memref<624x128xf32, #tpu.memory_space<vmem_shared>>
        tpu.wait_dma2 semaphore(%run_scoped3A_36 : memref<!tpu.dma_semaphore, #tpu.memory_space<semaphore_mem>>) src(%dma_wait3A_50 : memref<624x128xf32, #tpu.memory_space<vmem_shared>>) dst(%dma_wait3A_48 : memref<624x128xf32, #tpu.memory_space<hbm>>)
        tpu.yield
      }) : () -> ()
      %eq3A_30 = arith.constant 0 : i32
      %eq3A_31 = arith.cmpi eq, %arg1, %eq3A_30 : i32
      %convert_element_type3A_32 = arith.extui %eq3A_31 : i1 to i32
      %cond3A_33 = arith.constant 0 : i32
      %cond3A_34 = arith.constant 0 : i32
      %cond3A_35 = arith.cmpi ne, %convert_element_type3A_32, %cond3A_34 : i32
      scf.if %cond3A_35 {
        "tpu.region"() ({
          %run_scoped3A_36 = tpu.sem_alloc : memref<!tpu.dma_semaphore, #tpu.memory_space<semaphore_mem>>
          %dma_start3A = arith.constant 0 : i32
          %dma_start3A_37 = arith.constant 0 : i32
          %dma_start3A_38 = tpu.memref_slice %arg5[%cond3A_33, %dma_start3A, %dma_start3A_37] : memref<2x10000x128xf32, #tpu.memory_space<hbm>> -> memref<1x10000x128xf32, #tpu.memory_space<hbm>>
          %dma_start3A_39 = tpu.memref_squeeze %dma_start3A_38 : memref<1x10000x128xf32, #tpu.memory_space<hbm>> -> memref<10000x128xf32, #tpu.memory_space<hbm>>
          %dma_start3A_40 = arith.constant 9984 : i32
          %dma_start3A_41 = arith.constant 0 : i32
          %dma_start3A_42 = tpu.memref_slice %dma_start3A_39[%dma_start3A_40, %dma_start3A_41] : memref<10000x128xf32, #tpu.memory_space<hbm>> -> memref<16x128xf32, #tpu.memory_space<hbm>>
          %dma_start3A_43 = arith.constant 9984 : i32
          %dma_start3A_44 = arith.constant 0 : i32
          %dma_start3A_45 = tpu.memref_slice %arg9[%dma_start3A_43, %dma_start3A_44] : memref<10000x128xf32, #tpu.memory_space<vmem_shared>> -> memref<16x128xf32, #tpu.memory_space<vmem_shared>>
          tpu.enqueue_dma source(%dma_start3A_45 : memref<16x128xf32, #tpu.memory_space<vmem_shared>>) target(%dma_start3A_42 : memref<16x128xf32, #tpu.memory_space<hbm>>) target_semaphore(%run_scoped3A_36 : memref<!tpu.dma_semaphore, #tpu.memory_space<semaphore_mem>>)
          %dma_wait3A = arith.constant 0 : i32
          %dma_wait3A_46 = arith.constant 0 : i32
          %dma_wait3A_47 = tpu.memref_slice %arg5[%cond3A_33, %dma_wait3A, %dma_wait3A_46] : memref<2x10000x128xf32, #tpu.memory_space<hbm>> -> memref<1x10000x128xf32, #tpu.memory_space<hbm>>
          %dma_wait3A_48 = tpu.memref_squeeze %dma_wait3A_47 : memref<1x10000x128xf32, #tpu.memory_space<hbm>> -> memref<10000x128xf32, #tpu.memory_space<hbm>>
          %dma_wait3A_49 = arith.constant 9984 : i32
          %dma_wait3A_50 = arith.constant 0 : i32
          %dma_wait3A_51 = tpu.memref_slice %dma_wait3A_48[%dma_wait3A_49, %dma_wait3A_50] : memref<10000x128xf32, #tpu.memory_space<hbm>> -> memref<16x128xf32, #tpu.memory_space<hbm>>
          %dma_wait3A_52 = arith.constant 9984 : i32
          %dma_wait3A_53 = arith.constant 0 : i32
          %dma_wait3A_54 = tpu.memref_slice %arg9[%dma_wait3A_52, %dma_wait3A_53] : memref<10000x128xf32, #tpu.memory_space<vmem_shared>> -> memref<16x128xf32, #tpu.memory_space<vmem_shared>>
          tpu.wait_dma2 semaphore(%run_scoped3A_36 : memref<!tpu.dma_semaphore, #tpu.memory_space<semaphore_mem>>) src(%dma_wait3A_54 : memref<16x128xf32, #tpu.memory_space<vmem_shared>>) dst(%dma_wait3A_51 : memref<16x128xf32, #tpu.memory_space<hbm>>)
          tpu.yield
        }) : () -> ()
      } else {
      }
    } else {
    }
    %eq3A_21 = arith.constant 1 : i32
    %eq3A_22 = arith.cmpi eq, %arg0, %eq3A_21 : i32
    %convert_element_type3A_23 = arith.extui %eq3A_22 : i1 to i32
    %cond3A_24 = arith.constant 0 : i32
    %cond3A_25 = arith.cmpi ne, %convert_element_type3A_23, %cond3A_24 : i32
    scf.if %cond3A_25 {
      %mul3A_26 = arith.constant 624 : i32
      %mul3A_27 = arith.muli %arg1, %mul3A_26 : i32
      %mul3A_28 = arith.constant 624 : i32
      %mul3A_29 = arith.muli %arg1, %mul3A_28 : i32
      %run_scoped3A = arith.constant 1 : i32
      "tpu.region"() ({
        %run_scoped3A_36 = tpu.sem_alloc : memref<!tpu.dma_semaphore, #tpu.memory_space<semaphore_mem>>
        %dma_start3A = arith.constant 0 : i32
        %dma_start3A_37 = arith.constant 0 : i32
        %dma_start3A_38 = tpu.memref_slice %arg5[%run_scoped3A, %dma_start3A, %dma_start3A_37] : memref<2x10000x128xf32, #tpu.memory_space<hbm>> -> memref<1x10000x128xf32, #tpu.memory_space<hbm>>
        %dma_start3A_39 = tpu.memref_squeeze %dma_start3A_38 : memref<1x10000x128xf32, #tpu.memory_space<hbm>> -> memref<10000x128xf32, #tpu.memory_space<hbm>>
        %dma_start3A_40 = arith.constant 0 : i32
        %dma_start3A_41 = tpu.memref_slice %dma_start3A_39[%mul3A_29, %dma_start3A_40] : memref<10000x128xf32, #tpu.memory_space<hbm>> -> memref<624x128xf32, #tpu.memory_space<hbm>>
        %dma_start3A_42 = arith.constant 0 : i32
        %dma_start3A_43 = tpu.memref_slice %arg9[%mul3A_27, %dma_start3A_42] : memref<10000x128xf32, #tpu.memory_space<vmem_shared>> -> memref<624x128xf32, #tpu.memory_space<vmem_shared>>
        tpu.enqueue_dma source(%dma_start3A_43 : memref<624x128xf32, #tpu.memory_space<vmem_shared>>) target(%dma_start3A_41 : memref<624x128xf32, #tpu.memory_space<hbm>>) target_semaphore(%run_scoped3A_36 : memref<!tpu.dma_semaphore, #tpu.memory_space<semaphore_mem>>)
        %dma_wait3A = arith.constant 0 : i32
        %dma_wait3A_44 = arith.constant 0 : i32
        %dma_wait3A_45 = tpu.memref_slice %arg5[%run_scoped3A, %dma_wait3A, %dma_wait3A_44] : memref<2x10000x128xf32, #tpu.memory_space<hbm>> -> memref<1x10000x128xf32, #tpu.memory_space<hbm>>
        %dma_wait3A_46 = tpu.memref_squeeze %dma_wait3A_45 : memref<1x10000x128xf32, #tpu.memory_space<hbm>> -> memref<10000x128xf32, #tpu.memory_space<hbm>>
        %dma_wait3A_47 = arith.constant 0 : i32
        %dma_wait3A_48 = tpu.memref_slice %dma_wait3A_46[%mul3A_29, %dma_wait3A_47] : memref<10000x128xf32, #tpu.memory_space<hbm>> -> memref<624x128xf32, #tpu.memory_space<hbm>>
        %dma_wait3A_49 = arith.constant 0 : i32
        %dma_wait3A_50 = tpu.memref_slice %arg9[%mul3A_27, %dma_wait3A_49] : memref<10000x128xf32, #tpu.memory_space<vmem_shared>> -> memref<624x128xf32, #tpu.memory_space<vmem_shared>>
        tpu.wait_dma2 semaphore(%run_scoped3A_36 : memref<!tpu.dma_semaphore, #tpu.memory_space<semaphore_mem>>) src(%dma_wait3A_50 : memref<624x128xf32, #tpu.memory_space<vmem_shared>>) dst(%dma_wait3A_48 : memref<624x128xf32, #tpu.memory_space<hbm>>)
        tpu.yield
      }) : () -> ()
      %eq3A_30 = arith.constant 0 : i32
      %eq3A_31 = arith.cmpi eq, %arg1, %eq3A_30 : i32
      %convert_element_type3A_32 = arith.extui %eq3A_31 : i1 to i32
      %cond3A_33 = arith.constant 1 : i32
      %cond3A_34 = arith.constant 0 : i32
      %cond3A_35 = arith.cmpi ne, %convert_element_type3A_32, %cond3A_34 : i32
      scf.if %cond3A_35 {
        "tpu.region"() ({
          %run_scoped3A_36 = tpu.sem_alloc : memref<!tpu.dma_semaphore, #tpu.memory_space<semaphore_mem>>
          %dma_start3A = arith.constant 0 : i32
          %dma_start3A_37 = arith.constant 0 : i32
          %dma_start3A_38 = tpu.memref_slice %arg5[%cond3A_33, %dma_start3A, %dma_start3A_37] : memref<2x10000x128xf32, #tpu.memory_space<hbm>> -> memref<1x10000x128xf32, #tpu.memory_space<hbm>>
          %dma_start3A_39 = tpu.memref_squeeze %dma_start3A_38 : memref<1x10000x128xf32, #tpu.memory_space<hbm>> -> memref<10000x128xf32, #tpu.memory_space<hbm>>
          %dma_start3A_40 = arith.constant 9984 : i32
          %dma_start3A_41 = arith.constant 0 : i32
          %dma_start3A_42 = tpu.memref_slice %dma_start3A_39[%dma_start3A_40, %dma_start3A_41] : memref<10000x128xf32, #tpu.memory_space<hbm>> -> memref<16x128xf32, #tpu.memory_space<hbm>>
          %dma_start3A_43 = arith.constant 9984 : i32
          %dma_start3A_44 = arith.constant 0 : i32
          %dma_start3A_45 = tpu.memref_slice %arg9[%dma_start3A_43, %dma_start3A_44] : memref<10000x128xf32, #tpu.memory_space<vmem_shared>> -> memref<16x128xf32, #tpu.memory_space<vmem_shared>>
          tpu.enqueue_dma source(%dma_start3A_45 : memref<16x128xf32, #tpu.memory_space<vmem_shared>>) target(%dma_start3A_42 : memref<16x128xf32, #tpu.memory_space<hbm>>) target_semaphore(%run_scoped3A_36 : memref<!tpu.dma_semaphore, #tpu.memory_space<semaphore_mem>>)
          %dma_wait3A = arith.constant 0 : i32
          %dma_wait3A_46 = arith.constant 0 : i32
          %dma_wait3A_47 = tpu.memref_slice %arg5[%cond3A_33, %dma_wait3A, %dma_wait3A_46] : memref<2x10000x128xf32, #tpu.memory_space<hbm>> -> memref<1x10000x128xf32, #tpu.memory_space<hbm>>
          %dma_wait3A_48 = tpu.memref_squeeze %dma_wait3A_47 : memref<1x10000x128xf32, #tpu.memory_space<hbm>> -> memref<10000x128xf32, #tpu.memory_space<hbm>>
          %dma_wait3A_49 = arith.constant 9984 : i32
          %dma_wait3A_50 = arith.constant 0 : i32
          %dma_wait3A_51 = tpu.memref_slice %dma_wait3A_48[%dma_wait3A_49, %dma_wait3A_50] : memref<10000x128xf32, #tpu.memory_space<hbm>> -> memref<16x128xf32, #tpu.memory_space<hbm>>
          %dma_wait3A_52 = arith.constant 9984 : i32
          %dma_wait3A_53 = arith.constant 0 : i32
          %dma_wait3A_54 = tpu.memref_slice %arg9[%dma_wait3A_52, %dma_wait3A_53] : memref<10000x128xf32, #tpu.memory_space<vmem_shared>> -> memref<16x128xf32, #tpu.memory_space<vmem_shared>>
          tpu.wait_dma2 semaphore(%run_scoped3A_36 : memref<!tpu.dma_semaphore, #tpu.memory_space<semaphore_mem>>) src(%dma_wait3A_54 : memref<16x128xf32, #tpu.memory_space<vmem_shared>>) dst(%dma_wait3A_51 : memref<16x128xf32, #tpu.memory_space<hbm>>)
          tpu.yield
        }) : () -> ()
      } else {
      }
    } else {
    }
    return
  }
}

#map = affine_map<(d0, d1) -> (0, 0, 0)>
#map1 = affine_map<(d0, d1) -> (0)>
#map2 = affine_map<(d0, d1) -> (0, 0)>
module attributes {stable_mosaic.version = 14 : i64} {
  func.func @body(%arg0: i32, %arg1: i32, %arg2: memref<4x10000x128xf32, #tpu.memory_space<hbm>>, %arg3: memref<160000xi32, #tpu.memory_space<hbm>>, %arg4: memref<160000xi32, #tpu.memory_space<hbm>>, %arg5: memref<624x128xf32, #tpu.memory_space<hbm>>, %arg6: memref<4x10000x128xf32, #tpu.memory_space<hbm>>, %arg7: memref<10000xi32, #tpu.memory_space<vmem>>, %arg8: memref<80xi32, #tpu.memory_space<vmem>>, %arg9: memref<80xi32, #tpu.memory_space<vmem>>, %arg10: memref<80x128xf32, #tpu.memory_space<vmem>>, %arg11: memref<80x128xf32, #tpu.memory_space<vmem>>, %arg12: memref<10000x128xf32, #tpu.memory_space<vmem_shared>>, %arg13: memref<!tpu.dma_semaphore, #tpu.memory_space<semaphore_mem>>, %arg14: memref<!tpu.dma_semaphore, #tpu.memory_space<semaphore_mem>>, %arg15: memref<!tpu.dma_semaphore, #tpu.memory_space<semaphore_mem>>, %arg16: memref<!tpu.dma_semaphore, #tpu.memory_space<semaphore_mem>>) attributes {dimension_semantics = [#tpu.dimension_semantics<core_parallel>, #tpu.dimension_semantics<subcore_parallel>], iteration_bounds = array<i64: 2, 16>, scalar_prefetch = 0 : i64, scratch_operands = 10 : i64, tpu.core_type = #tpu.core_type<sc_vector_subcore>, window_params = [{transform_indices = #map}, {transform_indices = #map1}, {transform_indices = #map1}, {transform_indices = #map2}, {transform_indices = #map}]} {
    %mul3A = arith.constant 10000 : i32
    %mul3A_0 = arith.muli %arg1, %mul3A : i32
    %multiple_of3A = tpu.assume_multiple %mul3A_0, 8 : i32
    "tpu.region"() ({
      %run_scoped3A = tpu.sem_alloc : memref<!tpu.dma_semaphore, #tpu.memory_space<semaphore_mem>>
      %dma_start3A = tpu.memref_slice %arg3[%multiple_of3A] : memref<160000xi32, #tpu.memory_space<hbm>> -> memref<10000xi32, #tpu.memory_space<hbm>>
      %dma_start3A_56 = tpu.memref_slice %arg3[%multiple_of3A] : memref<160000xi32, #tpu.memory_space<hbm>> -> memref<10000xi32, #tpu.memory_space<hbm>>
      tpu.enqueue_dma source(%dma_start3A_56 : memref<10000xi32, #tpu.memory_space<hbm>>) target(%arg7 : memref<10000xi32, #tpu.memory_space<vmem>>) target_semaphore(%run_scoped3A : memref<!tpu.dma_semaphore, #tpu.memory_space<semaphore_mem>>)
      %dma_wait3A = tpu.memref_slice %arg3[%multiple_of3A] : memref<160000xi32, #tpu.memory_space<hbm>> -> memref<10000xi32, #tpu.memory_space<hbm>>
      %dma_wait3A_57 = tpu.memref_slice %arg3[%multiple_of3A] : memref<160000xi32, #tpu.memory_space<hbm>> -> memref<10000xi32, #tpu.memory_space<hbm>>
      tpu.wait_dma2 semaphore(%run_scoped3A : memref<!tpu.dma_semaphore, #tpu.memory_space<semaphore_mem>>) src(%dma_wait3A_57 : memref<10000xi32, #tpu.memory_space<hbm>>) dst(%arg7 : memref<10000xi32, #tpu.memory_space<vmem>>)
      tpu.yield
    }) : () -> ()
    %mul3A_1 = arith.constant 624 : i32
    %mul3A_2 = arith.muli %arg1, %mul3A_1 : i32
    "tpu.region"() ({
      %run_scoped3A = tpu.sem_alloc : memref<!tpu.dma_semaphore, #tpu.memory_space<semaphore_mem>>
      %dma_start3A = arith.constant 0 : i32
      %dma_start3A_56 = tpu.memref_slice %arg12[%mul3A_2, %dma_start3A] : memref<10000x128xf32, #tpu.memory_space<vmem_shared>> -> memref<624x128xf32, #tpu.memory_space<vmem_shared>>
      tpu.enqueue_dma source(%arg5 : memref<624x128xf32, #tpu.memory_space<hbm>>) target(%dma_start3A_56 : memref<624x128xf32, #tpu.memory_space<vmem_shared>>) target_semaphore(%run_scoped3A : memref<!tpu.dma_semaphore, #tpu.memory_space<semaphore_mem>>)
      %dma_wait3A = arith.constant 0 : i32
      %dma_wait3A_57 = tpu.memref_slice %arg12[%mul3A_2, %dma_wait3A] : memref<10000x128xf32, #tpu.memory_space<vmem_shared>> -> memref<624x128xf32, #tpu.memory_space<vmem_shared>>
      tpu.wait_dma2 semaphore(%run_scoped3A : memref<!tpu.dma_semaphore, #tpu.memory_space<semaphore_mem>>) src(%arg5 : memref<624x128xf32, #tpu.memory_space<hbm>>) dst(%dma_wait3A_57 : memref<624x128xf32, #tpu.memory_space<vmem_shared>>)
      tpu.yield
    }) : () -> ()
    %eq3A = arith.constant 0 : i32
    %eq3A_3 = arith.cmpi eq, %arg1, %eq3A : i32
    %convert_element_type3A = arith.extui %eq3A_3 : i1 to i32
    %cond3A = arith.constant 0 : i32
    %cond3A_4 = arith.cmpi ne, %convert_element_type3A, %cond3A : i32
    scf.if %cond3A_4 {
      "tpu.region"() ({
        %run_scoped3A = tpu.sem_alloc : memref<!tpu.dma_semaphore, #tpu.memory_space<semaphore_mem>>
        %dma_start3A = arith.constant 9984 : i32
        %dma_start3A_56 = arith.constant 0 : i32
        %dma_start3A_57 = tpu.memref_slice %arg12[%dma_start3A, %dma_start3A_56] : memref<10000x128xf32, #tpu.memory_space<vmem_shared>> -> memref<16x128xf32, #tpu.memory_space<vmem_shared>>
        %dma_start3A_58 = arith.constant 0 : i32
        %dma_start3A_59 = arith.constant 0 : i32
        %dma_start3A_60 = tpu.memref_slice %arg5[%dma_start3A_58, %dma_start3A_59] : memref<624x128xf32, #tpu.memory_space<hbm>> -> memref<16x128xf32, #tpu.memory_space<hbm>>
        tpu.enqueue_dma source(%dma_start3A_60 : memref<16x128xf32, #tpu.memory_space<hbm>>) target(%dma_start3A_57 : memref<16x128xf32, #tpu.memory_space<vmem_shared>>) target_semaphore(%run_scoped3A : memref<!tpu.dma_semaphore, #tpu.memory_space<semaphore_mem>>)
        %dma_wait3A = arith.constant 9984 : i32
        %dma_wait3A_61 = arith.constant 0 : i32
        %dma_wait3A_62 = tpu.memref_slice %arg12[%dma_wait3A, %dma_wait3A_61] : memref<10000x128xf32, #tpu.memory_space<vmem_shared>> -> memref<16x128xf32, #tpu.memory_space<vmem_shared>>
        %dma_wait3A_63 = arith.constant 0 : i32
        %dma_wait3A_64 = arith.constant 0 : i32
        %dma_wait3A_65 = tpu.memref_slice %arg5[%dma_wait3A_63, %dma_wait3A_64] : memref<624x128xf32, #tpu.memory_space<hbm>> -> memref<16x128xf32, #tpu.memory_space<hbm>>
        tpu.wait_dma2 semaphore(%run_scoped3A : memref<!tpu.dma_semaphore, #tpu.memory_space<semaphore_mem>>) src(%dma_wait3A_65 : memref<16x128xf32, #tpu.memory_space<hbm>>) dst(%dma_wait3A_62 : memref<16x128xf32, #tpu.memory_space<vmem_shared>>)
        tpu.yield
      }) : () -> ()
    } else {
    }
    %barrier3A = arith.constant 0 : index
    tpu.barrier barrier_id(%barrier3A)
    %eq3A_5 = arith.constant 0 : i32
    %eq3A_6 = arith.cmpi eq, %arg0, %eq3A_5 : i32
    %convert_element_type3A_7 = arith.extui %eq3A_6 : i1 to i32
    %cond3A_8 = arith.constant 0 : i32
    %cond3A_9 = arith.cmpi ne, %convert_element_type3A_7, %cond3A_8 : i32
    scf.if %cond3A_9 {
      %dma_start3A = arith.constant 0 : i32
      %dma_start3A_56 = arith.constant 0 : i32
      %dma_start3A_57 = tpu.memref_slice %arg7[%dma_start3A_56] : memref<10000xi32, #tpu.memory_space<vmem>> -> memref<80xi32, #tpu.memory_space<vmem>>
      %dma_start3A_58 = arith.constant 0 : i32
      %dma_start3A_59 = arith.constant 0 : i32
      %dma_start3A_60 = tpu.memref_slice %arg2[%dma_start3A, %dma_start3A_58, %dma_start3A_59] : memref<4x10000x128xf32, #tpu.memory_space<hbm>> -> memref<1x10000x128xf32, #tpu.memory_space<hbm>>
      %dma_start3A_61 = tpu.memref_squeeze %dma_start3A_60 : memref<1x10000x128xf32, #tpu.memory_space<hbm>> -> memref<10000x128xf32, #tpu.memory_space<hbm>>
      %dma_start3A_62 = arith.constant 0 : i32
      %dma_start3A_63 = arith.constant 0 : i32
      %dma_start3A_64 = tpu.memref_slice %dma_start3A_61[%dma_start3A_62, %dma_start3A_63] : memref<10000x128xf32, #tpu.memory_space<hbm>> -> memref<10000x128xf32, #tpu.memory_space<hbm>>
      tpu.enqueue_indirect_dma source(%dma_start3A_64 : memref<10000x128xf32, #tpu.memory_space<hbm>>) target(%arg10 : memref<80x128xf32, #tpu.memory_space<vmem>>) offsets(%dma_start3A_57 : memref<80xi32, #tpu.memory_space<vmem>>) semaphore(%arg13 : memref<!tpu.dma_semaphore, #tpu.memory_space<semaphore_mem>>)
      %add3A = arith.constant 0 : i32
      %add3A_65 = arith.addi %multiple_of3A, %add3A : i32
      %multiple_of3A_66 = tpu.assume_multiple %add3A_65, 8 : i32
      %dma_start3A_67 = tpu.memref_slice %arg4[%multiple_of3A_66] : memref<160000xi32, #tpu.memory_space<hbm>> -> memref<80xi32, #tpu.memory_space<hbm>>
      %dma_start3A_68 = tpu.memref_slice %arg4[%multiple_of3A_66] : memref<160000xi32, #tpu.memory_space<hbm>> -> memref<80xi32, #tpu.memory_space<hbm>>
      tpu.enqueue_dma source(%dma_start3A_68 : memref<80xi32, #tpu.memory_space<hbm>>) target(%arg8 : memref<80xi32, #tpu.memory_space<vmem>>) target_semaphore(%arg15 : memref<!tpu.dma_semaphore, #tpu.memory_space<semaphore_mem>>)
      %scan3A = arith.constant 0 : i32
      %scan3A_69 = arith.constant 0 : i32
      %scan3A_70 = arith.constant 62 : i32
      %scan3A_71 = arith.addi %scan3A_69, %scan3A_70 : i32
      %scan3A_72 = arith.constant 1 : i32
      scf.for %scan3A_92 = %scan3A_69 to %scan3A_71 step %scan3A_72  : i32 {
        %mul3A_93 = arith.constant 2 : i32
        %mul3A_94 = arith.muli %mul3A_93, %scan3A_92 : i32
        %dma_wait3A_95 = arith.constant 0 : i32
        %dma_wait3A_96 = arith.constant 0 : i32
        %dma_wait3A_97 = arith.constant 0 : i32
        %dma_wait3A_98 = tpu.memref_slice %arg2[%dma_wait3A_95, %dma_wait3A_96, %dma_wait3A_97] : memref<4x10000x128xf32, #tpu.memory_space<hbm>> -> memref<1x10000x128xf32, #tpu.memory_space<hbm>>
        %dma_wait3A_99 = tpu.memref_squeeze %dma_wait3A_98 : memref<1x10000x128xf32, #tpu.memory_space<hbm>> -> memref<10000x128xf32, #tpu.memory_space<hbm>>
        %dma_wait3A_100 = arith.constant 0 : i32
        %dma_wait3A_101 = arith.constant 0 : i32
        %dma_wait3A_102 = tpu.memref_slice %dma_wait3A_99[%dma_wait3A_100, %dma_wait3A_101] : memref<10000x128xf32, #tpu.memory_space<hbm>> -> memref<80x128xf32, #tpu.memory_space<hbm>>
        %dma_wait3A_103 = arith.constant 0 : i32
        %dma_wait3A_104 = arith.constant 0 : i32
        %dma_wait3A_105 = tpu.memref_slice %arg2[%dma_wait3A_95, %dma_wait3A_103, %dma_wait3A_104] : memref<4x10000x128xf32, #tpu.memory_space<hbm>> -> memref<1x10000x128xf32, #tpu.memory_space<hbm>>
        %dma_wait3A_106 = tpu.memref_squeeze %dma_wait3A_105 : memref<1x10000x128xf32, #tpu.memory_space<hbm>> -> memref<10000x128xf32, #tpu.memory_space<hbm>>
        %dma_wait3A_107 = arith.constant 0 : i32
        %dma_wait3A_108 = arith.constant 0 : i32
        %dma_wait3A_109 = tpu.memref_slice %dma_wait3A_106[%dma_wait3A_107, %dma_wait3A_108] : memref<10000x128xf32, #tpu.memory_space<hbm>> -> memref<80x128xf32, #tpu.memory_space<hbm>>
        tpu.wait_dma2 semaphore(%arg13 : memref<!tpu.dma_semaphore, #tpu.memory_space<semaphore_mem>>) src(%dma_wait3A_109 : memref<80x128xf32, #tpu.memory_space<hbm>>) dst(%arg10 : memref<80x128xf32, #tpu.memory_space<vmem>>)
        %dma_wait3A_110 = arith.constant 0 : i32
        %dma_wait3A_111 = tpu.memref_slice %arg4[%dma_wait3A_110] : memref<160000xi32, #tpu.memory_space<hbm>> -> memref<80xi32, #tpu.memory_space<hbm>>
        %dma_wait3A_112 = arith.constant 0 : i32
        %dma_wait3A_113 = tpu.memref_slice %arg4[%dma_wait3A_112] : memref<160000xi32, #tpu.memory_space<hbm>> -> memref<80xi32, #tpu.memory_space<hbm>>
        tpu.wait_dma2 semaphore(%arg15 : memref<!tpu.dma_semaphore, #tpu.memory_space<semaphore_mem>>) src(%dma_wait3A_113 : memref<80xi32, #tpu.memory_space<hbm>>) dst(%arg8 : memref<80xi32, #tpu.memory_space<vmem>>)
        %add3A_114 = arith.constant 1 : i32
        %add3A_115 = arith.addi %mul3A_94, %add3A_114 : i32
        %mul3A_116 = arith.constant 80 : i32
        %mul3A_117 = arith.muli %add3A_115, %mul3A_116 : i32
        %dma_start3A_118 = arith.constant 0 : i32
        %dma_start3A_119 = tpu.memref_slice %arg7[%mul3A_117] : memref<10000xi32, #tpu.memory_space<vmem>> -> memref<80xi32, #tpu.memory_space<vmem>>
        %dma_start3A_120 = arith.constant 0 : i32
        %dma_start3A_121 = arith.constant 0 : i32
        %dma_start3A_122 = tpu.memref_slice %arg2[%dma_start3A_118, %dma_start3A_120, %dma_start3A_121] : memref<4x10000x128xf32, #tpu.memory_space<hbm>> -> memref<1x10000x128xf32, #tpu.memory_space<hbm>>
        %dma_start3A_123 = tpu.memref_squeeze %dma_start3A_122 : memref<1x10000x128xf32, #tpu.memory_space<hbm>> -> memref<10000x128xf32, #tpu.memory_space<hbm>>
        %dma_start3A_124 = arith.constant 0 : i32
        %dma_start3A_125 = arith.constant 0 : i32
        %dma_start3A_126 = tpu.memref_slice %dma_start3A_123[%dma_start3A_124, %dma_start3A_125] : memref<10000x128xf32, #tpu.memory_space<hbm>> -> memref<10000x128xf32, #tpu.memory_space<hbm>>
        tpu.enqueue_indirect_dma source(%dma_start3A_126 : memref<10000x128xf32, #tpu.memory_space<hbm>>) target(%arg11 : memref<80x128xf32, #tpu.memory_space<vmem>>) offsets(%dma_start3A_119 : memref<80xi32, #tpu.memory_space<vmem>>) semaphore(%arg14 : memref<!tpu.dma_semaphore, #tpu.memory_space<semaphore_mem>>)
        %mul3A_127 = arith.constant 80 : i32
        %mul3A_128 = arith.muli %add3A_115, %mul3A_127 : i32
        %add3A_129 = arith.addi %multiple_of3A, %mul3A_128 : i32
        %multiple_of3A_130 = tpu.assume_multiple %add3A_129, 8 : i32
        %dma_start3A_131 = tpu.memref_slice %arg4[%multiple_of3A_130] : memref<160000xi32, #tpu.memory_space<hbm>> -> memref<80xi32, #tpu.memory_space<hbm>>
        %dma_start3A_132 = tpu.memref_slice %arg4[%multiple_of3A_130] : memref<160000xi32, #tpu.memory_space<hbm>> -> memref<80xi32, #tpu.memory_space<hbm>>
        tpu.enqueue_dma source(%dma_start3A_132 : memref<80xi32, #tpu.memory_space<hbm>>) target(%arg9 : memref<80xi32, #tpu.memory_space<vmem>>) target_semaphore(%arg16 : memref<!tpu.dma_semaphore, #tpu.memory_space<semaphore_mem>>)
        "tpu.region"() ({
          %run_scoped3A = tpu.sem_alloc : memref<!tpu.dma_semaphore, #tpu.memory_space<semaphore_mem>>
          %dma_start3A_171 = arith.constant 0 : i32
          %dma_start3A_172 = arith.constant 0 : i32
          %dma_start3A_173 = tpu.memref_slice %arg12[%dma_start3A_171, %dma_start3A_172] : memref<10000x128xf32, #tpu.memory_space<vmem_shared>> -> memref<10000x128xf32, #tpu.memory_space<vmem_shared>>
          tpu.enqueue_indirect_dma source(%arg10 : memref<80x128xf32, #tpu.memory_space<vmem>>) target(%dma_start3A_173 : memref<10000x128xf32, #tpu.memory_space<vmem_shared>>) offsets(%arg8 : memref<80xi32, #tpu.memory_space<vmem>>) semaphore(%run_scoped3A : memref<!tpu.dma_semaphore, #tpu.memory_space<semaphore_mem>>) {add = true}
          %dma_wait3A_174 = arith.constant 0 : i32
          %dma_wait3A_175 = arith.constant 0 : i32
          %dma_wait3A_176 = tpu.memref_slice %arg12[%dma_wait3A_174, %dma_wait3A_175] : memref<10000x128xf32, #tpu.memory_space<vmem_shared>> -> memref<10000x128xf32, #tpu.memory_space<vmem_shared>>
          tpu.wait_indirect_dma semaphore(%run_scoped3A : memref<!tpu.dma_semaphore, #tpu.memory_space<semaphore_mem>>) src(%arg10 : memref<80x128xf32, #tpu.memory_space<vmem>>) dst(%dma_wait3A_176 : memref<10000x128xf32, #tpu.memory_space<vmem_shared>>)
          tpu.yield
        }) : () -> ()
        %dma_wait3A_133 = arith.constant 0 : i32
        %dma_wait3A_134 = arith.constant 0 : i32
        %dma_wait3A_135 = arith.constant 0 : i32
        %dma_wait3A_136 = tpu.memref_slice %arg2[%dma_wait3A_133, %dma_wait3A_134, %dma_wait3A_135] : memref<4x10000x128xf32, #tpu.memory_space<hbm>> -> memref<1x10000x128xf32, #tpu.memory_space<hbm>>
        %dma_wait3A_137 = tpu.memref_squeeze %dma_wait3A_136 : memref<1x10000x128xf32, #tpu.memory_space<hbm>> -> memref<10000x128xf32, #tpu.memory_space<hbm>>
        %dma_wait3A_138 = arith.constant 0 : i32
        %dma_wait3A_139 = arith.constant 0 : i32
        %dma_wait3A_140 = tpu.memref_slice %dma_wait3A_137[%dma_wait3A_138, %dma_wait3A_139] : memref<10000x128xf32, #tpu.memory_space<hbm>> -> memref<80x128xf32, #tpu.memory_space<hbm>>
        %dma_wait3A_141 = arith.constant 0 : i32
        %dma_wait3A_142 = arith.constant 0 : i32
        %dma_wait3A_143 = tpu.memref_slice %arg2[%dma_wait3A_133, %dma_wait3A_141, %dma_wait3A_142] : memref<4x10000x128xf32, #tpu.memory_space<hbm>> -> memref<1x10000x128xf32, #tpu.memory_space<hbm>>
        %dma_wait3A_144 = tpu.memref_squeeze %dma_wait3A_143 : memref<1x10000x128xf32, #tpu.memory_space<hbm>> -> memref<10000x128xf32, #tpu.memory_space<hbm>>
        %dma_wait3A_145 = arith.constant 0 : i32
        %dma_wait3A_146 = arith.constant 0 : i32
        %dma_wait3A_147 = tpu.memref_slice %dma_wait3A_144[%dma_wait3A_145, %dma_wait3A_146] : memref<10000x128xf32, #tpu.memory_space<hbm>> -> memref<80x128xf32, #tpu.memory_space<hbm>>
        tpu.wait_dma2 semaphore(%arg14 : memref<!tpu.dma_semaphore, #tpu.memory_space<semaphore_mem>>) src(%dma_wait3A_147 : memref<80x128xf32, #tpu.memory_space<hbm>>) dst(%arg11 : memref<80x128xf32, #tpu.memory_space<vmem>>)
        %dma_wait3A_148 = arith.constant 0 : i32
        %dma_wait3A_149 = tpu.memref_slice %arg4[%dma_wait3A_148] : memref<160000xi32, #tpu.memory_space<hbm>> -> memref<80xi32, #tpu.memory_space<hbm>>
        %dma_wait3A_150 = arith.constant 0 : i32
        %dma_wait3A_151 = tpu.memref_slice %arg4[%dma_wait3A_150] : memref<160000xi32, #tpu.memory_space<hbm>> -> memref<80xi32, #tpu.memory_space<hbm>>
        tpu.wait_dma2 semaphore(%arg16 : memref<!tpu.dma_semaphore, #tpu.memory_space<semaphore_mem>>) src(%dma_wait3A_151 : memref<80xi32, #tpu.memory_space<hbm>>) dst(%arg9 : memref<80xi32, #tpu.memory_space<vmem>>)
        %add3A_152 = arith.constant 2 : i32
        %add3A_153 = arith.addi %mul3A_94, %add3A_152 : i32
        %mul3A_154 = arith.constant 80 : i32
        %mul3A_155 = arith.muli %add3A_153, %mul3A_154 : i32
        %dma_start3A_156 = arith.constant 0 : i32
        %dma_start3A_157 = tpu.memref_slice %arg7[%mul3A_155] : memref<10000xi32, #tpu.memory_space<vmem>> -> memref<80xi32, #tpu.memory_space<vmem>>
        %dma_start3A_158 = arith.constant 0 : i32
        %dma_start3A_159 = arith.constant 0 : i32
        %dma_start3A_160 = tpu.memref_slice %arg2[%dma_start3A_156, %dma_start3A_158, %dma_start3A_159] : memref<4x10000x128xf32, #tpu.memory_space<hbm>> -> memref<1x10000x128xf32, #tpu.memory_space<hbm>>
        %dma_start3A_161 = tpu.memref_squeeze %dma_start3A_160 : memref<1x10000x128xf32, #tpu.memory_space<hbm>> -> memref<10000x128xf32, #tpu.memory_space<hbm>>
        %dma_start3A_162 = arith.constant 0 : i32
        %dma_start3A_163 = arith.constant 0 : i32
        %dma_start3A_164 = tpu.memref_slice %dma_start3A_161[%dma_start3A_162, %dma_start3A_163] : memref<10000x128xf32, #tpu.memory_space<hbm>> -> memref<10000x128xf32, #tpu.memory_space<hbm>>
        tpu.enqueue_indirect_dma source(%dma_start3A_164 : memref<10000x128xf32, #tpu.memory_space<hbm>>) target(%arg10 : memref<80x128xf32, #tpu.memory_space<vmem>>) offsets(%dma_start3A_157 : memref<80xi32, #tpu.memory_space<vmem>>) semaphore(%arg13 : memref<!tpu.dma_semaphore, #tpu.memory_space<semaphore_mem>>)
        %mul3A_165 = arith.constant 80 : i32
        %mul3A_166 = arith.muli %add3A_153, %mul3A_165 : i32
        %add3A_167 = arith.addi %multiple_of3A, %mul3A_166 : i32
        %multiple_of3A_168 = tpu.assume_multiple %add3A_167, 8 : i32
        %dma_start3A_169 = tpu.memref_slice %arg4[%multiple_of3A_168] : memref<160000xi32, #tpu.memory_space<hbm>> -> memref<80xi32, #tpu.memory_space<hbm>>
        %dma_start3A_170 = tpu.memref_slice %arg4[%multiple_of3A_168] : memref<160000xi32, #tpu.memory_space<hbm>> -> memref<80xi32, #tpu.memory_space<hbm>>
        tpu.enqueue_dma source(%dma_start3A_170 : memref<80xi32, #tpu.memory_space<hbm>>) target(%arg8 : memref<80xi32, #tpu.memory_space<vmem>>) target_semaphore(%arg15 : memref<!tpu.dma_semaphore, #tpu.memory_space<semaphore_mem>>)
        "tpu.region"() ({
          %run_scoped3A = tpu.sem_alloc : memref<!tpu.dma_semaphore, #tpu.memory_space<semaphore_mem>>
          %dma_start3A_171 = arith.constant 0 : i32
          %dma_start3A_172 = arith.constant 0 : i32
          %dma_start3A_173 = tpu.memref_slice %arg12[%dma_start3A_171, %dma_start3A_172] : memref<10000x128xf32, #tpu.memory_space<vmem_shared>> -> memref<10000x128xf32, #tpu.memory_space<vmem_shared>>
          tpu.enqueue_indirect_dma source(%arg11 : memref<80x128xf32, #tpu.memory_space<vmem>>) target(%dma_start3A_173 : memref<10000x128xf32, #tpu.memory_space<vmem_shared>>) offsets(%arg9 : memref<80xi32, #tpu.memory_space<vmem>>) semaphore(%run_scoped3A : memref<!tpu.dma_semaphore, #tpu.memory_space<semaphore_mem>>) {add = true}
          %dma_wait3A_174 = arith.constant 0 : i32
          %dma_wait3A_175 = arith.constant 0 : i32
          %dma_wait3A_176 = tpu.memref_slice %arg12[%dma_wait3A_174, %dma_wait3A_175] : memref<10000x128xf32, #tpu.memory_space<vmem_shared>> -> memref<10000x128xf32, #tpu.memory_space<vmem_shared>>
          tpu.wait_indirect_dma semaphore(%run_scoped3A : memref<!tpu.dma_semaphore, #tpu.memory_space<semaphore_mem>>) src(%arg11 : memref<80x128xf32, #tpu.memory_space<vmem>>) dst(%dma_wait3A_176 : memref<10000x128xf32, #tpu.memory_space<vmem_shared>>)
          tpu.yield
        }) : () -> ()
      }
      %scan3A_73 = arith.constant 62 : i32
      %dma_wait3A = arith.constant 0 : i32
      %dma_wait3A_74 = arith.constant 0 : i32
      %dma_wait3A_75 = arith.constant 0 : i32
      %dma_wait3A_76 = tpu.memref_slice %arg2[%dma_wait3A, %dma_wait3A_74, %dma_wait3A_75] : memref<4x10000x128xf32, #tpu.memory_space<hbm>> -> memref<1x10000x128xf32, #tpu.memory_space<hbm>>
      %dma_wait3A_77 = tpu.memref_squeeze %dma_wait3A_76 : memref<1x10000x128xf32, #tpu.memory_space<hbm>> -> memref<10000x128xf32, #tpu.memory_space<hbm>>
      %dma_wait3A_78 = arith.constant 0 : i32
      %dma_wait3A_79 = arith.constant 0 : i32
      %dma_wait3A_80 = tpu.memref_slice %dma_wait3A_77[%dma_wait3A_78, %dma_wait3A_79] : memref<10000x128xf32, #tpu.memory_space<hbm>> -> memref<80x128xf32, #tpu.memory_space<hbm>>
      %dma_wait3A_81 = arith.constant 0 : i32
      %dma_wait3A_82 = arith.constant 0 : i32
      %dma_wait3A_83 = tpu.memref_slice %arg2[%dma_wait3A, %dma_wait3A_81, %dma_wait3A_82] : memref<4x10000x128xf32, #tpu.memory_space<hbm>> -> memref<1x10000x128xf32, #tpu.memory_space<hbm>>
      %dma_wait3A_84 = tpu.memref_squeeze %dma_wait3A_83 : memref<1x10000x128xf32, #tpu.memory_space<hbm>> -> memref<10000x128xf32, #tpu.memory_space<hbm>>
      %dma_wait3A_85 = arith.constant 0 : i32
      %dma_wait3A_86 = arith.constant 0 : i32
      %dma_wait3A_87 = tpu.memref_slice %dma_wait3A_84[%dma_wait3A_85, %dma_wait3A_86] : memref<10000x128xf32, #tpu.memory_space<hbm>> -> memref<80x128xf32, #tpu.memory_space<hbm>>
      tpu.wait_dma2 semaphore(%arg13 : memref<!tpu.dma_semaphore, #tpu.memory_space<semaphore_mem>>) src(%dma_wait3A_87 : memref<80x128xf32, #tpu.memory_space<hbm>>) dst(%arg10 : memref<80x128xf32, #tpu.memory_space<vmem>>)
      %dma_wait3A_88 = arith.constant 0 : i32
      %dma_wait3A_89 = tpu.memref_slice %arg4[%dma_wait3A_88] : memref<160000xi32, #tpu.memory_space<hbm>> -> memref<80xi32, #tpu.memory_space<hbm>>
      %dma_wait3A_90 = arith.constant 0 : i32
      %dma_wait3A_91 = tpu.memref_slice %arg4[%dma_wait3A_90] : memref<160000xi32, #tpu.memory_space<hbm>> -> memref<80xi32, #tpu.memory_space<hbm>>
      tpu.wait_dma2 semaphore(%arg15 : memref<!tpu.dma_semaphore, #tpu.memory_space<semaphore_mem>>) src(%dma_wait3A_91 : memref<80xi32, #tpu.memory_space<hbm>>) dst(%arg8 : memref<80xi32, #tpu.memory_space<vmem>>)
      "tpu.region"() ({
        %run_scoped3A = tpu.sem_alloc : memref<!tpu.dma_semaphore, #tpu.memory_space<semaphore_mem>>
        %dma_start3A_92 = arith.constant 0 : i32
        %dma_start3A_93 = arith.constant 0 : i32
        %dma_start3A_94 = tpu.memref_slice %arg12[%dma_start3A_92, %dma_start3A_93] : memref<10000x128xf32, #tpu.memory_space<vmem_shared>> -> memref<10000x128xf32, #tpu.memory_space<vmem_shared>>
        tpu.enqueue_indirect_dma source(%arg10 : memref<80x128xf32, #tpu.memory_space<vmem>>) target(%dma_start3A_94 : memref<10000x128xf32, #tpu.memory_space<vmem_shared>>) offsets(%arg8 : memref<80xi32, #tpu.memory_space<vmem>>) semaphore(%run_scoped3A : memref<!tpu.dma_semaphore, #tpu.memory_space<semaphore_mem>>) {add = true}
        %dma_wait3A_95 = arith.constant 0 : i32
        %dma_wait3A_96 = arith.constant 0 : i32
        %dma_wait3A_97 = tpu.memref_slice %arg12[%dma_wait3A_95, %dma_wait3A_96] : memref<10000x128xf32, #tpu.memory_space<vmem_shared>> -> memref<10000x128xf32, #tpu.memory_space<vmem_shared>>
        tpu.wait_indirect_dma semaphore(%run_scoped3A : memref<!tpu.dma_semaphore, #tpu.memory_space<semaphore_mem>>) src(%arg10 : memref<80x128xf32, #tpu.memory_space<vmem>>) dst(%dma_wait3A_97 : memref<10000x128xf32, #tpu.memory_space<vmem_shared>>)
        tpu.yield
      }) : () -> ()
    } else {
    }
    %eq3A_10 = arith.constant 1 : i32
    %eq3A_11 = arith.cmpi eq, %arg0, %eq3A_10 : i32
    %convert_element_type3A_12 = arith.extui %eq3A_11 : i1 to i32
    %cond3A_13 = arith.constant 0 : i32
    %cond3A_14 = arith.cmpi ne, %convert_element_type3A_12, %cond3A_13 : i32
    scf.if %cond3A_14 {
      %dma_start3A = arith.constant 2 : i32
      %dma_start3A_56 = arith.constant 0 : i32
      %dma_start3A_57 = tpu.memref_slice %arg7[%dma_start3A_56] : memref<10000xi32, #tpu.memory_space<vmem>> -> memref<80xi32, #tpu.memory_space<vmem>>
      %dma_start3A_58 = arith.constant 0 : i32
      %dma_start3A_59 = arith.constant 0 : i32
      %dma_start3A_60 = tpu.memref_slice %arg2[%dma_start3A, %dma_start3A_58, %dma_start3A_59] : memref<4x10000x128xf32, #tpu.memory_space<hbm>> -> memref<1x10000x128xf32, #tpu.memory_space<hbm>>
      %dma_start3A_61 = tpu.memref_squeeze %dma_start3A_60 : memref<1x10000x128xf32, #tpu.memory_space<hbm>> -> memref<10000x128xf32, #tpu.memory_space<hbm>>
      %dma_start3A_62 = arith.constant 0 : i32
      %dma_start3A_63 = arith.constant 0 : i32
      %dma_start3A_64 = tpu.memref_slice %dma_start3A_61[%dma_start3A_62, %dma_start3A_63] : memref<10000x128xf32, #tpu.memory_space<hbm>> -> memref<10000x128xf32, #tpu.memory_space<hbm>>
      tpu.enqueue_indirect_dma source(%dma_start3A_64 : memref<10000x128xf32, #tpu.memory_space<hbm>>) target(%arg10 : memref<80x128xf32, #tpu.memory_space<vmem>>) offsets(%dma_start3A_57 : memref<80xi32, #tpu.memory_space<vmem>>) semaphore(%arg13 : memref<!tpu.dma_semaphore, #tpu.memory_space<semaphore_mem>>)
      %add3A = arith.constant 0 : i32
      %add3A_65 = arith.addi %multiple_of3A, %add3A : i32
      %multiple_of3A_66 = tpu.assume_multiple %add3A_65, 8 : i32
      %dma_start3A_67 = tpu.memref_slice %arg4[%multiple_of3A_66] : memref<160000xi32, #tpu.memory_space<hbm>> -> memref<80xi32, #tpu.memory_space<hbm>>
      %dma_start3A_68 = tpu.memref_slice %arg4[%multiple_of3A_66] : memref<160000xi32, #tpu.memory_space<hbm>> -> memref<80xi32, #tpu.memory_space<hbm>>
      tpu.enqueue_dma source(%dma_start3A_68 : memref<80xi32, #tpu.memory_space<hbm>>) target(%arg8 : memref<80xi32, #tpu.memory_space<vmem>>) target_semaphore(%arg15 : memref<!tpu.dma_semaphore, #tpu.memory_space<semaphore_mem>>)
      %scan3A = arith.constant 0 : i32
      %scan3A_69 = arith.constant 0 : i32
      %scan3A_70 = arith.constant 62 : i32
      %scan3A_71 = arith.addi %scan3A_69, %scan3A_70 : i32
      %scan3A_72 = arith.constant 1 : i32
      scf.for %scan3A_92 = %scan3A_69 to %scan3A_71 step %scan3A_72  : i32 {
        %mul3A_93 = arith.constant 2 : i32
        %mul3A_94 = arith.muli %mul3A_93, %scan3A_92 : i32
        %dma_wait3A_95 = arith.constant 0 : i32
        %dma_wait3A_96 = arith.constant 0 : i32
        %dma_wait3A_97 = arith.constant 0 : i32
        %dma_wait3A_98 = tpu.memref_slice %arg2[%dma_wait3A_95, %dma_wait3A_96, %dma_wait3A_97] : memref<4x10000x128xf32, #tpu.memory_space<hbm>> -> memref<1x10000x128xf32, #tpu.memory_space<hbm>>
        %dma_wait3A_99 = tpu.memref_squeeze %dma_wait3A_98 : memref<1x10000x128xf32, #tpu.memory_space<hbm>> -> memref<10000x128xf32, #tpu.memory_space<hbm>>
        %dma_wait3A_100 = arith.constant 0 : i32
        %dma_wait3A_101 = arith.constant 0 : i32
        %dma_wait3A_102 = tpu.memref_slice %dma_wait3A_99[%dma_wait3A_100, %dma_wait3A_101] : memref<10000x128xf32, #tpu.memory_space<hbm>> -> memref<80x128xf32, #tpu.memory_space<hbm>>
        %dma_wait3A_103 = arith.constant 0 : i32
        %dma_wait3A_104 = arith.constant 0 : i32
        %dma_wait3A_105 = tpu.memref_slice %arg2[%dma_wait3A_95, %dma_wait3A_103, %dma_wait3A_104] : memref<4x10000x128xf32, #tpu.memory_space<hbm>> -> memref<1x10000x128xf32, #tpu.memory_space<hbm>>
        %dma_wait3A_106 = tpu.memref_squeeze %dma_wait3A_105 : memref<1x10000x128xf32, #tpu.memory_space<hbm>> -> memref<10000x128xf32, #tpu.memory_space<hbm>>
        %dma_wait3A_107 = arith.constant 0 : i32
        %dma_wait3A_108 = arith.constant 0 : i32
        %dma_wait3A_109 = tpu.memref_slice %dma_wait3A_106[%dma_wait3A_107, %dma_wait3A_108] : memref<10000x128xf32, #tpu.memory_space<hbm>> -> memref<80x128xf32, #tpu.memory_space<hbm>>
        tpu.wait_dma2 semaphore(%arg13 : memref<!tpu.dma_semaphore, #tpu.memory_space<semaphore_mem>>) src(%dma_wait3A_109 : memref<80x128xf32, #tpu.memory_space<hbm>>) dst(%arg10 : memref<80x128xf32, #tpu.memory_space<vmem>>)
        %dma_wait3A_110 = arith.constant 0 : i32
        %dma_wait3A_111 = tpu.memref_slice %arg4[%dma_wait3A_110] : memref<160000xi32, #tpu.memory_space<hbm>> -> memref<80xi32, #tpu.memory_space<hbm>>
        %dma_wait3A_112 = arith.constant 0 : i32
        %dma_wait3A_113 = tpu.memref_slice %arg4[%dma_wait3A_112] : memref<160000xi32, #tpu.memory_space<hbm>> -> memref<80xi32, #tpu.memory_space<hbm>>
        tpu.wait_dma2 semaphore(%arg15 : memref<!tpu.dma_semaphore, #tpu.memory_space<semaphore_mem>>) src(%dma_wait3A_113 : memref<80xi32, #tpu.memory_space<hbm>>) dst(%arg8 : memref<80xi32, #tpu.memory_space<vmem>>)
        %add3A_114 = arith.constant 1 : i32
        %add3A_115 = arith.addi %mul3A_94, %add3A_114 : i32
        %mul3A_116 = arith.constant 80 : i32
        %mul3A_117 = arith.muli %add3A_115, %mul3A_116 : i32
        %dma_start3A_118 = arith.constant 2 : i32
        %dma_start3A_119 = tpu.memref_slice %arg7[%mul3A_117] : memref<10000xi32, #tpu.memory_space<vmem>> -> memref<80xi32, #tpu.memory_space<vmem>>
        %dma_start3A_120 = arith.constant 0 : i32
        %dma_start3A_121 = arith.constant 0 : i32
        %dma_start3A_122 = tpu.memref_slice %arg2[%dma_start3A_118, %dma_start3A_120, %dma_start3A_121] : memref<4x10000x128xf32, #tpu.memory_space<hbm>> -> memref<1x10000x128xf32, #tpu.memory_space<hbm>>
        %dma_start3A_123 = tpu.memref_squeeze %dma_start3A_122 : memref<1x10000x128xf32, #tpu.memory_space<hbm>> -> memref<10000x128xf32, #tpu.memory_space<hbm>>
        %dma_start3A_124 = arith.constant 0 : i32
        %dma_start3A_125 = arith.constant 0 : i32
        %dma_start3A_126 = tpu.memref_slice %dma_start3A_123[%dma_start3A_124, %dma_start3A_125] : memref<10000x128xf32, #tpu.memory_space<hbm>> -> memref<10000x128xf32, #tpu.memory_space<hbm>>
        tpu.enqueue_indirect_dma source(%dma_start3A_126 : memref<10000x128xf32, #tpu.memory_space<hbm>>) target(%arg11 : memref<80x128xf32, #tpu.memory_space<vmem>>) offsets(%dma_start3A_119 : memref<80xi32, #tpu.memory_space<vmem>>) semaphore(%arg14 : memref<!tpu.dma_semaphore, #tpu.memory_space<semaphore_mem>>)
        %mul3A_127 = arith.constant 80 : i32
        %mul3A_128 = arith.muli %add3A_115, %mul3A_127 : i32
        %add3A_129 = arith.addi %multiple_of3A, %mul3A_128 : i32
        %multiple_of3A_130 = tpu.assume_multiple %add3A_129, 8 : i32
        %dma_start3A_131 = tpu.memref_slice %arg4[%multiple_of3A_130] : memref<160000xi32, #tpu.memory_space<hbm>> -> memref<80xi32, #tpu.memory_space<hbm>>
        %dma_start3A_132 = tpu.memref_slice %arg4[%multiple_of3A_130] : memref<160000xi32, #tpu.memory_space<hbm>> -> memref<80xi32, #tpu.memory_space<hbm>>
        tpu.enqueue_dma source(%dma_start3A_132 : memref<80xi32, #tpu.memory_space<hbm>>) target(%arg9 : memref<80xi32, #tpu.memory_space<vmem>>) target_semaphore(%arg16 : memref<!tpu.dma_semaphore, #tpu.memory_space<semaphore_mem>>)
        "tpu.region"() ({
          %run_scoped3A = tpu.sem_alloc : memref<!tpu.dma_semaphore, #tpu.memory_space<semaphore_mem>>
          %dma_start3A_171 = arith.constant 0 : i32
          %dma_start3A_172 = arith.constant 0 : i32
          %dma_start3A_173 = tpu.memref_slice %arg12[%dma_start3A_171, %dma_start3A_172] : memref<10000x128xf32, #tpu.memory_space<vmem_shared>> -> memref<10000x128xf32, #tpu.memory_space<vmem_shared>>
          tpu.enqueue_indirect_dma source(%arg10 : memref<80x128xf32, #tpu.memory_space<vmem>>) target(%dma_start3A_173 : memref<10000x128xf32, #tpu.memory_space<vmem_shared>>) offsets(%arg8 : memref<80xi32, #tpu.memory_space<vmem>>) semaphore(%run_scoped3A : memref<!tpu.dma_semaphore, #tpu.memory_space<semaphore_mem>>) {add = true}
          %dma_wait3A_174 = arith.constant 0 : i32
          %dma_wait3A_175 = arith.constant 0 : i32
          %dma_wait3A_176 = tpu.memref_slice %arg12[%dma_wait3A_174, %dma_wait3A_175] : memref<10000x128xf32, #tpu.memory_space<vmem_shared>> -> memref<10000x128xf32, #tpu.memory_space<vmem_shared>>
          tpu.wait_indirect_dma semaphore(%run_scoped3A : memref<!tpu.dma_semaphore, #tpu.memory_space<semaphore_mem>>) src(%arg10 : memref<80x128xf32, #tpu.memory_space<vmem>>) dst(%dma_wait3A_176 : memref<10000x128xf32, #tpu.memory_space<vmem_shared>>)
          tpu.yield
        }) : () -> ()
        %dma_wait3A_133 = arith.constant 0 : i32
        %dma_wait3A_134 = arith.constant 0 : i32
        %dma_wait3A_135 = arith.constant 0 : i32
        %dma_wait3A_136 = tpu.memref_slice %arg2[%dma_wait3A_133, %dma_wait3A_134, %dma_wait3A_135] : memref<4x10000x128xf32, #tpu.memory_space<hbm>> -> memref<1x10000x128xf32, #tpu.memory_space<hbm>>
        %dma_wait3A_137 = tpu.memref_squeeze %dma_wait3A_136 : memref<1x10000x128xf32, #tpu.memory_space<hbm>> -> memref<10000x128xf32, #tpu.memory_space<hbm>>
        %dma_wait3A_138 = arith.constant 0 : i32
        %dma_wait3A_139 = arith.constant 0 : i32
        %dma_wait3A_140 = tpu.memref_slice %dma_wait3A_137[%dma_wait3A_138, %dma_wait3A_139] : memref<10000x128xf32, #tpu.memory_space<hbm>> -> memref<80x128xf32, #tpu.memory_space<hbm>>
        %dma_wait3A_141 = arith.constant 0 : i32
        %dma_wait3A_142 = arith.constant 0 : i32
        %dma_wait3A_143 = tpu.memref_slice %arg2[%dma_wait3A_133, %dma_wait3A_141, %dma_wait3A_142] : memref<4x10000x128xf32, #tpu.memory_space<hbm>> -> memref<1x10000x128xf32, #tpu.memory_space<hbm>>
        %dma_wait3A_144 = tpu.memref_squeeze %dma_wait3A_143 : memref<1x10000x128xf32, #tpu.memory_space<hbm>> -> memref<10000x128xf32, #tpu.memory_space<hbm>>
        %dma_wait3A_145 = arith.constant 0 : i32
        %dma_wait3A_146 = arith.constant 0 : i32
        %dma_wait3A_147 = tpu.memref_slice %dma_wait3A_144[%dma_wait3A_145, %dma_wait3A_146] : memref<10000x128xf32, #tpu.memory_space<hbm>> -> memref<80x128xf32, #tpu.memory_space<hbm>>
        tpu.wait_dma2 semaphore(%arg14 : memref<!tpu.dma_semaphore, #tpu.memory_space<semaphore_mem>>) src(%dma_wait3A_147 : memref<80x128xf32, #tpu.memory_space<hbm>>) dst(%arg11 : memref<80x128xf32, #tpu.memory_space<vmem>>)
        %dma_wait3A_148 = arith.constant 0 : i32
        %dma_wait3A_149 = tpu.memref_slice %arg4[%dma_wait3A_148] : memref<160000xi32, #tpu.memory_space<hbm>> -> memref<80xi32, #tpu.memory_space<hbm>>
        %dma_wait3A_150 = arith.constant 0 : i32
        %dma_wait3A_151 = tpu.memref_slice %arg4[%dma_wait3A_150] : memref<160000xi32, #tpu.memory_space<hbm>> -> memref<80xi32, #tpu.memory_space<hbm>>
        tpu.wait_dma2 semaphore(%arg16 : memref<!tpu.dma_semaphore, #tpu.memory_space<semaphore_mem>>) src(%dma_wait3A_151 : memref<80xi32, #tpu.memory_space<hbm>>) dst(%arg9 : memref<80xi32, #tpu.memory_space<vmem>>)
        %add3A_152 = arith.constant 2 : i32
        %add3A_153 = arith.addi %mul3A_94, %add3A_152 : i32
        %mul3A_154 = arith.constant 80 : i32
        %mul3A_155 = arith.muli %add3A_153, %mul3A_154 : i32
        %dma_start3A_156 = arith.constant 2 : i32
        %dma_start3A_157 = tpu.memref_slice %arg7[%mul3A_155] : memref<10000xi32, #tpu.memory_space<vmem>> -> memref<80xi32, #tpu.memory_space<vmem>>
        %dma_start3A_158 = arith.constant 0 : i32
        %dma_start3A_159 = arith.constant 0 : i32
        %dma_start3A_160 = tpu.memref_slice %arg2[%dma_start3A_156, %dma_start3A_158, %dma_start3A_159] : memref<4x10000x128xf32, #tpu.memory_space<hbm>> -> memref<1x10000x128xf32, #tpu.memory_space<hbm>>
        %dma_start3A_161 = tpu.memref_squeeze %dma_start3A_160 : memref<1x10000x128xf32, #tpu.memory_space<hbm>> -> memref<10000x128xf32, #tpu.memory_space<hbm>>
        %dma_start3A_162 = arith.constant 0 : i32
        %dma_start3A_163 = arith.constant 0 : i32
        %dma_start3A_164 = tpu.memref_slice %dma_start3A_161[%dma_start3A_162, %dma_start3A_163] : memref<10000x128xf32, #tpu.memory_space<hbm>> -> memref<10000x128xf32, #tpu.memory_space<hbm>>
        tpu.enqueue_indirect_dma source(%dma_start3A_164 : memref<10000x128xf32, #tpu.memory_space<hbm>>) target(%arg10 : memref<80x128xf32, #tpu.memory_space<vmem>>) offsets(%dma_start3A_157 : memref<80xi32, #tpu.memory_space<vmem>>) semaphore(%arg13 : memref<!tpu.dma_semaphore, #tpu.memory_space<semaphore_mem>>)
        %mul3A_165 = arith.constant 80 : i32
        %mul3A_166 = arith.muli %add3A_153, %mul3A_165 : i32
        %add3A_167 = arith.addi %multiple_of3A, %mul3A_166 : i32
        %multiple_of3A_168 = tpu.assume_multiple %add3A_167, 8 : i32
        %dma_start3A_169 = tpu.memref_slice %arg4[%multiple_of3A_168] : memref<160000xi32, #tpu.memory_space<hbm>> -> memref<80xi32, #tpu.memory_space<hbm>>
        %dma_start3A_170 = tpu.memref_slice %arg4[%multiple_of3A_168] : memref<160000xi32, #tpu.memory_space<hbm>> -> memref<80xi32, #tpu.memory_space<hbm>>
        tpu.enqueue_dma source(%dma_start3A_170 : memref<80xi32, #tpu.memory_space<hbm>>) target(%arg8 : memref<80xi32, #tpu.memory_space<vmem>>) target_semaphore(%arg15 : memref<!tpu.dma_semaphore, #tpu.memory_space<semaphore_mem>>)
        "tpu.region"() ({
          %run_scoped3A = tpu.sem_alloc : memref<!tpu.dma_semaphore, #tpu.memory_space<semaphore_mem>>
          %dma_start3A_171 = arith.constant 0 : i32
          %dma_start3A_172 = arith.constant 0 : i32
          %dma_start3A_173 = tpu.memref_slice %arg12[%dma_start3A_171, %dma_start3A_172] : memref<10000x128xf32, #tpu.memory_space<vmem_shared>> -> memref<10000x128xf32, #tpu.memory_space<vmem_shared>>
          tpu.enqueue_indirect_dma source(%arg11 : memref<80x128xf32, #tpu.memory_space<vmem>>) target(%dma_start3A_173 : memref<10000x128xf32, #tpu.memory_space<vmem_shared>>) offsets(%arg9 : memref<80xi32, #tpu.memory_space<vmem>>) semaphore(%run_scoped3A : memref<!tpu.dma_semaphore, #tpu.memory_space<semaphore_mem>>) {add = true}
          %dma_wait3A_174 = arith.constant 0 : i32
          %dma_wait3A_175 = arith.constant 0 : i32
          %dma_wait3A_176 = tpu.memref_slice %arg12[%dma_wait3A_174, %dma_wait3A_175] : memref<10000x128xf32, #tpu.memory_space<vmem_shared>> -> memref<10000x128xf32, #tpu.memory_space<vmem_shared>>
          tpu.wait_indirect_dma semaphore(%run_scoped3A : memref<!tpu.dma_semaphore, #tpu.memory_space<semaphore_mem>>) src(%arg11 : memref<80x128xf32, #tpu.memory_space<vmem>>) dst(%dma_wait3A_176 : memref<10000x128xf32, #tpu.memory_space<vmem_shared>>)
          tpu.yield
        }) : () -> ()
      }
      %scan3A_73 = arith.constant 62 : i32
      %dma_wait3A = arith.constant 0 : i32
      %dma_wait3A_74 = arith.constant 0 : i32
      %dma_wait3A_75 = arith.constant 0 : i32
      %dma_wait3A_76 = tpu.memref_slice %arg2[%dma_wait3A, %dma_wait3A_74, %dma_wait3A_75] : memref<4x10000x128xf32, #tpu.memory_space<hbm>> -> memref<1x10000x128xf32, #tpu.memory_space<hbm>>
      %dma_wait3A_77 = tpu.memref_squeeze %dma_wait3A_76 : memref<1x10000x128xf32, #tpu.memory_space<hbm>> -> memref<10000x128xf32, #tpu.memory_space<hbm>>
      %dma_wait3A_78 = arith.constant 0 : i32
      %dma_wait3A_79 = arith.constant 0 : i32
      %dma_wait3A_80 = tpu.memref_slice %dma_wait3A_77[%dma_wait3A_78, %dma_wait3A_79] : memref<10000x128xf32, #tpu.memory_space<hbm>> -> memref<80x128xf32, #tpu.memory_space<hbm>>
      %dma_wait3A_81 = arith.constant 0 : i32
      %dma_wait3A_82 = arith.constant 0 : i32
      %dma_wait3A_83 = tpu.memref_slice %arg2[%dma_wait3A, %dma_wait3A_81, %dma_wait3A_82] : memref<4x10000x128xf32, #tpu.memory_space<hbm>> -> memref<1x10000x128xf32, #tpu.memory_space<hbm>>
      %dma_wait3A_84 = tpu.memref_squeeze %dma_wait3A_83 : memref<1x10000x128xf32, #tpu.memory_space<hbm>> -> memref<10000x128xf32, #tpu.memory_space<hbm>>
      %dma_wait3A_85 = arith.constant 0 : i32
      %dma_wait3A_86 = arith.constant 0 : i32
      %dma_wait3A_87 = tpu.memref_slice %dma_wait3A_84[%dma_wait3A_85, %dma_wait3A_86] : memref<10000x128xf32, #tpu.memory_space<hbm>> -> memref<80x128xf32, #tpu.memory_space<hbm>>
      tpu.wait_dma2 semaphore(%arg13 : memref<!tpu.dma_semaphore, #tpu.memory_space<semaphore_mem>>) src(%dma_wait3A_87 : memref<80x128xf32, #tpu.memory_space<hbm>>) dst(%arg10 : memref<80x128xf32, #tpu.memory_space<vmem>>)
      %dma_wait3A_88 = arith.constant 0 : i32
      %dma_wait3A_89 = tpu.memref_slice %arg4[%dma_wait3A_88] : memref<160000xi32, #tpu.memory_space<hbm>> -> memref<80xi32, #tpu.memory_space<hbm>>
      %dma_wait3A_90 = arith.constant 0 : i32
      %dma_wait3A_91 = tpu.memref_slice %arg4[%dma_wait3A_90] : memref<160000xi32, #tpu.memory_space<hbm>> -> memref<80xi32, #tpu.memory_space<hbm>>
      tpu.wait_dma2 semaphore(%arg15 : memref<!tpu.dma_semaphore, #tpu.memory_space<semaphore_mem>>) src(%dma_wait3A_91 : memref<80xi32, #tpu.memory_space<hbm>>) dst(%arg8 : memref<80xi32, #tpu.memory_space<vmem>>)
      "tpu.region"() ({
        %run_scoped3A = tpu.sem_alloc : memref<!tpu.dma_semaphore, #tpu.memory_space<semaphore_mem>>
        %dma_start3A_92 = arith.constant 0 : i32
        %dma_start3A_93 = arith.constant 0 : i32
        %dma_start3A_94 = tpu.memref_slice %arg12[%dma_start3A_92, %dma_start3A_93] : memref<10000x128xf32, #tpu.memory_space<vmem_shared>> -> memref<10000x128xf32, #tpu.memory_space<vmem_shared>>
        tpu.enqueue_indirect_dma source(%arg10 : memref<80x128xf32, #tpu.memory_space<vmem>>) target(%dma_start3A_94 : memref<10000x128xf32, #tpu.memory_space<vmem_shared>>) offsets(%arg8 : memref<80xi32, #tpu.memory_space<vmem>>) semaphore(%run_scoped3A : memref<!tpu.dma_semaphore, #tpu.memory_space<semaphore_mem>>) {add = true}
        %dma_wait3A_95 = arith.constant 0 : i32
        %dma_wait3A_96 = arith.constant 0 : i32
        %dma_wait3A_97 = tpu.memref_slice %arg12[%dma_wait3A_95, %dma_wait3A_96] : memref<10000x128xf32, #tpu.memory_space<vmem_shared>> -> memref<10000x128xf32, #tpu.memory_space<vmem_shared>>
        tpu.wait_indirect_dma semaphore(%run_scoped3A : memref<!tpu.dma_semaphore, #tpu.memory_space<semaphore_mem>>) src(%arg10 : memref<80x128xf32, #tpu.memory_space<vmem>>) dst(%dma_wait3A_97 : memref<10000x128xf32, #tpu.memory_space<vmem_shared>>)
        tpu.yield
      }) : () -> ()
    } else {
    }
    %barrier3A_15 = arith.constant 0 : index
    tpu.barrier barrier_id(%barrier3A_15)
    %eq3A_16 = arith.constant 0 : i32
    %eq3A_17 = arith.cmpi eq, %arg0, %eq3A_16 : i32
    %convert_element_type3A_18 = arith.extui %eq3A_17 : i1 to i32
    %cond3A_19 = arith.constant 0 : i32
    %cond3A_20 = arith.cmpi ne, %convert_element_type3A_18, %cond3A_19 : i32
    scf.if %cond3A_20 {
      %mul3A_56 = arith.constant 624 : i32
      %mul3A_57 = arith.muli %arg1, %mul3A_56 : i32
      %mul3A_58 = arith.constant 624 : i32
      %mul3A_59 = arith.muli %arg1, %mul3A_58 : i32
      %run_scoped3A = arith.constant 0 : i32
      "tpu.region"() ({
        %run_scoped3A_66 = tpu.sem_alloc : memref<!tpu.dma_semaphore, #tpu.memory_space<semaphore_mem>>
        %dma_start3A = arith.constant 0 : i32
        %dma_start3A_67 = arith.constant 0 : i32
        %dma_start3A_68 = tpu.memref_slice %arg6[%run_scoped3A, %dma_start3A, %dma_start3A_67] : memref<4x10000x128xf32, #tpu.memory_space<hbm>> -> memref<1x10000x128xf32, #tpu.memory_space<hbm>>
        %dma_start3A_69 = tpu.memref_squeeze %dma_start3A_68 : memref<1x10000x128xf32, #tpu.memory_space<hbm>> -> memref<10000x128xf32, #tpu.memory_space<hbm>>
        %dma_start3A_70 = arith.constant 0 : i32
        %dma_start3A_71 = tpu.memref_slice %dma_start3A_69[%mul3A_59, %dma_start3A_70] : memref<10000x128xf32, #tpu.memory_space<hbm>> -> memref<624x128xf32, #tpu.memory_space<hbm>>
        %dma_start3A_72 = arith.constant 0 : i32
        %dma_start3A_73 = tpu.memref_slice %arg12[%mul3A_57, %dma_start3A_72] : memref<10000x128xf32, #tpu.memory_space<vmem_shared>> -> memref<624x128xf32, #tpu.memory_space<vmem_shared>>
        tpu.enqueue_dma source(%dma_start3A_73 : memref<624x128xf32, #tpu.memory_space<vmem_shared>>) target(%dma_start3A_71 : memref<624x128xf32, #tpu.memory_space<hbm>>) target_semaphore(%run_scoped3A_66 : memref<!tpu.dma_semaphore, #tpu.memory_space<semaphore_mem>>)
        %dma_wait3A = arith.constant 0 : i32
        %dma_wait3A_74 = arith.constant 0 : i32
        %dma_wait3A_75 = tpu.memref_slice %arg6[%run_scoped3A, %dma_wait3A, %dma_wait3A_74] : memref<4x10000x128xf32, #tpu.memory_space<hbm>> -> memref<1x10000x128xf32, #tpu.memory_space<hbm>>
        %dma_wait3A_76 = tpu.memref_squeeze %dma_wait3A_75 : memref<1x10000x128xf32, #tpu.memory_space<hbm>> -> memref<10000x128xf32, #tpu.memory_space<hbm>>
        %dma_wait3A_77 = arith.constant 0 : i32
        %dma_wait3A_78 = tpu.memref_slice %dma_wait3A_76[%mul3A_59, %dma_wait3A_77] : memref<10000x128xf32, #tpu.memory_space<hbm>> -> memref<624x128xf32, #tpu.memory_space<hbm>>
        %dma_wait3A_79 = arith.constant 0 : i32
        %dma_wait3A_80 = tpu.memref_slice %arg12[%mul3A_57, %dma_wait3A_79] : memref<10000x128xf32, #tpu.memory_space<vmem_shared>> -> memref<624x128xf32, #tpu.memory_space<vmem_shared>>
        tpu.wait_dma2 semaphore(%run_scoped3A_66 : memref<!tpu.dma_semaphore, #tpu.memory_space<semaphore_mem>>) src(%dma_wait3A_80 : memref<624x128xf32, #tpu.memory_space<vmem_shared>>) dst(%dma_wait3A_78 : memref<624x128xf32, #tpu.memory_space<hbm>>)
        tpu.yield
      }) : () -> ()
      %eq3A_60 = arith.constant 0 : i32
      %eq3A_61 = arith.cmpi eq, %arg1, %eq3A_60 : i32
      %convert_element_type3A_62 = arith.extui %eq3A_61 : i1 to i32
      %cond3A_63 = arith.constant 0 : i32
      %cond3A_64 = arith.constant 0 : i32
      %cond3A_65 = arith.cmpi ne, %convert_element_type3A_62, %cond3A_64 : i32
      scf.if %cond3A_65 {
        "tpu.region"() ({
          %run_scoped3A_66 = tpu.sem_alloc : memref<!tpu.dma_semaphore, #tpu.memory_space<semaphore_mem>>
          %dma_start3A = arith.constant 0 : i32
          %dma_start3A_67 = arith.constant 0 : i32
          %dma_start3A_68 = tpu.memref_slice %arg6[%cond3A_63, %dma_start3A, %dma_start3A_67] : memref<4x10000x128xf32, #tpu.memory_space<hbm>> -> memref<1x10000x128xf32, #tpu.memory_space<hbm>>
          %dma_start3A_69 = tpu.memref_squeeze %dma_start3A_68 : memref<1x10000x128xf32, #tpu.memory_space<hbm>> -> memref<10000x128xf32, #tpu.memory_space<hbm>>
          %dma_start3A_70 = arith.constant 9984 : i32
          %dma_start3A_71 = arith.constant 0 : i32
          %dma_start3A_72 = tpu.memref_slice %dma_start3A_69[%dma_start3A_70, %dma_start3A_71] : memref<10000x128xf32, #tpu.memory_space<hbm>> -> memref<16x128xf32, #tpu.memory_space<hbm>>
          %dma_start3A_73 = arith.constant 9984 : i32
          %dma_start3A_74 = arith.constant 0 : i32
          %dma_start3A_75 = tpu.memref_slice %arg12[%dma_start3A_73, %dma_start3A_74] : memref<10000x128xf32, #tpu.memory_space<vmem_shared>> -> memref<16x128xf32, #tpu.memory_space<vmem_shared>>
          tpu.enqueue_dma source(%dma_start3A_75 : memref<16x128xf32, #tpu.memory_space<vmem_shared>>) target(%dma_start3A_72 : memref<16x128xf32, #tpu.memory_space<hbm>>) target_semaphore(%run_scoped3A_66 : memref<!tpu.dma_semaphore, #tpu.memory_space<semaphore_mem>>)
          %dma_wait3A = arith.constant 0 : i32
          %dma_wait3A_76 = arith.constant 0 : i32
          %dma_wait3A_77 = tpu.memref_slice %arg6[%cond3A_63, %dma_wait3A, %dma_wait3A_76] : memref<4x10000x128xf32, #tpu.memory_space<hbm>> -> memref<1x10000x128xf32, #tpu.memory_space<hbm>>
          %dma_wait3A_78 = tpu.memref_squeeze %dma_wait3A_77 : memref<1x10000x128xf32, #tpu.memory_space<hbm>> -> memref<10000x128xf32, #tpu.memory_space<hbm>>
          %dma_wait3A_79 = arith.constant 9984 : i32
          %dma_wait3A_80 = arith.constant 0 : i32
          %dma_wait3A_81 = tpu.memref_slice %dma_wait3A_78[%dma_wait3A_79, %dma_wait3A_80] : memref<10000x128xf32, #tpu.memory_space<hbm>> -> memref<16x128xf32, #tpu.memory_space<hbm>>
          %dma_wait3A_82 = arith.constant 9984 : i32
          %dma_wait3A_83 = arith.constant 0 : i32
          %dma_wait3A_84 = tpu.memref_slice %arg12[%dma_wait3A_82, %dma_wait3A_83] : memref<10000x128xf32, #tpu.memory_space<vmem_shared>> -> memref<16x128xf32, #tpu.memory_space<vmem_shared>>
          tpu.wait_dma2 semaphore(%run_scoped3A_66 : memref<!tpu.dma_semaphore, #tpu.memory_space<semaphore_mem>>) src(%dma_wait3A_84 : memref<16x128xf32, #tpu.memory_space<vmem_shared>>) dst(%dma_wait3A_81 : memref<16x128xf32, #tpu.memory_space<hbm>>)
          tpu.yield
        }) : () -> ()
      } else {
      }
    } else {
    }
    %eq3A_21 = arith.constant 1 : i32
    %eq3A_22 = arith.cmpi eq, %arg0, %eq3A_21 : i32
    %convert_element_type3A_23 = arith.extui %eq3A_22 : i1 to i32
    %cond3A_24 = arith.constant 0 : i32
    %cond3A_25 = arith.cmpi ne, %convert_element_type3A_23, %cond3A_24 : i32
    scf.if %cond3A_25 {
      %mul3A_56 = arith.constant 624 : i32
      %mul3A_57 = arith.muli %arg1, %mul3A_56 : i32
      %mul3A_58 = arith.constant 624 : i32
      %mul3A_59 = arith.muli %arg1, %mul3A_58 : i32
      %run_scoped3A = arith.constant 2 : i32
      "tpu.region"() ({
        %run_scoped3A_66 = tpu.sem_alloc : memref<!tpu.dma_semaphore, #tpu.memory_space<semaphore_mem>>
        %dma_start3A = arith.constant 0 : i32
        %dma_start3A_67 = arith.constant 0 : i32
        %dma_start3A_68 = tpu.memref_slice %arg6[%run_scoped3A, %dma_start3A, %dma_start3A_67] : memref<4x10000x128xf32, #tpu.memory_space<hbm>> -> memref<1x10000x128xf32, #tpu.memory_space<hbm>>
        %dma_start3A_69 = tpu.memref_squeeze %dma_start3A_68 : memref<1x10000x128xf32, #tpu.memory_space<hbm>> -> memref<10000x128xf32, #tpu.memory_space<hbm>>
        %dma_start3A_70 = arith.constant 0 : i32
        %dma_start3A_71 = tpu.memref_slice %dma_start3A_69[%mul3A_59, %dma_start3A_70] : memref<10000x128xf32, #tpu.memory_space<hbm>> -> memref<624x128xf32, #tpu.memory_space<hbm>>
        %dma_start3A_72 = arith.constant 0 : i32
        %dma_start3A_73 = tpu.memref_slice %arg12[%mul3A_57, %dma_start3A_72] : memref<10000x128xf32, #tpu.memory_space<vmem_shared>> -> memref<624x128xf32, #tpu.memory_space<vmem_shared>>
        tpu.enqueue_dma source(%dma_start3A_73 : memref<624x128xf32, #tpu.memory_space<vmem_shared>>) target(%dma_start3A_71 : memref<624x128xf32, #tpu.memory_space<hbm>>) target_semaphore(%run_scoped3A_66 : memref<!tpu.dma_semaphore, #tpu.memory_space<semaphore_mem>>)
        %dma_wait3A = arith.constant 0 : i32
        %dma_wait3A_74 = arith.constant 0 : i32
        %dma_wait3A_75 = tpu.memref_slice %arg6[%run_scoped3A, %dma_wait3A, %dma_wait3A_74] : memref<4x10000x128xf32, #tpu.memory_space<hbm>> -> memref<1x10000x128xf32, #tpu.memory_space<hbm>>
        %dma_wait3A_76 = tpu.memref_squeeze %dma_wait3A_75 : memref<1x10000x128xf32, #tpu.memory_space<hbm>> -> memref<10000x128xf32, #tpu.memory_space<hbm>>
        %dma_wait3A_77 = arith.constant 0 : i32
        %dma_wait3A_78 = tpu.memref_slice %dma_wait3A_76[%mul3A_59, %dma_wait3A_77] : memref<10000x128xf32, #tpu.memory_space<hbm>> -> memref<624x128xf32, #tpu.memory_space<hbm>>
        %dma_wait3A_79 = arith.constant 0 : i32
        %dma_wait3A_80 = tpu.memref_slice %arg12[%mul3A_57, %dma_wait3A_79] : memref<10000x128xf32, #tpu.memory_space<vmem_shared>> -> memref<624x128xf32, #tpu.memory_space<vmem_shared>>
        tpu.wait_dma2 semaphore(%run_scoped3A_66 : memref<!tpu.dma_semaphore, #tpu.memory_space<semaphore_mem>>) src(%dma_wait3A_80 : memref<624x128xf32, #tpu.memory_space<vmem_shared>>) dst(%dma_wait3A_78 : memref<624x128xf32, #tpu.memory_space<hbm>>)
        tpu.yield
      }) : () -> ()
      %eq3A_60 = arith.constant 0 : i32
      %eq3A_61 = arith.cmpi eq, %arg1, %eq3A_60 : i32
      %convert_element_type3A_62 = arith.extui %eq3A_61 : i1 to i32
      %cond3A_63 = arith.constant 2 : i32
      %cond3A_64 = arith.constant 0 : i32
      %cond3A_65 = arith.cmpi ne, %convert_element_type3A_62, %cond3A_64 : i32
      scf.if %cond3A_65 {
        "tpu.region"() ({
          %run_scoped3A_66 = tpu.sem_alloc : memref<!tpu.dma_semaphore, #tpu.memory_space<semaphore_mem>>
          %dma_start3A = arith.constant 0 : i32
          %dma_start3A_67 = arith.constant 0 : i32
          %dma_start3A_68 = tpu.memref_slice %arg6[%cond3A_63, %dma_start3A, %dma_start3A_67] : memref<4x10000x128xf32, #tpu.memory_space<hbm>> -> memref<1x10000x128xf32, #tpu.memory_space<hbm>>
          %dma_start3A_69 = tpu.memref_squeeze %dma_start3A_68 : memref<1x10000x128xf32, #tpu.memory_space<hbm>> -> memref<10000x128xf32, #tpu.memory_space<hbm>>
          %dma_start3A_70 = arith.constant 9984 : i32
          %dma_start3A_71 = arith.constant 0 : i32
          %dma_start3A_72 = tpu.memref_slice %dma_start3A_69[%dma_start3A_70, %dma_start3A_71] : memref<10000x128xf32, #tpu.memory_space<hbm>> -> memref<16x128xf32, #tpu.memory_space<hbm>>
          %dma_start3A_73 = arith.constant 9984 : i32
          %dma_start3A_74 = arith.constant 0 : i32
          %dma_start3A_75 = tpu.memref_slice %arg12[%dma_start3A_73, %dma_start3A_74] : memref<10000x128xf32, #tpu.memory_space<vmem_shared>> -> memref<16x128xf32, #tpu.memory_space<vmem_shared>>
          tpu.enqueue_dma source(%dma_start3A_75 : memref<16x128xf32, #tpu.memory_space<vmem_shared>>) target(%dma_start3A_72 : memref<16x128xf32, #tpu.memory_space<hbm>>) target_semaphore(%run_scoped3A_66 : memref<!tpu.dma_semaphore, #tpu.memory_space<semaphore_mem>>)
          %dma_wait3A = arith.constant 0 : i32
          %dma_wait3A_76 = arith.constant 0 : i32
          %dma_wait3A_77 = tpu.memref_slice %arg6[%cond3A_63, %dma_wait3A, %dma_wait3A_76] : memref<4x10000x128xf32, #tpu.memory_space<hbm>> -> memref<1x10000x128xf32, #tpu.memory_space<hbm>>
          %dma_wait3A_78 = tpu.memref_squeeze %dma_wait3A_77 : memref<1x10000x128xf32, #tpu.memory_space<hbm>> -> memref<10000x128xf32, #tpu.memory_space<hbm>>
          %dma_wait3A_79 = arith.constant 9984 : i32
          %dma_wait3A_80 = arith.constant 0 : i32
          %dma_wait3A_81 = tpu.memref_slice %dma_wait3A_78[%dma_wait3A_79, %dma_wait3A_80] : memref<10000x128xf32, #tpu.memory_space<hbm>> -> memref<16x128xf32, #tpu.memory_space<hbm>>
          %dma_wait3A_82 = arith.constant 9984 : i32
          %dma_wait3A_83 = arith.constant 0 : i32
          %dma_wait3A_84 = tpu.memref_slice %arg12[%dma_wait3A_82, %dma_wait3A_83] : memref<10000x128xf32, #tpu.memory_space<vmem_shared>> -> memref<16x128xf32, #tpu.memory_space<vmem_shared>>
          tpu.wait_dma2 semaphore(%run_scoped3A_66 : memref<!tpu.dma_semaphore, #tpu.memory_space<semaphore_mem>>) src(%dma_wait3A_84 : memref<16x128xf32, #tpu.memory_space<vmem_shared>>) dst(%dma_wait3A_81 : memref<16x128xf32, #tpu.memory_space<hbm>>)
          tpu.yield
        }) : () -> ()
      } else {
      }
    } else {
    }
    %barrier3A_26 = arith.constant 0 : index
    tpu.barrier barrier_id(%barrier3A_26)
    %mul3A_27 = arith.constant 624 : i32
    %mul3A_28 = arith.muli %arg1, %mul3A_27 : i32
    "tpu.region"() ({
      %run_scoped3A = tpu.sem_alloc : memref<!tpu.dma_semaphore, #tpu.memory_space<semaphore_mem>>
      %dma_start3A = arith.constant 0 : i32
      %dma_start3A_56 = tpu.memref_slice %arg12[%mul3A_28, %dma_start3A] : memref<10000x128xf32, #tpu.memory_space<vmem_shared>> -> memref<624x128xf32, #tpu.memory_space<vmem_shared>>
      tpu.enqueue_dma source(%arg5 : memref<624x128xf32, #tpu.memory_space<hbm>>) target(%dma_start3A_56 : memref<624x128xf32, #tpu.memory_space<vmem_shared>>) target_semaphore(%run_scoped3A : memref<!tpu.dma_semaphore, #tpu.memory_space<semaphore_mem>>)
      %dma_wait3A = arith.constant 0 : i32
      %dma_wait3A_57 = tpu.memref_slice %arg12[%mul3A_28, %dma_wait3A] : memref<10000x128xf32, #tpu.memory_space<vmem_shared>> -> memref<624x128xf32, #tpu.memory_space<vmem_shared>>
      tpu.wait_dma2 semaphore(%run_scoped3A : memref<!tpu.dma_semaphore, #tpu.memory_space<semaphore_mem>>) src(%arg5 : memref<624x128xf32, #tpu.memory_space<hbm>>) dst(%dma_wait3A_57 : memref<624x128xf32, #tpu.memory_space<vmem_shared>>)
      tpu.yield
    }) : () -> ()
    %eq3A_29 = arith.constant 0 : i32
    %eq3A_30 = arith.cmpi eq, %arg1, %eq3A_29 : i32
    %convert_element_type3A_31 = arith.extui %eq3A_30 : i1 to i32
    %cond3A_32 = arith.constant 0 : i32
    %cond3A_33 = arith.cmpi ne, %convert_element_type3A_31, %cond3A_32 : i32
    scf.if %cond3A_33 {
      "tpu.region"() ({
        %run_scoped3A = tpu.sem_alloc : memref<!tpu.dma_semaphore, #tpu.memory_space<semaphore_mem>>
        %dma_start3A = arith.constant 9984 : i32
        %dma_start3A_56 = arith.constant 0 : i32
        %dma_start3A_57 = tpu.memref_slice %arg12[%dma_start3A, %dma_start3A_56] : memref<10000x128xf32, #tpu.memory_space<vmem_shared>> -> memref<16x128xf32, #tpu.memory_space<vmem_shared>>
        %dma_start3A_58 = arith.constant 0 : i32
        %dma_start3A_59 = arith.constant 0 : i32
        %dma_start3A_60 = tpu.memref_slice %arg5[%dma_start3A_58, %dma_start3A_59] : memref<624x128xf32, #tpu.memory_space<hbm>> -> memref<16x128xf32, #tpu.memory_space<hbm>>
        tpu.enqueue_dma source(%dma_start3A_60 : memref<16x128xf32, #tpu.memory_space<hbm>>) target(%dma_start3A_57 : memref<16x128xf32, #tpu.memory_space<vmem_shared>>) target_semaphore(%run_scoped3A : memref<!tpu.dma_semaphore, #tpu.memory_space<semaphore_mem>>)
        %dma_wait3A = arith.constant 9984 : i32
        %dma_wait3A_61 = arith.constant 0 : i32
        %dma_wait3A_62 = tpu.memref_slice %arg12[%dma_wait3A, %dma_wait3A_61] : memref<10000x128xf32, #tpu.memory_space<vmem_shared>> -> memref<16x128xf32, #tpu.memory_space<vmem_shared>>
        %dma_wait3A_63 = arith.constant 0 : i32
        %dma_wait3A_64 = arith.constant 0 : i32
        %dma_wait3A_65 = tpu.memref_slice %arg5[%dma_wait3A_63, %dma_wait3A_64] : memref<624x128xf32, #tpu.memory_space<hbm>> -> memref<16x128xf32, #tpu.memory_space<hbm>>
        tpu.wait_dma2 semaphore(%run_scoped3A : memref<!tpu.dma_semaphore, #tpu.memory_space<semaphore_mem>>) src(%dma_wait3A_65 : memref<16x128xf32, #tpu.memory_space<hbm>>) dst(%dma_wait3A_62 : memref<16x128xf32, #tpu.memory_space<vmem_shared>>)
        tpu.yield
      }) : () -> ()
    } else {
    }
    %barrier3A_34 = arith.constant 0 : index
    tpu.barrier barrier_id(%barrier3A_34)
    %eq3A_35 = arith.constant 0 : i32
    %eq3A_36 = arith.cmpi eq, %arg0, %eq3A_35 : i32
    %convert_element_type3A_37 = arith.extui %eq3A_36 : i1 to i32
    %cond3A_38 = arith.constant 0 : i32
    %cond3A_39 = arith.cmpi ne, %convert_element_type3A_37, %cond3A_38 : i32
    scf.if %cond3A_39 {
      %dma_start3A = arith.constant 1 : i32
      %dma_start3A_56 = arith.constant 0 : i32
      %dma_start3A_57 = tpu.memref_slice %arg7[%dma_start3A_56] : memref<10000xi32, #tpu.memory_space<vmem>> -> memref<80xi32, #tpu.memory_space<vmem>>
      %dma_start3A_58 = arith.constant 0 : i32
      %dma_start3A_59 = arith.constant 0 : i32
      %dma_start3A_60 = tpu.memref_slice %arg2[%dma_start3A, %dma_start3A_58, %dma_start3A_59] : memref<4x10000x128xf32, #tpu.memory_space<hbm>> -> memref<1x10000x128xf32, #tpu.memory_space<hbm>>
      %dma_start3A_61 = tpu.memref_squeeze %dma_start3A_60 : memref<1x10000x128xf32, #tpu.memory_space<hbm>> -> memref<10000x128xf32, #tpu.memory_space<hbm>>
      %dma_start3A_62 = arith.constant 0 : i32
      %dma_start3A_63 = arith.constant 0 : i32
      %dma_start3A_64 = tpu.memref_slice %dma_start3A_61[%dma_start3A_62, %dma_start3A_63] : memref<10000x128xf32, #tpu.memory_space<hbm>> -> memref<10000x128xf32, #tpu.memory_space<hbm>>
      tpu.enqueue_indirect_dma source(%dma_start3A_64 : memref<10000x128xf32, #tpu.memory_space<hbm>>) target(%arg10 : memref<80x128xf32, #tpu.memory_space<vmem>>) offsets(%dma_start3A_57 : memref<80xi32, #tpu.memory_space<vmem>>) semaphore(%arg13 : memref<!tpu.dma_semaphore, #tpu.memory_space<semaphore_mem>>)
      %add3A = arith.constant 0 : i32
      %add3A_65 = arith.addi %multiple_of3A, %add3A : i32
      %multiple_of3A_66 = tpu.assume_multiple %add3A_65, 8 : i32
      %dma_start3A_67 = tpu.memref_slice %arg4[%multiple_of3A_66] : memref<160000xi32, #tpu.memory_space<hbm>> -> memref<80xi32, #tpu.memory_space<hbm>>
      %dma_start3A_68 = tpu.memref_slice %arg4[%multiple_of3A_66] : memref<160000xi32, #tpu.memory_space<hbm>> -> memref<80xi32, #tpu.memory_space<hbm>>
      tpu.enqueue_dma source(%dma_start3A_68 : memref<80xi32, #tpu.memory_space<hbm>>) target(%arg8 : memref<80xi32, #tpu.memory_space<vmem>>) target_semaphore(%arg15 : memref<!tpu.dma_semaphore, #tpu.memory_space<semaphore_mem>>)
      %scan3A = arith.constant 0 : i32
      %scan3A_69 = arith.constant 0 : i32
      %scan3A_70 = arith.constant 62 : i32
      %scan3A_71 = arith.addi %scan3A_69, %scan3A_70 : i32
      %scan3A_72 = arith.constant 1 : i32
      scf.for %scan3A_92 = %scan3A_69 to %scan3A_71 step %scan3A_72  : i32 {
        %mul3A_93 = arith.constant 2 : i32
        %mul3A_94 = arith.muli %mul3A_93, %scan3A_92 : i32
        %dma_wait3A_95 = arith.constant 0 : i32
        %dma_wait3A_96 = arith.constant 0 : i32
        %dma_wait3A_97 = arith.constant 0 : i32
        %dma_wait3A_98 = tpu.memref_slice %arg2[%dma_wait3A_95, %dma_wait3A_96, %dma_wait3A_97] : memref<4x10000x128xf32, #tpu.memory_space<hbm>> -> memref<1x10000x128xf32, #tpu.memory_space<hbm>>
        %dma_wait3A_99 = tpu.memref_squeeze %dma_wait3A_98 : memref<1x10000x128xf32, #tpu.memory_space<hbm>> -> memref<10000x128xf32, #tpu.memory_space<hbm>>
        %dma_wait3A_100 = arith.constant 0 : i32
        %dma_wait3A_101 = arith.constant 0 : i32
        %dma_wait3A_102 = tpu.memref_slice %dma_wait3A_99[%dma_wait3A_100, %dma_wait3A_101] : memref<10000x128xf32, #tpu.memory_space<hbm>> -> memref<80x128xf32, #tpu.memory_space<hbm>>
        %dma_wait3A_103 = arith.constant 0 : i32
        %dma_wait3A_104 = arith.constant 0 : i32
        %dma_wait3A_105 = tpu.memref_slice %arg2[%dma_wait3A_95, %dma_wait3A_103, %dma_wait3A_104] : memref<4x10000x128xf32, #tpu.memory_space<hbm>> -> memref<1x10000x128xf32, #tpu.memory_space<hbm>>
        %dma_wait3A_106 = tpu.memref_squeeze %dma_wait3A_105 : memref<1x10000x128xf32, #tpu.memory_space<hbm>> -> memref<10000x128xf32, #tpu.memory_space<hbm>>
        %dma_wait3A_107 = arith.constant 0 : i32
        %dma_wait3A_108 = arith.constant 0 : i32
        %dma_wait3A_109 = tpu.memref_slice %dma_wait3A_106[%dma_wait3A_107, %dma_wait3A_108] : memref<10000x128xf32, #tpu.memory_space<hbm>> -> memref<80x128xf32, #tpu.memory_space<hbm>>
        tpu.wait_dma2 semaphore(%arg13 : memref<!tpu.dma_semaphore, #tpu.memory_space<semaphore_mem>>) src(%dma_wait3A_109 : memref<80x128xf32, #tpu.memory_space<hbm>>) dst(%arg10 : memref<80x128xf32, #tpu.memory_space<vmem>>)
        %dma_wait3A_110 = arith.constant 0 : i32
        %dma_wait3A_111 = tpu.memref_slice %arg4[%dma_wait3A_110] : memref<160000xi32, #tpu.memory_space<hbm>> -> memref<80xi32, #tpu.memory_space<hbm>>
        %dma_wait3A_112 = arith.constant 0 : i32
        %dma_wait3A_113 = tpu.memref_slice %arg4[%dma_wait3A_112] : memref<160000xi32, #tpu.memory_space<hbm>> -> memref<80xi32, #tpu.memory_space<hbm>>
        tpu.wait_dma2 semaphore(%arg15 : memref<!tpu.dma_semaphore, #tpu.memory_space<semaphore_mem>>) src(%dma_wait3A_113 : memref<80xi32, #tpu.memory_space<hbm>>) dst(%arg8 : memref<80xi32, #tpu.memory_space<vmem>>)
        %add3A_114 = arith.constant 1 : i32
        %add3A_115 = arith.addi %mul3A_94, %add3A_114 : i32
        %mul3A_116 = arith.constant 80 : i32
        %mul3A_117 = arith.muli %add3A_115, %mul3A_116 : i32
        %dma_start3A_118 = arith.constant 1 : i32
        %dma_start3A_119 = tpu.memref_slice %arg7[%mul3A_117] : memref<10000xi32, #tpu.memory_space<vmem>> -> memref<80xi32, #tpu.memory_space<vmem>>
        %dma_start3A_120 = arith.constant 0 : i32
        %dma_start3A_121 = arith.constant 0 : i32
        %dma_start3A_122 = tpu.memref_slice %arg2[%dma_start3A_118, %dma_start3A_120, %dma_start3A_121] : memref<4x10000x128xf32, #tpu.memory_space<hbm>> -> memref<1x10000x128xf32, #tpu.memory_space<hbm>>
        %dma_start3A_123 = tpu.memref_squeeze %dma_start3A_122 : memref<1x10000x128xf32, #tpu.memory_space<hbm>> -> memref<10000x128xf32, #tpu.memory_space<hbm>>
        %dma_start3A_124 = arith.constant 0 : i32
        %dma_start3A_125 = arith.constant 0 : i32
        %dma_start3A_126 = tpu.memref_slice %dma_start3A_123[%dma_start3A_124, %dma_start3A_125] : memref<10000x128xf32, #tpu.memory_space<hbm>> -> memref<10000x128xf32, #tpu.memory_space<hbm>>
        tpu.enqueue_indirect_dma source(%dma_start3A_126 : memref<10000x128xf32, #tpu.memory_space<hbm>>) target(%arg11 : memref<80x128xf32, #tpu.memory_space<vmem>>) offsets(%dma_start3A_119 : memref<80xi32, #tpu.memory_space<vmem>>) semaphore(%arg14 : memref<!tpu.dma_semaphore, #tpu.memory_space<semaphore_mem>>)
        %mul3A_127 = arith.constant 80 : i32
        %mul3A_128 = arith.muli %add3A_115, %mul3A_127 : i32
        %add3A_129 = arith.addi %multiple_of3A, %mul3A_128 : i32
        %multiple_of3A_130 = tpu.assume_multiple %add3A_129, 8 : i32
        %dma_start3A_131 = tpu.memref_slice %arg4[%multiple_of3A_130] : memref<160000xi32, #tpu.memory_space<hbm>> -> memref<80xi32, #tpu.memory_space<hbm>>
        %dma_start3A_132 = tpu.memref_slice %arg4[%multiple_of3A_130] : memref<160000xi32, #tpu.memory_space<hbm>> -> memref<80xi32, #tpu.memory_space<hbm>>
        tpu.enqueue_dma source(%dma_start3A_132 : memref<80xi32, #tpu.memory_space<hbm>>) target(%arg9 : memref<80xi32, #tpu.memory_space<vmem>>) target_semaphore(%arg16 : memref<!tpu.dma_semaphore, #tpu.memory_space<semaphore_mem>>)
        "tpu.region"() ({
          %run_scoped3A = tpu.sem_alloc : memref<!tpu.dma_semaphore, #tpu.memory_space<semaphore_mem>>
          %dma_start3A_171 = arith.constant 0 : i32
          %dma_start3A_172 = arith.constant 0 : i32
          %dma_start3A_173 = tpu.memref_slice %arg12[%dma_start3A_171, %dma_start3A_172] : memref<10000x128xf32, #tpu.memory_space<vmem_shared>> -> memref<10000x128xf32, #tpu.memory_space<vmem_shared>>
          tpu.enqueue_indirect_dma source(%arg10 : memref<80x128xf32, #tpu.memory_space<vmem>>) target(%dma_start3A_173 : memref<10000x128xf32, #tpu.memory_space<vmem_shared>>) offsets(%arg8 : memref<80xi32, #tpu.memory_space<vmem>>) semaphore(%run_scoped3A : memref<!tpu.dma_semaphore, #tpu.memory_space<semaphore_mem>>) {add = true}
          %dma_wait3A_174 = arith.constant 0 : i32
          %dma_wait3A_175 = arith.constant 0 : i32
          %dma_wait3A_176 = tpu.memref_slice %arg12[%dma_wait3A_174, %dma_wait3A_175] : memref<10000x128xf32, #tpu.memory_space<vmem_shared>> -> memref<10000x128xf32, #tpu.memory_space<vmem_shared>>
          tpu.wait_indirect_dma semaphore(%run_scoped3A : memref<!tpu.dma_semaphore, #tpu.memory_space<semaphore_mem>>) src(%arg10 : memref<80x128xf32, #tpu.memory_space<vmem>>) dst(%dma_wait3A_176 : memref<10000x128xf32, #tpu.memory_space<vmem_shared>>)
          tpu.yield
        }) : () -> ()
        %dma_wait3A_133 = arith.constant 0 : i32
        %dma_wait3A_134 = arith.constant 0 : i32
        %dma_wait3A_135 = arith.constant 0 : i32
        %dma_wait3A_136 = tpu.memref_slice %arg2[%dma_wait3A_133, %dma_wait3A_134, %dma_wait3A_135] : memref<4x10000x128xf32, #tpu.memory_space<hbm>> -> memref<1x10000x128xf32, #tpu.memory_space<hbm>>
        %dma_wait3A_137 = tpu.memref_squeeze %dma_wait3A_136 : memref<1x10000x128xf32, #tpu.memory_space<hbm>> -> memref<10000x128xf32, #tpu.memory_space<hbm>>
        %dma_wait3A_138 = arith.constant 0 : i32
        %dma_wait3A_139 = arith.constant 0 : i32
        %dma_wait3A_140 = tpu.memref_slice %dma_wait3A_137[%dma_wait3A_138, %dma_wait3A_139] : memref<10000x128xf32, #tpu.memory_space<hbm>> -> memref<80x128xf32, #tpu.memory_space<hbm>>
        %dma_wait3A_141 = arith.constant 0 : i32
        %dma_wait3A_142 = arith.constant 0 : i32
        %dma_wait3A_143 = tpu.memref_slice %arg2[%dma_wait3A_133, %dma_wait3A_141, %dma_wait3A_142] : memref<4x10000x128xf32, #tpu.memory_space<hbm>> -> memref<1x10000x128xf32, #tpu.memory_space<hbm>>
        %dma_wait3A_144 = tpu.memref_squeeze %dma_wait3A_143 : memref<1x10000x128xf32, #tpu.memory_space<hbm>> -> memref<10000x128xf32, #tpu.memory_space<hbm>>
        %dma_wait3A_145 = arith.constant 0 : i32
        %dma_wait3A_146 = arith.constant 0 : i32
        %dma_wait3A_147 = tpu.memref_slice %dma_wait3A_144[%dma_wait3A_145, %dma_wait3A_146] : memref<10000x128xf32, #tpu.memory_space<hbm>> -> memref<80x128xf32, #tpu.memory_space<hbm>>
        tpu.wait_dma2 semaphore(%arg14 : memref<!tpu.dma_semaphore, #tpu.memory_space<semaphore_mem>>) src(%dma_wait3A_147 : memref<80x128xf32, #tpu.memory_space<hbm>>) dst(%arg11 : memref<80x128xf32, #tpu.memory_space<vmem>>)
        %dma_wait3A_148 = arith.constant 0 : i32
        %dma_wait3A_149 = tpu.memref_slice %arg4[%dma_wait3A_148] : memref<160000xi32, #tpu.memory_space<hbm>> -> memref<80xi32, #tpu.memory_space<hbm>>
        %dma_wait3A_150 = arith.constant 0 : i32
        %dma_wait3A_151 = tpu.memref_slice %arg4[%dma_wait3A_150] : memref<160000xi32, #tpu.memory_space<hbm>> -> memref<80xi32, #tpu.memory_space<hbm>>
        tpu.wait_dma2 semaphore(%arg16 : memref<!tpu.dma_semaphore, #tpu.memory_space<semaphore_mem>>) src(%dma_wait3A_151 : memref<80xi32, #tpu.memory_space<hbm>>) dst(%arg9 : memref<80xi32, #tpu.memory_space<vmem>>)
        %add3A_152 = arith.constant 2 : i32
        %add3A_153 = arith.addi %mul3A_94, %add3A_152 : i32
        %mul3A_154 = arith.constant 80 : i32
        %mul3A_155 = arith.muli %add3A_153, %mul3A_154 : i32
        %dma_start3A_156 = arith.constant 1 : i32
        %dma_start3A_157 = tpu.memref_slice %arg7[%mul3A_155] : memref<10000xi32, #tpu.memory_space<vmem>> -> memref<80xi32, #tpu.memory_space<vmem>>
        %dma_start3A_158 = arith.constant 0 : i32
        %dma_start3A_159 = arith.constant 0 : i32
        %dma_start3A_160 = tpu.memref_slice %arg2[%dma_start3A_156, %dma_start3A_158, %dma_start3A_159] : memref<4x10000x128xf32, #tpu.memory_space<hbm>> -> memref<1x10000x128xf32, #tpu.memory_space<hbm>>
        %dma_start3A_161 = tpu.memref_squeeze %dma_start3A_160 : memref<1x10000x128xf32, #tpu.memory_space<hbm>> -> memref<10000x128xf32, #tpu.memory_space<hbm>>
        %dma_start3A_162 = arith.constant 0 : i32
        %dma_start3A_163 = arith.constant 0 : i32
        %dma_start3A_164 = tpu.memref_slice %dma_start3A_161[%dma_start3A_162, %dma_start3A_163] : memref<10000x128xf32, #tpu.memory_space<hbm>> -> memref<10000x128xf32, #tpu.memory_space<hbm>>
        tpu.enqueue_indirect_dma source(%dma_start3A_164 : memref<10000x128xf32, #tpu.memory_space<hbm>>) target(%arg10 : memref<80x128xf32, #tpu.memory_space<vmem>>) offsets(%dma_start3A_157 : memref<80xi32, #tpu.memory_space<vmem>>) semaphore(%arg13 : memref<!tpu.dma_semaphore, #tpu.memory_space<semaphore_mem>>)
        %mul3A_165 = arith.constant 80 : i32
        %mul3A_166 = arith.muli %add3A_153, %mul3A_165 : i32
        %add3A_167 = arith.addi %multiple_of3A, %mul3A_166 : i32
        %multiple_of3A_168 = tpu.assume_multiple %add3A_167, 8 : i32
        %dma_start3A_169 = tpu.memref_slice %arg4[%multiple_of3A_168] : memref<160000xi32, #tpu.memory_space<hbm>> -> memref<80xi32, #tpu.memory_space<hbm>>
        %dma_start3A_170 = tpu.memref_slice %arg4[%multiple_of3A_168] : memref<160000xi32, #tpu.memory_space<hbm>> -> memref<80xi32, #tpu.memory_space<hbm>>
        tpu.enqueue_dma source(%dma_start3A_170 : memref<80xi32, #tpu.memory_space<hbm>>) target(%arg8 : memref<80xi32, #tpu.memory_space<vmem>>) target_semaphore(%arg15 : memref<!tpu.dma_semaphore, #tpu.memory_space<semaphore_mem>>)
        "tpu.region"() ({
          %run_scoped3A = tpu.sem_alloc : memref<!tpu.dma_semaphore, #tpu.memory_space<semaphore_mem>>
          %dma_start3A_171 = arith.constant 0 : i32
          %dma_start3A_172 = arith.constant 0 : i32
          %dma_start3A_173 = tpu.memref_slice %arg12[%dma_start3A_171, %dma_start3A_172] : memref<10000x128xf32, #tpu.memory_space<vmem_shared>> -> memref<10000x128xf32, #tpu.memory_space<vmem_shared>>
          tpu.enqueue_indirect_dma source(%arg11 : memref<80x128xf32, #tpu.memory_space<vmem>>) target(%dma_start3A_173 : memref<10000x128xf32, #tpu.memory_space<vmem_shared>>) offsets(%arg9 : memref<80xi32, #tpu.memory_space<vmem>>) semaphore(%run_scoped3A : memref<!tpu.dma_semaphore, #tpu.memory_space<semaphore_mem>>) {add = true}
          %dma_wait3A_174 = arith.constant 0 : i32
          %dma_wait3A_175 = arith.constant 0 : i32
          %dma_wait3A_176 = tpu.memref_slice %arg12[%dma_wait3A_174, %dma_wait3A_175] : memref<10000x128xf32, #tpu.memory_space<vmem_shared>> -> memref<10000x128xf32, #tpu.memory_space<vmem_shared>>
          tpu.wait_indirect_dma semaphore(%run_scoped3A : memref<!tpu.dma_semaphore, #tpu.memory_space<semaphore_mem>>) src(%arg11 : memref<80x128xf32, #tpu.memory_space<vmem>>) dst(%dma_wait3A_176 : memref<10000x128xf32, #tpu.memory_space<vmem_shared>>)
          tpu.yield
        }) : () -> ()
      }
      %scan3A_73 = arith.constant 62 : i32
      %dma_wait3A = arith.constant 0 : i32
      %dma_wait3A_74 = arith.constant 0 : i32
      %dma_wait3A_75 = arith.constant 0 : i32
      %dma_wait3A_76 = tpu.memref_slice %arg2[%dma_wait3A, %dma_wait3A_74, %dma_wait3A_75] : memref<4x10000x128xf32, #tpu.memory_space<hbm>> -> memref<1x10000x128xf32, #tpu.memory_space<hbm>>
      %dma_wait3A_77 = tpu.memref_squeeze %dma_wait3A_76 : memref<1x10000x128xf32, #tpu.memory_space<hbm>> -> memref<10000x128xf32, #tpu.memory_space<hbm>>
      %dma_wait3A_78 = arith.constant 0 : i32
      %dma_wait3A_79 = arith.constant 0 : i32
      %dma_wait3A_80 = tpu.memref_slice %dma_wait3A_77[%dma_wait3A_78, %dma_wait3A_79] : memref<10000x128xf32, #tpu.memory_space<hbm>> -> memref<80x128xf32, #tpu.memory_space<hbm>>
      %dma_wait3A_81 = arith.constant 0 : i32
      %dma_wait3A_82 = arith.constant 0 : i32
      %dma_wait3A_83 = tpu.memref_slice %arg2[%dma_wait3A, %dma_wait3A_81, %dma_wait3A_82] : memref<4x10000x128xf32, #tpu.memory_space<hbm>> -> memref<1x10000x128xf32, #tpu.memory_space<hbm>>
      %dma_wait3A_84 = tpu.memref_squeeze %dma_wait3A_83 : memref<1x10000x128xf32, #tpu.memory_space<hbm>> -> memref<10000x128xf32, #tpu.memory_space<hbm>>
      %dma_wait3A_85 = arith.constant 0 : i32
      %dma_wait3A_86 = arith.constant 0 : i32
      %dma_wait3A_87 = tpu.memref_slice %dma_wait3A_84[%dma_wait3A_85, %dma_wait3A_86] : memref<10000x128xf32, #tpu.memory_space<hbm>> -> memref<80x128xf32, #tpu.memory_space<hbm>>
      tpu.wait_dma2 semaphore(%arg13 : memref<!tpu.dma_semaphore, #tpu.memory_space<semaphore_mem>>) src(%dma_wait3A_87 : memref<80x128xf32, #tpu.memory_space<hbm>>) dst(%arg10 : memref<80x128xf32, #tpu.memory_space<vmem>>)
      %dma_wait3A_88 = arith.constant 0 : i32
      %dma_wait3A_89 = tpu.memref_slice %arg4[%dma_wait3A_88] : memref<160000xi32, #tpu.memory_space<hbm>> -> memref<80xi32, #tpu.memory_space<hbm>>
      %dma_wait3A_90 = arith.constant 0 : i32
      %dma_wait3A_91 = tpu.memref_slice %arg4[%dma_wait3A_90] : memref<160000xi32, #tpu.memory_space<hbm>> -> memref<80xi32, #tpu.memory_space<hbm>>
      tpu.wait_dma2 semaphore(%arg15 : memref<!tpu.dma_semaphore, #tpu.memory_space<semaphore_mem>>) src(%dma_wait3A_91 : memref<80xi32, #tpu.memory_space<hbm>>) dst(%arg8 : memref<80xi32, #tpu.memory_space<vmem>>)
      "tpu.region"() ({
        %run_scoped3A = tpu.sem_alloc : memref<!tpu.dma_semaphore, #tpu.memory_space<semaphore_mem>>
        %dma_start3A_92 = arith.constant 0 : i32
        %dma_start3A_93 = arith.constant 0 : i32
        %dma_start3A_94 = tpu.memref_slice %arg12[%dma_start3A_92, %dma_start3A_93] : memref<10000x128xf32, #tpu.memory_space<vmem_shared>> -> memref<10000x128xf32, #tpu.memory_space<vmem_shared>>
        tpu.enqueue_indirect_dma source(%arg10 : memref<80x128xf32, #tpu.memory_space<vmem>>) target(%dma_start3A_94 : memref<10000x128xf32, #tpu.memory_space<vmem_shared>>) offsets(%arg8 : memref<80xi32, #tpu.memory_space<vmem>>) semaphore(%run_scoped3A : memref<!tpu.dma_semaphore, #tpu.memory_space<semaphore_mem>>) {add = true}
        %dma_wait3A_95 = arith.constant 0 : i32
        %dma_wait3A_96 = arith.constant 0 : i32
        %dma_wait3A_97 = tpu.memref_slice %arg12[%dma_wait3A_95, %dma_wait3A_96] : memref<10000x128xf32, #tpu.memory_space<vmem_shared>> -> memref<10000x128xf32, #tpu.memory_space<vmem_shared>>
        tpu.wait_indirect_dma semaphore(%run_scoped3A : memref<!tpu.dma_semaphore, #tpu.memory_space<semaphore_mem>>) src(%arg10 : memref<80x128xf32, #tpu.memory_space<vmem>>) dst(%dma_wait3A_97 : memref<10000x128xf32, #tpu.memory_space<vmem_shared>>)
        tpu.yield
      }) : () -> ()
    } else {
    }
    %eq3A_40 = arith.constant 1 : i32
    %eq3A_41 = arith.cmpi eq, %arg0, %eq3A_40 : i32
    %convert_element_type3A_42 = arith.extui %eq3A_41 : i1 to i32
    %cond3A_43 = arith.constant 0 : i32
    %cond3A_44 = arith.cmpi ne, %convert_element_type3A_42, %cond3A_43 : i32
    scf.if %cond3A_44 {
      %dma_start3A = arith.constant 3 : i32
      %dma_start3A_56 = arith.constant 0 : i32
      %dma_start3A_57 = tpu.memref_slice %arg7[%dma_start3A_56] : memref<10000xi32, #tpu.memory_space<vmem>> -> memref<80xi32, #tpu.memory_space<vmem>>
      %dma_start3A_58 = arith.constant 0 : i32
      %dma_start3A_59 = arith.constant 0 : i32
      %dma_start3A_60 = tpu.memref_slice %arg2[%dma_start3A, %dma_start3A_58, %dma_start3A_59] : memref<4x10000x128xf32, #tpu.memory_space<hbm>> -> memref<1x10000x128xf32, #tpu.memory_space<hbm>>
      %dma_start3A_61 = tpu.memref_squeeze %dma_start3A_60 : memref<1x10000x128xf32, #tpu.memory_space<hbm>> -> memref<10000x128xf32, #tpu.memory_space<hbm>>
      %dma_start3A_62 = arith.constant 0 : i32
      %dma_start3A_63 = arith.constant 0 : i32
      %dma_start3A_64 = tpu.memref_slice %dma_start3A_61[%dma_start3A_62, %dma_start3A_63] : memref<10000x128xf32, #tpu.memory_space<hbm>> -> memref<10000x128xf32, #tpu.memory_space<hbm>>
      tpu.enqueue_indirect_dma source(%dma_start3A_64 : memref<10000x128xf32, #tpu.memory_space<hbm>>) target(%arg10 : memref<80x128xf32, #tpu.memory_space<vmem>>) offsets(%dma_start3A_57 : memref<80xi32, #tpu.memory_space<vmem>>) semaphore(%arg13 : memref<!tpu.dma_semaphore, #tpu.memory_space<semaphore_mem>>)
      %add3A = arith.constant 0 : i32
      %add3A_65 = arith.addi %multiple_of3A, %add3A : i32
      %multiple_of3A_66 = tpu.assume_multiple %add3A_65, 8 : i32
      %dma_start3A_67 = tpu.memref_slice %arg4[%multiple_of3A_66] : memref<160000xi32, #tpu.memory_space<hbm>> -> memref<80xi32, #tpu.memory_space<hbm>>
      %dma_start3A_68 = tpu.memref_slice %arg4[%multiple_of3A_66] : memref<160000xi32, #tpu.memory_space<hbm>> -> memref<80xi32, #tpu.memory_space<hbm>>
      tpu.enqueue_dma source(%dma_start3A_68 : memref<80xi32, #tpu.memory_space<hbm>>) target(%arg8 : memref<80xi32, #tpu.memory_space<vmem>>) target_semaphore(%arg15 : memref<!tpu.dma_semaphore, #tpu.memory_space<semaphore_mem>>)
      %scan3A = arith.constant 0 : i32
      %scan3A_69 = arith.constant 0 : i32
      %scan3A_70 = arith.constant 62 : i32
      %scan3A_71 = arith.addi %scan3A_69, %scan3A_70 : i32
      %scan3A_72 = arith.constant 1 : i32
      scf.for %scan3A_92 = %scan3A_69 to %scan3A_71 step %scan3A_72  : i32 {
        %mul3A_93 = arith.constant 2 : i32
        %mul3A_94 = arith.muli %mul3A_93, %scan3A_92 : i32
        %dma_wait3A_95 = arith.constant 0 : i32
        %dma_wait3A_96 = arith.constant 0 : i32
        %dma_wait3A_97 = arith.constant 0 : i32
        %dma_wait3A_98 = tpu.memref_slice %arg2[%dma_wait3A_95, %dma_wait3A_96, %dma_wait3A_97] : memref<4x10000x128xf32, #tpu.memory_space<hbm>> -> memref<1x10000x128xf32, #tpu.memory_space<hbm>>
        %dma_wait3A_99 = tpu.memref_squeeze %dma_wait3A_98 : memref<1x10000x128xf32, #tpu.memory_space<hbm>> -> memref<10000x128xf32, #tpu.memory_space<hbm>>
        %dma_wait3A_100 = arith.constant 0 : i32
        %dma_wait3A_101 = arith.constant 0 : i32
        %dma_wait3A_102 = tpu.memref_slice %dma_wait3A_99[%dma_wait3A_100, %dma_wait3A_101] : memref<10000x128xf32, #tpu.memory_space<hbm>> -> memref<80x128xf32, #tpu.memory_space<hbm>>
        %dma_wait3A_103 = arith.constant 0 : i32
        %dma_wait3A_104 = arith.constant 0 : i32
        %dma_wait3A_105 = tpu.memref_slice %arg2[%dma_wait3A_95, %dma_wait3A_103, %dma_wait3A_104] : memref<4x10000x128xf32, #tpu.memory_space<hbm>> -> memref<1x10000x128xf32, #tpu.memory_space<hbm>>
        %dma_wait3A_106 = tpu.memref_squeeze %dma_wait3A_105 : memref<1x10000x128xf32, #tpu.memory_space<hbm>> -> memref<10000x128xf32, #tpu.memory_space<hbm>>
        %dma_wait3A_107 = arith.constant 0 : i32
        %dma_wait3A_108 = arith.constant 0 : i32
        %dma_wait3A_109 = tpu.memref_slice %dma_wait3A_106[%dma_wait3A_107, %dma_wait3A_108] : memref<10000x128xf32, #tpu.memory_space<hbm>> -> memref<80x128xf32, #tpu.memory_space<hbm>>
        tpu.wait_dma2 semaphore(%arg13 : memref<!tpu.dma_semaphore, #tpu.memory_space<semaphore_mem>>) src(%dma_wait3A_109 : memref<80x128xf32, #tpu.memory_space<hbm>>) dst(%arg10 : memref<80x128xf32, #tpu.memory_space<vmem>>)
        %dma_wait3A_110 = arith.constant 0 : i32
        %dma_wait3A_111 = tpu.memref_slice %arg4[%dma_wait3A_110] : memref<160000xi32, #tpu.memory_space<hbm>> -> memref<80xi32, #tpu.memory_space<hbm>>
        %dma_wait3A_112 = arith.constant 0 : i32
        %dma_wait3A_113 = tpu.memref_slice %arg4[%dma_wait3A_112] : memref<160000xi32, #tpu.memory_space<hbm>> -> memref<80xi32, #tpu.memory_space<hbm>>
        tpu.wait_dma2 semaphore(%arg15 : memref<!tpu.dma_semaphore, #tpu.memory_space<semaphore_mem>>) src(%dma_wait3A_113 : memref<80xi32, #tpu.memory_space<hbm>>) dst(%arg8 : memref<80xi32, #tpu.memory_space<vmem>>)
        %add3A_114 = arith.constant 1 : i32
        %add3A_115 = arith.addi %mul3A_94, %add3A_114 : i32
        %mul3A_116 = arith.constant 80 : i32
        %mul3A_117 = arith.muli %add3A_115, %mul3A_116 : i32
        %dma_start3A_118 = arith.constant 3 : i32
        %dma_start3A_119 = tpu.memref_slice %arg7[%mul3A_117] : memref<10000xi32, #tpu.memory_space<vmem>> -> memref<80xi32, #tpu.memory_space<vmem>>
        %dma_start3A_120 = arith.constant 0 : i32
        %dma_start3A_121 = arith.constant 0 : i32
        %dma_start3A_122 = tpu.memref_slice %arg2[%dma_start3A_118, %dma_start3A_120, %dma_start3A_121] : memref<4x10000x128xf32, #tpu.memory_space<hbm>> -> memref<1x10000x128xf32, #tpu.memory_space<hbm>>
        %dma_start3A_123 = tpu.memref_squeeze %dma_start3A_122 : memref<1x10000x128xf32, #tpu.memory_space<hbm>> -> memref<10000x128xf32, #tpu.memory_space<hbm>>
        %dma_start3A_124 = arith.constant 0 : i32
        %dma_start3A_125 = arith.constant 0 : i32
        %dma_start3A_126 = tpu.memref_slice %dma_start3A_123[%dma_start3A_124, %dma_start3A_125] : memref<10000x128xf32, #tpu.memory_space<hbm>> -> memref<10000x128xf32, #tpu.memory_space<hbm>>
        tpu.enqueue_indirect_dma source(%dma_start3A_126 : memref<10000x128xf32, #tpu.memory_space<hbm>>) target(%arg11 : memref<80x128xf32, #tpu.memory_space<vmem>>) offsets(%dma_start3A_119 : memref<80xi32, #tpu.memory_space<vmem>>) semaphore(%arg14 : memref<!tpu.dma_semaphore, #tpu.memory_space<semaphore_mem>>)
        %mul3A_127 = arith.constant 80 : i32
        %mul3A_128 = arith.muli %add3A_115, %mul3A_127 : i32
        %add3A_129 = arith.addi %multiple_of3A, %mul3A_128 : i32
        %multiple_of3A_130 = tpu.assume_multiple %add3A_129, 8 : i32
        %dma_start3A_131 = tpu.memref_slice %arg4[%multiple_of3A_130] : memref<160000xi32, #tpu.memory_space<hbm>> -> memref<80xi32, #tpu.memory_space<hbm>>
        %dma_start3A_132 = tpu.memref_slice %arg4[%multiple_of3A_130] : memref<160000xi32, #tpu.memory_space<hbm>> -> memref<80xi32, #tpu.memory_space<hbm>>
        tpu.enqueue_dma source(%dma_start3A_132 : memref<80xi32, #tpu.memory_space<hbm>>) target(%arg9 : memref<80xi32, #tpu.memory_space<vmem>>) target_semaphore(%arg16 : memref<!tpu.dma_semaphore, #tpu.memory_space<semaphore_mem>>)
        "tpu.region"() ({
          %run_scoped3A = tpu.sem_alloc : memref<!tpu.dma_semaphore, #tpu.memory_space<semaphore_mem>>
          %dma_start3A_171 = arith.constant 0 : i32
          %dma_start3A_172 = arith.constant 0 : i32
          %dma_start3A_173 = tpu.memref_slice %arg12[%dma_start3A_171, %dma_start3A_172] : memref<10000x128xf32, #tpu.memory_space<vmem_shared>> -> memref<10000x128xf32, #tpu.memory_space<vmem_shared>>
          tpu.enqueue_indirect_dma source(%arg10 : memref<80x128xf32, #tpu.memory_space<vmem>>) target(%dma_start3A_173 : memref<10000x128xf32, #tpu.memory_space<vmem_shared>>) offsets(%arg8 : memref<80xi32, #tpu.memory_space<vmem>>) semaphore(%run_scoped3A : memref<!tpu.dma_semaphore, #tpu.memory_space<semaphore_mem>>) {add = true}
          %dma_wait3A_174 = arith.constant 0 : i32
          %dma_wait3A_175 = arith.constant 0 : i32
          %dma_wait3A_176 = tpu.memref_slice %arg12[%dma_wait3A_174, %dma_wait3A_175] : memref<10000x128xf32, #tpu.memory_space<vmem_shared>> -> memref<10000x128xf32, #tpu.memory_space<vmem_shared>>
          tpu.wait_indirect_dma semaphore(%run_scoped3A : memref<!tpu.dma_semaphore, #tpu.memory_space<semaphore_mem>>) src(%arg10 : memref<80x128xf32, #tpu.memory_space<vmem>>) dst(%dma_wait3A_176 : memref<10000x128xf32, #tpu.memory_space<vmem_shared>>)
          tpu.yield
        }) : () -> ()
        %dma_wait3A_133 = arith.constant 0 : i32
        %dma_wait3A_134 = arith.constant 0 : i32
        %dma_wait3A_135 = arith.constant 0 : i32
        %dma_wait3A_136 = tpu.memref_slice %arg2[%dma_wait3A_133, %dma_wait3A_134, %dma_wait3A_135] : memref<4x10000x128xf32, #tpu.memory_space<hbm>> -> memref<1x10000x128xf32, #tpu.memory_space<hbm>>
        %dma_wait3A_137 = tpu.memref_squeeze %dma_wait3A_136 : memref<1x10000x128xf32, #tpu.memory_space<hbm>> -> memref<10000x128xf32, #tpu.memory_space<hbm>>
        %dma_wait3A_138 = arith.constant 0 : i32
        %dma_wait3A_139 = arith.constant 0 : i32
        %dma_wait3A_140 = tpu.memref_slice %dma_wait3A_137[%dma_wait3A_138, %dma_wait3A_139] : memref<10000x128xf32, #tpu.memory_space<hbm>> -> memref<80x128xf32, #tpu.memory_space<hbm>>
        %dma_wait3A_141 = arith.constant 0 : i32
        %dma_wait3A_142 = arith.constant 0 : i32
        %dma_wait3A_143 = tpu.memref_slice %arg2[%dma_wait3A_133, %dma_wait3A_141, %dma_wait3A_142] : memref<4x10000x128xf32, #tpu.memory_space<hbm>> -> memref<1x10000x128xf32, #tpu.memory_space<hbm>>
        %dma_wait3A_144 = tpu.memref_squeeze %dma_wait3A_143 : memref<1x10000x128xf32, #tpu.memory_space<hbm>> -> memref<10000x128xf32, #tpu.memory_space<hbm>>
        %dma_wait3A_145 = arith.constant 0 : i32
        %dma_wait3A_146 = arith.constant 0 : i32
        %dma_wait3A_147 = tpu.memref_slice %dma_wait3A_144[%dma_wait3A_145, %dma_wait3A_146] : memref<10000x128xf32, #tpu.memory_space<hbm>> -> memref<80x128xf32, #tpu.memory_space<hbm>>
        tpu.wait_dma2 semaphore(%arg14 : memref<!tpu.dma_semaphore, #tpu.memory_space<semaphore_mem>>) src(%dma_wait3A_147 : memref<80x128xf32, #tpu.memory_space<hbm>>) dst(%arg11 : memref<80x128xf32, #tpu.memory_space<vmem>>)
        %dma_wait3A_148 = arith.constant 0 : i32
        %dma_wait3A_149 = tpu.memref_slice %arg4[%dma_wait3A_148] : memref<160000xi32, #tpu.memory_space<hbm>> -> memref<80xi32, #tpu.memory_space<hbm>>
        %dma_wait3A_150 = arith.constant 0 : i32
        %dma_wait3A_151 = tpu.memref_slice %arg4[%dma_wait3A_150] : memref<160000xi32, #tpu.memory_space<hbm>> -> memref<80xi32, #tpu.memory_space<hbm>>
        tpu.wait_dma2 semaphore(%arg16 : memref<!tpu.dma_semaphore, #tpu.memory_space<semaphore_mem>>) src(%dma_wait3A_151 : memref<80xi32, #tpu.memory_space<hbm>>) dst(%arg9 : memref<80xi32, #tpu.memory_space<vmem>>)
        %add3A_152 = arith.constant 2 : i32
        %add3A_153 = arith.addi %mul3A_94, %add3A_152 : i32
        %mul3A_154 = arith.constant 80 : i32
        %mul3A_155 = arith.muli %add3A_153, %mul3A_154 : i32
        %dma_start3A_156 = arith.constant 3 : i32
        %dma_start3A_157 = tpu.memref_slice %arg7[%mul3A_155] : memref<10000xi32, #tpu.memory_space<vmem>> -> memref<80xi32, #tpu.memory_space<vmem>>
        %dma_start3A_158 = arith.constant 0 : i32
        %dma_start3A_159 = arith.constant 0 : i32
        %dma_start3A_160 = tpu.memref_slice %arg2[%dma_start3A_156, %dma_start3A_158, %dma_start3A_159] : memref<4x10000x128xf32, #tpu.memory_space<hbm>> -> memref<1x10000x128xf32, #tpu.memory_space<hbm>>
        %dma_start3A_161 = tpu.memref_squeeze %dma_start3A_160 : memref<1x10000x128xf32, #tpu.memory_space<hbm>> -> memref<10000x128xf32, #tpu.memory_space<hbm>>
        %dma_start3A_162 = arith.constant 0 : i32
        %dma_start3A_163 = arith.constant 0 : i32
        %dma_start3A_164 = tpu.memref_slice %dma_start3A_161[%dma_start3A_162, %dma_start3A_163] : memref<10000x128xf32, #tpu.memory_space<hbm>> -> memref<10000x128xf32, #tpu.memory_space<hbm>>
        tpu.enqueue_indirect_dma source(%dma_start3A_164 : memref<10000x128xf32, #tpu.memory_space<hbm>>) target(%arg10 : memref<80x128xf32, #tpu.memory_space<vmem>>) offsets(%dma_start3A_157 : memref<80xi32, #tpu.memory_space<vmem>>) semaphore(%arg13 : memref<!tpu.dma_semaphore, #tpu.memory_space<semaphore_mem>>)
        %mul3A_165 = arith.constant 80 : i32
        %mul3A_166 = arith.muli %add3A_153, %mul3A_165 : i32
        %add3A_167 = arith.addi %multiple_of3A, %mul3A_166 : i32
        %multiple_of3A_168 = tpu.assume_multiple %add3A_167, 8 : i32
        %dma_start3A_169 = tpu.memref_slice %arg4[%multiple_of3A_168] : memref<160000xi32, #tpu.memory_space<hbm>> -> memref<80xi32, #tpu.memory_space<hbm>>
        %dma_start3A_170 = tpu.memref_slice %arg4[%multiple_of3A_168] : memref<160000xi32, #tpu.memory_space<hbm>> -> memref<80xi32, #tpu.memory_space<hbm>>
        tpu.enqueue_dma source(%dma_start3A_170 : memref<80xi32, #tpu.memory_space<hbm>>) target(%arg8 : memref<80xi32, #tpu.memory_space<vmem>>) target_semaphore(%arg15 : memref<!tpu.dma_semaphore, #tpu.memory_space<semaphore_mem>>)
        "tpu.region"() ({
          %run_scoped3A = tpu.sem_alloc : memref<!tpu.dma_semaphore, #tpu.memory_space<semaphore_mem>>
          %dma_start3A_171 = arith.constant 0 : i32
          %dma_start3A_172 = arith.constant 0 : i32
          %dma_start3A_173 = tpu.memref_slice %arg12[%dma_start3A_171, %dma_start3A_172] : memref<10000x128xf32, #tpu.memory_space<vmem_shared>> -> memref<10000x128xf32, #tpu.memory_space<vmem_shared>>
          tpu.enqueue_indirect_dma source(%arg11 : memref<80x128xf32, #tpu.memory_space<vmem>>) target(%dma_start3A_173 : memref<10000x128xf32, #tpu.memory_space<vmem_shared>>) offsets(%arg9 : memref<80xi32, #tpu.memory_space<vmem>>) semaphore(%run_scoped3A : memref<!tpu.dma_semaphore, #tpu.memory_space<semaphore_mem>>) {add = true}
          %dma_wait3A_174 = arith.constant 0 : i32
          %dma_wait3A_175 = arith.constant 0 : i32
          %dma_wait3A_176 = tpu.memref_slice %arg12[%dma_wait3A_174, %dma_wait3A_175] : memref<10000x128xf32, #tpu.memory_space<vmem_shared>> -> memref<10000x128xf32, #tpu.memory_space<vmem_shared>>
          tpu.wait_indirect_dma semaphore(%run_scoped3A : memref<!tpu.dma_semaphore, #tpu.memory_space<semaphore_mem>>) src(%arg11 : memref<80x128xf32, #tpu.memory_space<vmem>>) dst(%dma_wait3A_176 : memref<10000x128xf32, #tpu.memory_space<vmem_shared>>)
          tpu.yield
        }) : () -> ()
      }
      %scan3A_73 = arith.constant 62 : i32
      %dma_wait3A = arith.constant 0 : i32
      %dma_wait3A_74 = arith.constant 0 : i32
      %dma_wait3A_75 = arith.constant 0 : i32
      %dma_wait3A_76 = tpu.memref_slice %arg2[%dma_wait3A, %dma_wait3A_74, %dma_wait3A_75] : memref<4x10000x128xf32, #tpu.memory_space<hbm>> -> memref<1x10000x128xf32, #tpu.memory_space<hbm>>
      %dma_wait3A_77 = tpu.memref_squeeze %dma_wait3A_76 : memref<1x10000x128xf32, #tpu.memory_space<hbm>> -> memref<10000x128xf32, #tpu.memory_space<hbm>>
      %dma_wait3A_78 = arith.constant 0 : i32
      %dma_wait3A_79 = arith.constant 0 : i32
      %dma_wait3A_80 = tpu.memref_slice %dma_wait3A_77[%dma_wait3A_78, %dma_wait3A_79] : memref<10000x128xf32, #tpu.memory_space<hbm>> -> memref<80x128xf32, #tpu.memory_space<hbm>>
      %dma_wait3A_81 = arith.constant 0 : i32
      %dma_wait3A_82 = arith.constant 0 : i32
      %dma_wait3A_83 = tpu.memref_slice %arg2[%dma_wait3A, %dma_wait3A_81, %dma_wait3A_82] : memref<4x10000x128xf32, #tpu.memory_space<hbm>> -> memref<1x10000x128xf32, #tpu.memory_space<hbm>>
      %dma_wait3A_84 = tpu.memref_squeeze %dma_wait3A_83 : memref<1x10000x128xf32, #tpu.memory_space<hbm>> -> memref<10000x128xf32, #tpu.memory_space<hbm>>
      %dma_wait3A_85 = arith.constant 0 : i32
      %dma_wait3A_86 = arith.constant 0 : i32
      %dma_wait3A_87 = tpu.memref_slice %dma_wait3A_84[%dma_wait3A_85, %dma_wait3A_86] : memref<10000x128xf32, #tpu.memory_space<hbm>> -> memref<80x128xf32, #tpu.memory_space<hbm>>
      tpu.wait_dma2 semaphore(%arg13 : memref<!tpu.dma_semaphore, #tpu.memory_space<semaphore_mem>>) src(%dma_wait3A_87 : memref<80x128xf32, #tpu.memory_space<hbm>>) dst(%arg10 : memref<80x128xf32, #tpu.memory_space<vmem>>)
      %dma_wait3A_88 = arith.constant 0 : i32
      %dma_wait3A_89 = tpu.memref_slice %arg4[%dma_wait3A_88] : memref<160000xi32, #tpu.memory_space<hbm>> -> memref<80xi32, #tpu.memory_space<hbm>>
      %dma_wait3A_90 = arith.constant 0 : i32
      %dma_wait3A_91 = tpu.memref_slice %arg4[%dma_wait3A_90] : memref<160000xi32, #tpu.memory_space<hbm>> -> memref<80xi32, #tpu.memory_space<hbm>>
      tpu.wait_dma2 semaphore(%arg15 : memref<!tpu.dma_semaphore, #tpu.memory_space<semaphore_mem>>) src(%dma_wait3A_91 : memref<80xi32, #tpu.memory_space<hbm>>) dst(%arg8 : memref<80xi32, #tpu.memory_space<vmem>>)
      "tpu.region"() ({
        %run_scoped3A = tpu.sem_alloc : memref<!tpu.dma_semaphore, #tpu.memory_space<semaphore_mem>>
        %dma_start3A_92 = arith.constant 0 : i32
        %dma_start3A_93 = arith.constant 0 : i32
        %dma_start3A_94 = tpu.memref_slice %arg12[%dma_start3A_92, %dma_start3A_93] : memref<10000x128xf32, #tpu.memory_space<vmem_shared>> -> memref<10000x128xf32, #tpu.memory_space<vmem_shared>>
        tpu.enqueue_indirect_dma source(%arg10 : memref<80x128xf32, #tpu.memory_space<vmem>>) target(%dma_start3A_94 : memref<10000x128xf32, #tpu.memory_space<vmem_shared>>) offsets(%arg8 : memref<80xi32, #tpu.memory_space<vmem>>) semaphore(%run_scoped3A : memref<!tpu.dma_semaphore, #tpu.memory_space<semaphore_mem>>) {add = true}
        %dma_wait3A_95 = arith.constant 0 : i32
        %dma_wait3A_96 = arith.constant 0 : i32
        %dma_wait3A_97 = tpu.memref_slice %arg12[%dma_wait3A_95, %dma_wait3A_96] : memref<10000x128xf32, #tpu.memory_space<vmem_shared>> -> memref<10000x128xf32, #tpu.memory_space<vmem_shared>>
        tpu.wait_indirect_dma semaphore(%run_scoped3A : memref<!tpu.dma_semaphore, #tpu.memory_space<semaphore_mem>>) src(%arg10 : memref<80x128xf32, #tpu.memory_space<vmem>>) dst(%dma_wait3A_97 : memref<10000x128xf32, #tpu.memory_space<vmem_shared>>)
        tpu.yield
      }) : () -> ()
    } else {
    }
    %barrier3A_45 = arith.constant 0 : index
    tpu.barrier barrier_id(%barrier3A_45)
    %eq3A_46 = arith.constant 0 : i32
    %eq3A_47 = arith.cmpi eq, %arg0, %eq3A_46 : i32
    %convert_element_type3A_48 = arith.extui %eq3A_47 : i1 to i32
    %cond3A_49 = arith.constant 0 : i32
    %cond3A_50 = arith.cmpi ne, %convert_element_type3A_48, %cond3A_49 : i32
    scf.if %cond3A_50 {
      %mul3A_56 = arith.constant 624 : i32
      %mul3A_57 = arith.muli %arg1, %mul3A_56 : i32
      %mul3A_58 = arith.constant 624 : i32
      %mul3A_59 = arith.muli %arg1, %mul3A_58 : i32
      %run_scoped3A = arith.constant 1 : i32
      "tpu.region"() ({
        %run_scoped3A_66 = tpu.sem_alloc : memref<!tpu.dma_semaphore, #tpu.memory_space<semaphore_mem>>
        %dma_start3A = arith.constant 0 : i32
        %dma_start3A_67 = arith.constant 0 : i32
        %dma_start3A_68 = tpu.memref_slice %arg6[%run_scoped3A, %dma_start3A, %dma_start3A_67] : memref<4x10000x128xf32, #tpu.memory_space<hbm>> -> memref<1x10000x128xf32, #tpu.memory_space<hbm>>
        %dma_start3A_69 = tpu.memref_squeeze %dma_start3A_68 : memref<1x10000x128xf32, #tpu.memory_space<hbm>> -> memref<10000x128xf32, #tpu.memory_space<hbm>>
        %dma_start3A_70 = arith.constant 0 : i32
        %dma_start3A_71 = tpu.memref_slice %dma_start3A_69[%mul3A_59, %dma_start3A_70] : memref<10000x128xf32, #tpu.memory_space<hbm>> -> memref<624x128xf32, #tpu.memory_space<hbm>>
        %dma_start3A_72 = arith.constant 0 : i32
        %dma_start3A_73 = tpu.memref_slice %arg12[%mul3A_57, %dma_start3A_72] : memref<10000x128xf32, #tpu.memory_space<vmem_shared>> -> memref<624x128xf32, #tpu.memory_space<vmem_shared>>
        tpu.enqueue_dma source(%dma_start3A_73 : memref<624x128xf32, #tpu.memory_space<vmem_shared>>) target(%dma_start3A_71 : memref<624x128xf32, #tpu.memory_space<hbm>>) target_semaphore(%run_scoped3A_66 : memref<!tpu.dma_semaphore, #tpu.memory_space<semaphore_mem>>)
        %dma_wait3A = arith.constant 0 : i32
        %dma_wait3A_74 = arith.constant 0 : i32
        %dma_wait3A_75 = tpu.memref_slice %arg6[%run_scoped3A, %dma_wait3A, %dma_wait3A_74] : memref<4x10000x128xf32, #tpu.memory_space<hbm>> -> memref<1x10000x128xf32, #tpu.memory_space<hbm>>
        %dma_wait3A_76 = tpu.memref_squeeze %dma_wait3A_75 : memref<1x10000x128xf32, #tpu.memory_space<hbm>> -> memref<10000x128xf32, #tpu.memory_space<hbm>>
        %dma_wait3A_77 = arith.constant 0 : i32
        %dma_wait3A_78 = tpu.memref_slice %dma_wait3A_76[%mul3A_59, %dma_wait3A_77] : memref<10000x128xf32, #tpu.memory_space<hbm>> -> memref<624x128xf32, #tpu.memory_space<hbm>>
        %dma_wait3A_79 = arith.constant 0 : i32
        %dma_wait3A_80 = tpu.memref_slice %arg12[%mul3A_57, %dma_wait3A_79] : memref<10000x128xf32, #tpu.memory_space<vmem_shared>> -> memref<624x128xf32, #tpu.memory_space<vmem_shared>>
        tpu.wait_dma2 semaphore(%run_scoped3A_66 : memref<!tpu.dma_semaphore, #tpu.memory_space<semaphore_mem>>) src(%dma_wait3A_80 : memref<624x128xf32, #tpu.memory_space<vmem_shared>>) dst(%dma_wait3A_78 : memref<624x128xf32, #tpu.memory_space<hbm>>)
        tpu.yield
      }) : () -> ()
      %eq3A_60 = arith.constant 0 : i32
      %eq3A_61 = arith.cmpi eq, %arg1, %eq3A_60 : i32
      %convert_element_type3A_62 = arith.extui %eq3A_61 : i1 to i32
      %cond3A_63 = arith.constant 1 : i32
      %cond3A_64 = arith.constant 0 : i32
      %cond3A_65 = arith.cmpi ne, %convert_element_type3A_62, %cond3A_64 : i32
      scf.if %cond3A_65 {
        "tpu.region"() ({
          %run_scoped3A_66 = tpu.sem_alloc : memref<!tpu.dma_semaphore, #tpu.memory_space<semaphore_mem>>
          %dma_start3A = arith.constant 0 : i32
          %dma_start3A_67 = arith.constant 0 : i32
          %dma_start3A_68 = tpu.memref_slice %arg6[%cond3A_63, %dma_start3A, %dma_start3A_67] : memref<4x10000x128xf32, #tpu.memory_space<hbm>> -> memref<1x10000x128xf32, #tpu.memory_space<hbm>>
          %dma_start3A_69 = tpu.memref_squeeze %dma_start3A_68 : memref<1x10000x128xf32, #tpu.memory_space<hbm>> -> memref<10000x128xf32, #tpu.memory_space<hbm>>
          %dma_start3A_70 = arith.constant 9984 : i32
          %dma_start3A_71 = arith.constant 0 : i32
          %dma_start3A_72 = tpu.memref_slice %dma_start3A_69[%dma_start3A_70, %dma_start3A_71] : memref<10000x128xf32, #tpu.memory_space<hbm>> -> memref<16x128xf32, #tpu.memory_space<hbm>>
          %dma_start3A_73 = arith.constant 9984 : i32
          %dma_start3A_74 = arith.constant 0 : i32
          %dma_start3A_75 = tpu.memref_slice %arg12[%dma_start3A_73, %dma_start3A_74] : memref<10000x128xf32, #tpu.memory_space<vmem_shared>> -> memref<16x128xf32, #tpu.memory_space<vmem_shared>>
          tpu.enqueue_dma source(%dma_start3A_75 : memref<16x128xf32, #tpu.memory_space<vmem_shared>>) target(%dma_start3A_72 : memref<16x128xf32, #tpu.memory_space<hbm>>) target_semaphore(%run_scoped3A_66 : memref<!tpu.dma_semaphore, #tpu.memory_space<semaphore_mem>>)
          %dma_wait3A = arith.constant 0 : i32
          %dma_wait3A_76 = arith.constant 0 : i32
          %dma_wait3A_77 = tpu.memref_slice %arg6[%cond3A_63, %dma_wait3A, %dma_wait3A_76] : memref<4x10000x128xf32, #tpu.memory_space<hbm>> -> memref<1x10000x128xf32, #tpu.memory_space<hbm>>
          %dma_wait3A_78 = tpu.memref_squeeze %dma_wait3A_77 : memref<1x10000x128xf32, #tpu.memory_space<hbm>> -> memref<10000x128xf32, #tpu.memory_space<hbm>>
          %dma_wait3A_79 = arith.constant 9984 : i32
          %dma_wait3A_80 = arith.constant 0 : i32
          %dma_wait3A_81 = tpu.memref_slice %dma_wait3A_78[%dma_wait3A_79, %dma_wait3A_80] : memref<10000x128xf32, #tpu.memory_space<hbm>> -> memref<16x128xf32, #tpu.memory_space<hbm>>
          %dma_wait3A_82 = arith.constant 9984 : i32
          %dma_wait3A_83 = arith.constant 0 : i32
          %dma_wait3A_84 = tpu.memref_slice %arg12[%dma_wait3A_82, %dma_wait3A_83] : memref<10000x128xf32, #tpu.memory_space<vmem_shared>> -> memref<16x128xf32, #tpu.memory_space<vmem_shared>>
          tpu.wait_dma2 semaphore(%run_scoped3A_66 : memref<!tpu.dma_semaphore, #tpu.memory_space<semaphore_mem>>) src(%dma_wait3A_84 : memref<16x128xf32, #tpu.memory_space<vmem_shared>>) dst(%dma_wait3A_81 : memref<16x128xf32, #tpu.memory_space<hbm>>)
          tpu.yield
        }) : () -> ()
      } else {
      }
    } else {
    }
    %eq3A_51 = arith.constant 1 : i32
    %eq3A_52 = arith.cmpi eq, %arg0, %eq3A_51 : i32
    %convert_element_type3A_53 = arith.extui %eq3A_52 : i1 to i32
    %cond3A_54 = arith.constant 0 : i32
    %cond3A_55 = arith.cmpi ne, %convert_element_type3A_53, %cond3A_54 : i32
    scf.if %cond3A_55 {
      %mul3A_56 = arith.constant 624 : i32
      %mul3A_57 = arith.muli %arg1, %mul3A_56 : i32
      %mul3A_58 = arith.constant 624 : i32
      %mul3A_59 = arith.muli %arg1, %mul3A_58 : i32
      %run_scoped3A = arith.constant 3 : i32
      "tpu.region"() ({
        %run_scoped3A_66 = tpu.sem_alloc : memref<!tpu.dma_semaphore, #tpu.memory_space<semaphore_mem>>
        %dma_start3A = arith.constant 0 : i32
        %dma_start3A_67 = arith.constant 0 : i32
        %dma_start3A_68 = tpu.memref_slice %arg6[%run_scoped3A, %dma_start3A, %dma_start3A_67] : memref<4x10000x128xf32, #tpu.memory_space<hbm>> -> memref<1x10000x128xf32, #tpu.memory_space<hbm>>
        %dma_start3A_69 = tpu.memref_squeeze %dma_start3A_68 : memref<1x10000x128xf32, #tpu.memory_space<hbm>> -> memref<10000x128xf32, #tpu.memory_space<hbm>>
        %dma_start3A_70 = arith.constant 0 : i32
        %dma_start3A_71 = tpu.memref_slice %dma_start3A_69[%mul3A_59, %dma_start3A_70] : memref<10000x128xf32, #tpu.memory_space<hbm>> -> memref<624x128xf32, #tpu.memory_space<hbm>>
        %dma_start3A_72 = arith.constant 0 : i32
        %dma_start3A_73 = tpu.memref_slice %arg12[%mul3A_57, %dma_start3A_72] : memref<10000x128xf32, #tpu.memory_space<vmem_shared>> -> memref<624x128xf32, #tpu.memory_space<vmem_shared>>
        tpu.enqueue_dma source(%dma_start3A_73 : memref<624x128xf32, #tpu.memory_space<vmem_shared>>) target(%dma_start3A_71 : memref<624x128xf32, #tpu.memory_space<hbm>>) target_semaphore(%run_scoped3A_66 : memref<!tpu.dma_semaphore, #tpu.memory_space<semaphore_mem>>)
        %dma_wait3A = arith.constant 0 : i32
        %dma_wait3A_74 = arith.constant 0 : i32
        %dma_wait3A_75 = tpu.memref_slice %arg6[%run_scoped3A, %dma_wait3A, %dma_wait3A_74] : memref<4x10000x128xf32, #tpu.memory_space<hbm>> -> memref<1x10000x128xf32, #tpu.memory_space<hbm>>
        %dma_wait3A_76 = tpu.memref_squeeze %dma_wait3A_75 : memref<1x10000x128xf32, #tpu.memory_space<hbm>> -> memref<10000x128xf32, #tpu.memory_space<hbm>>
        %dma_wait3A_77 = arith.constant 0 : i32
        %dma_wait3A_78 = tpu.memref_slice %dma_wait3A_76[%mul3A_59, %dma_wait3A_77] : memref<10000x128xf32, #tpu.memory_space<hbm>> -> memref<624x128xf32, #tpu.memory_space<hbm>>
        %dma_wait3A_79 = arith.constant 0 : i32
        %dma_wait3A_80 = tpu.memref_slice %arg12[%mul3A_57, %dma_wait3A_79] : memref<10000x128xf32, #tpu.memory_space<vmem_shared>> -> memref<624x128xf32, #tpu.memory_space<vmem_shared>>
        tpu.wait_dma2 semaphore(%run_scoped3A_66 : memref<!tpu.dma_semaphore, #tpu.memory_space<semaphore_mem>>) src(%dma_wait3A_80 : memref<624x128xf32, #tpu.memory_space<vmem_shared>>) dst(%dma_wait3A_78 : memref<624x128xf32, #tpu.memory_space<hbm>>)
        tpu.yield
      }) : () -> ()
      %eq3A_60 = arith.constant 0 : i32
      %eq3A_61 = arith.cmpi eq, %arg1, %eq3A_60 : i32
      %convert_element_type3A_62 = arith.extui %eq3A_61 : i1 to i32
      %cond3A_63 = arith.constant 3 : i32
      %cond3A_64 = arith.constant 0 : i32
      %cond3A_65 = arith.cmpi ne, %convert_element_type3A_62, %cond3A_64 : i32
      scf.if %cond3A_65 {
        "tpu.region"() ({
          %run_scoped3A_66 = tpu.sem_alloc : memref<!tpu.dma_semaphore, #tpu.memory_space<semaphore_mem>>
          %dma_start3A = arith.constant 0 : i32
          %dma_start3A_67 = arith.constant 0 : i32
          %dma_start3A_68 = tpu.memref_slice %arg6[%cond3A_63, %dma_start3A, %dma_start3A_67] : memref<4x10000x128xf32, #tpu.memory_space<hbm>> -> memref<1x10000x128xf32, #tpu.memory_space<hbm>>
          %dma_start3A_69 = tpu.memref_squeeze %dma_start3A_68 : memref<1x10000x128xf32, #tpu.memory_space<hbm>> -> memref<10000x128xf32, #tpu.memory_space<hbm>>
          %dma_start3A_70 = arith.constant 9984 : i32
          %dma_start3A_71 = arith.constant 0 : i32
          %dma_start3A_72 = tpu.memref_slice %dma_start3A_69[%dma_start3A_70, %dma_start3A_71] : memref<10000x128xf32, #tpu.memory_space<hbm>> -> memref<16x128xf32, #tpu.memory_space<hbm>>
          %dma_start3A_73 = arith.constant 9984 : i32
          %dma_start3A_74 = arith.constant 0 : i32
          %dma_start3A_75 = tpu.memref_slice %arg12[%dma_start3A_73, %dma_start3A_74] : memref<10000x128xf32, #tpu.memory_space<vmem_shared>> -> memref<16x128xf32, #tpu.memory_space<vmem_shared>>
          tpu.enqueue_dma source(%dma_start3A_75 : memref<16x128xf32, #tpu.memory_space<vmem_shared>>) target(%dma_start3A_72 : memref<16x128xf32, #tpu.memory_space<hbm>>) target_semaphore(%run_scoped3A_66 : memref<!tpu.dma_semaphore, #tpu.memory_space<semaphore_mem>>)
          %dma_wait3A = arith.constant 0 : i32
          %dma_wait3A_76 = arith.constant 0 : i32
          %dma_wait3A_77 = tpu.memref_slice %arg6[%cond3A_63, %dma_wait3A, %dma_wait3A_76] : memref<4x10000x128xf32, #tpu.memory_space<hbm>> -> memref<1x10000x128xf32, #tpu.memory_space<hbm>>
          %dma_wait3A_78 = tpu.memref_squeeze %dma_wait3A_77 : memref<1x10000x128xf32, #tpu.memory_space<hbm>> -> memref<10000x128xf32, #tpu.memory_space<hbm>>
          %dma_wait3A_79 = arith.constant 9984 : i32
          %dma_wait3A_80 = arith.constant 0 : i32
          %dma_wait3A_81 = tpu.memref_slice %dma_wait3A_78[%dma_wait3A_79, %dma_wait3A_80] : memref<10000x128xf32, #tpu.memory_space<hbm>> -> memref<16x128xf32, #tpu.memory_space<hbm>>
          %dma_wait3A_82 = arith.constant 9984 : i32
          %dma_wait3A_83 = arith.constant 0 : i32
          %dma_wait3A_84 = tpu.memref_slice %arg12[%dma_wait3A_82, %dma_wait3A_83] : memref<10000x128xf32, #tpu.memory_space<vmem_shared>> -> memref<16x128xf32, #tpu.memory_space<vmem_shared>>
          tpu.wait_dma2 semaphore(%run_scoped3A_66 : memref<!tpu.dma_semaphore, #tpu.memory_space<semaphore_mem>>) src(%dma_wait3A_84 : memref<16x128xf32, #tpu.memory_space<vmem_shared>>) dst(%dma_wait3A_81 : memref<16x128xf32, #tpu.memory_space<hbm>>)
          tpu.yield
        }) : () -> ()
      } else {
      }
    } else {
    }
    return
  }
}

module attributes {stable_mosaic.version = 14 : i64} {
  func.func @body(%arg0: i32, %arg1: memref<2x1000x128xf32, #tpu.memory_space<vmem>>, %arg2: memref<2x1000x128xf32, #tpu.memory_space<vmem>>, %arg3: memref<1000x256xf32, #tpu.memory_space<vmem>>, %arg4: memref<256x512xf32, #tpu.memory_space<vmem>>, %arg5: memref<256x512xf32, #tpu.memory_space<vmem>>, %arg6: memref<1x512xf32, #tpu.memory_space<vmem>>, %arg7: memref<4x1000x128xf32, #tpu.memory_space<vmem>>) attributes {dimension_semantics = [#tpu.dimension_semantics<arbitrary>], iteration_bounds = array<i64: 10>, scalar_prefetch = 0 : i64, scratch_operands = 0 : i64, tpu.core_type = #tpu.core_type<tc>, window_params = [{transform_indices = @transform_0, window_bounds = array<i64: 2, 1000, 128>}, {transform_indices = @transform_1, window_bounds = array<i64: 2, 1000, 128>}, {transform_indices = @transform_2, window_bounds = array<i64: 1000, 256>}, {pipeline_mode = #tpu.pipeline_mode<synchronous>, transform_indices = @transform_3, window_bounds = array<i64: 256, 512>}, {pipeline_mode = #tpu.pipeline_mode<synchronous>, transform_indices = @transform_4, window_bounds = array<i64: 256, 512>}, {pipeline_mode = #tpu.pipeline_mode<synchronous>, transform_indices = @transform_5, window_bounds = array<i64: 1, 512>}, {transform_indices = @transform_6, window_bounds = array<i64: 4, 1000, 128>}]} {
    %get3A = arith.constant 0 : index
    %get3A_0 = arith.constant 0 : index
    %get3A_1 = arith.constant 0 : index
    %get3A_2 = vector.load %arg2[%get3A, %get3A_0, %get3A_1] : memref<2x1000x128xf32, #tpu.memory_space<vmem>>, vector<1x1000x128xf32>
    %get3A_3 = vector.shape_cast %get3A_2 : vector<1x1000x128xf32> to vector<1000x128xf32>
    %slice3A = vector.extract_strided_slice %get3A_3 {offsets = [0, 0], sizes = [1000, 1], strides = [1, 1]} : vector<1000x128xf32> to vector<1000x1xf32>
    %get3A_4 = arith.constant 1 : index
    %get3A_5 = arith.constant 0 : index
    %get3A_6 = arith.constant 0 : index
    %get3A_7 = vector.load %arg2[%get3A_4, %get3A_5, %get3A_6] : memref<2x1000x128xf32, #tpu.memory_space<vmem>>, vector<1x1000x128xf32>
    %get3A_8 = vector.shape_cast %get3A_7 : vector<1x1000x128xf32> to vector<1000x128xf32>
    %slice3A_9 = vector.extract_strided_slice %get3A_8 {offsets = [0, 0], sizes = [1000, 1], strides = [1, 1]} : vector<1000x128xf32> to vector<1000x1xf32>
    %add3A = arith.addf %slice3A, %slice3A_9 : vector<1000x1xf32>
    %max3A = arith.constant 1.000000e+00 : f32
    %max3A_10 = vector.broadcast %max3A : f32 to vector<1000x1xf32>
    %max3A_11 = arith.maximumf %add3A, %max3A_10 : vector<1000x1xf32>
    %get3A_12 = arith.constant 0 : index
    %get3A_13 = arith.constant 0 : index
    %get3A_14 = arith.constant 0 : index
    %get3A_15 = vector.load %arg1[%get3A_12, %get3A_13, %get3A_14] : memref<2x1000x128xf32, #tpu.memory_space<vmem>>, vector<1x1000x128xf32>
    %get3A_16 = vector.shape_cast %get3A_15 : vector<1x1000x128xf32> to vector<1000x128xf32>
    %get3A_17 = arith.constant 1 : index
    %get3A_18 = arith.constant 0 : index
    %get3A_19 = arith.constant 0 : index
    %get3A_20 = vector.load %arg1[%get3A_17, %get3A_18, %get3A_19] : memref<2x1000x128xf32, #tpu.memory_space<vmem>>, vector<1x1000x128xf32>
    %get3A_21 = vector.shape_cast %get3A_20 : vector<1x1000x128xf32> to vector<1000x128xf32>
    %concatenate3A = tpu.concatenate %get3A_16, %get3A_21 in 1 : vector<1000x128xf32>, vector<1000x128xf32> -> vector<1000x256xf32>
    %div3A = vector.broadcast %max3A_11 : vector<1000x1xf32> to vector<1000x256xf32>
    %div3A_22 = arith.divf %concatenate3A, %div3A : vector<1000x256xf32>
    %get3A_23 = arith.constant 0 : index
    %get3A_24 = arith.constant 0 : index
    %get3A_25 = vector.load %arg4[%get3A_23, %get3A_24] : memref<256x512xf32, #tpu.memory_space<vmem>>, vector<256x512xf32>
    %dot_general3A = arith.constant dense<0.000000e+00> : vector<1000x512xf32>
    %dot_general3A_26 = tpu.matmul %div3A_22, %get3A_25, %dot_general3A {dimension_numbers = #tpu.dot_dimension_numbers<[1], [0], [0], [1], [0, 0, 1, 1], [], []>, transpose_lhs_hint = false} : vector<1000x256xf32>, vector<256x512xf32>, vector<1000x512xf32> -> vector<1000x512xf32>
    %get3A_27 = arith.constant 0 : index
    %get3A_28 = arith.constant 0 : index
    %get3A_29 = vector.load %arg3[%get3A_27, %get3A_28] : memref<1000x256xf32, #tpu.memory_space<vmem>>, vector<1000x256xf32>
    %get3A_30 = arith.constant 0 : index
    %get3A_31 = arith.constant 0 : index
    %get3A_32 = vector.load %arg5[%get3A_30, %get3A_31] : memref<256x512xf32, #tpu.memory_space<vmem>>, vector<256x512xf32>
    %dot_general3A_33 = arith.constant dense<0.000000e+00> : vector<1000x512xf32>
    %dot_general3A_34 = tpu.matmul %get3A_29, %get3A_32, %dot_general3A_33 {dimension_numbers = #tpu.dot_dimension_numbers<[1], [0], [0], [1], [0, 0, 1, 1], [], []>, transpose_lhs_hint = false} : vector<1000x256xf32>, vector<256x512xf32>, vector<1000x512xf32> -> vector<1000x512xf32>
    %add3A_35 = arith.addf %dot_general3A_26, %dot_general3A_34 : vector<1000x512xf32>
    %get3A_36 = arith.constant 0 : index
    %get3A_37 = arith.constant 0 : index
    %get3A_38 = vector.load %arg6[%get3A_36, %get3A_37] : memref<1x512xf32, #tpu.memory_space<vmem>>, vector<1x512xf32>
    %add3A_39 = vector.broadcast %get3A_38 : vector<1x512xf32> to vector<1000x512xf32>
    %add3A_40 = arith.addf %add3A_35, %add3A_39 : vector<1000x512xf32>
    %max3A_41 = arith.constant 0.000000e+00 : f32
    %max3A_42 = vector.broadcast %max3A_41 : f32 to vector<1000x512xf32>
    %max3A_43 = arith.maximumf %add3A_40, %max3A_42 : vector<1000x512xf32>
    %slice3A_44 = vector.extract_strided_slice %max3A_43 {offsets = [0, 0], sizes = [1000, 128], strides = [1, 1]} : vector<1000x512xf32> to vector<1000x128xf32>
    %swap3A = arith.constant 0 : index
    %swap3A_45 = arith.constant 0 : index
    %swap3A_46 = arith.constant 0 : index
    %swap3A_47 = vector.load %arg7[%swap3A, %swap3A_45, %swap3A_46] : memref<4x1000x128xf32, #tpu.memory_space<vmem>>, vector<1x1000x128xf32>
    %swap3A_48 = vector.shape_cast %swap3A_47 : vector<1x1000x128xf32> to vector<1000x128xf32>
    %swap3A_49 = vector.shape_cast %slice3A_44 : vector<1000x128xf32> to vector<1x1000x128xf32>
    tpu.vector_store %arg7[%swap3A, %swap3A_45, %swap3A_46], %swap3A_49 {strides = array<i32>} : memref<4x1000x128xf32, #tpu.memory_space<vmem>>, vector<1x1000x128xf32>,
    %slice3A_50 = vector.extract_strided_slice %max3A_43 {offsets = [0, 128], sizes = [1000, 128], strides = [1, 1]} : vector<1000x512xf32> to vector<1000x128xf32>
    %swap3A_51 = arith.constant 1 : index
    %swap3A_52 = arith.constant 0 : index
    %swap3A_53 = arith.constant 0 : index
    %swap3A_54 = vector.load %arg7[%swap3A_51, %swap3A_52, %swap3A_53] : memref<4x1000x128xf32, #tpu.memory_space<vmem>>, vector<1x1000x128xf32>
    %swap3A_55 = vector.shape_cast %swap3A_54 : vector<1x1000x128xf32> to vector<1000x128xf32>
    %swap3A_56 = vector.shape_cast %slice3A_50 : vector<1000x128xf32> to vector<1x1000x128xf32>
    tpu.vector_store %arg7[%swap3A_51, %swap3A_52, %swap3A_53], %swap3A_56 {strides = array<i32>} : memref<4x1000x128xf32, #tpu.memory_space<vmem>>, vector<1x1000x128xf32>,
    %slice3A_57 = vector.extract_strided_slice %max3A_43 {offsets = [0, 256], sizes = [1000, 128], strides = [1, 1]} : vector<1000x512xf32> to vector<1000x128xf32>
    %swap3A_58 = arith.constant 2 : index
    %swap3A_59 = arith.constant 0 : index
    %swap3A_60 = arith.constant 0 : index
    %swap3A_61 = vector.load %arg7[%swap3A_58, %swap3A_59, %swap3A_60] : memref<4x1000x128xf32, #tpu.memory_space<vmem>>, vector<1x1000x128xf32>
    %swap3A_62 = vector.shape_cast %swap3A_61 : vector<1x1000x128xf32> to vector<1000x128xf32>
    %swap3A_63 = vector.shape_cast %slice3A_57 : vector<1000x128xf32> to vector<1x1000x128xf32>
    tpu.vector_store %arg7[%swap3A_58, %swap3A_59, %swap3A_60], %swap3A_63 {strides = array<i32>} : memref<4x1000x128xf32, #tpu.memory_space<vmem>>, vector<1x1000x128xf32>,
    %slice3A_64 = vector.extract_strided_slice %max3A_43 {offsets = [0, 384], sizes = [1000, 128], strides = [1, 1]} : vector<1000x512xf32> to vector<1000x128xf32>
    %swap3A_65 = arith.constant 3 : index
    %swap3A_66 = arith.constant 0 : index
    %swap3A_67 = arith.constant 0 : index
    %swap3A_68 = vector.load %arg7[%swap3A_65, %swap3A_66, %swap3A_67] : memref<4x1000x128xf32, #tpu.memory_space<vmem>>, vector<1x1000x128xf32>
    %swap3A_69 = vector.shape_cast %swap3A_68 : vector<1x1000x128xf32> to vector<1000x128xf32>
    %swap3A_70 = vector.shape_cast %slice3A_64 : vector<1000x128xf32> to vector<1x1000x128xf32>
    tpu.vector_store %arg7[%swap3A_65, %swap3A_66, %swap3A_67], %swap3A_70 {strides = array<i32>} : memref<4x1000x128xf32, #tpu.memory_space<vmem>>, vector<1x1000x128xf32>,
    return
  }
  func.func @transform_0(%arg0: i32) -> (i32, i32, i32) {
    %c0_i32 = arith.constant 0 : i32
    %c0_i32_0 = arith.constant 0 : i32
    %c0_i32_1 = arith.constant 0 : i32
    return %c0_i32, %arg0, %c0_i32_0 : i32, i32, i32
  }
  func.func @transform_1(%arg0: i32) -> (i32, i32, i32) {
    %c0_i32 = arith.constant 0 : i32
    %c0_i32_0 = arith.constant 0 : i32
    %c0_i32_1 = arith.constant 0 : i32
    return %c0_i32, %arg0, %c0_i32_0 : i32, i32, i32
  }
  func.func @transform_2(%arg0: i32) -> (i32, i32) {
    %c0_i32 = arith.constant 0 : i32
    %c0_i32_0 = arith.constant 0 : i32
    return %arg0, %c0_i32 : i32, i32
  }
  func.func @transform_3(%arg0: i32) -> (i32, i32) {
    %c0_i32 = arith.constant 0 : i32
    %c0_i32_0 = arith.constant 0 : i32
    %c0_i32_1 = arith.constant 0 : i32
    return %c0_i32, %c0_i32_0 : i32, i32
  }
  func.func @transform_4(%arg0: i32) -> (i32, i32) {
    %c0_i32 = arith.constant 0 : i32
    %c0_i32_0 = arith.constant 0 : i32
    %c0_i32_1 = arith.constant 0 : i32
    return %c0_i32, %c0_i32_0 : i32, i32
  }
  func.func @transform_5(%arg0: i32) -> (i32, i32) {
    %c0_i32 = arith.constant 0 : i32
    %c0_i32_0 = arith.constant 0 : i32
    %c0_i32_1 = arith.constant 0 : i32
    return %c0_i32, %c0_i32_0 : i32, i32
  }
  func.func @transform_6(%arg0: i32) -> (i32, i32, i32) {
    %c0_i32 = arith.constant 0 : i32
    %c0_i32_0 = arith.constant 0 : i32
    %c0_i32_1 = arith.constant 0 : i32
    return %c0_i32, %arg0, %c0_i32_0 : i32, i32, i32
  }
}

module attributes {stable_mosaic.version = 14 : i64} {
  func.func @body(%arg0: i32, %arg1: memref<4x1000x128xf32, #tpu.memory_space<vmem>>, %arg2: memref<2x1000x128xf32, #tpu.memory_space<vmem>>, %arg3: memref<4x1000x128xf32, #tpu.memory_space<vmem>>, %arg4: memref<512x512xf32, #tpu.memory_space<vmem>>, %arg5: memref<512x512xf32, #tpu.memory_space<vmem>>, %arg6: memref<1x512xf32, #tpu.memory_space<vmem>>, %arg7: memref<512x1xf32, #tpu.memory_space<vmem>>, %arg8: memref<1x1xf32, #tpu.memory_space<vmem>>, %arg9: memref<1x1xf32, #tpu.memory_space<vmem>>, %arg10: memref<1x512xf32, #tpu.memory_space<vmem>>) attributes {dimension_semantics = [#tpu.dimension_semantics<arbitrary>], iteration_bounds = array<i64: 10>, scalar_prefetch = 0 : i64, scratch_operands = 1 : i64, tpu.core_type = #tpu.core_type<tc>, window_params = [{transform_indices = @transform_0, window_bounds = array<i64: 4, 1000, 128>}, {transform_indices = @transform_1, window_bounds = array<i64: 2, 1000, 128>}, {transform_indices = @transform_2, window_bounds = array<i64: 4, 1000, 128>}, {pipeline_mode = #tpu.pipeline_mode<synchronous>, transform_indices = @transform_3, window_bounds = array<i64: 512, 512>}, {pipeline_mode = #tpu.pipeline_mode<synchronous>, transform_indices = @transform_4, window_bounds = array<i64: 512, 512>}, {pipeline_mode = #tpu.pipeline_mode<synchronous>, transform_indices = @transform_5, window_bounds = array<i64: 1, 512>}, {pipeline_mode = #tpu.pipeline_mode<synchronous>, transform_indices = @transform_6, window_bounds = array<i64: 512, 1>}, {pipeline_mode = #tpu.pipeline_mode<synchronous>, transform_indices = @transform_7, window_bounds = array<i64: 1, 1>}, {pipeline_mode = #tpu.pipeline_mode<synchronous>, transform_indices = @transform_8, window_bounds = array<i64: 1, 1>}]} {
    %get3A = arith.constant 0 : index
    %get3A_0 = arith.constant 0 : index
    %get3A_1 = arith.constant 0 : index
    %get3A_2 = vector.load %arg2[%get3A, %get3A_0, %get3A_1] : memref<2x1000x128xf32, #tpu.memory_space<vmem>>, vector<1x1000x128xf32>
    %get3A_3 = vector.shape_cast %get3A_2 : vector<1x1000x128xf32> to vector<1000x128xf32>
    %slice3A = vector.extract_strided_slice %get3A_3 {offsets = [0, 0], sizes = [1000, 1], strides = [1, 1]} : vector<1000x128xf32> to vector<1000x1xf32>
    %get3A_4 = arith.constant 1 : index
    %get3A_5 = arith.constant 0 : index
    %get3A_6 = arith.constant 0 : index
    %get3A_7 = vector.load %arg2[%get3A_4, %get3A_5, %get3A_6] : memref<2x1000x128xf32, #tpu.memory_space<vmem>>, vector<1x1000x128xf32>
    %get3A_8 = vector.shape_cast %get3A_7 : vector<1x1000x128xf32> to vector<1000x128xf32>
    %slice3A_9 = vector.extract_strided_slice %get3A_8 {offsets = [0, 0], sizes = [1000, 1], strides = [1, 1]} : vector<1000x128xf32> to vector<1000x1xf32>
    %add3A = arith.addf %slice3A, %slice3A_9 : vector<1000x1xf32>
    %max3A = arith.constant 1.000000e+00 : f32
    %max3A_10 = vector.broadcast %max3A : f32 to vector<1000x1xf32>
    %max3A_11 = arith.maximumf %add3A, %max3A_10 : vector<1000x1xf32>
    %get3A_12 = arith.constant 0 : index
    %get3A_13 = arith.constant 0 : index
    %get3A_14 = arith.constant 0 : index
    %get3A_15 = vector.load %arg1[%get3A_12, %get3A_13, %get3A_14] : memref<4x1000x128xf32, #tpu.memory_space<vmem>>, vector<1x1000x128xf32>
    %get3A_16 = vector.shape_cast %get3A_15 : vector<1x1000x128xf32> to vector<1000x128xf32>
    %get3A_17 = arith.constant 1 : index
    %get3A_18 = arith.constant 0 : index
    %get3A_19 = arith.constant 0 : index
    %get3A_20 = vector.load %arg1[%get3A_17, %get3A_18, %get3A_19] : memref<4x1000x128xf32, #tpu.memory_space<vmem>>, vector<1x1000x128xf32>
    %get3A_21 = vector.shape_cast %get3A_20 : vector<1x1000x128xf32> to vector<1000x128xf32>
    %get3A_22 = arith.constant 2 : index
    %get3A_23 = arith.constant 0 : index
    %get3A_24 = arith.constant 0 : index
    %get3A_25 = vector.load %arg1[%get3A_22, %get3A_23, %get3A_24] : memref<4x1000x128xf32, #tpu.memory_space<vmem>>, vector<1x1000x128xf32>
    %get3A_26 = vector.shape_cast %get3A_25 : vector<1x1000x128xf32> to vector<1000x128xf32>
    %get3A_27 = arith.constant 3 : index
    %get3A_28 = arith.constant 0 : index
    %get3A_29 = arith.constant 0 : index
    %get3A_30 = vector.load %arg1[%get3A_27, %get3A_28, %get3A_29] : memref<4x1000x128xf32, #tpu.memory_space<vmem>>, vector<1x1000x128xf32>
    %get3A_31 = vector.shape_cast %get3A_30 : vector<1x1000x128xf32> to vector<1000x128xf32>
    %concatenate3A = tpu.concatenate %get3A_16, %get3A_21, %get3A_26, %get3A_31 in 1 : vector<1000x128xf32>, vector<1000x128xf32>, vector<1000x128xf32>, vector<1000x128xf32> -> vector<1000x512xf32>
    %div3A = vector.broadcast %max3A_11 : vector<1000x1xf32> to vector<1000x512xf32>
    %div3A_32 = arith.divf %concatenate3A, %div3A : vector<1000x512xf32>
    %get3A_33 = arith.constant 0 : index
    %get3A_34 = arith.constant 0 : index
    %get3A_35 = arith.constant 0 : index
    %get3A_36 = vector.load %arg3[%get3A_33, %get3A_34, %get3A_35] : memref<4x1000x128xf32, #tpu.memory_space<vmem>>, vector<1x1000x128xf32>
    %get3A_37 = vector.shape_cast %get3A_36 : vector<1x1000x128xf32> to vector<1000x128xf32>
    %get3A_38 = arith.constant 1 : index
    %get3A_39 = arith.constant 0 : index
    %get3A_40 = arith.constant 0 : index
    %get3A_41 = vector.load %arg3[%get3A_38, %get3A_39, %get3A_40] : memref<4x1000x128xf32, #tpu.memory_space<vmem>>, vector<1x1000x128xf32>
    %get3A_42 = vector.shape_cast %get3A_41 : vector<1x1000x128xf32> to vector<1000x128xf32>
    %get3A_43 = arith.constant 2 : index
    %get3A_44 = arith.constant 0 : index
    %get3A_45 = arith.constant 0 : index
    %get3A_46 = vector.load %arg3[%get3A_43, %get3A_44, %get3A_45] : memref<4x1000x128xf32, #tpu.memory_space<vmem>>, vector<1x1000x128xf32>
    %get3A_47 = vector.shape_cast %get3A_46 : vector<1x1000x128xf32> to vector<1000x128xf32>
    %get3A_48 = arith.constant 3 : index
    %get3A_49 = arith.constant 0 : index
    %get3A_50 = arith.constant 0 : index
    %get3A_51 = vector.load %arg3[%get3A_48, %get3A_49, %get3A_50] : memref<4x1000x128xf32, #tpu.memory_space<vmem>>, vector<1x1000x128xf32>
    %get3A_52 = vector.shape_cast %get3A_51 : vector<1x1000x128xf32> to vector<1000x128xf32>
    %concatenate3A_53 = tpu.concatenate %get3A_37, %get3A_42, %get3A_47, %get3A_52 in 1 : vector<1000x128xf32>, vector<1000x128xf32>, vector<1000x128xf32>, vector<1000x128xf32> -> vector<1000x512xf32>
    %get3A_54 = arith.constant 0 : index
    %get3A_55 = arith.constant 0 : index
    %get3A_56 = vector.load %arg4[%get3A_54, %get3A_55] : memref<512x512xf32, #tpu.memory_space<vmem>>, vector<512x512xf32>
    %dot_general3A = arith.constant dense<0.000000e+00> : vector<1000x512xf32>
    %dot_general3A_57 = tpu.matmul %div3A_32, %get3A_56, %dot_general3A {dimension_numbers = #tpu.dot_dimension_numbers<[1], [0], [0], [1], [0, 0, 1, 1], [], []>, transpose_lhs_hint = false} : vector<1000x512xf32>, vector<512x512xf32>, vector<1000x512xf32> -> vector<1000x512xf32>
    %get3A_58 = arith.constant 0 : index
    %get3A_59 = arith.constant 0 : index
    %get3A_60 = vector.load %arg5[%get3A_58, %get3A_59] : memref<512x512xf32, #tpu.memory_space<vmem>>, vector<512x512xf32>
    %dot_general3A_61 = arith.constant dense<0.000000e+00> : vector<1000x512xf32>
    %dot_general3A_62 = tpu.matmul %concatenate3A_53, %get3A_60, %dot_general3A_61 {dimension_numbers = #tpu.dot_dimension_numbers<[1], [0], [0], [1], [0, 0, 1, 1], [], []>, transpose_lhs_hint = false} : vector<1000x512xf32>, vector<512x512xf32>, vector<1000x512xf32> -> vector<1000x512xf32>
    %add3A_63 = arith.addf %dot_general3A_57, %dot_general3A_62 : vector<1000x512xf32>
    %get3A_64 = arith.constant 0 : index
    %get3A_65 = arith.constant 0 : index
    %get3A_66 = vector.load %arg6[%get3A_64, %get3A_65] : memref<1x512xf32, #tpu.memory_space<vmem>>, vector<1x512xf32>
    %add3A_67 = vector.broadcast %get3A_66 : vector<1x512xf32> to vector<1000x512xf32>
    %add3A_68 = arith.addf %add3A_63, %add3A_67 : vector<1000x512xf32>
    %max3A_69 = arith.constant 0.000000e+00 : f32
    %max3A_70 = vector.broadcast %max3A_69 : f32 to vector<1000x512xf32>
    %max3A_71 = arith.maximumf %add3A_68, %max3A_70 : vector<1000x512xf32>
    %reduce_sum3A = arith.constant dense<0.000000e+00> : vector<512xf32>
    %reduce_sum3A_72 = vector.multi_reduction <add>, %max3A_71, %reduce_sum3A [0] : vector<1000x512xf32> to vector<512xf32>
    %broadcast_in_dim3A = vector.shape_cast %reduce_sum3A_72 : vector<512xf32> to vector<1x512xf32>
    %eq3A = arith.constant 0 : i32
    %eq3A_73 = arith.cmpi eq, %arg0, %eq3A : i32
    %convert_element_type3A = arith.extui %eq3A_73 : i1 to i32
    %cond3A = arith.constant 0 : i32
    %cond3A_74 = arith.cmpi ne, %convert_element_type3A, %cond3A : i32
    scf.if %cond3A_74 {
      %swap3A = arith.constant 0 : index
      %swap3A_84 = arith.constant 0 : index
      %swap3A_85 = vector.load %arg10[%swap3A, %swap3A_84] : memref<1x512xf32, #tpu.memory_space<vmem>>, vector<1x512xf32>
      tpu.vector_store %arg10[%swap3A, %swap3A_84], %broadcast_in_dim3A {strides = array<i32>} : memref<1x512xf32, #tpu.memory_space<vmem>>, vector<1x512xf32>,
    } else {
    }
    %gt3A = arith.constant 0 : i32
    %gt3A_75 = arith.cmpi sgt, %arg0, %gt3A : i32
    %convert_element_type3A_76 = arith.extui %gt3A_75 : i1 to i32
    %cond3A_77 = arith.constant 0 : i32
    %cond3A_78 = arith.cmpi ne, %convert_element_type3A_76, %cond3A_77 : i32
    scf.if %cond3A_78 {
      %get3A_84 = arith.constant 0 : index
      %get3A_85 = arith.constant 0 : index
      %get3A_86 = vector.load %arg10[%get3A_84, %get3A_85] : memref<1x512xf32, #tpu.memory_space<vmem>>, vector<1x512xf32>
      %add3A_87 = arith.addf %get3A_86, %broadcast_in_dim3A : vector<1x512xf32>
      %swap3A = arith.constant 0 : index
      %swap3A_88 = arith.constant 0 : index
      %swap3A_89 = vector.load %arg10[%swap3A, %swap3A_88] : memref<1x512xf32, #tpu.memory_space<vmem>>, vector<1x512xf32>
      tpu.vector_store %arg10[%swap3A, %swap3A_88], %add3A_87 {strides = array<i32>} : memref<1x512xf32, #tpu.memory_space<vmem>>, vector<1x512xf32>,
    } else {
    }
    %eq3A_79 = arith.constant 9 : i32
    %eq3A_80 = arith.cmpi eq, %arg0, %eq3A_79 : i32
    %convert_element_type3A_81 = arith.extui %eq3A_80 : i1 to i32
    %cond3A_82 = arith.constant 0 : i32
    %cond3A_83 = arith.cmpi ne, %convert_element_type3A_81, %cond3A_82 : i32
    scf.if %cond3A_83 {
      %get3A_84 = arith.constant 0 : index
      %get3A_85 = arith.constant 0 : index
      %get3A_86 = vector.load %arg10[%get3A_84, %get3A_85] : memref<1x512xf32, #tpu.memory_space<vmem>>, vector<1x512xf32>
      %div3A_87 = arith.constant 1.000000e+04 : f32
      %div3A_88 = vector.broadcast %div3A_87 : f32 to vector<1x512xf32>
      %div3A_89 = arith.divf %get3A_86, %div3A_88 : vector<1x512xf32>
      %get3A_90 = arith.constant 0 : index
      %get3A_91 = arith.constant 0 : index
      %get3A_92 = vector.load %arg7[%get3A_90, %get3A_91] : memref<512x1xf32, #tpu.memory_space<vmem>>, vector<512x1xf32>
      %dot_general3A_93 = arith.constant dense<0.000000e+00> : vector<1x1xf32>
      %dot_general3A_94 = tpu.matmul %div3A_89, %get3A_92, %dot_general3A_93 {dimension_numbers = #tpu.dot_dimension_numbers<[1], [0], [0], [1], [0, 0, 1, 1], [], []>, transpose_lhs_hint = false} : vector<1x512xf32>, vector<512x1xf32>, vector<1x1xf32> -> vector<1x1xf32>
      %get3A_95 = arith.constant 0 : index
      %get3A_96 = arith.constant 0 : index
      %get3A_97 = vector.load %arg8[%get3A_95, %get3A_96] : memref<1x1xf32, #tpu.memory_space<vmem>>, vector<1x1xf32>
      %add3A_98 = arith.addf %dot_general3A_94, %get3A_97 : vector<1x1xf32>
      %swap3A = arith.constant 0 : index
      %swap3A_99 = arith.constant 0 : index
      %swap3A_100 = vector.load %arg9[%swap3A, %swap3A_99] : memref<1x1xf32, #tpu.memory_space<vmem>>, vector<1x1xf32>
      tpu.vector_store %arg9[%swap3A, %swap3A_99], %add3A_98 {strides = array<i32>} : memref<1x1xf32, #tpu.memory_space<vmem>>, vector<1x1xf32>,
    } else {
    }
    return
  }
  func.func @transform_0(%arg0: i32) -> (i32, i32, i32) {
    %c0_i32 = arith.constant 0 : i32
    %c0_i32_0 = arith.constant 0 : i32
    %c0_i32_1 = arith.constant 0 : i32
    return %c0_i32, %arg0, %c0_i32_0 : i32, i32, i32
  }
  func.func @transform_1(%arg0: i32) -> (i32, i32, i32) {
    %c0_i32 = arith.constant 0 : i32
    %c0_i32_0 = arith.constant 0 : i32
    %c0_i32_1 = arith.constant 0 : i32
    return %c0_i32, %arg0, %c0_i32_0 : i32, i32, i32
  }
  func.func @transform_2(%arg0: i32) -> (i32, i32, i32) {
    %c0_i32 = arith.constant 0 : i32
    %c0_i32_0 = arith.constant 0 : i32
    %c0_i32_1 = arith.constant 0 : i32
    return %c0_i32, %arg0, %c0_i32_0 : i32, i32, i32
  }
  func.func @transform_3(%arg0: i32) -> (i32, i32) {
    %c0_i32 = arith.constant 0 : i32
    %c0_i32_0 = arith.constant 0 : i32
    %c0_i32_1 = arith.constant 0 : i32
    return %c0_i32, %c0_i32_0 : i32, i32
  }
  func.func @transform_4(%arg0: i32) -> (i32, i32) {
    %c0_i32 = arith.constant 0 : i32
    %c0_i32_0 = arith.constant 0 : i32
    %c0_i32_1 = arith.constant 0 : i32
    return %c0_i32, %c0_i32_0 : i32, i32
  }
  func.func @transform_5(%arg0: i32) -> (i32, i32) {
    %c0_i32 = arith.constant 0 : i32
    %c0_i32_0 = arith.constant 0 : i32
    %c0_i32_1 = arith.constant 0 : i32
    return %c0_i32, %c0_i32_0 : i32, i32
  }
  func.func @transform_6(%arg0: i32) -> (i32, i32) {
    %c0_i32 = arith.constant 0 : i32
    %c0_i32_0 = arith.constant 0 : i32
    %c0_i32_1 = arith.constant 0 : i32
    return %c0_i32, %c0_i32_0 : i32, i32
  }
  func.func @transform_7(%arg0: i32) -> (i32, i32) {
    %c0_i32 = arith.constant 0 : i32
    %c0_i32_0 = arith.constant 0 : i32
    %c0_i32_1 = arith.constant 0 : i32
    return %c0_i32, %c0_i32_0 : i32, i32
  }
  func.func @transform_8(%arg0: i32) -> (i32, i32) {
    %c0_i32 = arith.constant 0 : i32
    %c0_i32_0 = arith.constant 0 : i32
    %c0_i32_1 = arith.constant 0 : i32
    return %c0_i32, %c0_i32_0 : i32, i32
  }
}

</mosaic_0001>

<sc_bundles>
// kernel: kernel.10.cloned.1.call-start
scs
__scs_entry_jumppad:
0x0: {  	(pc) =	sbr.rel $0x88, $3  }
0x1: {  	(tag) =	ssettag $0x0;
	lr =	simm.s32 $0x1  }
0x2: {  	[smem:$0x3F97] =	sst lr;
	_ =	strace $0xD0000000  }
0x3: {  	_ = 	snop  }
0x4: {  	_ = 	snop  }
0x5: {  	_ = 	snop  }
0x6: {  	_ = 	snop  }
0x7: {  	_ = 	snop  }
__scs_overlays_trampoline_lowered:
0x8: {  	[smem:$0x3FA6] =	sst s0  }
0x9: {  	[smem:$0x3FA7] =	sst s1  }
0xa: {  	[smem:$0x3FA8] =	sst s2  }
0xb: {  	[smem:$0x3FA9] =	sst s3  }
0xc: {  	[smem:$0x3FAA] =	sst s4  }
0xd: {  	[smem:$0x3FAB] =	sst s5  }
0xe: {  	[smem:$0x3FAC] =	sst s6  }
0xf: {  	[smem:$0x3FAD] =	sst s7  }
0x10: {  	[smem:$0x3FAE] =	sst s8  }
0x11: {  	[smem:$0x3FAF] =	sst s9;
	s0 =	simm.s32 @!p0 $0x0  }
0x12: {  	s1 =	sld [smem:$0x3F95];
	s0 =	simm.s32 @p0 $0x1  }
0x13: {  	[smem:$0x3FB0] =	sst s0;
	s0 =	simm.s32 @!p1 $0x0  }
0x14: {  	s2 =	sld [smem:$0x3F94];
	s0 =	simm.s32 @p1 $0x1  }
0x15: {  	[smem:$0x3FB1] =	sst s0;
	s0 =	simm.s32 @!p2 $0x0  }
0x16: {  	s3 =	sld [smem:$0x3FDB];
	s0 =	simm.s32 @p2 $0x1  }
0x17: {  	s4 =	simm.s32 $0x1BF5;
	[smem:$0x3FB3] =	sst s0  }
0x18: {  	s0 =	sld [smem:$0x3F96];
	_ =	swait.ge [sflag:s4], $0x0  }
0x19: {  	s7 =	sld [smem:$0x3F97]  }
0x1a: {  	s8 =	sadd.s32 $0xFFFFE003, lr  }
0x1b: {  	s9 =	sadd.s32 $0xFFFFFEF7, lr;
	s5 =	simm.s32 $0xFFFFFFFF;
	p2 =	slt.u32 s8, $0xFFFFF086  }
0x1c: {  	p1 =	slt.u32 s9, $0xF7A;
	s5 =	simm.s32 @!p2 $0x0  }
0x1d: {  	s5 =	simm.s32 @p1 $0x1;
	p0 =	seq.s32 s7, s2  }
0x1e: {  	s7 =	smul.u32 @!p0 $0xF7A, s2;
	p2 =	seq.s32 @!p0 s5, $0x0  }
0x1f: {  	s9 =	smul.u32 $0xF7A, s1;
	s8 =	simm.s32 @!p0 $0x1BF5;
	p2 =	por !p2, p0  }
0x20: {  	[sflag:s8] =	ssyncset.s32 @!p0 $0xFFFFF086;
	s6 =	sadd.s32 @!p0 s3, s7;
	s7 =	simm.s32 @!p0 $0x108  }
0x21: {  	s3 =	sadd.s32 s3, s9;
	s6 =	sadd.s32 @!p0 $0x88, s6;
	s7 =	simm.s32 @p2 $0x1082  }
0x22: {  	[simem:s7], [sflag:s8] =	dma.local @!p0 [hbm:s6], $0xF7A  }
0x23: {  	s9 =	sor.u32 $0xD0000000, s2;
	s6 =	simm.s32 $0x108;
	_ =	swait.ge @!p0 [sflag:s8], $0x0  }
0x24: {  	s3 =	sadd.s32 $0x88, s3;
	s6 =	simm.s32 @!p1 $0x1082;
	[sflag:s4] =	ssyncset.s32 $0xFFFFF086  }
0x25: {  	[simem:s6], [sflag:s4] =	dma.local [hbm:s3], $0xF7A  }
0x26: {  	[smem:$0x3F97] =	sst s1;
	(tag) =	ssettag s2;
	_ =	strace s9  }
0x27: {  	s1 =	sld [smem:$0x3FA7]  }
0x28: {  	s2 =	sld [smem:$0x3FA8]  }
0x29: {  	s4 =	sld [smem:$0x3FAA]  }
0x2a: {  	p0 =	seq.s32 s5, $0x0;
	s5 =	sld [smem:$0x3FAB]  }
0x2b: {  	s6 =	sld [smem:$0x3FAC]  }
0x2c: {  	s7 =	sld [smem:$0x3FAD]  }
0x2d: {  	s3 =	simm.s32 $0x108;
	s8 =	sld [smem:$0x3FAE]  }
0x2e: {  	s3 =	simm.s32 @!p0 $0x1082;
	s9 =	sld [smem:$0x3FAF]  }
0x2f: {  	lr =	sadd.s32 s0, s3;
	s0 =	sld [smem:$0x3FA6]  }
0x30: {  	s3 =	sld [smem:$0x3FA9]  }
0x31: {  	[smem:$0x3FB2] =	sst s10  }
0x32: {  	s10 =	sld [smem:$0x3FB0];
	_ =	sdelay $0x3  }
0x33: {  	p0 =	seq.s32 s10, $0x1;
	s10 =	sld [smem:$0x3FB2];
	_ =	sdelay $0x3  }
0x34: {  	[smem:$0x3FB2] =	sst s10  }
0x35: {  	s10 =	sld [smem:$0x3FB1];
	_ =	sdelay $0x3  }
0x36: {  	p1 =	seq.s32 s10, $0x1;
	s10 =	sld [smem:$0x3FB2];
	_ =	sdelay $0x3  }
0x37: {  	[smem:$0x3FB2] =	sst s10  }
0x38: {  	s10 =	sld [smem:$0x3FB3]  }
0x39: {  	_ = 	snop;
	(pc) =	sbr.ind lr, $3  }
0x3a: {  	_ = 	snop  }
0x3b: {  	_ = 	snop  }
0x3c: {  	p2 =	seq.s32 s10, $0x1;
	s10 =	sld [smem:$0x3FB2]  }
0x3d: {  	_ =	shalt  }
0x3e: {  	_ =	shalt  }
0x3f: {  	_ =	shalt  }
0x40: {  	_ =	shalt  }
0x41: {  	_ =	shalt  }
0x42: {  	_ =	shalt  }
0x43: {  	_ =	shalt  }
0x44: {  	_ =	shalt  }
0x45: {  	_ =	shalt  }
0x46: {  	_ =	shalt  }
0x47: {  	_ =	shalt  }
0x48: {  	_ =	shalt  }
0x49: {  	_ =	shalt  }
0x4a: {  	_ =	shalt  }
0x4b: {  	_ =	shalt  }
0x4c: {  	_ =	shalt  }
0x4d: {  	_ =	shalt  }
0x4e: {  	_ =	shalt  }
0x4f: {  	_ =	shalt  }
0x50: {  	_ =	shalt  }
0x51: {  	_ =	shalt  }
0x52: {  	_ =	shalt  }
0x53: {  	_ =	shalt  }
0x54: {  	_ =	shalt  }
0x55: {  	_ =	shalt  }
0x56: {  	_ =	shalt  }
0x57: {  	_ =	shalt  }
0x58: {  	_ =	shalt  }
0x59: {  	_ =	shalt  }
0x5a: {  	_ =	shalt  }
0x5b: {  	_ =	shalt  }
0x5c: {  	_ =	shalt  }
0x5d: {  	_ =	shalt  }
0x5e: {  	_ =	shalt  }
0x5f: {  	_ =	shalt  }
0x60: {  	_ =	shalt  }
0x61: {  	_ =	shalt  }
0x62: {  	_ =	shalt  }
0x63: {  	_ =	shalt  }
0x64: {  	_ =	shalt  }
0x65: {  	_ =	shalt  }
0x66: {  	_ =	shalt  }
0x67: {  	_ =	shalt  }
0x68: {  	_ =	shalt  }
0x69: {  	_ =	shalt  }
0x6a: {  	_ =	shalt  }
0x6b: {  	_ =	shalt  }
0x6c: {  	_ =	shalt  }
0x6d: {  	_ =	shalt  }
0x6e: {  	_ =	shalt  }
0x6f: {  	_ =	shalt  }
0x70: {  	_ =	shalt  }
0x71: {  	_ =	shalt  }
0x72: {  	_ =	shalt  }
0x73: {  	_ =	shalt  }
0x74: {  	_ =	shalt  }
0x75: {  	_ =	shalt  }
0x76: {  	_ =	shalt  }
0x77: {  	_ =	shalt  }
0x78: {  	_ =	shalt  }
0x79: {  	_ =	shalt  }
0x7a: {  	_ =	shalt  }
0x7b: {  	_ =	shalt  }
0x7c: {  	_ =	shalt  }
0x7d: {  	_ =	shalt  }
0x7e: {  	_ =	shalt  }
0x7f: {  	_ =	shalt  }
0x80: {  	_ =	shalt  }
0x81: {  	_ =	shalt  }
0x82: {  	_ =	shalt  }
0x83: {  	_ =	shalt  }
0x84: {  	_ =	shalt  }
0x85: {  	_ =	shalt  }
0x86: {  	_ =	shalt  }
0x87: {  	_ =	shalt  }
.Lfunc_end0:
.L_simem_size_0:
called_computation.1_lowered:
.L_overlay_start_0:
0x88: {  	s2 =	sld [smem:$0x3FD9]  }
0x89: {  	s3 =	sld [smem:$0x3FFE];
	_ =	sdelay $0x1  }
0x8a: {  	s1 =	srdreg.scid  }
0x8b: {  	s0 =	sand.u32 $0x1, s1  }
0x8c: {  	s16 =	sshll.u32 s0, $0xA;
	s2 =	sadd.s32 s3, s2  }
0x8d: {  	s2 =	sadd.s32 s2, s16  }
0x8e: {  	[smem:$0x3FBE] =	sst s2  }
0x8f: {  	_ = 	snop  }
0x90: {  	(tm) =	ssettm $0x1  }
0x91: {  	s17 =	sld [smem:$0x3FFB];
	_ =	sdelay $0x3  }
0x92: {  	_ =	strace s17  }
0x93: {  	s2 =	sld [smem:$0x3FFC];
	_ =	sdelay $0x3  }
0x94: {  	_ =	strace s2  }
0x95: {  	s2 =	sld [smem:$0x3FFD];
	_ =	sdelay $0x3  }
0x96: {  	_ =	strace s2  }
0x97: {  	_ =	strace $0x8FFFFFFF  }
0x98: {  	s18 =	sld [smem:$0x3FDB];
	_ =	sdelay $0x1  }
0x99: {  	s19 =	simm.s32 $_scs_section_size  }
0x9a: {  	s4 =	simm.s32 $_size__tile_overlayer_lowered;
	s5 =	simm.s32 $_tile_overlayer_lowered  }
0x9b: {  	s22 =	simm.s32 $0x1BFF;
	s21 =	sshll.u32 s5, $0x1;
	s2 =	sadd.s32 s19, s18  }
0x9c: {  	s6 =	simm.s32 $0x0;
	s20 =	sshll.u32 s4, $0x1;
	s4 =	sadd.s32 s21, s2  }
0x9d: {  	[timem:s6], [sflag:s22] =	dma.local [hbm:s4], s20  }
0x9e: {  	_ =	swait.ge [sflag:s22], s20  }
0x9f: {  	s3 =	ssub.s32 $0x0, s20;
	[sflag:s22] =	ssyncset.done $0x0  }
0xa0: {  	[sflag:s22] =	ssyncadd.s32 s3;
	_ =	sdelay $0x1  }
0xa1: {  	s23 =	simm.s32 $0x1B8B  }
0xa2: {  	_ =	swait.ge [sflag:s23], $0x1  }
0xa3: {  	[sflag:s23] =	ssyncset.done $0x0  }
0xa4: {  	s25 =	simm.s32 $0x1B8E;
	s24 =	sld [smem:$0x3FFE];
	[sflag:s23] =	ssyncadd.s32 $0xFFFFFFFF  }
0xa5: {  	s26 =	simm.s32 $execute0_lowered;
	[smem:$0x3FD2] =	sst s25  }
0xa6: {  	s4 =	sshll.u32 s26, $0x1;
	_ =	strace $0x80000046;
	[dreg:$0x1] =	wrdreg $0xFFFFFFFF  }
0xa7: {  	s28 =	simm.s32 $_size_execute0_lowered;
	s2 =	sadd.s32 s2, s4;
	[dreg:$0x0] =	wrdreg $0x0  }
0xa8: {  	s4 =	sshll.u32 s28, $0x1;
	[dreg:$0x2] =	wrdreg s2  }
0xa9: {  	[dreg:$0x3] =	wrdreg s4  }
0xaa: {  	[dreg:$0x4] =	wrdreg $0xC0  }
0xab: {  	_ =	task [dreg:s6], $0x5FFFF  }
0xac: {  	[dreg:$0x1] =	wrdreg $0xFFFFFFFF  }
0xad: {  	[dreg:$0x0] =	wrdreg $0x60  }
0xae: {  	[dreg:$0x2] =	wrdreg s24  }
0xaf: {  	[dreg:$0x3] =	wrdreg $0x78800  }
0xb0: {  	[dreg:$0x4] =	wrdreg $0xA  }
0xb1: {  	_ =	task.clear_ibuf [dreg:s6], $0x5FFFF;
	_ =	strace $0x90000046  }
0xb2: {  	s29 =	simm.s32 $0xA;
	_ =	strace $0x80000048  }
0xb3: {  	_ =	swait.ge [sflag:s29], $0x1  }
0xb4: {  	[sflag:s29] =	ssyncadd.s32 $0xFFFFFFFF  }
0xb5: {  	_ =	strace $0x90000048  }
0xb6: {  	_ =	sfence  }
0xb7: {  	s30 =	sld [smem:$0x0];
	_ =	sdelay $0x2  }
0xb8: {  	s31 =	sshll.u32 s1, $0xD;
	s1 =	sshrl.u32 s1, $0x2  }
0xb9: {  	s3 =	sand.u32 $0x4000, s31;
	s1 =	sadd.s32 s1, s30  }
0xba: {  	s0 =	sor.u32 s3, s0;
	s1 =	sshll.u32 s1, $0x11  }
0xbb: {  	s0 =	sor.u32 s1, s0  }
0xbc: {  	s0 =	sadd.s32 $0x8F2B, s0  }
0xbd: {  	[sflag:s0] =	ssyncadd.remote.s32 $0x1  }
0xbe: {  	_ =	sfence.sel $0xFFFF  }
0xbf: {  	[dreg:$0x0] =	wrdreg $0xFFFFFFFF;
	(pc) =	sbr.abs _section_cstart, $3  }
0xc0: {  	[dreg:$0x1] =	wrdreg $0xFFFFFFFF  }
0xc1: {  	_ =	task.clear_ibuf [dreg:s6], $0x2FFFF;
	_ =	strace $0x9FFFFFFF  }
0xc2: {  	(tm) =	ssettm $0x7FFFFFFF  }
0xc3: {  	_ =	shalt  }
tec
execute0_lowered:
.L_overlay_start_1:
0x0: {  	(tag) =	ssettag $0x1  }
0x1: {  	s11 =	rddreg [dreg:$0x0]  }
0x2: {  	s1 =	rddreg [dreg:$0x1];
	s25 =	stileid.u32  }
0x3: {  	s2 =	simm.s32 $0x0;
	s4 =	srdreg.scid;
	s20 =	simm.s32 $0x2880  }
0x4: {  	s21 =	simm.s32 $0x2780;
	s22 =	simm.s32 $0x1;
	s23 =	simm.s32 $0x3  }
0x5: {  	s24 =	simm.s32 $0x5080;
	s26 =	simm.s32 $0x2;
	s28 =	simm.s32 $0x4  }
0x6: {  	s29 =	simm.s32 $0x0;
	s3 =	smul.u32 $0x2710, s25;
	[smem:$0x7FF] =	sst s2  }
0x7: {  	s19 =	sand.u32 $0x1, s4;
	s14 =	sadd.s32 $0x1600, s11;
	s9 =	smul.u32 $0x4E000, s25  }
0x8: {  	s4 =	sadd.s32 $0x59800, s11;
	s5 =	sadd.s32 $0x5C000, s11;
	s0 =	sadd.s32 $0x138000, s1  }
0x9: {  	s15 =	smul.u32 $0x4E2, s25;
	p0 =	sne.s32 s25, $0x0;
	s16 =	sshll.u32 s25, $0x6  }
0xa: {  	p2 =	seq.s32 s25, $0x0;
	_ =	strace $0x80000047;
	s7 =	ssub.s32 $0x2, s19  }
0xb: {  	s16 =	sor.u32 $0x1C05, s16;
	[dreg:$0x3] =	wrdreg s0;
	s18 =	sshrl.u32 @!p0 s0, $0x3  }
0xc: {  	p1 =	sne.s32 s19, $0x0;
	s19 =	simm.s32 $0x50;
	s10 =	sshrl.u32 s3, $0x3  }
0xd: {  	s3 =	sadd.s32 $0xB600, s11;
	s8 =	sshrl.u32 s7, $0x1;
	s31 =	sshrl.u32 s9, $0x2  }
.Ltmp0:
0xe: {  	s9 =	sadd.s32 $0x32700, s11;
	s6 =	sadd.s32 s10, s11;
	(pc) =	sbr.rel .LBB2_1-.Ltmp0, $4  }
0xf: {  	s13 =	ssub.s32 s7, s8;
	s7 =	smul.u32 $0x2700, s25;
	s17 =	sadd.s32 s31, s1  }
0x10: {  	s10 =	sadd.s32 s14, s10;
	s11 =	sadd.s32 $0x83100, s11;
	s14 =	sadd.s32 s15, s14  }
0x11: {  	s15 =	simm.s32 $0x5;
	s25 =	simm.s32 $0x2800;
	s6 =	sadd.s32 $0x6600, s6  }
0x12: {  	s13 =	smax.u32 s13, $0x1;
	s17 =	sshrl.u32 s17, $0x3;
	s12 =	sadd.s32 s5, s7  }
.LBB2_8:
0x13: {  	s8 =	rddreg [dreg:$0x3]  }
0x14: {  	s0 =	sadd.s32 $0x27000, s30;
	s8 =	sshrl.u32 s8, $0x3  }
0x15: {  	[hbm:s0], [sflag:s16] =	dma.local [spmem:s8], $0x100  }
0x16: {  	_ =	swait.ge [sflag:s15], $0x100  }
0x17: {  	[sflag:s15] =	ssyncset.done $0x0  }
0x18: {  	[sflag:s15] =	ssyncadd.s32 $0xFFFFFF00  }
.LBB2_9:
0x19: {  	s29 =	sadd.s32 $0x1, s29  }
0x1a: {  	p3 =	sne.s32 s29, s13  }
.Ltmp1:
0x1b: {  	_ = 	snop;
	(pc) =	sbr.rel @!p3 .LBB2_10-.Ltmp1, $1  }
0x1c: {  	_ =	sdelay $0x3  }
.LBB2_1:
0x1d: {  	[tilespmem:s2], [sflag:$0x5] =	stream.linear.gather [hbm4b:s6+s2], $0x2710, $0x38;
	[tilespmem:$0x1B100] =	vst v63  }
0x1e: {  	_ =	swait.ge [sflag:s15], $0x2710  }
0x1f: {  	[sflag:s15] =	ssyncset.done $0x0  }
0x20: {  	[sflag:s15] =	ssyncadd.s32 $0xFFFFD8F0  }
0x21: {  	[spmem:s17], [sflag:s16] =	dma.local [hbm:s4], $0x2700  }
0x22: {  	_ =	swait.ge [sflag:s15], $0x2700  }
0x23: {  	[sflag:s15] =	ssyncset.done $0x0  }
0x24: {  	s30 =	simm.s32 @!p0 $0x5;
	[sflag:s15] =	ssyncadd.s32 $0xFFFFD900  }
0x25: {  	[spmem:s18], [sflag:s16] =	dma.local @!p0 [hbm:s4], $0x100  }
.Ltmp2:
0x26: {  	_ =	swait.ge @!p0 [sflag:s30], $0x100;
	(pc) =	sbr.rel @p1 .LBB2_5-.Ltmp2, $3  }
0x27: {  	[sflag:s30] =	ssyncset.done @!p0 $0x0  }
0x28: {  	[sflag:s30] =	ssyncadd.s32 @!p0 $0xFFFFFF00  }
0x29: {  	[bflag:$0x0] =	sbarrier.arrive $0xFFFF;
	_ =	sdelay $0x1  }
0x2a: {  	[tilespmem:s20], [sflag:$0x1] =	stream.indirect.gather [hbm4b:s3+s19], $0x80, s2, s19, $0xb8;
	[tilespmem:$0x1B100] =	vst v63  }
0x2b: {  	_ = 	snop  }
0x2c: {  	[tilespmem:s21], [sflag:$0x3] =	stream.linear.gather [hbm4b:s10+s2], $0x50, $0x38;
	[tilespmem:$0x1B100] =	vst v63  }
0x2d: {  	_ =	swait.ge [sflag:s22], $0x2800  }
0x2e: {  	[sflag:s22] =	ssyncset.done $0x0  }
0x2f: {  	[sflag:s22] =	ssyncadd.s32 $0xFFFFD800  }
0x30: {  	_ =	swait.ge [sflag:s23], $0x50  }
0x31: {  	[sflag:s23] =	ssyncset.done $0x0  }
0x32: {  	s30 =	simm.s32 $0x50;
	s31 =	sadd.s32 $0xFFFFFB28, s14;
	[sflag:s23] =	ssyncadd.s32 $0xFFFFFFB0  }
0x33: {  	[tilespmem:s24], [sflag:$0x2] =	stream.indirect.gather [hbm4b:s3+s19], $0x80, s30, s19, $0xb8;
	[tilespmem:$0x1B100] =	vst v63  }
0x34: {  	s30 =	sadd.s32 $0x4E2, s31  }
0x35: {  	[tilespmem:s25], [sflag:$0x4] =	stream.linear.gather [hbm4b:s30+s2], $0x50, $0x38;
	[tilespmem:$0x1B100] =	vst v63  }
0x36: {  	_ = 	snop  }
0x37: {  	[spmem:s1] =	stream.indirect.scatter.add.f32 [tilespmem:s20], [sflag:$0x5], $0x80, s21, s19, $0xb8;
	[tilespmem:$0x1B100] =	vst v63  }
0x38: {  	_ =	swait.ge [sflag:s15], $0x2800  }
0x39: {  	[sflag:s15] =	ssyncset.done $0x0  }
0x3a: {  	[sflag:s15] =	ssyncadd.s32 $0xFFFFD800  }
0x3b: {  	_ =	swait.ge [sflag:s26], $0x2800  }
0x3c: {  	[sflag:s26] =	ssyncset.done $0x0  }
0x3d: {  	[sflag:s26] =	ssyncadd.s32 $0xFFFFD800  }
0x3e: {  	_ =	swait.ge [sflag:s28], $0x50  }
0x3f: {  	[sflag:s28] =	ssyncset.done $0x0  }
0x40: {  	s30 =	simm.s32 $0xA0;
	[sflag:s28] =	ssyncadd.s32 $0xFFFFFFB0  }
0x41: {  	[tilespmem:s20], [sflag:$0x1] =	stream.indirect.gather [hbm4b:s3+s19], $0x80, s30, s19, $0xb8;
	[tilespmem:$0x1B100] =	vst v63  }
0x42: {  	s31 =	sadd.s32 $0x4EC, s31  }
0x43: {  	[tilespmem:s21], [sflag:$0x3] =	stream.linear.gather [hbm4b:s31+s2], $0x50, $0x38;
	[tilespmem:$0x1B100] =	vst v63  }
0x44: {  	_ = 	snop  }
0x45: {  	[spmem:s1] =	stream.indirect.scatter.add.f32 [tilespmem:s24], [sflag:$0x5], $0x80, s25, s19, $0xb8;
	[tilespmem:$0x1B100] =	vst v63  }
0x46: {  	_ =	swait.ge [sflag:s15], $0x2800  }
0x47: {  	s31 =	simm.s32 $0xFFFFFB3C;
	[sflag:s15] =	ssyncset.done $0x0  }
.LBB2_3:
0x48: {  	p3 =	sne.s32 s31, $0xFFFFFFEC;
	[sflag:s15] =	ssyncadd.s32 $0xFFFFD800;
	s30 =	sadd.s32 $0xA0, s30  }
0x49: {  	s0 =	smov.u32 s31;
	s31 =	sadd.s32 $0x14, s31  }
0x4a: {  	_ =	swait.ge [sflag:s22], $0x2800  }
0x4b: {  	[sflag:s22] =	ssyncset.done $0x0  }
0x4c: {  	[sflag:s22] =	ssyncadd.s32 $0xFFFFD800  }
0x4d: {  	_ =	swait.ge [sflag:s23], $0x50  }
0x4e: {  	[sflag:s23] =	ssyncset.done $0x0  }
0x4f: {  	s8 =	sadd.s32 $0xFFFFFFB0, s30;
	s0 =	sadd.s32 s0, s14;
	[sflag:s23] =	ssyncadd.s32 $0xFFFFFFB0  }
0x50: {  	[tilespmem:s24], [sflag:$0x2] =	stream.indirect.gather [hbm4b:s3+s19], $0x80, s8, s19, $0xb8;
	[tilespmem:$0x1B100] =	vst v63  }
0x51: {  	s8 =	sadd.s32 $0x4E2, s0  }
0x52: {  	[tilespmem:s25], [sflag:$0x4] =	stream.linear.gather [hbm4b:s8+s2], $0x50, $0x38;
	[tilespmem:$0x1B100] =	vst v63  }
0x53: {  	_ = 	snop  }
0x54: {  	[spmem:s1] =	stream.indirect.scatter.add.f32 [tilespmem:s20], [sflag:$0x5], $0x80, s21, s19, $0xb8;
	[tilespmem:$0x1B100] =	vst v63  }
0x55: {  	_ =	swait.ge [sflag:s15], $0x2800  }
0x56: {  	[sflag:s15] =	ssyncset.done $0x0  }
0x57: {  	[sflag:s15] =	ssyncadd.s32 $0xFFFFD800  }
0x58: {  	_ =	swait.ge [sflag:s26], $0x2800  }
0x59: {  	[sflag:s26] =	ssyncset.done $0x0  }
0x5a: {  	[sflag:s26] =	ssyncadd.s32 $0xFFFFD800  }
0x5b: {  	_ =	swait.ge [sflag:s28], $0x50  }
0x5c: {  	[sflag:s28] =	ssyncset.done $0x0  }
0x5d: {  	[sflag:s28] =	ssyncadd.s32 $0xFFFFFFB0  }
0x5e: {  	[tilespmem:s20], [sflag:$0x1] =	stream.indirect.gather [hbm4b:s3+s19], $0x80, s30, s19, $0xb8;
	[tilespmem:$0x1B100] =	vst v63  }
0x5f: {  	s0 =	sadd.s32 $0x4EC, s0  }
0x60: {  	[tilespmem:s21], [sflag:$0x3] =	stream.linear.gather [hbm4b:s0+s2], $0x50, $0x38;
	[tilespmem:$0x1B100] =	vst v63  }
.Ltmp3:
0x61: {  	_ = 	snop;
	(pc) =	sbr.rel @p3 .LBB2_3-.Ltmp3, $4  }
0x62: {  	_ = 	snop  }
0x63: {  	[spmem:s1] =	stream.indirect.scatter.add.f32 [tilespmem:s24], [sflag:$0x5], $0x80, s25, s19, $0xb8;
	[tilespmem:$0x1B100] =	vst v63  }
0x64: {  	_ =	swait.ge [sflag:s15], $0x2800  }
0x65: {  	[sflag:s15] =	ssyncset.done $0x0  }
0x66: {  	[sflag:s15] =	ssyncadd.s32 $0xFFFFD800  }
0x67: {  	_ =	swait.ge [sflag:s22], $0x2800  }
0x68: {  	[sflag:s22] =	ssyncset.done $0x0  }
0x69: {  	[sflag:s22] =	ssyncadd.s32 $0xFFFFD800  }
0x6a: {  	_ =	swait.ge [sflag:s23], $0x50  }
0x6b: {  	[sflag:s23] =	ssyncset.done $0x0  }
0x6c: {  	[sflag:s23] =	ssyncadd.s32 $0xFFFFFFB0  }
0x6d: {  	[spmem:s1] =	stream.indirect.scatter.add.f32 [tilespmem:s20], [sflag:$0x5], $0x80, s21, s19, $0xb8;
	[tilespmem:$0x1B100] =	vst v63  }
0x6e: {  	_ =	swait.ge [sflag:s15], $0x2800  }
0x6f: {  	[sflag:s15] =	ssyncset.done $0x0  }
0x70: {  	[sflag:s15] =	ssyncadd.s32 $0xFFFFD800  }
0x71: {  	[bflag:$0x0] =	sbarrier.arrive $0xFFFF  }
0x72: {  	[hbm:s12], [sflag:s16] =	dma.local [spmem:s17], $0x2700  }
.Ltmp4:
0x73: {  	_ = 	snop;
	(pc) =	sbr.rel @!p2 .LBB2_9-.Ltmp4, $4  }
.Ltmp5:
0x74: {  	_ = 	snop;
	(pc) =	sbr.rel @p2 .LBB2_8-.Ltmp5, $4  }
0x75: {  	_ =	swait.ge [sflag:s15], $0x2700  }
0x76: {  	[sflag:s15] =	ssyncset.done $0x0  }
0x77: {  	s30 =	smov.u32 s5;
	[sflag:s15] =	ssyncadd.s32 $0xFFFFD900  }
0x78: {  	_ = 	snop  }
.LBB2_5:
0x79: {  	[tilespmem:s20], [sflag:$0x1] =	stream.indirect.gather [hbm4b:s9+s19], $0x80, s2, s19, $0xb8;
	[tilespmem:$0x1B100] =	vst v63  }
0x7a: {  	_ = 	snop  }
0x7b: {  	[tilespmem:s21], [sflag:$0x3] =	stream.linear.gather [hbm4b:s10+s2], $0x50, $0x38;
	[tilespmem:$0x1B100] =	vst v63  }
0x7c: {  	_ =	swait.ge [sflag:s22], $0x2800  }
0x7d: {  	[sflag:s22] =	ssyncset.done $0x0  }
0x7e: {  	[sflag:s22] =	ssyncadd.s32 $0xFFFFD800  }
0x7f: {  	_ =	swait.ge [sflag:s23], $0x50  }
0x80: {  	[sflag:s23] =	ssyncset.done $0x0  }
0x81: {  	s0 =	simm.s32 $0x50;
	s8 =	sadd.s32 $0xFFFFFB28, s14;
	[sflag:s23] =	ssyncadd.s32 $0xFFFFFFB0  }
0x82: {  	[tilespmem:s24], [sflag:$0x2] =	stream.indirect.gather [hbm4b:s9+s19], $0x80, s0, s19, $0xb8;
	[tilespmem:$0x1B100] =	vst v63  }
0x83: {  	s0 =	sadd.s32 $0x4E2, s8  }
0x84: {  	[tilespmem:s25], [sflag:$0x4] =	stream.linear.gather [hbm4b:s0+s2], $0x50, $0x38;
	[tilespmem:$0x1B100] =	vst v63  }
0x85: {  	_ = 	snop  }
0x86: {  	[spmem:s1] =	stream.indirect.scatter.add.f32 [tilespmem:s20], [sflag:$0x5], $0x80, s21, s19, $0xb8;
	[tilespmem:$0x1B100] =	vst v63  }
0x87: {  	_ =	swait.ge [sflag:s15], $0x2800  }
0x88: {  	[sflag:s15] =	ssyncset.done $0x0  }
0x89: {  	[sflag:s15] =	ssyncadd.s32 $0xFFFFD800  }
0x8a: {  	_ =	swait.ge [sflag:s26], $0x2800  }
0x8b: {  	[sflag:s26] =	ssyncset.done $0x0  }
0x8c: {  	[sflag:s26] =	ssyncadd.s32 $0xFFFFD800  }
0x8d: {  	_ =	swait.ge [sflag:s28], $0x50  }
0x8e: {  	[sflag:s28] =	ssyncset.done $0x0  }
0x8f: {  	s30 =	simm.s32 $0xA0;
	[sflag:s28] =	ssyncadd.s32 $0xFFFFFFB0  }
0x90: {  	[tilespmem:s20], [sflag:$0x1] =	stream.indirect.gather [hbm4b:s9+s19], $0x80, s30, s19, $0xb8;
	[tilespmem:$0x1B100] =	vst v63  }
0x91: {  	s8 =	sadd.s32 $0x4EC, s8  }
0x92: {  	[tilespmem:s21], [sflag:$0x3] =	stream.linear.gather [hbm4b:s8+s2], $0x50, $0x38;
	[tilespmem:$0x1B100] =	vst v63  }
0x93: {  	_ = 	snop  }
0x94: {  	[spmem:s1] =	stream.indirect.scatter.add.f32 [tilespmem:s24], [sflag:$0x5], $0x80, s25, s19, $0xb8;
	[tilespmem:$0x1B100] =	vst v63  }
0x95: {  	_ =	swait.ge [sflag:s15], $0x2800  }
0x96: {  	s31 =	simm.s32 $0xFFFFFB3C;
	[sflag:s15] =	ssyncset.done $0x0  }
.LBB2_6:
0x97: {  	p3 =	sne.s32 s31, $0xFFFFFFEC;
	[sflag:s15] =	ssyncadd.s32 $0xFFFFD800;
	s30 =	sadd.s32 $0xA0, s30  }
0x98: {  	s0 =	smov.u32 s31;
	s31 =	sadd.s32 $0x14, s31  }
0x99: {  	_ =	swait.ge [sflag:s22], $0x2800  }
0x9a: {  	[sflag:s22] =	ssyncset.done $0x0  }
0x9b: {  	[sflag:s22] =	ssyncadd.s32 $0xFFFFD800  }
0x9c: {  	_ =	swait.ge [sflag:s23], $0x50  }
0x9d: {  	[sflag:s23] =	ssyncset.done $0x0  }
0x9e: {  	s8 =	sadd.s32 $0xFFFFFFB0, s30;
	s0 =	sadd.s32 s0, s14;
	[sflag:s23] =	ssyncadd.s32 $0xFFFFFFB0  }
0x9f: {  	[tilespmem:s24], [sflag:$0x2] =	stream.indirect.gather [hbm4b:s9+s19], $0x80, s8, s19, $0xb8;
	[tilespmem:$0x1B100] =	vst v63  }
0xa0: {  	s8 =	sadd.s32 $0x4E2, s0  }
0xa1: {  	[tilespmem:s25], [sflag:$0x4] =	stream.linear.gather [hbm4b:s8+s2], $0x50, $0x38;
	[tilespmem:$0x1B100] =	vst v63  }
0xa2: {  	_ = 	snop  }
0xa3: {  	[spmem:s1] =	stream.indirect.scatter.add.f32 [tilespmem:s20], [sflag:$0x5], $0x80, s21, s19, $0xb8;
	[tilespmem:$0x1B100] =	vst v63  }
0xa4: {  	_ =	swait.ge [sflag:s15], $0x2800  }
0xa5: {  	[sflag:s15] =	ssyncset.done $0x0  }
0xa6: {  	[sflag:s15] =	ssyncadd.s32 $0xFFFFD800  }
0xa7: {  	_ =	swait.ge [sflag:s26], $0x2800  }
0xa8: {  	[sflag:s26] =	ssyncset.done $0x0  }
0xa9: {  	[sflag:s26] =	ssyncadd.s32 $0xFFFFD800  }
0xaa: {  	_ =	swait.ge [sflag:s28], $0x50  }
0xab: {  	[sflag:s28] =	ssyncset.done $0x0  }
0xac: {  	[sflag:s28] =	ssyncadd.s32 $0xFFFFFFB0  }
0xad: {  	[tilespmem:s20], [sflag:$0x1] =	stream.indirect.gather [hbm4b:s9+s19], $0x80, s30, s19, $0xb8;
	[tilespmem:$0x1B100] =	vst v63  }
0xae: {  	s0 =	sadd.s32 $0x4EC, s0  }
0xaf: {  	[tilespmem:s21], [sflag:$0x3] =	stream.linear.gather [hbm4b:s0+s2], $0x50, $0x38;
	[tilespmem:$0x1B100] =	vst v63  }
.Ltmp6:
0xb0: {  	_ = 	snop;
	(pc) =	sbr.rel @p3 .LBB2_6-.Ltmp6, $4  }
0xb1: {  	_ = 	snop  }
0xb2: {  	[spmem:s1] =	stream.indirect.scatter.add.f32 [tilespmem:s24], [sflag:$0x5], $0x80, s25, s19, $0xb8;
	[tilespmem:$0x1B100] =	vst v63  }
0xb3: {  	_ =	swait.ge [sflag:s15], $0x2800  }
0xb4: {  	[sflag:s15] =	ssyncset.done $0x0  }
0xb5: {  	[sflag:s15] =	ssyncadd.s32 $0xFFFFD800  }
0xb6: {  	_ =	swait.ge [sflag:s22], $0x2800  }
0xb7: {  	[sflag:s22] =	ssyncset.done $0x0  }
0xb8: {  	[sflag:s22] =	ssyncadd.s32 $0xFFFFD800  }
0xb9: {  	_ =	swait.ge [sflag:s23], $0x50  }
0xba: {  	[sflag:s23] =	ssyncset.done $0x0  }
0xbb: {  	[sflag:s23] =	ssyncadd.s32 $0xFFFFFFB0  }
0xbc: {  	[spmem:s1] =	stream.indirect.scatter.add.f32 [tilespmem:s20], [sflag:$0x5], $0x80, s21, s19, $0xb8;
	[tilespmem:$0x1B100] =	vst v63  }
0xbd: {  	_ =	swait.ge [sflag:s15], $0x2800  }
0xbe: {  	[sflag:s15] =	ssyncset.done $0x0  }
0xbf: {  	[sflag:s15] =	ssyncadd.s32 $0xFFFFD800  }
0xc0: {  	s0 =	sadd.s32 s7, s11;
	[bflag:$0x0] =	sbarrier.arrive $0xFFFF  }
0xc1: {  	[hbm:s0], [sflag:s16] =	dma.local [spmem:s17], $0x2700  }
.Ltmp7:
0xc2: {  	_ = 	snop;
	(pc) =	sbr.rel @p0 .LBB2_9-.Ltmp7, $4  }
.Ltmp8:
0xc3: {  	_ = 	snop;
	(pc) =	sbr.rel @!p0 .LBB2_8-.Ltmp8, $4  }
0xc4: {  	_ =	swait.ge [sflag:s15], $0x2700  }
0xc5: {  	[sflag:s15] =	ssyncset.done $0x0  }
0xc6: {  	s30 =	smov.u32 s11;
	[sflag:s15] =	ssyncadd.s32 $0xFFFFD900  }
0xc7: {  	_ = 	snop  }
.LBB2_10:
0xc8: {  	_ =	sfence.sel $0x180000  }
0xc9: {  	[bflag:$0x0] =	sbarrier.arrive $0xFFFF  }
0xca: {  	_ =	strace $0x90000047  }
0xcb: {  	[bflag:$0x2] =	sbarrier.arrive $0xFFFF  }
0xcc: {  	s0 =	rddreg [dreg:$0x2]  }
0xcd: {  	s0 =	sadd.s32 @!p0 $0x100000, s0  }
0xce: {  	[sflag:s0] =	ssyncadd.tile.s32 @!p0 $0x1;
	_ =	shalt  }
.Lfunc_end2:
_tile_overlayer_lowered:
.L_overlay_start_2:
0xcf: {  	(tag) =	ssettag $0x2  }
0xd0: {  	s0 =	rddreg [dreg:$0x0];
	s2 =	stileid.u32  }
0xd1: {  	s1 =	rddreg [dreg:$0x1];
	p0 =	sne.s32 s2, $0x0  }
0xd2: {  	s3 =	rddreg [dreg:$0x2];
	[bflag:$0x3] =	sbarrier.arrive $0xFFFF;
	s2 =	simm.s32 @!p0 $0x1C05  }
0xd3: {  	[timem:s3], [sflag:s2] =	dma.local @!p0 [hbm:s0], s1  }
0xd4: {  	s0 =	simm.s32 @!p0 $0x5  }
0xd5: {  	_ =	swait.ge @!p0 [sflag:s0], s1  }
0xd6: {  	s1 =	ssub.s32 @!p0 $0x0, s1;
	[sflag:s0] =	ssyncset.done @!p0 $0x0  }
0xd7: {  	[sflag:s0] =	ssyncadd.s32 @!p0 s1  }
0xd8: {  	[bflag:$0x3] =	sbarrier.arrive $0xFFFF  }
0xd9: {  	_ =	shalt  }

// kernel: kernel.13.cloned.1.call-start
scs
__scs_entry_jumppad:
0x0: {  	(pc) =	sbr.rel $0x88, $3  }
0x1: {  	(tag) =	ssettag $0x0;
	lr =	simm.s32 $0x1  }
0x2: {  	[smem:$0x3F97] =	sst lr;
	_ =	strace $0xD0000000  }
0x3: {  	_ = 	snop  }
0x4: {  	_ = 	snop  }
0x5: {  	_ = 	snop  }
0x6: {  	_ = 	snop  }
0x7: {  	_ = 	snop  }
__scs_overlays_trampoline_lowered:
0x8: {  	[smem:$0x3FA6] =	sst s0  }
0x9: {  	[smem:$0x3FA7] =	sst s1  }
0xa: {  	[smem:$0x3FA8] =	sst s2  }
0xb: {  	[smem:$0x3FA9] =	sst s3  }
0xc: {  	[smem:$0x3FAA] =	sst s4  }
0xd: {  	[smem:$0x3FAB] =	sst s5  }
0xe: {  	[smem:$0x3FAC] =	sst s6  }
0xf: {  	[smem:$0x3FAD] =	sst s7  }
0x10: {  	[smem:$0x3FAE] =	sst s8  }
0x11: {  	[smem:$0x3FAF] =	sst s9;
	s0 =	simm.s32 @!p0 $0x0  }
0x12: {  	s1 =	sld [smem:$0x3F95];
	s0 =	simm.s32 @p0 $0x1  }
0x13: {  	[smem:$0x3FB0] =	sst s0;
	s0 =	simm.s32 @!p1 $0x0  }
0x14: {  	s2 =	sld [smem:$0x3F94];
	s0 =	simm.s32 @p1 $0x1  }
0x15: {  	[smem:$0x3FB1] =	sst s0;
	s0 =	simm.s32 @!p2 $0x0  }
0x16: {  	s3 =	sld [smem:$0x3FDB];
	s0 =	simm.s32 @p2 $0x1  }
0x17: {  	s4 =	simm.s32 $0x1BF5;
	[smem:$0x3FB3] =	sst s0  }
0x18: {  	s0 =	sld [smem:$0x3F96];
	_ =	swait.ge [sflag:s4], $0x0  }
0x19: {  	s7 =	sld [smem:$0x3F97]  }
0x1a: {  	s8 =	sadd.s32 $0xFFFFE003, lr  }
0x1b: {  	s9 =	sadd.s32 $0xFFFFFEF7, lr;
	s5 =	simm.s32 $0xFFFFFFFF;
	p2 =	slt.u32 s8, $0xFFFFF086  }
0x1c: {  	p1 =	slt.u32 s9, $0xF7A;
	s5 =	simm.s32 @!p2 $0x0  }
0x1d: {  	s5 =	simm.s32 @p1 $0x1;
	p0 =	seq.s32 s7, s2  }
0x1e: {  	s7 =	smul.u32 @!p0 $0xF7A, s2;
	p2 =	seq.s32 @!p0 s5, $0x0  }
0x1f: {  	s9 =	smul.u32 $0xF7A, s1;
	s8 =	simm.s32 @!p0 $0x1BF5;
	p2 =	por !p2, p0  }
0x20: {  	[sflag:s8] =	ssyncset.s32 @!p0 $0xFFFFF086;
	s6 =	sadd.s32 @!p0 s3, s7;
	s7 =	simm.s32 @!p0 $0x108  }
0x21: {  	s3 =	sadd.s32 s3, s9;
	s6 =	sadd.s32 @!p0 $0x88, s6;
	s7 =	simm.s32 @p2 $0x1082  }
0x22: {  	[simem:s7], [sflag:s8] =	dma.local @!p0 [hbm:s6], $0xF7A  }
0x23: {  	s9 =	sor.u32 $0xD0000000, s2;
	s6 =	simm.s32 $0x108;
	_ =	swait.ge @!p0 [sflag:s8], $0x0  }
0x24: {  	s3 =	sadd.s32 $0x88, s3;
	s6 =	simm.s32 @!p1 $0x1082;
	[sflag:s4] =	ssyncset.s32 $0xFFFFF086  }
0x25: {  	[simem:s6], [sflag:s4] =	dma.local [hbm:s3], $0xF7A  }
0x26: {  	[smem:$0x3F97] =	sst s1;
	(tag) =	ssettag s2;
	_ =	strace s9  }
0x27: {  	s1 =	sld [smem:$0x3FA7]  }
0x28: {  	s2 =	sld [smem:$0x3FA8]  }
0x29: {  	s4 =	sld [smem:$0x3FAA]  }
0x2a: {  	p0 =	seq.s32 s5, $0x0;
	s5 =	sld [smem:$0x3FAB]  }
0x2b: {  	s6 =	sld [smem:$0x3FAC]  }
0x2c: {  	s7 =	sld [smem:$0x3FAD]  }
0x2d: {  	s3 =	simm.s32 $0x108;
	s8 =	sld [smem:$0x3FAE]  }
0x2e: {  	s3 =	simm.s32 @!p0 $0x1082;
	s9 =	sld [smem:$0x3FAF]  }
0x2f: {  	lr =	sadd.s32 s0, s3;
	s0 =	sld [smem:$0x3FA6]  }
0x30: {  	s3 =	sld [smem:$0x3FA9]  }
0x31: {  	[smem:$0x3FB2] =	sst s10  }
0x32: {  	s10 =	sld [smem:$0x3FB0];
	_ =	sdelay $0x3  }
0x33: {  	p0 =	seq.s32 s10, $0x1;
	s10 =	sld [smem:$0x3FB2];
	_ =	sdelay $0x3  }
0x34: {  	[smem:$0x3FB2] =	sst s10  }
0x35: {  	s10 =	sld [smem:$0x3FB1];
	_ =	sdelay $0x3  }
0x36: {  	p1 =	seq.s32 s10, $0x1;
	s10 =	sld [smem:$0x3FB2];
	_ =	sdelay $0x3  }
0x37: {  	[smem:$0x3FB2] =	sst s10  }
0x38: {  	s10 =	sld [smem:$0x3FB3]  }
0x39: {  	_ = 	snop;
	(pc) =	sbr.ind lr, $3  }
0x3a: {  	_ = 	snop  }
0x3b: {  	_ = 	snop  }
0x3c: {  	p2 =	seq.s32 s10, $0x1;
	s10 =	sld [smem:$0x3FB2]  }
0x3d: {  	_ =	shalt  }
0x3e: {  	_ =	shalt  }
0x3f: {  	_ =	shalt  }
0x40: {  	_ =	shalt  }
0x41: {  	_ =	shalt  }
0x42: {  	_ =	shalt  }
0x43: {  	_ =	shalt  }
0x44: {  	_ =	shalt  }
0x45: {  	_ =	shalt  }
0x46: {  	_ =	shalt  }
0x47: {  	_ =	shalt  }
0x48: {  	_ =	shalt  }
0x49: {  	_ =	shalt  }
0x4a: {  	_ =	shalt  }
0x4b: {  	_ =	shalt  }
0x4c: {  	_ =	shalt  }
0x4d: {  	_ =	shalt  }
0x4e: {  	_ =	shalt  }
0x4f: {  	_ =	shalt  }
0x50: {  	_ =	shalt  }
0x51: {  	_ =	shalt  }
0x52: {  	_ =	shalt  }
0x53: {  	_ =	shalt  }
0x54: {  	_ =	shalt  }
0x55: {  	_ =	shalt  }
0x56: {  	_ =	shalt  }
0x57: {  	_ =	shalt  }
0x58: {  	_ =	shalt  }
0x59: {  	_ =	shalt  }
0x5a: {  	_ =	shalt  }
0x5b: {  	_ =	shalt  }
0x5c: {  	_ =	shalt  }
0x5d: {  	_ =	shalt  }
0x5e: {  	_ =	shalt  }
0x5f: {  	_ =	shalt  }
0x60: {  	_ =	shalt  }
0x61: {  	_ =	shalt  }
0x62: {  	_ =	shalt  }
0x63: {  	_ =	shalt  }
0x64: {  	_ =	shalt  }
0x65: {  	_ =	shalt  }
0x66: {  	_ =	shalt  }
0x67: {  	_ =	shalt  }
0x68: {  	_ =	shalt  }
0x69: {  	_ =	shalt  }
0x6a: {  	_ =	shalt  }
0x6b: {  	_ =	shalt  }
0x6c: {  	_ =	shalt  }
0x6d: {  	_ =	shalt  }
0x6e: {  	_ =	shalt  }
0x6f: {  	_ =	shalt  }
0x70: {  	_ =	shalt  }
0x71: {  	_ =	shalt  }
0x72: {  	_ =	shalt  }
0x73: {  	_ =	shalt  }
0x74: {  	_ =	shalt  }
0x75: {  	_ =	shalt  }
0x76: {  	_ =	shalt  }
0x77: {  	_ =	shalt  }
0x78: {  	_ =	shalt  }
0x79: {  	_ =	shalt  }
0x7a: {  	_ =	shalt  }
0x7b: {  	_ =	shalt  }
0x7c: {  	_ =	shalt  }
0x7d: {  	_ =	shalt  }
0x7e: {  	_ =	shalt  }
0x7f: {  	_ =	shalt  }
0x80: {  	_ =	shalt  }
0x81: {  	_ =	shalt  }
0x82: {  	_ =	shalt  }
0x83: {  	_ =	shalt  }
0x84: {  	_ =	shalt  }
0x85: {  	_ =	shalt  }
0x86: {  	_ =	shalt  }
0x87: {  	_ =	shalt  }
.Lfunc_end0:
.L_simem_size_0:
called_computation.2_lowered:
.L_overlay_start_0:
0x88: {  	s2 =	sld [smem:$0x3FD9]  }
0x89: {  	s3 =	sld [smem:$0x3FFE];
	_ =	sdelay $0x1  }
0x8a: {  	s1 =	srdreg.scid  }
0x8b: {  	s0 =	sand.u32 $0x1, s1  }
0x8c: {  	s16 =	sshll.u32 s0, $0xA;
	s2 =	sadd.s32 s3, s2  }
0x8d: {  	s2 =	sadd.s32 s2, s16  }
0x8e: {  	[smem:$0x3FBE] =	sst s2  }
0x8f: {  	_ = 	snop  }
0x90: {  	(tm) =	ssettm $0x1  }
0x91: {  	s17 =	sld [smem:$0x3FFB];
	_ =	sdelay $0x3  }
0x92: {  	_ =	strace s17  }
0x93: {  	s2 =	sld [smem:$0x3FFC];
	_ =	sdelay $0x3  }
0x94: {  	_ =	strace s2  }
0x95: {  	s2 =	sld [smem:$0x3FFD];
	_ =	sdelay $0x3  }
0x96: {  	_ =	strace s2  }
0x97: {  	_ =	strace $0x8FFFFFFF  }
0x98: {  	s18 =	sld [smem:$0x3FDB];
	_ =	sdelay $0x1  }
0x99: {  	s19 =	simm.s32 $_scs_section_size  }
0x9a: {  	s4 =	simm.s32 $_size__tile_overlayer_lowered;
	s5 =	simm.s32 $_tile_overlayer_lowered  }
0x9b: {  	s22 =	simm.s32 $0x1BFF;
	s21 =	sshll.u32 s5, $0x1;
	s2 =	sadd.s32 s19, s18  }
0x9c: {  	s6 =	simm.s32 $0x0;
	s20 =	sshll.u32 s4, $0x1;
	s4 =	sadd.s32 s21, s2  }
0x9d: {  	[timem:s6], [sflag:s22] =	dma.local [hbm:s4], s20  }
0x9e: {  	_ =	swait.ge [sflag:s22], s20  }
0x9f: {  	s3 =	ssub.s32 $0x0, s20;
	[sflag:s22] =	ssyncset.done $0x0  }
0xa0: {  	[sflag:s22] =	ssyncadd.s32 s3;
	_ =	sdelay $0x1  }
0xa1: {  	s23 =	simm.s32 $0x1B8B  }
0xa2: {  	_ =	swait.ge [sflag:s23], $0x1  }
0xa3: {  	[sflag:s23] =	ssyncset.done $0x0  }
0xa4: {  	s25 =	simm.s32 $0x1B8E;
	s24 =	sld [smem:$0x3FFE];
	[sflag:s23] =	ssyncadd.s32 $0xFFFFFFFF  }
0xa5: {  	s26 =	simm.s32 $execute0_lowered;
	[smem:$0x3FD2] =	sst s25  }
0xa6: {  	s4 =	sshll.u32 s26, $0x1;
	_ =	strace $0x8000004C;
	[dreg:$0x1] =	wrdreg $0xFFFFFFFF  }
0xa7: {  	s28 =	simm.s32 $_size_execute0_lowered;
	s2 =	sadd.s32 s2, s4;
	[dreg:$0x0] =	wrdreg $0x0  }
0xa8: {  	s4 =	sshll.u32 s28, $0x1;
	[dreg:$0x2] =	wrdreg s2  }
0xa9: {  	[dreg:$0x3] =	wrdreg s4  }
0xaa: {  	[dreg:$0x4] =	wrdreg $0xC0  }
0xab: {  	_ =	task [dreg:s6], $0x5FFFF  }
0xac: {  	[dreg:$0x1] =	wrdreg $0xFFFFFFFF  }
0xad: {  	[dreg:$0x0] =	wrdreg $0x60  }
0xae: {  	[dreg:$0x2] =	wrdreg s24  }
0xaf: {  	[dreg:$0x3] =	wrdreg $0x78800  }
0xb0: {  	[dreg:$0x4] =	wrdreg $0x9  }
0xb1: {  	_ =	task.clear_ibuf [dreg:s6], $0x5FFFF;
	_ =	strace $0x9000004C  }
0xb2: {  	s29 =	simm.s32 $0x9;
	_ =	strace $0x8000004E  }
0xb3: {  	_ =	swait.ge [sflag:s29], $0x1  }
0xb4: {  	[sflag:s29] =	ssyncadd.s32 $0xFFFFFFFF  }
0xb5: {  	_ =	strace $0x9000004E  }
0xb6: {  	_ =	sfence  }
0xb7: {  	s30 =	sld [smem:$0x0];
	_ =	sdelay $0x2  }
0xb8: {  	s31 =	sshll.u32 s1, $0xD;
	s1 =	sshrl.u32 s1, $0x2  }
0xb9: {  	s3 =	sand.u32 $0x4000, s31;
	s1 =	sadd.s32 s1, s30  }
0xba: {  	s0 =	sor.u32 s3, s0;
	s1 =	sshll.u32 s1, $0x11  }
0xbb: {  	s0 =	sor.u32 s1, s0  }
0xbc: {  	s0 =	sadd.s32 $0x8F2B, s0  }
0xbd: {  	[sflag:s0] =	ssyncadd.remote.s32 $0x1  }
0xbe: {  	_ =	sfence.sel $0xFFFF  }
0xbf: {  	[dreg:$0x0] =	wrdreg $0xFFFFFFFF;
	(pc) =	sbr.abs _section_cstart, $3  }
0xc0: {  	[dreg:$0x1] =	wrdreg $0xFFFFFFFF  }
0xc1: {  	_ =	task.clear_ibuf [dreg:s6], $0x2FFFF;
	_ =	strace $0x9FFFFFFF  }
0xc2: {  	(tm) =	ssettm $0x7FFFFFFF  }
0xc3: {  	_ =	shalt  }
tec
execute0_lowered:
.L_overlay_start_1:
0x0: {  	(tag) =	ssettag $0x1  }
0x1: {  	s0 =	rddreg [dreg:$0x0]  }
0x2: {  	s1 =	rddreg [dreg:$0x1]  }
0x3: {  	s2 =	simm.s32 $0x0;
	s5 =	stileid.u32;
	s6 =	srdreg.scid  }
0x4: {  	s19 =	simm.s32 $0x5;
	s28 =	simm.s32 $0x3;
	s29 =	simm.s32 $0x5080  }
0x5: {  	s30 =	simm.s32 $0x2800;
	s31 =	simm.s32 $0x2;
	[smem:$0x7FF] =	sst s2  }
0x6: {  	s4 =	smul.u32 $0x2710, s5;
	s3 =	sadd.s32 $0x5C000, s0;
	s12 =	sand.u32 $0x1, s6  }
0x7: {  	s9 =	smul.u32 $0x4E000, s5;
	s18 =	sadd.s32 $0x1600, s0;
	s23 =	sadd.s32 $0x146600, s0  }
0x8: {  	s11 =	sadd.s32 $0xF8400, s0;
	s25 =	smul.u32 $0x4E2, s5;
	s14 =	sadd.s32 $0x16D700, s0  }
0x9: {  	s13 =	sadd.s32 $0xD1300, s0;
	s15 =	sadd.s32 $0x83100, s0;
	s16 =	sadd.s32 $0x11F500, s0  }
0xa: {  	p0 =	sne.s32 s5, $0x0;
	s26 =	sshll.u32 s5, $0x6;
	p2 =	seq.s32 s5, $0x0  }
0xb: {  	_ =	strace $0x8000004D;
	s7 =	ssub.s32 $0x2, s12;
	[dreg:$0x6] =	wrdreg s23  }
0xc: {  	[dreg:$0x3] =	wrdreg s11;
	s20 =	sor.u32 $0x1C05, s26;
	p1 =	sne.s32 s12, $0x0  }
0xd: {  	s23 =	simm.s32 $0x50;
	s26 =	simm.s32 $0x1;
	s12 =	simm.s32 $0x0  }
0xe: {  	s8 =	sshrl.u32 s4, $0x3;
	s4 =	sadd.s32 $0x59800, s0;
	s10 =	sshrl.u32 s7, $0x1  }
0xf: {  	s22 =	sshrl.u32 s9, $0x2;
	s9 =	sadd.s32 $0xAA200, s0;
	s21 =	sadd.s32 s8, s0  }
0x10: {  	s17 =	ssub.s32 s7, s10;
	s7 =	smul.u32 $0x2700, s5;
	s10 =	sadd.s32 s18, s8  }
.Ltmp0:
0x11: {  	s18 =	sadd.s32 s25, s18;
	s25 =	simm.s32 $0x2780;
	(pc) =	sbr.rel .LBB2_1-.Ltmp0, $4  }
0x12: {  	s0 =	simm.s32 $0x4;
	s6 =	sadd.s32 $0x6600, s21;
	s21 =	sadd.s32 s22, s1  }
0x13: {  	s17 =	smax.u32 s17, $0x1;
	[dreg:$0x4] =	wrdreg s6;
	s24 =	sadd.s32 s11, s7  }
0x14: {  	s6 =	sadd.s32 $0x138000, s1;
	s21 =	sshrl.u32 s21, $0x3;
	[dreg:$0x7] =	wrdreg s24  }
0x15: {  	[dreg:$0x5] =	wrdreg s6;
	s22 =	sshrl.u32 @!p0 s6, $0x3;
	s24 =	simm.s32 $0x2880  }
.LBB2_17:
0x16: {  	s6 =	rddreg [dreg:$0x5]  }
0x17: {  	s5 =	sadd.s32 $0x27000, s5;
	s6 =	sshrl.u32 s6, $0x3  }
0x18: {  	[hbm:s5], [sflag:s20] =	dma.local [spmem:s6], $0x100  }
0x19: {  	_ =	swait.ge [sflag:s19], $0x100  }
0x1a: {  	[sflag:s19] =	ssyncset.done $0x0  }
0x1b: {  	[sflag:s19] =	ssyncadd.s32 $0xFFFFFF00  }
.LBB2_18:
0x1c: {  	s12 =	sadd.s32 $0x1, s12  }
0x1d: {  	p3 =	sne.s32 s12, s17  }
.Ltmp1:
0x1e: {  	_ = 	snop;
	(pc) =	sbr.rel @!p3 .LBB2_19-.Ltmp1, $1  }
0x1f: {  	_ =	sdelay $0x3  }
.LBB2_1:
0x20: {  	s5 =	rddreg [dreg:$0x4]  }
0x21: {  	[tilespmem:s2], [sflag:$0x5] =	stream.linear.gather [hbm4b:s5+s2], $0x2710, $0x38;
	[tilespmem:$0x1B100] =	vst v63  }
0x22: {  	_ =	swait.ge [sflag:s19], $0x2710  }
0x23: {  	[sflag:s19] =	ssyncset.done $0x0  }
0x24: {  	[sflag:s19] =	ssyncadd.s32 $0xFFFFD8F0  }
0x25: {  	[spmem:s21], [sflag:s20] =	dma.local [hbm:s4], $0x2700  }
0x26: {  	_ =	swait.ge [sflag:s19], $0x2700  }
0x27: {  	[sflag:s19] =	ssyncset.done $0x0  }
0x28: {  	s5 =	simm.s32 @!p0 $0x5;
	[sflag:s19] =	ssyncadd.s32 $0xFFFFD900  }
0x29: {  	[spmem:s22], [sflag:s20] =	dma.local @!p0 [hbm:s4], $0x100  }
.Ltmp2:
0x2a: {  	_ =	swait.ge @!p0 [sflag:s5], $0x100;
	(pc) =	sbr.rel @p1 .LBB2_6-.Ltmp2, $3  }
0x2b: {  	[sflag:s5] =	ssyncset.done @!p0 $0x0  }
0x2c: {  	[sflag:s5] =	ssyncadd.s32 @!p0 $0xFFFFFF00  }
0x2d: {  	[bflag:$0x0] =	sbarrier.arrive $0xFFFF;
	_ =	sdelay $0x1  }
0x2e: {  	[tilespmem:s24], [sflag:$0x1] =	stream.indirect.gather [hbm4b:s3+s23], $0x80, s2, s23, $0xb8;
	[tilespmem:$0x1B100] =	vst v63  }
0x2f: {  	_ = 	snop  }
0x30: {  	[tilespmem:s25], [sflag:$0x3] =	stream.linear.gather [hbm4b:s10+s2], $0x50, $0x38;
	[tilespmem:$0x1B100] =	vst v63  }
0x31: {  	_ =	swait.ge [sflag:s26], $0x2800  }
0x32: {  	[sflag:s26] =	ssyncset.done $0x0  }
0x33: {  	[sflag:s26] =	ssyncadd.s32 $0xFFFFD800  }
0x34: {  	_ =	swait.ge [sflag:s28], $0x50  }
0x35: {  	[sflag:s28] =	ssyncset.done $0x0  }
0x36: {  	s5 =	simm.s32 $0x50;
	s8 =	sadd.s32 $0xFFFFFB28, s18;
	[sflag:s28] =	ssyncadd.s32 $0xFFFFFFB0  }
0x37: {  	[tilespmem:s29], [sflag:$0x2] =	stream.indirect.gather [hbm4b:s3+s23], $0x80, s5, s23, $0xb8;
	[tilespmem:$0x1B100] =	vst v63  }
0x38: {  	s11 =	sadd.s32 $0x4E2, s8  }
0x39: {  	[tilespmem:s30], [sflag:$0x4] =	stream.linear.gather [hbm4b:s11+s2], $0x50, $0x38;
	[tilespmem:$0x1B100] =	vst v63  }
0x3a: {  	_ = 	snop  }
0x3b: {  	[spmem:s1] =	stream.indirect.scatter.add.f32 [tilespmem:s24], [sflag:$0x5], $0x80, s25, s23, $0xb8;
	[tilespmem:$0x1B100] =	vst v63  }
0x3c: {  	_ =	swait.ge [sflag:s19], $0x2800  }
0x3d: {  	[sflag:s19] =	ssyncset.done $0x0  }
0x3e: {  	[sflag:s19] =	ssyncadd.s32 $0xFFFFD800  }
0x3f: {  	_ =	swait.ge [sflag:s31], $0x2800  }
0x40: {  	[sflag:s31] =	ssyncset.done $0x0  }
0x41: {  	[sflag:s31] =	ssyncadd.s32 $0xFFFFD800  }
0x42: {  	_ =	swait.ge [sflag:s0], $0x50  }
0x43: {  	[sflag:s0] =	ssyncset.done $0x0  }
0x44: {  	s5 =	simm.s32 $0xA0;
	[sflag:s0] =	ssyncadd.s32 $0xFFFFFFB0  }
0x45: {  	[tilespmem:s24], [sflag:$0x1] =	stream.indirect.gather [hbm4b:s3+s23], $0x80, s5, s23, $0xb8;
	[tilespmem:$0x1B100] =	vst v63  }
0x46: {  	s8 =	sadd.s32 $0x4EC, s8  }
0x47: {  	[tilespmem:s25], [sflag:$0x3] =	stream.linear.gather [hbm4b:s8+s2], $0x50, $0x38;
	[tilespmem:$0x1B100] =	vst v63  }
0x48: {  	_ = 	snop  }
0x49: {  	[spmem:s1] =	stream.indirect.scatter.add.f32 [tilespmem:s29], [sflag:$0x5], $0x80, s30, s23, $0xb8;
	[tilespmem:$0x1B100] =	vst v63  }
0x4a: {  	_ =	swait.ge [sflag:s19], $0x2800  }
0x4b: {  	s8 =	simm.s32 $0xFFFFFB3C;
	[sflag:s19] =	ssyncset.done $0x0  }
.LBB2_3:
0x4c: {  	p3 =	sne.s32 s8, $0xFFFFFFEC;
	[sflag:s19] =	ssyncadd.s32 $0xFFFFD800;
	s5 =	sadd.s32 $0xA0, s5  }
0x4d: {  	s6 =	smov.u32 s8;
	s8 =	sadd.s32 $0x14, s8  }
0x4e: {  	_ =	swait.ge [sflag:s26], $0x2800  }
0x4f: {  	[sflag:s26] =	ssyncset.done $0x0  }
0x50: {  	[sflag:s26] =	ssyncadd.s32 $0xFFFFD800  }
0x51: {  	_ =	swait.ge [sflag:s28], $0x50  }
0x52: {  	[sflag:s28] =	ssyncset.done $0x0  }
0x53: {  	s11 =	sadd.s32 $0xFFFFFFB0, s5;
	s6 =	sadd.s32 s6, s18;
	[sflag:s28] =	ssyncadd.s32 $0xFFFFFFB0  }
0x54: {  	[tilespmem:s29], [sflag:$0x2] =	stream.indirect.gather [hbm4b:s3+s23], $0x80, s11, s23, $0xb8;
	[tilespmem:$0x1B100] =	vst v63  }
0x55: {  	s11 =	sadd.s32 $0x4E2, s6  }
0x56: {  	[tilespmem:s30], [sflag:$0x4] =	stream.linear.gather [hbm4b:s11+s2], $0x50, $0x38;
	[tilespmem:$0x1B100] =	vst v63  }
0x57: {  	_ = 	snop  }
0x58: {  	[spmem:s1] =	stream.indirect.scatter.add.f32 [tilespmem:s24], [sflag:$0x5], $0x80, s25, s23, $0xb8;
	[tilespmem:$0x1B100] =	vst v63  }
0x59: {  	_ =	swait.ge [sflag:s19], $0x2800  }
0x5a: {  	[sflag:s19] =	ssyncset.done $0x0  }
0x5b: {  	[sflag:s19] =	ssyncadd.s32 $0xFFFFD800  }
0x5c: {  	_ =	swait.ge [sflag:s31], $0x2800  }
0x5d: {  	[sflag:s31] =	ssyncset.done $0x0  }
0x5e: {  	[sflag:s31] =	ssyncadd.s32 $0xFFFFD800  }
0x5f: {  	_ =	swait.ge [sflag:s0], $0x50  }
0x60: {  	[sflag:s0] =	ssyncset.done $0x0  }
0x61: {  	[sflag:s0] =	ssyncadd.s32 $0xFFFFFFB0  }
0x62: {  	[tilespmem:s24], [sflag:$0x1] =	stream.indirect.gather [hbm4b:s3+s23], $0x80, s5, s23, $0xb8;
	[tilespmem:$0x1B100] =	vst v63  }
0x63: {  	s6 =	sadd.s32 $0x4EC, s6  }
0x64: {  	[tilespmem:s25], [sflag:$0x3] =	stream.linear.gather [hbm4b:s6+s2], $0x50, $0x38;
	[tilespmem:$0x1B100] =	vst v63  }
.Ltmp3:
0x65: {  	_ = 	snop;
	(pc) =	sbr.rel @p3 .LBB2_3-.Ltmp3, $4  }
0x66: {  	_ = 	snop  }
0x67: {  	[spmem:s1] =	stream.indirect.scatter.add.f32 [tilespmem:s29], [sflag:$0x5], $0x80, s30, s23, $0xb8;
	[tilespmem:$0x1B100] =	vst v63  }
0x68: {  	_ =	swait.ge [sflag:s19], $0x2800  }
0x69: {  	[sflag:s19] =	ssyncset.done $0x0  }
0x6a: {  	[sflag:s19] =	ssyncadd.s32 $0xFFFFD800  }
0x6b: {  	_ =	swait.ge [sflag:s26], $0x2800  }
0x6c: {  	[sflag:s26] =	ssyncset.done $0x0  }
0x6d: {  	[sflag:s26] =	ssyncadd.s32 $0xFFFFD800  }
0x6e: {  	_ =	swait.ge [sflag:s28], $0x50  }
0x6f: {  	[sflag:s28] =	ssyncset.done $0x0  }
0x70: {  	[sflag:s28] =	ssyncadd.s32 $0xFFFFFFB0  }
0x71: {  	[spmem:s1] =	stream.indirect.scatter.add.f32 [tilespmem:s24], [sflag:$0x5], $0x80, s25, s23, $0xb8;
	[tilespmem:$0x1B100] =	vst v63  }
0x72: {  	_ =	swait.ge [sflag:s19], $0x2800  }
0x73: {  	[sflag:s19] =	ssyncset.done $0x0  }
0x74: {  	[sflag:s19] =	ssyncadd.s32 $0xFFFFD800  }
0x75: {  	[bflag:$0x0] =	sbarrier.arrive $0xFFFF  }
.Ltmp4:
0x76: {  	s5 =	rddreg [dreg:$0x7];
	(pc) =	sbr.rel @p2 .LBB2_13-.Ltmp4, $4  }
0x77: {  	[hbm:s5], [sflag:s20] =	dma.local [spmem:s21], $0x2700  }
0x78: {  	_ =	swait.ge [sflag:s19], $0x2700  }
0x79: {  	[sflag:s19] =	ssyncset.done $0x0  }
0x7a: {  	s5 =	rddreg [dreg:$0x3];
	[sflag:s19] =	ssyncadd.s32 $0xFFFFD900  }
0x7b: {  	[bflag:$0x0] =	sbarrier.arrive $0xFFFF  }
0x7c: {  	[spmem:s21], [sflag:s20] =	dma.local [hbm:s4], $0x2700  }
.Ltmp5:
0x7d: {  	_ =	swait.ge [sflag:s19], $0x2700;
	(pc) =	sbr.rel .LBB2_14-.Ltmp5, $3  }
0x7e: {  	[sflag:s19] =	ssyncset.done $0x0  }
0x7f: {  	[sflag:s19] =	ssyncadd.s32 $0xFFFFD900  }
0x80: {  	[bflag:$0x0] =	sbarrier.arrive $0xFFFF;
	_ =	sdelay $0x1  }
.LBB2_6:
0x81: {  	[tilespmem:s24], [sflag:$0x1] =	stream.indirect.gather [hbm4b:s9+s23], $0x80, s2, s23, $0xb8;
	[tilespmem:$0x1B100] =	vst v63  }
0x82: {  	_ = 	snop  }
0x83: {  	[tilespmem:s25], [sflag:$0x3] =	stream.linear.gather [hbm4b:s10+s2], $0x50, $0x38;
	[tilespmem:$0x1B100] =	vst v63  }
0x84: {  	_ =	swait.ge [sflag:s26], $0x2800  }
0x85: {  	[sflag:s26] =	ssyncset.done $0x0  }
0x86: {  	[sflag:s26] =	ssyncadd.s32 $0xFFFFD800  }
0x87: {  	_ =	swait.ge [sflag:s28], $0x50  }
0x88: {  	[sflag:s28] =	ssyncset.done $0x0  }
0x89: {  	s5 =	simm.s32 $0x50;
	s6 =	sadd.s32 $0xFFFFFB28, s18;
	[sflag:s28] =	ssyncadd.s32 $0xFFFFFFB0  }
0x8a: {  	[tilespmem:s29], [sflag:$0x2] =	stream.indirect.gather [hbm4b:s9+s23], $0x80, s5, s23, $0xb8;
	[tilespmem:$0x1B100] =	vst v63  }
0x8b: {  	s11 =	sadd.s32 $0x4E2, s6  }
0x8c: {  	[tilespmem:s30], [sflag:$0x4] =	stream.linear.gather [hbm4b:s11+s2], $0x50, $0x38;
	[tilespmem:$0x1B100] =	vst v63  }
0x8d: {  	_ = 	snop  }
0x8e: {  	[spmem:s1] =	stream.indirect.scatter.add.f32 [tilespmem:s24], [sflag:$0x5], $0x80, s25, s23, $0xb8;
	[tilespmem:$0x1B100] =	vst v63  }
0x8f: {  	_ =	swait.ge [sflag:s19], $0x2800  }
0x90: {  	[sflag:s19] =	ssyncset.done $0x0  }
0x91: {  	[sflag:s19] =	ssyncadd.s32 $0xFFFFD800  }
0x92: {  	_ =	swait.ge [sflag:s31], $0x2800  }
0x93: {  	[sflag:s31] =	ssyncset.done $0x0  }
0x94: {  	[sflag:s31] =	ssyncadd.s32 $0xFFFFD800  }
0x95: {  	_ =	swait.ge [sflag:s0], $0x50  }
0x96: {  	[sflag:s0] =	ssyncset.done $0x0  }
0x97: {  	s5 =	simm.s32 $0xA0;
	[sflag:s0] =	ssyncadd.s32 $0xFFFFFFB0  }
0x98: {  	[tilespmem:s24], [sflag:$0x1] =	stream.indirect.gather [hbm4b:s9+s23], $0x80, s5, s23, $0xb8;
	[tilespmem:$0x1B100] =	vst v63  }
0x99: {  	s6 =	sadd.s32 $0x4EC, s6  }
0x9a: {  	[tilespmem:s25], [sflag:$0x3] =	stream.linear.gather [hbm4b:s6+s2], $0x50, $0x38;
	[tilespmem:$0x1B100] =	vst v63  }
0x9b: {  	_ = 	snop  }
0x9c: {  	[spmem:s1] =	stream.indirect.scatter.add.f32 [tilespmem:s29], [sflag:$0x5], $0x80, s30, s23, $0xb8;
	[tilespmem:$0x1B100] =	vst v63  }
0x9d: {  	_ =	swait.ge [sflag:s19], $0x2800  }
0x9e: {  	s8 =	simm.s32 $0xFFFFFB3C;
	[sflag:s19] =	ssyncset.done $0x0  }
.LBB2_7:
0x9f: {  	p3 =	sne.s32 s8, $0xFFFFFFEC;
	[sflag:s19] =	ssyncadd.s32 $0xFFFFD800;
	s5 =	sadd.s32 $0xA0, s5  }
0xa0: {  	s6 =	smov.u32 s8;
	s8 =	sadd.s32 $0x14, s8  }
0xa1: {  	_ =	swait.ge [sflag:s26], $0x2800  }
0xa2: {  	[sflag:s26] =	ssyncset.done $0x0  }
0xa3: {  	[sflag:s26] =	ssyncadd.s32 $0xFFFFD800  }
0xa4: {  	_ =	swait.ge [sflag:s28], $0x50  }
0xa5: {  	[sflag:s28] =	ssyncset.done $0x0  }
0xa6: {  	s11 =	sadd.s32 $0xFFFFFFB0, s5;
	s6 =	sadd.s32 s6, s18;
	[sflag:s28] =	ssyncadd.s32 $0xFFFFFFB0  }
0xa7: {  	[tilespmem:s29], [sflag:$0x2] =	stream.indirect.gather [hbm4b:s9+s23], $0x80, s11, s23, $0xb8;
	[tilespmem:$0x1B100] =	vst v63  }
0xa8: {  	s11 =	sadd.s32 $0x4E2, s6  }
0xa9: {  	[tilespmem:s30], [sflag:$0x4] =	stream.linear.gather [hbm4b:s11+s2], $0x50, $0x38;
	[tilespmem:$0x1B100] =	vst v63  }
0xaa: {  	_ = 	snop  }
0xab: {  	[spmem:s1] =	stream.indirect.scatter.add.f32 [tilespmem:s24], [sflag:$0x5], $0x80, s25, s23, $0xb8;
	[tilespmem:$0x1B100] =	vst v63  }
0xac: {  	_ =	swait.ge [sflag:s19], $0x2800  }
0xad: {  	[sflag:s19] =	ssyncset.done $0x0  }
0xae: {  	[sflag:s19] =	ssyncadd.s32 $0xFFFFD800  }
0xaf: {  	_ =	swait.ge [sflag:s31], $0x2800  }
0xb0: {  	[sflag:s31] =	ssyncset.done $0x0  }
0xb1: {  	[sflag:s31] =	ssyncadd.s32 $0xFFFFD800  }
0xb2: {  	_ =	swait.ge [sflag:s0], $0x50  }
0xb3: {  	[sflag:s0] =	ssyncset.done $0x0  }
0xb4: {  	[sflag:s0] =	ssyncadd.s32 $0xFFFFFFB0  }
0xb5: {  	[tilespmem:s24], [sflag:$0x1] =	stream.indirect.gather [hbm4b:s9+s23], $0x80, s5, s23, $0xb8;
	[tilespmem:$0x1B100] =	vst v63  }
0xb6: {  	s6 =	sadd.s32 $0x4EC, s6  }
0xb7: {  	[tilespmem:s25], [sflag:$0x3] =	stream.linear.gather [hbm4b:s6+s2], $0x50, $0x38;
	[tilespmem:$0x1B100] =	vst v63  }
.Ltmp6:
0xb8: {  	_ = 	snop;
	(pc) =	sbr.rel @p3 .LBB2_7-.Ltmp6, $4  }
0xb9: {  	_ = 	snop  }
0xba: {  	[spmem:s1] =	stream.indirect.scatter.add.f32 [tilespmem:s29], [sflag:$0x5], $0x80, s30, s23, $0xb8;
	[tilespmem:$0x1B100] =	vst v63  }
0xbb: {  	_ =	swait.ge [sflag:s19], $0x2800  }
0xbc: {  	[sflag:s19] =	ssyncset.done $0x0  }
0xbd: {  	[sflag:s19] =	ssyncadd.s32 $0xFFFFD800  }
0xbe: {  	_ =	swait.ge [sflag:s26], $0x2800  }
0xbf: {  	[sflag:s26] =	ssyncset.done $0x0  }
0xc0: {  	[sflag:s26] =	ssyncadd.s32 $0xFFFFD800  }
0xc1: {  	_ =	swait.ge [sflag:s28], $0x50  }
0xc2: {  	[sflag:s28] =	ssyncset.done $0x0  }
0xc3: {  	[sflag:s28] =	ssyncadd.s32 $0xFFFFFFB0  }
0xc4: {  	[spmem:s1] =	stream.indirect.scatter.add.f32 [tilespmem:s24], [sflag:$0x5], $0x80, s25, s23, $0xb8;
	[tilespmem:$0x1B100] =	vst v63  }
0xc5: {  	_ =	swait.ge [sflag:s19], $0x2800  }
0xc6: {  	[sflag:s19] =	ssyncset.done $0x0  }
0xc7: {  	[sflag:s19] =	ssyncadd.s32 $0xFFFFD800  }
0xc8: {  	[bflag:$0x0] =	sbarrier.arrive $0xFFFF  }
0xc9: {  	s6 =	rddreg [dreg:$0x6]  }
.Ltmp7:
0xca: {  	s5 =	sadd.s32 s7, s6;
	(pc) =	sbr.rel @p2 .LBB2_13-.Ltmp7, $4  }
0xcb: {  	[hbm:s5], [sflag:s20] =	dma.local [spmem:s21], $0x2700  }
0xcc: {  	_ =	swait.ge [sflag:s19], $0x2700  }
0xcd: {  	[sflag:s19] =	ssyncset.done $0x0  }
0xce: {  	s5 =	smov.u32 s6;
	[sflag:s19] =	ssyncadd.s32 $0xFFFFD900  }
0xcf: {  	[bflag:$0x0] =	sbarrier.arrive $0xFFFF  }
0xd0: {  	[spmem:s21], [sflag:s20] =	dma.local [hbm:s4], $0x2700  }
.Ltmp8:
0xd1: {  	_ =	swait.ge [sflag:s19], $0x2700;
	(pc) =	sbr.rel .LBB2_10-.Ltmp8, $3  }
0xd2: {  	[sflag:s19] =	ssyncset.done $0x0  }
0xd3: {  	[sflag:s19] =	ssyncadd.s32 $0xFFFFD900  }
0xd4: {  	[bflag:$0x0] =	sbarrier.arrive $0xFFFF;
	_ =	sdelay $0x1  }
.LBB2_13:
0xd5: {  	s6 =	rddreg [dreg:$0x5]  }
0xd6: {  	s5 =	sadd.s32 $0x27000, s5;
	s6 =	sshrl.u32 s6, $0x3  }
0xd7: {  	[hbm:s5], [sflag:s20] =	dma.local [spmem:s6], $0x100  }
0xd8: {  	_ =	swait.ge [sflag:s19], $0x100  }
0xd9: {  	[sflag:s19] =	ssyncset.done $0x0  }
0xda: {  	[sflag:s19] =	ssyncadd.s32 $0xFFFFFF00  }
0xdb: {  	[bflag:$0x0] =	sbarrier.arrive $0xFFFF  }
0xdc: {  	[spmem:s21], [sflag:s20] =	dma.local [hbm:s4], $0x2700  }
0xdd: {  	_ =	swait.ge [sflag:s19], $0x2700  }
0xde: {  	[sflag:s19] =	ssyncset.done $0x0  }
0xdf: {  	[sflag:s19] =	ssyncadd.s32 $0xFFFFD900  }
0xe0: {  	[spmem:s6], [sflag:s20] =	dma.local [hbm:s4], $0x100  }
.Ltmp9:
0xe1: {  	_ =	swait.ge [sflag:s19], $0x100;
	(pc) =	sbr.rel @p1 .LBB2_10-.Ltmp9, $3  }
0xe2: {  	[sflag:s19] =	ssyncset.done $0x0  }
0xe3: {  	[sflag:s19] =	ssyncadd.s32 $0xFFFFFF00  }
0xe4: {  	[bflag:$0x0] =	sbarrier.arrive $0xFFFF;
	_ =	sdelay $0x1  }
.LBB2_14:
0xe5: {  	[tilespmem:s24], [sflag:$0x1] =	stream.indirect.gather [hbm4b:s15+s23], $0x80, s2, s23, $0xb8;
	[tilespmem:$0x1B100] =	vst v63  }
0xe6: {  	_ = 	snop  }
0xe7: {  	[tilespmem:s25], [sflag:$0x3] =	stream.linear.gather [hbm4b:s10+s2], $0x50, $0x38;
	[tilespmem:$0x1B100] =	vst v63  }
0xe8: {  	_ =	swait.ge [sflag:s26], $0x2800  }
0xe9: {  	[sflag:s26] =	ssyncset.done $0x0  }
0xea: {  	[sflag:s26] =	ssyncadd.s32 $0xFFFFD800  }
0xeb: {  	_ =	swait.ge [sflag:s28], $0x50  }
0xec: {  	[sflag:s28] =	ssyncset.done $0x0  }
0xed: {  	s5 =	simm.s32 $0x50;
	s6 =	sadd.s32 $0xFFFFFB28, s18;
	[sflag:s28] =	ssyncadd.s32 $0xFFFFFFB0  }
0xee: {  	[tilespmem:s29], [sflag:$0x2] =	stream.indirect.gather [hbm4b:s15+s23], $0x80, s5, s23, $0xb8;
	[tilespmem:$0x1B100] =	vst v63  }
0xef: {  	s11 =	sadd.s32 $0x4E2, s6  }
0xf0: {  	[tilespmem:s30], [sflag:$0x4] =	stream.linear.gather [hbm4b:s11+s2], $0x50, $0x38;
	[tilespmem:$0x1B100] =	vst v63  }
0xf1: {  	_ = 	snop  }
0xf2: {  	[spmem:s1] =	stream.indirect.scatter.add.f32 [tilespmem:s24], [sflag:$0x5], $0x80, s25, s23, $0xb8;
	[tilespmem:$0x1B100] =	vst v63  }
0xf3: {  	_ =	swait.ge [sflag:s19], $0x2800  }
0xf4: {  	[sflag:s19] =	ssyncset.done $0x0  }
0xf5: {  	[sflag:s19] =	ssyncadd.s32 $0xFFFFD800  }
0xf6: {  	_ =	swait.ge [sflag:s31], $0x2800  }
0xf7: {  	[sflag:s31] =	ssyncset.done $0x0  }
0xf8: {  	[sflag:s31] =	ssyncadd.s32 $0xFFFFD800  }
0xf9: {  	_ =	swait.ge [sflag:s0], $0x50  }
0xfa: {  	[sflag:s0] =	ssyncset.done $0x0  }
0xfb: {  	s5 =	simm.s32 $0xA0;
	[sflag:s0] =	ssyncadd.s32 $0xFFFFFFB0  }
0xfc: {  	[tilespmem:s24], [sflag:$0x1] =	stream.indirect.gather [hbm4b:s15+s23], $0x80, s5, s23, $0xb8;
	[tilespmem:$0x1B100] =	vst v63  }
0xfd: {  	s6 =	sadd.s32 $0x4EC, s6  }
0xfe: {  	[tilespmem:s25], [sflag:$0x3] =	stream.linear.gather [hbm4b:s6+s2], $0x50, $0x38;
	[tilespmem:$0x1B100] =	vst v63  }
0xff: {  	_ = 	snop  }
0x100: {  	[spmem:s1] =	stream.indirect.scatter.add.f32 [tilespmem:s29], [sflag:$0x5], $0x80, s30, s23, $0xb8;
	[tilespmem:$0x1B100] =	vst v63  }
0x101: {  	_ =	swait.ge [sflag:s19], $0x2800  }
0x102: {  	s8 =	simm.s32 $0xFFFFFB3C;
	[sflag:s19] =	ssyncset.done $0x0  }
.LBB2_15:
0x103: {  	p3 =	seq.s32 s8, $0xFFFFFFEC;
	[sflag:s19] =	ssyncadd.s32 $0xFFFFD800;
	s5 =	sadd.s32 $0xA0, s5  }
0x104: {  	s6 =	smov.u32 s8;
	s8 =	sadd.s32 $0x14, s8  }
0x105: {  	_ =	swait.ge [sflag:s26], $0x2800  }
0x106: {  	[sflag:s26] =	ssyncset.done $0x0  }
0x107: {  	[sflag:s26] =	ssyncadd.s32 $0xFFFFD800  }
0x108: {  	_ =	swait.ge [sflag:s28], $0x50  }
0x109: {  	[sflag:s28] =	ssyncset.done $0x0  }
0x10a: {  	s11 =	sadd.s32 $0xFFFFFFB0, s5;
	s6 =	sadd.s32 s6, s18;
	[sflag:s28] =	ssyncadd.s32 $0xFFFFFFB0  }
0x10b: {  	[tilespmem:s29], [sflag:$0x2] =	stream.indirect.gather [hbm4b:s15+s23], $0x80, s11, s23, $0xb8;
	[tilespmem:$0x1B100] =	vst v63  }
0x10c: {  	s11 =	sadd.s32 $0x4E2, s6  }
0x10d: {  	[tilespmem:s30], [sflag:$0x4] =	stream.linear.gather [hbm4b:s11+s2], $0x50, $0x38;
	[tilespmem:$0x1B100] =	vst v63  }
0x10e: {  	_ = 	snop  }
0x10f: {  	[spmem:s1] =	stream.indirect.scatter.add.f32 [tilespmem:s24], [sflag:$0x5], $0x80, s25, s23, $0xb8;
	[tilespmem:$0x1B100] =	vst v63  }
0x110: {  	_ =	swait.ge [sflag:s19], $0x2800  }
0x111: {  	[sflag:s19] =	ssyncset.done $0x0  }
0x112: {  	[sflag:s19] =	ssyncadd.s32 $0xFFFFD800  }
0x113: {  	_ =	swait.ge [sflag:s31], $0x2800  }
0x114: {  	[sflag:s31] =	ssyncset.done $0x0  }
0x115: {  	[sflag:s31] =	ssyncadd.s32 $0xFFFFD800  }
0x116: {  	_ =	swait.ge [sflag:s0], $0x50  }
0x117: {  	[sflag:s0] =	ssyncset.done $0x0  }
0x118: {  	[sflag:s0] =	ssyncadd.s32 $0xFFFFFFB0  }
0x119: {  	[tilespmem:s24], [sflag:$0x1] =	stream.indirect.gather [hbm4b:s15+s23], $0x80, s5, s23, $0xb8;
	[tilespmem:$0x1B100] =	vst v63  }
0x11a: {  	s6 =	sadd.s32 $0x4EC, s6  }
0x11b: {  	[tilespmem:s25], [sflag:$0x3] =	stream.linear.gather [hbm4b:s6+s2], $0x50, $0x38;
	[tilespmem:$0x1B100] =	vst v63  }
.Ltmp10:
0x11c: {  	_ = 	snop;
	(pc) =	sbr.rel @!p3 .LBB2_15-.Ltmp10, $4  }
0x11d: {  	_ = 	snop  }
0x11e: {  	[spmem:s1] =	stream.indirect.scatter.add.f32 [tilespmem:s29], [sflag:$0x5], $0x80, s30, s23, $0xb8;
	[tilespmem:$0x1B100] =	vst v63  }
0x11f: {  	_ =	swait.ge [sflag:s19], $0x2800  }
0x120: {  	[sflag:s19] =	ssyncset.done $0x0  }
0x121: {  	[sflag:s19] =	ssyncadd.s32 $0xFFFFD800  }
0x122: {  	_ =	swait.ge [sflag:s26], $0x2800  }
0x123: {  	[sflag:s26] =	ssyncset.done $0x0  }
0x124: {  	[sflag:s26] =	ssyncadd.s32 $0xFFFFD800  }
0x125: {  	_ =	swait.ge [sflag:s28], $0x50  }
0x126: {  	[sflag:s28] =	ssyncset.done $0x0  }
0x127: {  	[sflag:s28] =	ssyncadd.s32 $0xFFFFFFB0  }
0x128: {  	[spmem:s1] =	stream.indirect.scatter.add.f32 [tilespmem:s24], [sflag:$0x5], $0x80, s25, s23, $0xb8;
	[tilespmem:$0x1B100] =	vst v63  }
0x129: {  	_ =	swait.ge [sflag:s19], $0x2800  }
0x12a: {  	[sflag:s19] =	ssyncset.done $0x0  }
0x12b: {  	[sflag:s19] =	ssyncadd.s32 $0xFFFFD800  }
0x12c: {  	s5 =	sadd.s32 s7, s16;
	[bflag:$0x0] =	sbarrier.arrive $0xFFFF  }
0x12d: {  	[hbm:s5], [sflag:s20] =	dma.local [spmem:s21], $0x2700  }
.Ltmp11:
0x12e: {  	_ = 	snop;
	(pc) =	sbr.rel @!p2 .LBB2_18-.Ltmp11, $4  }
.Ltmp12:
0x12f: {  	_ = 	snop;
	(pc) =	sbr.rel @p2 .LBB2_17-.Ltmp12, $4  }
0x130: {  	_ =	swait.ge [sflag:s19], $0x2700  }
0x131: {  	[sflag:s19] =	ssyncset.done $0x0  }
0x132: {  	s5 =	smov.u32 s16;
	[sflag:s19] =	ssyncadd.s32 $0xFFFFD900  }
0x133: {  	_ = 	snop  }
.LBB2_10:
0x134: {  	[tilespmem:s24], [sflag:$0x1] =	stream.indirect.gather [hbm4b:s13+s23], $0x80, s2, s23, $0xb8;
	[tilespmem:$0x1B100] =	vst v63  }
0x135: {  	_ = 	snop  }
0x136: {  	[tilespmem:s25], [sflag:$0x3] =	stream.linear.gather [hbm4b:s10+s2], $0x50, $0x38;
	[tilespmem:$0x1B100] =	vst v63  }
0x137: {  	_ =	swait.ge [sflag:s26], $0x2800  }
0x138: {  	[sflag:s26] =	ssyncset.done $0x0  }
0x139: {  	[sflag:s26] =	ssyncadd.s32 $0xFFFFD800  }
0x13a: {  	_ =	swait.ge [sflag:s28], $0x50  }
0x13b: {  	[sflag:s28] =	ssyncset.done $0x0  }
0x13c: {  	s5 =	simm.s32 $0x50;
	s6 =	sadd.s32 $0xFFFFFB28, s18;
	[sflag:s28] =	ssyncadd.s32 $0xFFFFFFB0  }
0x13d: {  	[tilespmem:s29], [sflag:$0x2] =	stream.indirect.gather [hbm4b:s13+s23], $0x80, s5, s23, $0xb8;
	[tilespmem:$0x1B100] =	vst v63  }
0x13e: {  	s11 =	sadd.s32 $0x4E2, s6  }
0x13f: {  	[tilespmem:s30], [sflag:$0x4] =	stream.linear.gather [hbm4b:s11+s2], $0x50, $0x38;
	[tilespmem:$0x1B100] =	vst v63  }
0x140: {  	_ = 	snop  }
0x141: {  	[spmem:s1] =	stream.indirect.scatter.add.f32 [tilespmem:s24], [sflag:$0x5], $0x80, s25, s23, $0xb8;
	[tilespmem:$0x1B100] =	vst v63  }
0x142: {  	_ =	swait.ge [sflag:s19], $0x2800  }
0x143: {  	[sflag:s19] =	ssyncset.done $0x0  }
0x144: {  	[sflag:s19] =	ssyncadd.s32 $0xFFFFD800  }
0x145: {  	_ =	swait.ge [sflag:s31], $0x2800  }
0x146: {  	[sflag:s31] =	ssyncset.done $0x0  }
0x147: {  	[sflag:s31] =	ssyncadd.s32 $0xFFFFD800  }
0x148: {  	_ =	swait.ge [sflag:s0], $0x50  }
0x149: {  	[sflag:s0] =	ssyncset.done $0x0  }
0x14a: {  	s5 =	simm.s32 $0xA0;
	[sflag:s0] =	ssyncadd.s32 $0xFFFFFFB0  }
0x14b: {  	[tilespmem:s24], [sflag:$0x1] =	stream.indirect.gather [hbm4b:s13+s23], $0x80, s5, s23, $0xb8;
	[tilespmem:$0x1B100] =	vst v63  }
0x14c: {  	s6 =	sadd.s32 $0x4EC, s6  }
0x14d: {  	[tilespmem:s25], [sflag:$0x3] =	stream.linear.gather [hbm4b:s6+s2], $0x50, $0x38;
	[tilespmem:$0x1B100] =	vst v63  }
0x14e: {  	_ = 	snop  }
0x14f: {  	[spmem:s1] =	stream.indirect.scatter.add.f32 [tilespmem:s29], [sflag:$0x5], $0x80, s30, s23, $0xb8;
	[tilespmem:$0x1B100] =	vst v63  }
0x150: {  	_ =	swait.ge [sflag:s19], $0x2800  }
0x151: {  	s8 =	simm.s32 $0xFFFFFB3C;
	[sflag:s19] =	ssyncset.done $0x0  }
.LBB2_11:
0x152: {  	p3 =	seq.s32 s8, $0xFFFFFFEC;
	[sflag:s19] =	ssyncadd.s32 $0xFFFFD800;
	s5 =	sadd.s32 $0xA0, s5  }
0x153: {  	s6 =	smov.u32 s8;
	s8 =	sadd.s32 $0x14, s8  }
0x154: {  	_ =	swait.ge [sflag:s26], $0x2800  }
0x155: {  	[sflag:s26] =	ssyncset.done $0x0  }
0x156: {  	[sflag:s26] =	ssyncadd.s32 $0xFFFFD800  }
0x157: {  	_ =	swait.ge [sflag:s28], $0x50  }
0x158: {  	[sflag:s28] =	ssyncset.done $0x0  }
0x159: {  	s11 =	sadd.s32 $0xFFFFFFB0, s5;
	s6 =	sadd.s32 s6, s18;
	[sflag:s28] =	ssyncadd.s32 $0xFFFFFFB0  }
0x15a: {  	[tilespmem:s29], [sflag:$0x2] =	stream.indirect.gather [hbm4b:s13+s23], $0x80, s11, s23, $0xb8;
	[tilespmem:$0x1B100] =	vst v63  }
0x15b: {  	s11 =	sadd.s32 $0x4E2, s6  }
0x15c: {  	[tilespmem:s30], [sflag:$0x4] =	stream.linear.gather [hbm4b:s11+s2], $0x50, $0x38;
	[tilespmem:$0x1B100] =	vst v63  }
0x15d: {  	_ = 	snop  }
0x15e: {  	[spmem:s1] =	stream.indirect.scatter.add.f32 [tilespmem:s24], [sflag:$0x5], $0x80, s25, s23, $0xb8;
	[tilespmem:$0x1B100] =	vst v63  }
0x15f: {  	_ =	swait.ge [sflag:s19], $0x2800  }
0x160: {  	[sflag:s19] =	ssyncset.done $0x0  }
0x161: {  	[sflag:s19] =	ssyncadd.s32 $0xFFFFD800  }
0x162: {  	_ =	swait.ge [sflag:s31], $0x2800  }
0x163: {  	[sflag:s31] =	ssyncset.done $0x0  }
0x164: {  	[sflag:s31] =	ssyncadd.s32 $0xFFFFD800  }
0x165: {  	_ =	swait.ge [sflag:s0], $0x50  }
0x166: {  	[sflag:s0] =	ssyncset.done $0x0  }
0x167: {  	[sflag:s0] =	ssyncadd.s32 $0xFFFFFFB0  }
0x168: {  	[tilespmem:s24], [sflag:$0x1] =	stream.indirect.gather [hbm4b:s13+s23], $0x80, s5, s23, $0xb8;
	[tilespmem:$0x1B100] =	vst v63  }
0x169: {  	s6 =	sadd.s32 $0x4EC, s6  }
0x16a: {  	[tilespmem:s25], [sflag:$0x3] =	stream.linear.gather [hbm4b:s6+s2], $0x50, $0x38;
	[tilespmem:$0x1B100] =	vst v63  }
.Ltmp13:
0x16b: {  	_ = 	snop;
	(pc) =	sbr.rel @!p3 .LBB2_11-.Ltmp13, $4  }
0x16c: {  	_ = 	snop  }
0x16d: {  	[spmem:s1] =	stream.indirect.scatter.add.f32 [tilespmem:s29], [sflag:$0x5], $0x80, s30, s23, $0xb8;
	[tilespmem:$0x1B100] =	vst v63  }
0x16e: {  	_ =	swait.ge [sflag:s19], $0x2800  }
0x16f: {  	[sflag:s19] =	ssyncset.done $0x0  }
0x170: {  	[sflag:s19] =	ssyncadd.s32 $0xFFFFD800  }
0x171: {  	_ =	swait.ge [sflag:s26], $0x2800  }
0x172: {  	[sflag:s26] =	ssyncset.done $0x0  }
0x173: {  	[sflag:s26] =	ssyncadd.s32 $0xFFFFD800  }
0x174: {  	_ =	swait.ge [sflag:s28], $0x50  }
0x175: {  	[sflag:s28] =	ssyncset.done $0x0  }
0x176: {  	[sflag:s28] =	ssyncadd.s32 $0xFFFFFFB0  }
0x177: {  	[spmem:s1] =	stream.indirect.scatter.add.f32 [tilespmem:s24], [sflag:$0x5], $0x80, s25, s23, $0xb8;
	[tilespmem:$0x1B100] =	vst v63  }
0x178: {  	_ =	swait.ge [sflag:s19], $0x2800  }
0x179: {  	[sflag:s19] =	ssyncset.done $0x0  }
0x17a: {  	[sflag:s19] =	ssyncadd.s32 $0xFFFFD800  }
0x17b: {  	s5 =	sadd.s32 s7, s14;
	[bflag:$0x0] =	sbarrier.arrive $0xFFFF  }
0x17c: {  	[hbm:s5], [sflag:s20] =	dma.local [spmem:s21], $0x2700  }
.Ltmp14:
0x17d: {  	_ = 	snop;
	(pc) =	sbr.rel @p0 .LBB2_18-.Ltmp14, $4  }
.Ltmp15:
0x17e: {  	_ = 	snop;
	(pc) =	sbr.rel @!p0 .LBB2_17-.Ltmp15, $4  }
0x17f: {  	_ =	swait.ge [sflag:s19], $0x2700  }
0x180: {  	[sflag:s19] =	ssyncset.done $0x0  }
0x181: {  	s5 =	smov.u32 s14;
	[sflag:s19] =	ssyncadd.s32 $0xFFFFD900  }
0x182: {  	_ = 	snop  }
.LBB2_19:
0x183: {  	_ =	sfence.sel $0x180000  }
0x184: {  	[bflag:$0x0] =	sbarrier.arrive $0xFFFF  }
0x185: {  	_ =	strace $0x9000004D  }
0x186: {  	[bflag:$0x2] =	sbarrier.arrive $0xFFFF  }
0x187: {  	s0 =	rddreg [dreg:$0x2]  }
0x188: {  	s0 =	sadd.s32 @!p0 $0x100000, s0  }
0x189: {  	[sflag:s0] =	ssyncadd.tile.s32 @!p0 $0x1;
	_ =	shalt  }
.Lfunc_end2:
_tile_overlayer_lowered:
.L_overlay_start_2:
0x18a: {  	(tag) =	ssettag $0x2  }
0x18b: {  	s0 =	rddreg [dreg:$0x0];
	s2 =	stileid.u32  }
0x18c: {  	s1 =	rddreg [dreg:$0x1];
	p0 =	sne.s32 s2, $0x0  }
0x18d: {  	s3 =	rddreg [dreg:$0x2];
	[bflag:$0x3] =	sbarrier.arrive $0xFFFF;
	s2 =	simm.s32 @!p0 $0x1C05  }
0x18e: {  	[timem:s3], [sflag:s2] =	dma.local @!p0 [hbm:s0], s1  }
0x18f: {  	s0 =	simm.s32 @!p0 $0x5  }
0x190: {  	_ =	swait.ge @!p0 [sflag:s0], s1  }
0x191: {  	s1 =	ssub.s32 @!p0 $0x0, s1;
	[sflag:s0] =	ssyncset.done @!p0 $0x0  }
0x192: {  	[sflag:s0] =	ssyncadd.s32 @!p0 s1  }
0x193: {  	[bflag:$0x3] =	sbarrier.arrive $0xFFFF  }
0x194: {  	_ =	shalt  }

// kernel: kernel.7.cloned.1.call-start
scs
__scs_entry_jumppad:
0x0: {  	(pc) =	sbr.rel $0x88, $3  }
0x1: {  	(tag) =	ssettag $0x0;
	lr =	simm.s32 $0x1  }
0x2: {  	[smem:$0x3F97] =	sst lr;
	_ =	strace $0xD0000000  }
0x3: {  	_ = 	snop  }
0x4: {  	_ = 	snop  }
0x5: {  	_ = 	snop  }
0x6: {  	_ = 	snop  }
0x7: {  	_ = 	snop  }
__scs_overlays_trampoline_lowered:
0x8: {  	[smem:$0x3FA6] =	sst s0  }
0x9: {  	[smem:$0x3FA7] =	sst s1  }
0xa: {  	[smem:$0x3FA8] =	sst s2  }
0xb: {  	[smem:$0x3FA9] =	sst s3  }
0xc: {  	[smem:$0x3FAA] =	sst s4  }
0xd: {  	[smem:$0x3FAB] =	sst s5  }
0xe: {  	[smem:$0x3FAC] =	sst s6  }
0xf: {  	[smem:$0x3FAD] =	sst s7  }
0x10: {  	[smem:$0x3FAE] =	sst s8  }
0x11: {  	[smem:$0x3FAF] =	sst s9;
	s0 =	simm.s32 @!p0 $0x0  }
0x12: {  	s1 =	sld [smem:$0x3F95];
	s0 =	simm.s32 @p0 $0x1  }
0x13: {  	[smem:$0x3FB0] =	sst s0;
	s0 =	simm.s32 @!p1 $0x0  }
0x14: {  	s2 =	sld [smem:$0x3F94];
	s0 =	simm.s32 @p1 $0x1  }
0x15: {  	[smem:$0x3FB1] =	sst s0;
	s0 =	simm.s32 @!p2 $0x0  }
0x16: {  	s3 =	sld [smem:$0x3FDB];
	s0 =	simm.s32 @p2 $0x1  }
0x17: {  	s4 =	simm.s32 $0x1BF5;
	[smem:$0x3FB3] =	sst s0  }
0x18: {  	s0 =	sld [smem:$0x3F96];
	_ =	swait.ge [sflag:s4], $0x0  }
0x19: {  	s7 =	sld [smem:$0x3F97]  }
0x1a: {  	s8 =	sadd.s32 $0xFFFFE003, lr  }
0x1b: {  	s9 =	sadd.s32 $0xFFFFFEF7, lr;
	s5 =	simm.s32 $0xFFFFFFFF;
	p2 =	slt.u32 s8, $0xFFFFF086  }
0x1c: {  	p1 =	slt.u32 s9, $0xF7A;
	s5 =	simm.s32 @!p2 $0x0  }
0x1d: {  	s5 =	simm.s32 @p1 $0x1;
	p0 =	seq.s32 s7, s2  }
0x1e: {  	s7 =	smul.u32 @!p0 $0xF7A, s2;
	p2 =	seq.s32 @!p0 s5, $0x0  }
0x1f: {  	s9 =	smul.u32 $0xF7A, s1;
	s8 =	simm.s32 @!p0 $0x1BF5;
	p2 =	por !p2, p0  }
0x20: {  	[sflag:s8] =	ssyncset.s32 @!p0 $0xFFFFF086;
	s6 =	sadd.s32 @!p0 s3, s7;
	s7 =	simm.s32 @!p0 $0x108  }
0x21: {  	s3 =	sadd.s32 s3, s9;
	s6 =	sadd.s32 @!p0 $0x88, s6;
	s7 =	simm.s32 @p2 $0x1082  }
0x22: {  	[simem:s7], [sflag:s8] =	dma.local @!p0 [hbm:s6], $0xF7A  }
0x23: {  	s9 =	sor.u32 $0xD0000000, s2;
	s6 =	simm.s32 $0x108;
	_ =	swait.ge @!p0 [sflag:s8], $0x0  }
0x24: {  	s3 =	sadd.s32 $0x88, s3;
	s6 =	simm.s32 @!p1 $0x1082;
	[sflag:s4] =	ssyncset.s32 $0xFFFFF086  }
0x25: {  	[simem:s6], [sflag:s4] =	dma.local [hbm:s3], $0xF7A  }
0x26: {  	[smem:$0x3F97] =	sst s1;
	(tag) =	ssettag s2;
	_ =	strace s9  }
0x27: {  	s1 =	sld [smem:$0x3FA7]  }
0x28: {  	s2 =	sld [smem:$0x3FA8]  }
0x29: {  	s4 =	sld [smem:$0x3FAA]  }
0x2a: {  	p0 =	seq.s32 s5, $0x0;
	s5 =	sld [smem:$0x3FAB]  }
0x2b: {  	s6 =	sld [smem:$0x3FAC]  }
0x2c: {  	s7 =	sld [smem:$0x3FAD]  }
0x2d: {  	s3 =	simm.s32 $0x108;
	s8 =	sld [smem:$0x3FAE]  }
0x2e: {  	s3 =	simm.s32 @!p0 $0x1082;
	s9 =	sld [smem:$0x3FAF]  }
0x2f: {  	lr =	sadd.s32 s0, s3;
	s0 =	sld [smem:$0x3FA6]  }
0x30: {  	s3 =	sld [smem:$0x3FA9]  }
0x31: {  	[smem:$0x3FB2] =	sst s10  }
0x32: {  	s10 =	sld [smem:$0x3FB0];
	_ =	sdelay $0x3  }
0x33: {  	p0 =	seq.s32 s10, $0x1;
	s10 =	sld [smem:$0x3FB2];
	_ =	sdelay $0x3  }
0x34: {  	[smem:$0x3FB2] =	sst s10  }
0x35: {  	s10 =	sld [smem:$0x3FB1];
	_ =	sdelay $0x3  }
0x36: {  	p1 =	seq.s32 s10, $0x1;
	s10 =	sld [smem:$0x3FB2];
	_ =	sdelay $0x3  }
0x37: {  	[smem:$0x3FB2] =	sst s10  }
0x38: {  	s10 =	sld [smem:$0x3FB3]  }
0x39: {  	_ = 	snop;
	(pc) =	sbr.ind lr, $3  }
0x3a: {  	_ = 	snop  }
0x3b: {  	_ = 	snop  }
0x3c: {  	p2 =	seq.s32 s10, $0x1;
	s10 =	sld [smem:$0x3FB2]  }
0x3d: {  	_ =	shalt  }
0x3e: {  	_ =	shalt  }
0x3f: {  	_ =	shalt  }
0x40: {  	_ =	shalt  }
0x41: {  	_ =	shalt  }
0x42: {  	_ =	shalt  }
0x43: {  	_ =	shalt  }
0x44: {  	_ =	shalt  }
0x45: {  	_ =	shalt  }
0x46: {  	_ =	shalt  }
0x47: {  	_ =	shalt  }
0x48: {  	_ =	shalt  }
0x49: {  	_ =	shalt  }
0x4a: {  	_ =	shalt  }
0x4b: {  	_ =	shalt  }
0x4c: {  	_ =	shalt  }
0x4d: {  	_ =	shalt  }
0x4e: {  	_ =	shalt  }
0x4f: {  	_ =	shalt  }
0x50: {  	_ =	shalt  }
0x51: {  	_ =	shalt  }
0x52: {  	_ =	shalt  }
0x53: {  	_ =	shalt  }
0x54: {  	_ =	shalt  }
0x55: {  	_ =	shalt  }
0x56: {  	_ =	shalt  }
0x57: {  	_ =	shalt  }
0x58: {  	_ =	shalt  }
0x59: {  	_ =	shalt  }
0x5a: {  	_ =	shalt  }
0x5b: {  	_ =	shalt  }
0x5c: {  	_ =	shalt  }
0x5d: {  	_ =	shalt  }
0x5e: {  	_ =	shalt  }
0x5f: {  	_ =	shalt  }
0x60: {  	_ =	shalt  }
0x61: {  	_ =	shalt  }
0x62: {  	_ =	shalt  }
0x63: {  	_ =	shalt  }
0x64: {  	_ =	shalt  }
0x65: {  	_ =	shalt  }
0x66: {  	_ =	shalt  }
0x67: {  	_ =	shalt  }
0x68: {  	_ =	shalt  }
0x69: {  	_ =	shalt  }
0x6a: {  	_ =	shalt  }
0x6b: {  	_ =	shalt  }
0x6c: {  	_ =	shalt  }
0x6d: {  	_ =	shalt  }
0x6e: {  	_ =	shalt  }
0x6f: {  	_ =	shalt  }
0x70: {  	_ =	shalt  }
0x71: {  	_ =	shalt  }
0x72: {  	_ =	shalt  }
0x73: {  	_ =	shalt  }
0x74: {  	_ =	shalt  }
0x75: {  	_ =	shalt  }
0x76: {  	_ =	shalt  }
0x77: {  	_ =	shalt  }
0x78: {  	_ =	shalt  }
0x79: {  	_ =	shalt  }
0x7a: {  	_ =	shalt  }
0x7b: {  	_ =	shalt  }
0x7c: {  	_ =	shalt  }
0x7d: {  	_ =	shalt  }
0x7e: {  	_ =	shalt  }
0x7f: {  	_ =	shalt  }
0x80: {  	_ =	shalt  }
0x81: {  	_ =	shalt  }
0x82: {  	_ =	shalt  }
0x83: {  	_ =	shalt  }
0x84: {  	_ =	shalt  }
0x85: {  	_ =	shalt  }
0x86: {  	_ =	shalt  }
0x87: {  	_ =	shalt  }
.Lfunc_end0:
.L_simem_size_0:
called_computation_lowered:
.L_overlay_start_0:
0x88: {  	s2 =	sld [smem:$0x3FD9]  }
0x89: {  	s3 =	sld [smem:$0x3FFE];
	_ =	sdelay $0x1  }
0x8a: {  	s1 =	srdreg.scid  }
0x8b: {  	s0 =	sand.u32 $0x1, s1  }
0x8c: {  	s17 =	sshll.u32 s0, $0xA;
	s2 =	sadd.s32 s3, s2  }
0x8d: {  	s2 =	sadd.s32 s2, s17  }
0x8e: {  	[smem:$0x3FBE] =	sst s2  }
0x8f: {  	_ = 	snop  }
0x90: {  	(tm) =	ssettm $0x1  }
0x91: {  	s18 =	sld [smem:$0x3FFB];
	_ =	sdelay $0x3  }
0x92: {  	_ =	strace s18  }
0x93: {  	s2 =	sld [smem:$0x3FFC];
	_ =	sdelay $0x3  }
0x94: {  	_ =	strace s2  }
0x95: {  	s2 =	sld [smem:$0x3FFD];
	_ =	sdelay $0x3  }
0x96: {  	_ =	strace s2  }
0x97: {  	_ =	strace $0x8FFFFFFF  }
0x98: {  	s19 =	sld [smem:$0x3FDB];
	_ =	sdelay $0x1  }
0x99: {  	s20 =	simm.s32 $_scs_section_size  }
0x9a: {  	s4 =	simm.s32 $_size__tile_overlayer_lowered;
	s5 =	simm.s32 $_tile_overlayer_lowered  }
0x9b: {  	s6 =	simm.s32 $0x1BFF;
	s21 =	sshll.u32 s5, $0x1;
	s3 =	sadd.s32 s20, s19  }
0x9c: {  	s22 =	simm.s32 $0x0;
	s4 =	sshll.u32 s4, $0x1;
	s5 =	sadd.s32 s21, s3  }
0x9d: {  	[timem:s22], [sflag:s6] =	dma.local [hbm:s5], s4  }
0x9e: {  	_ =	swait.ge [sflag:s6], s4  }
0x9f: {  	s4 =	ssub.s32 $0x0, s4;
	[sflag:s6] =	ssyncset.done $0x0  }
0xa0: {  	[sflag:s6] =	ssyncadd.s32 s4;
	_ =	sdelay $0x1  }
0xa1: {  	s23 =	simm.s32 $0x1B8B  }
0xa2: {  	_ =	swait.ge [sflag:s23], $0x1  }
0xa3: {  	[sflag:s23] =	ssyncset.done $0x0  }
0xa4: {  	[sflag:s23] =	ssyncadd.s32 $0xFFFFFFFF  }
0xa5: {  	s4 =	sld [smem:$0x0]  }
0xa6: {  	s5 =	sand.u32 $0xFFFFFFFE, s1  }
0xa7: {  	p0 =	sne.s32 s1, s5  }
0xa8: {  	s5 =	sshll.u32 @p0 s5, $0xE  }
0xa9: {  	s5 =	sadd.s32 @p0 $0x11B8D, s5;
	s6 =	sshll.u32 @p0 s4, $0x11  }
0xaa: {  	s5 =	sor.u32 @p0 s6, s5  }
0xab: {  	[sflag:s5] =	ssyncadd.remote.s32 @p0 $0x1;
	_ =	sdelay $0x1  }
0xac: {  	s5 =	simm.s32 @p0 $0x1B8D  }
0xad: {  	_ =	swait.eq @p0 [sflag:s5], $0x1  }
0xae: {  	[sflag:s5] =	ssyncadd.s32 @p0 $0xFFFFFFFF  }
0xaf: {  	s6 =	sshll.u32 @!p0 s1, $0xE  }
0xb0: {  	s6 =	sor.u32 @!p0 $0x4000, s6;
	s5 =	simm.s32 @!p0 $0x1B8D  }
0xb1: {  	s4 =	sshll.u32 @!p0 s4, $0x11;
	s6 =	sadd.s32 @!p0 $0x11B8D, s6;
	_ =	swait.eq @!p0 [sflag:s5], $0x1  }
0xb2: {  	s4 =	sor.u32 @!p0 s4, s6;
	[sflag:s5] =	ssyncadd.s32 @!p0 $0xFFFFFFFF  }
0xb3: {  	s25 =	simm.s32 $0x1B8E;
	s24 =	sld [smem:$0x3FFE];
	[sflag:s4] =	ssyncadd.remote.s32 @!p0 $0x1  }
0xb4: {  	s26 =	simm.s32 $execute0_lowered;
	[smem:$0x3FD2] =	sst s25  }
0xb5: {  	s5 =	sshll.u32 s26, $0x1;
	_ =	strace $0x80000049;
	[dreg:$0x1] =	wrdreg $0xFFFFFFFF  }
0xb6: {  	s28 =	simm.s32 $_size_execute0_lowered;
	s3 =	sadd.s32 s3, s5;
	[dreg:$0x0] =	wrdreg $0x0  }
0xb7: {  	s5 =	sshll.u32 s28, $0x1;
	[dreg:$0x2] =	wrdreg s3  }
0xb8: {  	[dreg:$0x3] =	wrdreg s5  }
0xb9: {  	[dreg:$0x4] =	wrdreg $0xC0  }
0xba: {  	_ =	task [dreg:s22], $0x5FFFF  }
0xbb: {  	[dreg:$0x1] =	wrdreg $0xFFFFFFFF  }
0xbc: {  	[dreg:$0x0] =	wrdreg $0x60  }
0xbd: {  	[dreg:$0x2] =	wrdreg s24  }
0xbe: {  	[dreg:$0x3] =	wrdreg $0x29000  }
0xbf: {  	[dreg:$0x4] =	wrdreg $0x9  }
0xc0: {  	_ =	task.clear_ibuf [dreg:s22], $0x5FFFF;
	_ =	strace $0x90000049  }
0xc1: {  	s29 =	simm.s32 $0x9;
	_ =	strace $0x8000004B  }
0xc2: {  	_ =	swait.ge [sflag:s29], $0x1  }
0xc3: {  	[sflag:s29] =	ssyncadd.s32 $0xFFFFFFFF  }
0xc4: {  	_ =	strace $0x9000004B  }
0xc5: {  	_ =	sfence  }
0xc6: {  	s30 =	sld [smem:$0x0];
	_ =	sdelay $0x2  }
0xc7: {  	s31 =	sshll.u32 s1, $0xD;
	s1 =	sshrl.u32 s1, $0x2  }
0xc8: {  	s4 =	sand.u32 $0x4000, s31;
	s1 =	sadd.s32 s1, s30  }
0xc9: {  	s0 =	sor.u32 s4, s0;
	s1 =	sshll.u32 s1, $0x11  }
0xca: {  	s0 =	sor.u32 s1, s0  }
0xcb: {  	s0 =	sadd.s32 $0x8F2B, s0  }
0xcc: {  	[sflag:s0] =	ssyncadd.remote.s32 $0x1  }
0xcd: {  	_ =	sfence.sel $0xFFFF  }
0xce: {  	[dreg:$0x0] =	wrdreg $0xFFFFFFFF;
	(pc) =	sbr.abs _section_cstart, $3  }
0xcf: {  	[dreg:$0x1] =	wrdreg $0xFFFFFFFF  }
0xd0: {  	_ =	task.clear_ibuf [dreg:s22], $0x2FFFF;
	_ =	strace $0x9FFFFFFF  }
0xd1: {  	(tm) =	ssettm $0x7FFFFFFF  }
tec
execute0_lowered:
.L_overlay_start_1:
0x0: {  	(tag) =	ssettag $0x1  }
0x1: {  	s9 =	rddreg [dreg:$0x0]  }
0x2: {  	s1 =	rddreg [dreg:$0x1]  }
0x3: {  	s0 =	rddreg [dreg:$0x2];
	s2 =	simm.s32 $0x0;
	s3 =	srdreg.scid  }
0x4: {  	s23 =	stileid.u32;
	s15 =	simm.s32 $0x3;
	s20 =	simm.s32 $0x80  }
0x5: {  	s21 =	simm.s32 $0x50;
	s22 =	simm.s32 $0x2;
	[smem:$0x7FF] =	sst s2  }
0x6: {  	s13 =	sadd.s32 $0x1600, s9;
	s19 =	sand.u32 $0x1, s3;
	s7 =	smul.u32 $0x4E000, s23  }
0x7: {  	s3 =	sadd.s32 $0x59800, s9;
	s4 =	sadd.s32 $0xAA200, s9;
	s10 =	smul.u32 $0x2710, s23  }
0x8: {  	s5 =	sadd.s32 $0xAA800, s9;
	s24 =	sadd.s32 $0x138000, s1;
	s14 =	smul.u32 $0x4E2, s23  }
0x9: {  	s9 =	sadd.s32 $0xD1900, s9;
	p0 =	sne.s32 s23, $0x0;
	s16 =	sshll.u32 s23, $0x6  }
0xa: {  	p2 =	seq.s32 s23, $0x0;
	_ =	strace $0x8000004A;
	s6 =	ssub.s32 $0x2, s19  }
0xb: {  	s16 =	sor.u32 $0x1C03, s16;
	s18 =	sshrl.u32 @!p0 s24, $0x3;
	p1 =	sne.s32 s19, $0x0  }
0xc: {  	s19 =	simm.s32 $0x1;
	s8 =	sshrl.u32 s6, $0x1;
	s30 =	sshrl.u32 s7, $0x2  }
.Ltmp0:
0xd: {  	s31 =	sshrl.u32 s10, $0x3;
	s12 =	ssub.s32 s6, s8;
	(pc) =	sbr.rel .LBB2_1-.Ltmp0, $4  }
0xe: {  	s17 =	sadd.s32 s30, s1;
	s6 =	smul.u32 $0x2700, s23;
	s7 =	sadd.s32 s13, s31  }
0xf: {  	s13 =	sadd.s32 s14, s13;
	s14 =	simm.s32 $0x100;
	s23 =	sshrl.u32 s24, $0x3  }
0x10: {  	s24 =	simm.s32 $0x0;
	s8 =	sadd.s32 $0x26C, s7;
	s10 =	sadd.s32 $0x262, s7  }
0x11: {  	s12 =	smax.u32 s12, $0x1;
	s17 =	sshrl.u32 s17, $0x3;
	s11 =	sadd.s32 s5, s6  }
.LBB2_8:
0x12: {  	s25 =	sadd.s32 $0x27000, s25  }
0x13: {  	[hbm:s25], [sflag:s16] =	dma.local [spmem:s23], $0x100  }
0x14: {  	_ =	swait.ge [sflag:s15], $0x100  }
0x15: {  	[sflag:s15] =	ssyncset.done $0x0  }
0x16: {  	[sflag:s15] =	ssyncadd.s32 $0xFFFFFF00  }
.LBB2_9:
0x17: {  	s24 =	sadd.s32 $0x1, s24  }
0x18: {  	p3 =	sne.s32 s24, s12  }
.Ltmp1:
0x19: {  	_ = 	snop;
	(pc) =	sbr.rel @!p3 .LBB2_10-.Ltmp1, $1  }
0x1a: {  	_ =	sdelay $0x3  }
.LBB2_1:
0x1b: {  	[tilespmem:s14], [sflag:$0x3] =	stream.linear.gather [hbm4b:s4+s2], $0x2800, $0x38;
	[tilespmem:$0x16180] =	vst v63  }
0x1c: {  	_ =	swait.ge [sflag:s15], $0x2800  }
0x1d: {  	[sflag:s15] =	ssyncset.done $0x0  }
0x1e: {  	[sflag:s15] =	ssyncadd.s32 $0xFFFFD800  }
0x1f: {  	[spmem:s17], [sflag:s16] =	dma.local [hbm:s3], $0x2700  }
0x20: {  	_ =	swait.ge [sflag:s15], $0x2700  }
0x21: {  	[sflag:s15] =	ssyncset.done $0x0  }
0x22: {  	s25 =	simm.s32 @!p0 $0x3;
	[sflag:s15] =	ssyncadd.s32 $0xFFFFD900  }
0x23: {  	[spmem:s18], [sflag:s16] =	dma.local @!p0 [hbm:s3], $0x100  }
.Ltmp2:
0x24: {  	_ =	swait.ge @!p0 [sflag:s25], $0x100;
	(pc) =	sbr.rel @p1 .LBB2_5-.Ltmp2, $3  }
0x25: {  	[sflag:s25] =	ssyncset.done @!p0 $0x0  }
0x26: {  	[sflag:s25] =	ssyncadd.s32 @!p0 $0xFFFFFF00  }
0x27: {  	[bflag:$0x0] =	sbarrier.arrive $0xFFFF;
	_ =	sdelay $0x1  }
0x28: {  	[tilespmem:s2], [sflag:$0x1] =	stream.linear.gather [hbm4b:s7+s2], $0x50, $0x38;
	[tilespmem:$0x16180] =	vst v63  }
0x29: {  	_ =	swait.ge [sflag:s19], $0x50  }
0x2a: {  	s25 =	sadd.s32 $0xFFFFFDA8, s13;
	[sflag:s19] =	ssyncset.done $0x0  }
0x2b: {  	s26 =	sadd.s32 $0x262, s25;
	[sflag:s19] =	ssyncadd.s32 $0xFFFFFFB0  }
0x2c: {  	[tilespmem:s20], [sflag:$0x2] =	stream.linear.gather [hbm4b:s26+s2], $0x50, $0x38;
	[tilespmem:$0x16180] =	vst v63  }
0x2d: {  	_ = 	snop  }
0x2e: {  	[spmem:s1] =	stream.indirect.scatter.add.f32 [tilespmem:s14], [sflag:$0x3], $0x80, s2, s21, $0xb8;
	[tilespmem:$0x16180] =	vst v63  }
0x2f: {  	_ =	swait.ge [sflag:s15], $0x2800  }
0x30: {  	[sflag:s15] =	ssyncset.done $0x0  }
0x31: {  	[sflag:s15] =	ssyncadd.s32 $0xFFFFD800  }
0x32: {  	_ =	swait.ge [sflag:s22], $0x50  }
0x33: {  	[sflag:s22] =	ssyncset.done $0x0  }
0x34: {  	s25 =	sadd.s32 $0x26C, s25;
	[sflag:s22] =	ssyncadd.s32 $0xFFFFFFB0  }
0x35: {  	[tilespmem:s2], [sflag:$0x1] =	stream.linear.gather [hbm4b:s25+s2], $0x50, $0x38;
	[tilespmem:$0x16180] =	vst v63  }
0x36: {  	_ = 	snop  }
0x37: {  	[spmem:s1] =	stream.indirect.scatter.add.f32 [tilespmem:s14], [sflag:$0x3], $0x80, s20, s21, $0xb8;
	[tilespmem:$0x16180] =	vst v63  }
0x38: {  	_ =	swait.ge [sflag:s15], $0x2800  }
0x39: {  	s25 =	simm.s32 $0xFFFFFDBC;
	[sflag:s15] =	ssyncset.done $0x0  }
.LBB2_3:
0x3a: {  	p3 =	sne.s32 s25, $0xFFFFFFEC  }
0x3b: {  	[sflag:s15] =	ssyncadd.s32 $0xFFFFD800;
	s26 =	smov.u32 s25;
	s25 =	sadd.s32 $0x14, s25  }
0x3c: {  	_ = 	snop  }
0x3d: {  	_ =	swait.ge [sflag:s19], $0x50  }
0x3e: {  	s26 =	sadd.s32 s26, s13;
	[sflag:s19] =	ssyncset.done $0x0  }
0x3f: {  	s28 =	sadd.s32 $0x262, s26;
	[sflag:s19] =	ssyncadd.s32 $0xFFFFFFB0  }
0x40: {  	[tilespmem:s20], [sflag:$0x2] =	stream.linear.gather [hbm4b:s28+s2], $0x50, $0x38;
	[tilespmem:$0x16180] =	vst v63  }
0x41: {  	_ = 	snop  }
0x42: {  	[spmem:s1] =	stream.indirect.scatter.add.f32 [tilespmem:s14], [sflag:$0x3], $0x80, s2, s21, $0xb8;
	[tilespmem:$0x16180] =	vst v63  }
0x43: {  	_ =	swait.ge [sflag:s15], $0x2800  }
0x44: {  	[sflag:s15] =	ssyncset.done $0x0  }
0x45: {  	[sflag:s15] =	ssyncadd.s32 $0xFFFFD800  }
0x46: {  	_ =	swait.ge [sflag:s22], $0x50  }
0x47: {  	[sflag:s22] =	ssyncset.done $0x0  }
0x48: {  	s26 =	sadd.s32 $0x26C, s26;
	[sflag:s22] =	ssyncadd.s32 $0xFFFFFFB0  }
0x49: {  	[tilespmem:s2], [sflag:$0x1] =	stream.linear.gather [hbm4b:s26+s2], $0x50, $0x38;
	[tilespmem:$0x16180] =	vst v63  }
.Ltmp3:
0x4a: {  	_ = 	snop;
	(pc) =	sbr.rel @p3 .LBB2_3-.Ltmp3, $4  }
0x4b: {  	_ = 	snop  }
0x4c: {  	[spmem:s1] =	stream.indirect.scatter.add.f32 [tilespmem:s14], [sflag:$0x3], $0x80, s20, s21, $0xb8;
	[tilespmem:$0x16180] =	vst v63  }
0x4d: {  	_ =	swait.ge [sflag:s15], $0x2800  }
0x4e: {  	[sflag:s15] =	ssyncset.done $0x0  }
0x4f: {  	[sflag:s15] =	ssyncadd.s32 $0xFFFFD800  }
0x50: {  	_ =	swait.ge [sflag:s19], $0x50  }
0x51: {  	[sflag:s19] =	ssyncset.done $0x0  }
0x52: {  	[sflag:s19] =	ssyncadd.s32 $0xFFFFFFB0  }
0x53: {  	[tilespmem:s20], [sflag:$0x2] =	stream.linear.gather [hbm4b:s10+s2], $0x50, $0x38;
	[tilespmem:$0x16180] =	vst v63  }
0x54: {  	_ = 	snop  }
0x55: {  	[spmem:s1] =	stream.indirect.scatter.add.f32 [tilespmem:s14], [sflag:$0x3], $0x80, s2, s21, $0xb8;
	[tilespmem:$0x16180] =	vst v63  }
0x56: {  	_ =	swait.ge [sflag:s15], $0x2800  }
0x57: {  	[sflag:s15] =	ssyncset.done $0x0  }
0x58: {  	[sflag:s15] =	ssyncadd.s32 $0xFFFFD800  }
0x59: {  	_ =	swait.ge [sflag:s22], $0x50  }
0x5a: {  	[sflag:s22] =	ssyncset.done $0x0  }
0x5b: {  	[sflag:s22] =	ssyncadd.s32 $0xFFFFFFB0  }
0x5c: {  	[spmem:s1] =	stream.indirect.scatter.add.f32 [tilespmem:s14], [sflag:$0x3], $0x80, s20, s21, $0xb8;
	[tilespmem:$0x16180] =	vst v63  }
0x5d: {  	_ =	swait.ge [sflag:s15], $0x2800  }
0x5e: {  	[sflag:s15] =	ssyncset.done $0x0  }
0x5f: {  	[sflag:s15] =	ssyncadd.s32 $0xFFFFD800  }
0x60: {  	[bflag:$0x0] =	sbarrier.arrive $0xFFFF  }
0x61: {  	[hbm:s11], [sflag:s16] =	dma.local [spmem:s17], $0x2700  }
.Ltmp4:
0x62: {  	_ = 	snop;
	(pc) =	sbr.rel @!p2 .LBB2_9-.Ltmp4, $4  }
.Ltmp5:
0x63: {  	_ = 	snop;
	(pc) =	sbr.rel @p2 .LBB2_8-.Ltmp5, $4  }
0x64: {  	_ =	swait.ge [sflag:s15], $0x2700  }
0x65: {  	[sflag:s15] =	ssyncset.done $0x0  }
0x66: {  	s25 =	smov.u32 s5;
	[sflag:s15] =	ssyncadd.s32 $0xFFFFD900  }
0x67: {  	_ = 	snop  }
.LBB2_5:
0x68: {  	[tilespmem:s2], [sflag:$0x1] =	stream.linear.gather [hbm4b:s8+s2], $0x50, $0x38;
	[tilespmem:$0x16180] =	vst v63  }
0x69: {  	_ =	swait.ge [sflag:s19], $0x50  }
0x6a: {  	s25 =	sadd.s32 $0xFFFFFD94, s13;
	[sflag:s19] =	ssyncset.done $0x0  }
0x6b: {  	s26 =	sadd.s32 $0x4E2, s25;
	[sflag:s19] =	ssyncadd.s32 $0xFFFFFFB0  }
0x6c: {  	[tilespmem:s20], [sflag:$0x2] =	stream.linear.gather [hbm4b:s26+s2], $0x50, $0x38;
	[tilespmem:$0x16180] =	vst v63  }
0x6d: {  	_ = 	snop  }
0x6e: {  	[spmem:s1] =	stream.indirect.scatter.add.f32 [tilespmem:s14], [sflag:$0x3], $0x80, s2, s21, $0xb8;
	[tilespmem:$0x16180] =	vst v63  }
0x6f: {  	_ =	swait.ge [sflag:s15], $0x2800  }
0x70: {  	[sflag:s15] =	ssyncset.done $0x0  }
0x71: {  	[sflag:s15] =	ssyncadd.s32 $0xFFFFD800  }
0x72: {  	_ =	swait.ge [sflag:s22], $0x50  }
0x73: {  	[sflag:s22] =	ssyncset.done $0x0  }
0x74: {  	s25 =	sadd.s32 $0x4EC, s25;
	[sflag:s22] =	ssyncadd.s32 $0xFFFFFFB0  }
0x75: {  	[tilespmem:s2], [sflag:$0x1] =	stream.linear.gather [hbm4b:s25+s2], $0x50, $0x38;
	[tilespmem:$0x16180] =	vst v63  }
0x76: {  	_ = 	snop  }
0x77: {  	[spmem:s1] =	stream.indirect.scatter.add.f32 [tilespmem:s14], [sflag:$0x3], $0x80, s20, s21, $0xb8;
	[tilespmem:$0x16180] =	vst v63  }
0x78: {  	_ =	swait.ge [sflag:s15], $0x2800  }
0x79: {  	s25 =	simm.s32 $0xFFFFFDA8;
	[sflag:s15] =	ssyncset.done $0x0  }
.LBB2_6:
0x7a: {  	p3 =	sne.s32 s25, $0xFFFFFFEC  }
0x7b: {  	[sflag:s15] =	ssyncadd.s32 $0xFFFFD800;
	s26 =	smov.u32 s25;
	s25 =	sadd.s32 $0x14, s25  }
0x7c: {  	_ = 	snop  }
0x7d: {  	_ =	swait.ge [sflag:s19], $0x50  }
0x7e: {  	s26 =	sadd.s32 s26, s13;
	[sflag:s19] =	ssyncset.done $0x0  }
0x7f: {  	s28 =	sadd.s32 $0x4E2, s26;
	[sflag:s19] =	ssyncadd.s32 $0xFFFFFFB0  }
0x80: {  	[tilespmem:s20], [sflag:$0x2] =	stream.linear.gather [hbm4b:s28+s2], $0x50, $0x38;
	[tilespmem:$0x16180] =	vst v63  }
0x81: {  	_ = 	snop  }
0x82: {  	[spmem:s1] =	stream.indirect.scatter.add.f32 [tilespmem:s14], [sflag:$0x3], $0x80, s2, s21, $0xb8;
	[tilespmem:$0x16180] =	vst v63  }
0x83: {  	_ =	swait.ge [sflag:s15], $0x2800  }
0x84: {  	[sflag:s15] =	ssyncset.done $0x0  }
0x85: {  	[sflag:s15] =	ssyncadd.s32 $0xFFFFD800  }
0x86: {  	_ =	swait.ge [sflag:s22], $0x50  }
0x87: {  	[sflag:s22] =	ssyncset.done $0x0  }
0x88: {  	s26 =	sadd.s32 $0x4EC, s26;
	[sflag:s22] =	ssyncadd.s32 $0xFFFFFFB0  }
0x89: {  	[tilespmem:s2], [sflag:$0x1] =	stream.linear.gather [hbm4b:s26+s2], $0x50, $0x38;
	[tilespmem:$0x16180] =	vst v63  }
.Ltmp6:
0x8a: {  	_ = 	snop;
	(pc) =	sbr.rel @p3 .LBB2_6-.Ltmp6, $4  }
0x8b: {  	_ = 	snop  }
0x8c: {  	[spmem:s1] =	stream.indirect.scatter.add.f32 [tilespmem:s14], [sflag:$0x3], $0x80, s20, s21, $0xb8;
	[tilespmem:$0x16180] =	vst v63  }
0x8d: {  	_ =	swait.ge [sflag:s15], $0x2800  }
0x8e: {  	[sflag:s15] =	ssyncset.done $0x0  }
0x8f: {  	[sflag:s15] =	ssyncadd.s32 $0xFFFFD800  }
0x90: {  	_ =	swait.ge [sflag:s19], $0x50  }
0x91: {  	[sflag:s19] =	ssyncset.done $0x0  }
0x92: {  	[sflag:s19] =	ssyncadd.s32 $0xFFFFFFB0  }
0x93: {  	[spmem:s1] =	stream.indirect.scatter.add.f32 [tilespmem:s14], [sflag:$0x3], $0x80, s2, s21, $0xb8;
	[tilespmem:$0x16180] =	vst v63  }
0x94: {  	_ =	swait.ge [sflag:s15], $0x2800  }
0x95: {  	[sflag:s15] =	ssyncset.done $0x0  }
0x96: {  	[sflag:s15] =	ssyncadd.s32 $0xFFFFD800  }
0x97: {  	s25 =	sadd.s32 s6, s9;
	[bflag:$0x0] =	sbarrier.arrive $0xFFFF  }
0x98: {  	[hbm:s25], [sflag:s16] =	dma.local [spmem:s17], $0x2700  }
.Ltmp7:
0x99: {  	_ = 	snop;
	(pc) =	sbr.rel @p0 .LBB2_9-.Ltmp7, $4  }
.Ltmp8:
0x9a: {  	_ = 	snop;
	(pc) =	sbr.rel @!p0 .LBB2_8-.Ltmp8, $4  }
0x9b: {  	_ =	swait.ge [sflag:s15], $0x2700  }
0x9c: {  	[sflag:s15] =	ssyncset.done $0x0  }
0x9d: {  	s25 =	smov.u32 s9;
	[sflag:s15] =	ssyncadd.s32 $0xFFFFD900  }
0x9e: {  	_ = 	snop  }
.LBB2_10:
0x9f: {  	_ =	sfence.sel $0x180000  }
0xa0: {  	[bflag:$0x0] =	sbarrier.arrive $0xFFFF  }
0xa1: {  	_ =	strace $0x9000004A  }
0xa2: {  	s0 =	sadd.s32 @!p0 $0x100000, s0;
	[bflag:$0x2] =	sbarrier.arrive $0xFFFF  }
0xa3: {  	[sflag:s0] =	ssyncadd.tile.s32 @!p0 $0x1;
	_ =	shalt  }
.Lfunc_end2:
_tile_overlayer_lowered:
.L_overlay_start_2:
0xa4: {  	(tag) =	ssettag $0x2  }
0xa5: {  	s0 =	rddreg [dreg:$0x0];
	s2 =	stileid.u32  }
0xa6: {  	s1 =	rddreg [dreg:$0x1];
	p0 =	sne.s32 s2, $0x0  }
0xa7: {  	s3 =	rddreg [dreg:$0x2];
	[bflag:$0x3] =	sbarrier.arrive $0xFFFF;
	s2 =	simm.s32 @!p0 $0x1C03  }
0xa8: {  	[timem:s3], [sflag:s2] =	dma.local @!p0 [hbm:s0], s1  }
0xa9: {  	s0 =	simm.s32 @!p0 $0x3  }
0xaa: {  	_ =	swait.ge @!p0 [sflag:s0], s1  }
0xab: {  	s1 =	ssub.s32 @!p0 $0x0, s1;
	[sflag:s0] =	ssyncset.done @!p0 $0x0  }
0xac: {  	[sflag:s0] =	ssyncadd.s32 @!p0 s1  }
0xad: {  	[bflag:$0x3] =	sbarrier.arrive $0xFFFF  }
0xae: {  	_ =	shalt  }

</sc_bundles>
